<compile_context>
chip_gen: v7x
topology: tpu7x:2x2x1
jax: 0.10.2.dev20260603
libtpu: 0.0.44.dev20260713+nightly
codegen_flags: <defaults>
</compile_context>

<pallas_src>
import functools

import jax
import jax.numpy as jnp
from jax import lax
from jax.experimental import pallas as pl
from jax.experimental.pallas import tpu as pltpu
from jax.experimental.pallas import tpu_sc as plsc

RANK = 32
LANES = 16
GSIZE = 8
WIN = 128
CHUNK = 128


def _take16(vec, idx):
    return vec.at[idx].get(mode="promise_in_bounds")


@functools.partial(jax.jit, static_argnums=(2, 3))
def _u_rows(user2d, Ut, batch, n_workers):
    rows_per_w = batch // n_workers
    n_groups = rows_per_w // GSIZE
    mesh = plsc.VectorSubcoreMesh(core_axis_name="c", subcore_axis_name="s")
    info = plsc.get_sparse_core_info()
    nc = info.num_cores

    @functools.partial(
        pl.kernel,
        mesh=mesh,
        compiler_params=pltpu.CompilerParams(
            needs_layout_passes=False, use_tc_tiling_on_sc=True),
        out_type=jax.ShapeDtypeStruct((batch * RANK,), jnp.float32),
        scratch_types=[
            pltpu.VMEM((rows_per_w + LANES,), jnp.int32),
            pltpu.VMEM((GSIZE, RANK, WIN), jnp.float32),
            pltpu.VMEM((GSIZE, RANK, WIN), jnp.float32),
            pltpu.VMEM((GSIZE, RANK, WIN), jnp.float32),
            pltpu.VMEM((rows_per_w * RANK,), jnp.float32),
            pltpu.SemaphoreType.DMA,
            pltpu.SemaphoreType.DMA,
            pltpu.SemaphoreType.DMA,
        ],
    )
    def body(user_hbm, ut_hbm, out_hbm, uidx, ubufa, ubufb, ubufc, urows,
             sema, semb, semc):
        wid = lax.axis_index("s") * nc + lax.axis_index("c")
        base = pl.multiple_of(wid * rows_per_w, rows_per_w)

        pltpu.sync_copy(user_hbm.at[wid], uidx.at[pl.ds(0, rows_per_w)])

        lane = lax.iota(jnp.int32, LANES)
        kl = LANES // GSIZE
        item = lane // kl
        kk = lane % kl

        def enqueue_group(g, ubuf, sem):
            uvec = uidx[pl.ds(g * GSIZE, LANES)]
            for l in range(GSIZE):
                ucol = pl.multiple_of((uvec[l] // WIN) * WIN, WIN)
                pltpu.async_copy(
                    ut_hbm.at[:, pl.ds(ucol, WIN)], ubuf.at[l], sem)

        def drain_group(ubuf, sem):
            for l in range(GSIZE):
                pltpu.make_async_copy(
                    ut_hbm.at[:, pl.ds(0, WIN)], ubuf.at[l], sem).wait()

        def extract_group(g, ubuf):
            uvec = uidx[pl.ds(g * GSIZE, LANES)]
            ux = _take16(uvec, item) % WIN
            gitem = g * GSIZE + item
            for j in range(RANK // kl):
                krow = j * kl + kk
                gu = plsc.load_gather(ubuf, [item, krow, ux])
                plsc.store_scatter(urows, [gitem * RANK + krow], gu)

        enqueue_group(0, ubufa, sema)
        enqueue_group(1, ubufb, semb)

        def step(t, carry):
            g0 = 3 * t
            enqueue_group(g0 + 2, ubufc, semc)
            drain_group(ubufa, sema)
            extract_group(g0, ubufa)

            @pl.when(t < n_groups // 3 - 1)
            def _():
                enqueue_group(g0 + 3, ubufa, sema)
            drain_group(ubufb, semb)
            extract_group(g0 + 1, ubufb)

            @pl.when(t < n_groups // 3 - 1)
            def _():
                enqueue_group(g0 + 4, ubufb, semb)
            drain_group(ubufc, semc)
            extract_group(g0 + 2, ubufc)
            return carry

        lax.fori_loop(0, n_groups // 3, step, 0)
        for g in range(3 * (n_groups // 3), n_groups):
            enqueue_group(g, ubufa, sema)
            drain_group(ubufa, sema)
            extract_group(g, ubufa)
        pltpu.sync_copy(urows,
                        out_hbm.at[pl.ds(base * RANK, rows_per_w * RANK)])

    return body(user2d, Ut)


@functools.partial(jax.jit, static_argnums=(3, 4))
def _v_dot(anime2d, V, usel, batch, n_workers):
    rows_per_w = batch // n_workers
    n_chunks = rows_per_w // CHUNK
    n_groups = rows_per_w // LANES
    mesh = plsc.VectorSubcoreMesh(core_axis_name="c", subcore_axis_name="s")
    info = plsc.get_sparse_core_info()
    nc = info.num_cores

    @functools.partial(
        pl.kernel,
        mesh=mesh,
        compiler_params=pltpu.CompilerParams(
            needs_layout_passes=False, use_tc_tiling_on_sc=False),
        out_type=jax.ShapeDtypeStruct((batch,), jnp.float32),
        scratch_types=[
            pltpu.VMEM((n_chunks, CHUNK), jnp.int32),
            pltpu.VMEM((rows_per_w, RANK), jnp.float32),
            pltpu.VMEM((rows_per_w * RANK,), jnp.float32),
            pltpu.VMEM((rows_per_w,), jnp.float32),
            pltpu.SemaphoreType.DMA,
        ],
    )
    def body(anime_hbm, v_hbm, usel_hbm, out_hbm,
             vidx, vrows, urows, outv, sem):
        wid = lax.axis_index("s") * nc + lax.axis_index("c")
        base = pl.multiple_of(wid * rows_per_w, rows_per_w)

        pltpu.sync_copy(anime_hbm.at[wid], vidx)
        copies = [pltpu.async_copy(
            usel_hbm.at[pl.ds(base * RANK, rows_per_w * RANK)], urows, sem)]
        for j in range(n_chunks):
            copies.append(pltpu.async_copy(
                v_hbm.at[vidx.at[j]], vrows.at[pl.ds(j * CHUNK, CHUNK)], sem))
        for c in copies:
            c.wait()

        lane = lax.iota(jnp.int32, LANES)

        def group(g, carry):
            rows = g * LANES + lane
            acc = jnp.zeros((LANES,), jnp.float32)
            for k in range(RANK):
                col = jnp.full((LANES,), k, jnp.int32)
                uu = plsc.load_gather(urows, [rows * RANK + k])
                vv = plsc.load_gather(vrows, [rows, col])
                acc = acc + uu * vv
            outv[pl.ds(g * LANES, LANES)] = acc
            return carry

        lax.fori_loop(0, n_groups, group, 0)
        pltpu.sync_copy(outv, out_hbm.at[pl.ds(base, rows_per_w)])

    return body(anime2d, V, usel)


def kernel(user, anime, U, V):
    batch = user.shape[0]
    n_workers = 32
    n_chunks = (batch // n_workers) // CHUNK
    user2d = user.astype(jnp.int32).reshape(n_workers, batch // n_workers)
    anime2d = anime.astype(jnp.int32).reshape(n_workers, n_chunks, CHUNK)
    usel = _u_rows(user2d, U.T, batch, n_workers)
    return _v_dot(anime2d, V, usel, batch, n_workers)

# --- scband reference (transcript-rebuilt; emitter-appended) ---
"""Pipeline reference for scband-matrix-factorization-44255343018543 (READ-ONLY COPY).

The authoritative reference and input builder live on the scoring server;
editing this copy changes nothing except your own understanding.
"""

import jax, jax.numpy as jnp
import numpy as np

N_USERS = 1000000
N_ANIMES = 100000
RANK = 32
BATCH = 16384

def setup_inputs(seed: int = 0) -> dict:
    key = jax.random.key(seed)
    k1, k2, k3, k4 = jax.random.split(key, 4)
    user = jax.random.randint(k1, (BATCH,), 0, N_USERS, dtype=jnp.int64 if jax.config.jax_enable_x64 else jnp.int32)
    anime = jax.random.randint(k2, (BATCH,), 0, N_ANIMES, dtype=jnp.int64 if jax.config.jax_enable_x64 else jnp.int32)
    U = jax.random.normal(k3, (N_USERS, RANK), dtype=jnp.float32)
    V = jax.random.normal(k4, (N_ANIMES, RANK), dtype=jnp.float32)
    return {"user": user, "anime": anime, "U": U, "V": V}

def reference(user, anime, U, V):
    # R_hat = (self.U[user] * self.V[anime]).sum(axis=1)
    u_rows = jnp.take(U, user, axis=0)
    v_rows = jnp.take(V, anime, axis=0)
    R_hat = (u_rows * v_rows).sum(axis=1)
    return R_hat

if __name__ == "__main__":
    import jax
    _d = setup_inputs()
    print(jax.jit(kernel)(*tuple(_d.values())))

</pallas_src>

<mosaic_0001>
#map = affine_map<(d0, d1) -> (0, 0)>
#map1 = affine_map<(d0, d1) -> (0)>
module attributes {stable_mosaic.version = 14 : i64} {
  func.func @body(%arg0: i32, %arg1: i32, %arg2: memref<32x512xi32, #tpu.memory_space<hbm>>, %arg3: memref<32x1000000xf32, #tpu.memory_space<hbm>>, %arg4: memref<524288xf32, #tpu.memory_space<hbm>>, %arg5: memref<528xi32, #tpu.memory_space<vmem>>, %arg6: memref<8x32x128xf32, #tpu.memory_space<vmem>>, %arg7: memref<8x32x128xf32, #tpu.memory_space<vmem>>, %arg8: memref<8x32x128xf32, #tpu.memory_space<vmem>>, %arg9: memref<16384xf32, #tpu.memory_space<vmem>>, %arg10: memref<!tpu.dma_semaphore, #tpu.memory_space<semaphore_mem>>, %arg11: memref<!tpu.dma_semaphore, #tpu.memory_space<semaphore_mem>>, %arg12: memref<!tpu.dma_semaphore, #tpu.memory_space<semaphore_mem>>) attributes {dimension_semantics = [#tpu.dimension_semantics<core_parallel>, #tpu.dimension_semantics<subcore_parallel>], iteration_bounds = array<i64: 2, 16>, scalar_prefetch = 0 : i64, scratch_operands = 8 : i64, tpu.core_type = #tpu.core_type<sc_vector_subcore>, window_params = [{transform_indices = #map}, {transform_indices = #map}, {transform_indices = #map1}]} {
    %mul3A = arith.constant 2 : i32
    %mul3A_0 = arith.muli %arg1, %mul3A : i32
    %add3A = arith.addi %mul3A_0, %arg0 : i32
    %mul3A_1 = arith.constant 512 : i32
    %mul3A_2 = arith.muli %add3A, %mul3A_1 : i32
    %multiple_of3A = tpu.assume_multiple %mul3A_2, 512 : i32
    "tpu.region"() ({
      %run_scoped3A = tpu.sem_alloc : memref<!tpu.dma_semaphore, #tpu.memory_space<semaphore_mem>>
      %dma_start3A_1345 = arith.constant 0 : i32
      %dma_start3A_1346 = tpu.memref_slice %arg5[%dma_start3A_1345] : memref<528xi32, #tpu.memory_space<vmem>> -> memref<512xi32, #tpu.memory_space<vmem>>
      %dma_start3A_1347 = arith.constant 0 : i32
      %dma_start3A_1348 = tpu.memref_slice %arg2[%add3A, %dma_start3A_1347] : memref<32x512xi32, #tpu.memory_space<hbm>> -> memref<1x512xi32, #tpu.memory_space<hbm>>
      %dma_start3A_1349 = tpu.memref_squeeze %dma_start3A_1348 : memref<1x512xi32, #tpu.memory_space<hbm>> -> memref<512xi32, #tpu.memory_space<hbm>>
      %dma_start3A_1350 = arith.constant 0 : i32
      %dma_start3A_1351 = tpu.memref_slice %arg5[%dma_start3A_1350] : memref<528xi32, #tpu.memory_space<vmem>> -> memref<512xi32, #tpu.memory_space<vmem>>
      %dma_start3A_1352 = arith.constant 0 : i32
      %dma_start3A_1353 = tpu.memref_slice %arg2[%add3A, %dma_start3A_1352] : memref<32x512xi32, #tpu.memory_space<hbm>> -> memref<1x512xi32, #tpu.memory_space<hbm>>
      %dma_start3A_1354 = tpu.memref_squeeze %dma_start3A_1353 : memref<1x512xi32, #tpu.memory_space<hbm>> -> memref<512xi32, #tpu.memory_space<hbm>>
      tpu.enqueue_dma source(%dma_start3A_1354 : memref<512xi32, #tpu.memory_space<hbm>>) target(%dma_start3A_1351 : memref<512xi32, #tpu.memory_space<vmem>>) target_semaphore(%run_scoped3A : memref<!tpu.dma_semaphore, #tpu.memory_space<semaphore_mem>>)
      %dma_wait3A_1355 = arith.constant 0 : i32
      %dma_wait3A_1356 = tpu.memref_slice %arg5[%dma_wait3A_1355] : memref<528xi32, #tpu.memory_space<vmem>> -> memref<512xi32, #tpu.memory_space<vmem>>
      %dma_wait3A_1357 = arith.constant 0 : i32
      %dma_wait3A_1358 = tpu.memref_slice %arg2[%add3A, %dma_wait3A_1357] : memref<32x512xi32, #tpu.memory_space<hbm>> -> memref<1x512xi32, #tpu.memory_space<hbm>>
      %dma_wait3A_1359 = tpu.memref_squeeze %dma_wait3A_1358 : memref<1x512xi32, #tpu.memory_space<hbm>> -> memref<512xi32, #tpu.memory_space<hbm>>
      %dma_wait3A_1360 = arith.constant 0 : i32
      %dma_wait3A_1361 = tpu.memref_slice %arg5[%dma_wait3A_1360] : memref<528xi32, #tpu.memory_space<vmem>> -> memref<512xi32, #tpu.memory_space<vmem>>
      %dma_wait3A_1362 = arith.constant 0 : i32
      %dma_wait3A_1363 = tpu.memref_slice %arg2[%add3A, %dma_wait3A_1362] : memref<32x512xi32, #tpu.memory_space<hbm>> -> memref<1x512xi32, #tpu.memory_space<hbm>>
      %dma_wait3A_1364 = tpu.memref_squeeze %dma_wait3A_1363 : memref<1x512xi32, #tpu.memory_space<hbm>> -> memref<512xi32, #tpu.memory_space<hbm>>
      tpu.wait_dma2 semaphore(%run_scoped3A : memref<!tpu.dma_semaphore, #tpu.memory_space<semaphore_mem>>) src(%dma_wait3A_1364 : memref<512xi32, #tpu.memory_space<hbm>>) dst(%dma_wait3A_1361 : memref<512xi32, #tpu.memory_space<vmem>>)
      tpu.yield
    }) : () -> ()
    %iota3A = tpu.iota {dimensions = array<i32: 0>} : vector<16xi32>
    %jit3A = arith.constant 2 : i32
    %div3A = vector.broadcast %jit3A : i32 to vector<16xi32>
    %div3A_3 = arith.divsi %iota3A, %div3A : vector<16xi32>
    %sign3A = arith.constant 0 : i32
    %sign3A_4 = vector.broadcast %sign3A : i32 to vector<16xi32>
    %sign3A_5 = arith.cmpi sgt, %iota3A, %sign3A_4 : vector<16xi32>
    %sign3A_6 = arith.extui %sign3A_5 : vector<16xi1> to vector<16xi32>
    %sign3A_7 = arith.constant 0 : i32
    %sign3A_8 = vector.broadcast %sign3A_7 : i32 to vector<16xi32>
    %sign3A_9 = arith.cmpi slt, %iota3A, %sign3A_8 : vector<16xi32>
    %sign3A_10 = arith.extui %sign3A_9 : vector<16xi1> to vector<16xi32>
    %sign3A_11 = arith.subi %sign3A_6, %sign3A_10 : vector<16xi32>
    %sign3A_12 = arith.constant 0 : i32
    %sign3A_13 = arith.cmpi sgt, %jit3A, %sign3A_12 : i32
    %sign3A_14 = arith.extui %sign3A_13 : i1 to i32
    %sign3A_15 = arith.constant 0 : i32
    %sign3A_16 = arith.cmpi slt, %jit3A, %sign3A_15 : i32
    %sign3A_17 = arith.extui %sign3A_16 : i1 to i32
    %sign3A_18 = arith.subi %sign3A_14, %sign3A_17 : i32
    %ne3A = vector.broadcast %sign3A_18 : i32 to vector<16xi32>
    %ne3A_19 = arith.cmpi ne, %sign3A_11, %ne3A : vector<16xi32>
    %rem3A = vector.broadcast %jit3A : i32 to vector<16xi32>
    %rem3A_20 = arith.remsi %iota3A, %rem3A : vector<16xi32>
    %ne3A_21 = arith.constant 0 : i32
    %ne3A_22 = vector.broadcast %ne3A_21 : i32 to vector<16xi32>
    %ne3A_23 = arith.cmpi ne, %rem3A_20, %ne3A_22 : vector<16xi32>
    %and3A = arith.andi %ne3A_19, %ne3A_23 : vector<16xi1>
    %sub3A = arith.constant 1 : i32
    %sub3A_24 = vector.broadcast %sub3A : i32 to vector<16xi32>
    %sub3A_25 = arith.subi %div3A_3, %sub3A_24 : vector<16xi32>
    %select_n3A = arith.select %and3A, %sub3A_25, %div3A_3 : vector<16xi1>, vector<16xi32>
    %jit3A_26 = arith.constant 2 : i32
    %eq3A = arith.constant 0 : i32
    %eq3A_27 = arith.cmpi eq, %jit3A_26, %eq3A : i32
    %jit3A_28 = arith.constant 1 : i32
    %select_n3A_29 = arith.select %eq3A_27, %jit3A_28, %jit3A_26 : i32
    %rem3A_30 = vector.broadcast %select_n3A_29 : i32 to vector<16xi32>
    %rem3A_31 = arith.remsi %iota3A, %rem3A_30 : vector<16xi32>
    %ne3A_32 = arith.constant 0 : i32
    %ne3A_33 = vector.broadcast %ne3A_32 : i32 to vector<16xi32>
    %ne3A_34 = arith.cmpi ne, %rem3A_31, %ne3A_33 : vector<16xi32>
    %lt3A = arith.constant 0 : i32
    %lt3A_35 = vector.broadcast %lt3A : i32 to vector<16xi32>
    %lt3A_36 = arith.cmpi slt, %rem3A_31, %lt3A_35 : vector<16xi32>
    %lt3A_37 = arith.constant 0 : i32
    %lt3A_38 = arith.cmpi slt, %select_n3A_29, %lt3A_37 : i32
    %ne3A_39 = vector.broadcast %lt3A_38 : i1 to vector<16xi1>
    %ne3A_40 = vector.broadcast %ne3A_39 : vector<16xi1> to vector<16xi1>
    %ne3A_41 = arith.xori %lt3A_36, %ne3A_40 : vector<16xi1>
    %and3A_42 = arith.andi %ne3A_41, %ne3A_34 : vector<16xi1>
    %add3A_43 = vector.broadcast %select_n3A_29 : i32 to vector<16xi32>
    %add3A_44 = arith.addi %rem3A_31, %add3A_43 : vector<16xi32>
    %select_n3A_45 = arith.select %and3A_42, %add3A_44, %rem3A_31 : vector<16xi1>, vector<16xi32>
    %get3A = arith.constant 0 : index
    %get3A_46 = tpu.vector_load %arg5[%get3A] {strides = array<i32>} : memref<528xi32, #tpu.memory_space<vmem>>, vector<16xi32>,
    %slice3A = vector.extract_strided_slice %get3A_46 {offsets = [0], sizes = [1], strides = [1]} : vector<16xi32> to vector<1xi32>
    %squeeze3A = vector.extract %slice3A[0] : i32 from vector<1xi32>
    %jit3A_47 = arith.constant 128 : i32
    %div3A_48 = arith.divsi %squeeze3A, %jit3A_47 : i32
    %sign3A_49 = arith.constant 0 : i32
    %sign3A_50 = arith.cmpi sgt, %squeeze3A, %sign3A_49 : i32
    %sign3A_51 = arith.extui %sign3A_50 : i1 to i32
    %sign3A_52 = arith.constant 0 : i32
    %sign3A_53 = arith.cmpi slt, %squeeze3A, %sign3A_52 : i32
    %sign3A_54 = arith.extui %sign3A_53 : i1 to i32
    %sign3A_55 = arith.subi %sign3A_51, %sign3A_54 : i32
    %sign3A_56 = arith.constant 0 : i32
    %sign3A_57 = arith.cmpi sgt, %jit3A_47, %sign3A_56 : i32
    %sign3A_58 = arith.extui %sign3A_57 : i1 to i32
    %sign3A_59 = arith.constant 0 : i32
    %sign3A_60 = arith.cmpi slt, %jit3A_47, %sign3A_59 : i32
    %sign3A_61 = arith.extui %sign3A_60 : i1 to i32
    %sign3A_62 = arith.subi %sign3A_58, %sign3A_61 : i32
    %ne3A_63 = arith.cmpi ne, %sign3A_55, %sign3A_62 : i32
    %rem3A_64 = arith.remsi %squeeze3A, %jit3A_47 : i32
    %ne3A_65 = arith.constant 0 : i32
    %ne3A_66 = arith.cmpi ne, %rem3A_64, %ne3A_65 : i32
    %and3A_67 = arith.andi %ne3A_63, %ne3A_66 : i1
    %sub3A_68 = arith.constant 1 : i32
    %sub3A_69 = arith.subi %div3A_48, %sub3A_68 : i32
    %select_n3A_70 = arith.select %and3A_67, %sub3A_69, %div3A_48 : i32
    %mul3A_71 = arith.constant 128 : i32
    %mul3A_72 = arith.muli %select_n3A_70, %mul3A_71 : i32
    %multiple_of3A_73 = tpu.assume_multiple %mul3A_72, 128 : i32
    %dma_start3A = arith.constant 0 : i32
    %dma_start3A_74 = arith.constant 0 : i32
    %dma_start3A_75 = arith.constant 0 : i32
    %dma_start3A_76 = tpu.memref_slice %arg6[%dma_start3A, %dma_start3A_74, %dma_start3A_75] : memref<8x32x128xf32, #tpu.memory_space<vmem>> -> memref<1x32x128xf32, #tpu.memory_space<vmem>>
    %dma_start3A_77 = tpu.memref_squeeze %dma_start3A_76 : memref<1x32x128xf32, #tpu.memory_space<vmem>> -> memref<32x128xf32, #tpu.memory_space<vmem>>
    %dma_start3A_78 = arith.constant 0 : i32
    %dma_start3A_79 = tpu.memref_slice %arg3[%dma_start3A_78, %multiple_of3A_73] : memref<32x1000000xf32, #tpu.memory_space<hbm>> -> memref<32x128xf32, #tpu.memory_space<hbm>>
    %dma_start3A_80 = arith.constant 0 : i32
    %dma_start3A_81 = arith.constant 0 : i32
    %dma_start3A_82 = tpu.memref_slice %arg6[%dma_start3A, %dma_start3A_80, %dma_start3A_81] : memref<8x32x128xf32, #tpu.memory_space<vmem>> -> memref<1x32x128xf32, #tpu.memory_space<vmem>>
    %dma_start3A_83 = tpu.memref_squeeze %dma_start3A_82 : memref<1x32x128xf32, #tpu.memory_space<vmem>> -> memref<32x128xf32, #tpu.memory_space<vmem>>
    %dma_start3A_84 = arith.constant 0 : i32
    %dma_start3A_85 = tpu.memref_slice %arg3[%dma_start3A_84, %multiple_of3A_73] : memref<32x1000000xf32, #tpu.memory_space<hbm>> -> memref<32x128xf32, #tpu.memory_space<hbm>>
    tpu.enqueue_dma source(%dma_start3A_85 : memref<32x128xf32, #tpu.memory_space<hbm>>) target(%dma_start3A_83 : memref<32x128xf32, #tpu.memory_space<vmem>>) target_semaphore(%arg10 : memref<!tpu.dma_semaphore, #tpu.memory_space<semaphore_mem>>)
    %slice3A_86 = vector.extract_strided_slice %get3A_46 {offsets = [1], sizes = [1], strides = [1]} : vector<16xi32> to vector<1xi32>
    %squeeze3A_87 = vector.extract %slice3A_86[0] : i32 from vector<1xi32>
    %jit3A_88 = arith.constant 128 : i32
    %div3A_89 = arith.divsi %squeeze3A_87, %jit3A_88 : i32
    %sign3A_90 = arith.constant 0 : i32
    %sign3A_91 = arith.cmpi sgt, %squeeze3A_87, %sign3A_90 : i32
    %sign3A_92 = arith.extui %sign3A_91 : i1 to i32
    %sign3A_93 = arith.constant 0 : i32
    %sign3A_94 = arith.cmpi slt, %squeeze3A_87, %sign3A_93 : i32
    %sign3A_95 = arith.extui %sign3A_94 : i1 to i32
    %sign3A_96 = arith.subi %sign3A_92, %sign3A_95 : i32
    %sign3A_97 = arith.constant 0 : i32
    %sign3A_98 = arith.cmpi sgt, %jit3A_88, %sign3A_97 : i32
    %sign3A_99 = arith.extui %sign3A_98 : i1 to i32
    %sign3A_100 = arith.constant 0 : i32
    %sign3A_101 = arith.cmpi slt, %jit3A_88, %sign3A_100 : i32
    %sign3A_102 = arith.extui %sign3A_101 : i1 to i32
    %sign3A_103 = arith.subi %sign3A_99, %sign3A_102 : i32
    %ne3A_104 = arith.cmpi ne, %sign3A_96, %sign3A_103 : i32
    %rem3A_105 = arith.remsi %squeeze3A_87, %jit3A_88 : i32
    %ne3A_106 = arith.constant 0 : i32
    %ne3A_107 = arith.cmpi ne, %rem3A_105, %ne3A_106 : i32
    %and3A_108 = arith.andi %ne3A_104, %ne3A_107 : i1
    %sub3A_109 = arith.constant 1 : i32
    %sub3A_110 = arith.subi %div3A_89, %sub3A_109 : i32
    %select_n3A_111 = arith.select %and3A_108, %sub3A_110, %div3A_89 : i32
    %mul3A_112 = arith.constant 128 : i32
    %mul3A_113 = arith.muli %select_n3A_111, %mul3A_112 : i32
    %multiple_of3A_114 = tpu.assume_multiple %mul3A_113, 128 : i32
    %dma_start3A_115 = arith.constant 1 : i32
    %dma_start3A_116 = arith.constant 0 : i32
    %dma_start3A_117 = arith.constant 0 : i32
    %dma_start3A_118 = tpu.memref_slice %arg6[%dma_start3A_115, %dma_start3A_116, %dma_start3A_117] : memref<8x32x128xf32, #tpu.memory_space<vmem>> -> memref<1x32x128xf32, #tpu.memory_space<vmem>>
    %dma_start3A_119 = tpu.memref_squeeze %dma_start3A_118 : memref<1x32x128xf32, #tpu.memory_space<vmem>> -> memref<32x128xf32, #tpu.memory_space<vmem>>
    %dma_start3A_120 = arith.constant 0 : i32
    %dma_start3A_121 = tpu.memref_slice %arg3[%dma_start3A_120, %multiple_of3A_114] : memref<32x1000000xf32, #tpu.memory_space<hbm>> -> memref<32x128xf32, #tpu.memory_space<hbm>>
    %dma_start3A_122 = arith.constant 0 : i32
    %dma_start3A_123 = arith.constant 0 : i32
    %dma_start3A_124 = tpu.memref_slice %arg6[%dma_start3A_115, %dma_start3A_122, %dma_start3A_123] : memref<8x32x128xf32, #tpu.memory_space<vmem>> -> memref<1x32x128xf32, #tpu.memory_space<vmem>>
    %dma_start3A_125 = tpu.memref_squeeze %dma_start3A_124 : memref<1x32x128xf32, #tpu.memory_space<vmem>> -> memref<32x128xf32, #tpu.memory_space<vmem>>
    %dma_start3A_126 = arith.constant 0 : i32
    %dma_start3A_127 = tpu.memref_slice %arg3[%dma_start3A_126, %multiple_of3A_114] : memref<32x1000000xf32, #tpu.memory_space<hbm>> -> memref<32x128xf32, #tpu.memory_space<hbm>>
    tpu.enqueue_dma source(%dma_start3A_127 : memref<32x128xf32, #tpu.memory_space<hbm>>) target(%dma_start3A_125 : memref<32x128xf32, #tpu.memory_space<vmem>>) target_semaphore(%arg10 : memref<!tpu.dma_semaphore, #tpu.memory_space<semaphore_mem>>)
    %slice3A_128 = vector.extract_strided_slice %get3A_46 {offsets = [2], sizes = [1], strides = [1]} : vector<16xi32> to vector<1xi32>
    %squeeze3A_129 = vector.extract %slice3A_128[0] : i32 from vector<1xi32>
    %jit3A_130 = arith.constant 128 : i32
    %div3A_131 = arith.divsi %squeeze3A_129, %jit3A_130 : i32
    %sign3A_132 = arith.constant 0 : i32
    %sign3A_133 = arith.cmpi sgt, %squeeze3A_129, %sign3A_132 : i32
    %sign3A_134 = arith.extui %sign3A_133 : i1 to i32
    %sign3A_135 = arith.constant 0 : i32
    %sign3A_136 = arith.cmpi slt, %squeeze3A_129, %sign3A_135 : i32
    %sign3A_137 = arith.extui %sign3A_136 : i1 to i32
    %sign3A_138 = arith.subi %sign3A_134, %sign3A_137 : i32
    %sign3A_139 = arith.constant 0 : i32
    %sign3A_140 = arith.cmpi sgt, %jit3A_130, %sign3A_139 : i32
    %sign3A_141 = arith.extui %sign3A_140 : i1 to i32
    %sign3A_142 = arith.constant 0 : i32
    %sign3A_143 = arith.cmpi slt, %jit3A_130, %sign3A_142 : i32
    %sign3A_144 = arith.extui %sign3A_143 : i1 to i32
    %sign3A_145 = arith.subi %sign3A_141, %sign3A_144 : i32
    %ne3A_146 = arith.cmpi ne, %sign3A_138, %sign3A_145 : i32
    %rem3A_147 = arith.remsi %squeeze3A_129, %jit3A_130 : i32
    %ne3A_148 = arith.constant 0 : i32
    %ne3A_149 = arith.cmpi ne, %rem3A_147, %ne3A_148 : i32
    %and3A_150 = arith.andi %ne3A_146, %ne3A_149 : i1
    %sub3A_151 = arith.constant 1 : i32
    %sub3A_152 = arith.subi %div3A_131, %sub3A_151 : i32
    %select_n3A_153 = arith.select %and3A_150, %sub3A_152, %div3A_131 : i32
    %mul3A_154 = arith.constant 128 : i32
    %mul3A_155 = arith.muli %select_n3A_153, %mul3A_154 : i32
    %multiple_of3A_156 = tpu.assume_multiple %mul3A_155, 128 : i32
    %dma_start3A_157 = arith.constant 2 : i32
    %dma_start3A_158 = arith.constant 0 : i32
    %dma_start3A_159 = arith.constant 0 : i32
    %dma_start3A_160 = tpu.memref_slice %arg6[%dma_start3A_157, %dma_start3A_158, %dma_start3A_159] : memref<8x32x128xf32, #tpu.memory_space<vmem>> -> memref<1x32x128xf32, #tpu.memory_space<vmem>>
    %dma_start3A_161 = tpu.memref_squeeze %dma_start3A_160 : memref<1x32x128xf32, #tpu.memory_space<vmem>> -> memref<32x128xf32, #tpu.memory_space<vmem>>
    %dma_start3A_162 = arith.constant 0 : i32
    %dma_start3A_163 = tpu.memref_slice %arg3[%dma_start3A_162, %multiple_of3A_156] : memref<32x1000000xf32, #tpu.memory_space<hbm>> -> memref<32x128xf32, #tpu.memory_space<hbm>>
    %dma_start3A_164 = arith.constant 0 : i32
    %dma_start3A_165 = arith.constant 0 : i32
    %dma_start3A_166 = tpu.memref_slice %arg6[%dma_start3A_157, %dma_start3A_164, %dma_start3A_165] : memref<8x32x128xf32, #tpu.memory_space<vmem>> -> memref<1x32x128xf32, #tpu.memory_space<vmem>>
    %dma_start3A_167 = tpu.memref_squeeze %dma_start3A_166 : memref<1x32x128xf32, #tpu.memory_space<vmem>> -> memref<32x128xf32, #tpu.memory_space<vmem>>
    %dma_start3A_168 = arith.constant 0 : i32
    %dma_start3A_169 = tpu.memref_slice %arg3[%dma_start3A_168, %multiple_of3A_156] : memref<32x1000000xf32, #tpu.memory_space<hbm>> -> memref<32x128xf32, #tpu.memory_space<hbm>>
    tpu.enqueue_dma source(%dma_start3A_169 : memref<32x128xf32, #tpu.memory_space<hbm>>) target(%dma_start3A_167 : memref<32x128xf32, #tpu.memory_space<vmem>>) target_semaphore(%arg10 : memref<!tpu.dma_semaphore, #tpu.memory_space<semaphore_mem>>)
    %slice3A_170 = vector.extract_strided_slice %get3A_46 {offsets = [3], sizes = [1], strides = [1]} : vector<16xi32> to vector<1xi32>
    %squeeze3A_171 = vector.extract %slice3A_170[0] : i32 from vector<1xi32>
    %jit3A_172 = arith.constant 128 : i32
    %div3A_173 = arith.divsi %squeeze3A_171, %jit3A_172 : i32
    %sign3A_174 = arith.constant 0 : i32
    %sign3A_175 = arith.cmpi sgt, %squeeze3A_171, %sign3A_174 : i32
    %sign3A_176 = arith.extui %sign3A_175 : i1 to i32
    %sign3A_177 = arith.constant 0 : i32
    %sign3A_178 = arith.cmpi slt, %squeeze3A_171, %sign3A_177 : i32
    %sign3A_179 = arith.extui %sign3A_178 : i1 to i32
    %sign3A_180 = arith.subi %sign3A_176, %sign3A_179 : i32
    %sign3A_181 = arith.constant 0 : i32
    %sign3A_182 = arith.cmpi sgt, %jit3A_172, %sign3A_181 : i32
    %sign3A_183 = arith.extui %sign3A_182 : i1 to i32
    %sign3A_184 = arith.constant 0 : i32
    %sign3A_185 = arith.cmpi slt, %jit3A_172, %sign3A_184 : i32
    %sign3A_186 = arith.extui %sign3A_185 : i1 to i32
    %sign3A_187 = arith.subi %sign3A_183, %sign3A_186 : i32
    %ne3A_188 = arith.cmpi ne, %sign3A_180, %sign3A_187 : i32
    %rem3A_189 = arith.remsi %squeeze3A_171, %jit3A_172 : i32
    %ne3A_190 = arith.constant 0 : i32
    %ne3A_191 = arith.cmpi ne, %rem3A_189, %ne3A_190 : i32
    %and3A_192 = arith.andi %ne3A_188, %ne3A_191 : i1
    %sub3A_193 = arith.constant 1 : i32
    %sub3A_194 = arith.subi %div3A_173, %sub3A_193 : i32
    %select_n3A_195 = arith.select %and3A_192, %sub3A_194, %div3A_173 : i32
    %mul3A_196 = arith.constant 128 : i32
    %mul3A_197 = arith.muli %select_n3A_195, %mul3A_196 : i32
    %multiple_of3A_198 = tpu.assume_multiple %mul3A_197, 128 : i32
    %dma_start3A_199 = arith.constant 3 : i32
    %dma_start3A_200 = arith.constant 0 : i32
    %dma_start3A_201 = arith.constant 0 : i32
    %dma_start3A_202 = tpu.memref_slice %arg6[%dma_start3A_199, %dma_start3A_200, %dma_start3A_201] : memref<8x32x128xf32, #tpu.memory_space<vmem>> -> memref<1x32x128xf32, #tpu.memory_space<vmem>>
    %dma_start3A_203 = tpu.memref_squeeze %dma_start3A_202 : memref<1x32x128xf32, #tpu.memory_space<vmem>> -> memref<32x128xf32, #tpu.memory_space<vmem>>
    %dma_start3A_204 = arith.constant 0 : i32
    %dma_start3A_205 = tpu.memref_slice %arg3[%dma_start3A_204, %multiple_of3A_198] : memref<32x1000000xf32, #tpu.memory_space<hbm>> -> memref<32x128xf32, #tpu.memory_space<hbm>>
    %dma_start3A_206 = arith.constant 0 : i32
    %dma_start3A_207 = arith.constant 0 : i32
    %dma_start3A_208 = tpu.memref_slice %arg6[%dma_start3A_199, %dma_start3A_206, %dma_start3A_207] : memref<8x32x128xf32, #tpu.memory_space<vmem>> -> memref<1x32x128xf32, #tpu.memory_space<vmem>>
    %dma_start3A_209 = tpu.memref_squeeze %dma_start3A_208 : memref<1x32x128xf32, #tpu.memory_space<vmem>> -> memref<32x128xf32, #tpu.memory_space<vmem>>
    %dma_start3A_210 = arith.constant 0 : i32
    %dma_start3A_211 = tpu.memref_slice %arg3[%dma_start3A_210, %multiple_of3A_198] : memref<32x1000000xf32, #tpu.memory_space<hbm>> -> memref<32x128xf32, #tpu.memory_space<hbm>>
    tpu.enqueue_dma source(%dma_start3A_211 : memref<32x128xf32, #tpu.memory_space<hbm>>) target(%dma_start3A_209 : memref<32x128xf32, #tpu.memory_space<vmem>>) target_semaphore(%arg10 : memref<!tpu.dma_semaphore, #tpu.memory_space<semaphore_mem>>)
    %slice3A_212 = vector.extract_strided_slice %get3A_46 {offsets = [4], sizes = [1], strides = [1]} : vector<16xi32> to vector<1xi32>
    %squeeze3A_213 = vector.extract %slice3A_212[0] : i32 from vector<1xi32>
    %jit3A_214 = arith.constant 128 : i32
    %div3A_215 = arith.divsi %squeeze3A_213, %jit3A_214 : i32
    %sign3A_216 = arith.constant 0 : i32
    %sign3A_217 = arith.cmpi sgt, %squeeze3A_213, %sign3A_216 : i32
    %sign3A_218 = arith.extui %sign3A_217 : i1 to i32
    %sign3A_219 = arith.constant 0 : i32
    %sign3A_220 = arith.cmpi slt, %squeeze3A_213, %sign3A_219 : i32
    %sign3A_221 = arith.extui %sign3A_220 : i1 to i32
    %sign3A_222 = arith.subi %sign3A_218, %sign3A_221 : i32
    %sign3A_223 = arith.constant 0 : i32
    %sign3A_224 = arith.cmpi sgt, %jit3A_214, %sign3A_223 : i32
    %sign3A_225 = arith.extui %sign3A_224 : i1 to i32
    %sign3A_226 = arith.constant 0 : i32
    %sign3A_227 = arith.cmpi slt, %jit3A_214, %sign3A_226 : i32
    %sign3A_228 = arith.extui %sign3A_227 : i1 to i32
    %sign3A_229 = arith.subi %sign3A_225, %sign3A_228 : i32
    %ne3A_230 = arith.cmpi ne, %sign3A_222, %sign3A_229 : i32
    %rem3A_231 = arith.remsi %squeeze3A_213, %jit3A_214 : i32
    %ne3A_232 = arith.constant 0 : i32
    %ne3A_233 = arith.cmpi ne, %rem3A_231, %ne3A_232 : i32
    %and3A_234 = arith.andi %ne3A_230, %ne3A_233 : i1
    %sub3A_235 = arith.constant 1 : i32
    %sub3A_236 = arith.subi %div3A_215, %sub3A_235 : i32
    %select_n3A_237 = arith.select %and3A_234, %sub3A_236, %div3A_215 : i32
    %mul3A_238 = arith.constant 128 : i32
    %mul3A_239 = arith.muli %select_n3A_237, %mul3A_238 : i32
    %multiple_of3A_240 = tpu.assume_multiple %mul3A_239, 128 : i32
    %dma_start3A_241 = arith.constant 4 : i32
    %dma_start3A_242 = arith.constant 0 : i32
    %dma_start3A_243 = arith.constant 0 : i32
    %dma_start3A_244 = tpu.memref_slice %arg6[%dma_start3A_241, %dma_start3A_242, %dma_start3A_243] : memref<8x32x128xf32, #tpu.memory_space<vmem>> -> memref<1x32x128xf32, #tpu.memory_space<vmem>>
    %dma_start3A_245 = tpu.memref_squeeze %dma_start3A_244 : memref<1x32x128xf32, #tpu.memory_space<vmem>> -> memref<32x128xf32, #tpu.memory_space<vmem>>
    %dma_start3A_246 = arith.constant 0 : i32
    %dma_start3A_247 = tpu.memref_slice %arg3[%dma_start3A_246, %multiple_of3A_240] : memref<32x1000000xf32, #tpu.memory_space<hbm>> -> memref<32x128xf32, #tpu.memory_space<hbm>>
    %dma_start3A_248 = arith.constant 0 : i32
    %dma_start3A_249 = arith.constant 0 : i32
    %dma_start3A_250 = tpu.memref_slice %arg6[%dma_start3A_241, %dma_start3A_248, %dma_start3A_249] : memref<8x32x128xf32, #tpu.memory_space<vmem>> -> memref<1x32x128xf32, #tpu.memory_space<vmem>>
    %dma_start3A_251 = tpu.memref_squeeze %dma_start3A_250 : memref<1x32x128xf32, #tpu.memory_space<vmem>> -> memref<32x128xf32, #tpu.memory_space<vmem>>
    %dma_start3A_252 = arith.constant 0 : i32
    %dma_start3A_253 = tpu.memref_slice %arg3[%dma_start3A_252, %multiple_of3A_240] : memref<32x1000000xf32, #tpu.memory_space<hbm>> -> memref<32x128xf32, #tpu.memory_space<hbm>>
    tpu.enqueue_dma source(%dma_start3A_253 : memref<32x128xf32, #tpu.memory_space<hbm>>) target(%dma_start3A_251 : memref<32x128xf32, #tpu.memory_space<vmem>>) target_semaphore(%arg10 : memref<!tpu.dma_semaphore, #tpu.memory_space<semaphore_mem>>)
    %slice3A_254 = vector.extract_strided_slice %get3A_46 {offsets = [5], sizes = [1], strides = [1]} : vector<16xi32> to vector<1xi32>
    %squeeze3A_255 = vector.extract %slice3A_254[0] : i32 from vector<1xi32>
    %jit3A_256 = arith.constant 128 : i32
    %div3A_257 = arith.divsi %squeeze3A_255, %jit3A_256 : i32
    %sign3A_258 = arith.constant 0 : i32
    %sign3A_259 = arith.cmpi sgt, %squeeze3A_255, %sign3A_258 : i32
    %sign3A_260 = arith.extui %sign3A_259 : i1 to i32
    %sign3A_261 = arith.constant 0 : i32
    %sign3A_262 = arith.cmpi slt, %squeeze3A_255, %sign3A_261 : i32
    %sign3A_263 = arith.extui %sign3A_262 : i1 to i32
    %sign3A_264 = arith.subi %sign3A_260, %sign3A_263 : i32
    %sign3A_265 = arith.constant 0 : i32
    %sign3A_266 = arith.cmpi sgt, %jit3A_256, %sign3A_265 : i32
    %sign3A_267 = arith.extui %sign3A_266 : i1 to i32
    %sign3A_268 = arith.constant 0 : i32
    %sign3A_269 = arith.cmpi slt, %jit3A_256, %sign3A_268 : i32
    %sign3A_270 = arith.extui %sign3A_269 : i1 to i32
    %sign3A_271 = arith.subi %sign3A_267, %sign3A_270 : i32
    %ne3A_272 = arith.cmpi ne, %sign3A_264, %sign3A_271 : i32
    %rem3A_273 = arith.remsi %squeeze3A_255, %jit3A_256 : i32
    %ne3A_274 = arith.constant 0 : i32
    %ne3A_275 = arith.cmpi ne, %rem3A_273, %ne3A_274 : i32
    %and3A_276 = arith.andi %ne3A_272, %ne3A_275 : i1
    %sub3A_277 = arith.constant 1 : i32
    %sub3A_278 = arith.subi %div3A_257, %sub3A_277 : i32
    %select_n3A_279 = arith.select %and3A_276, %sub3A_278, %div3A_257 : i32
    %mul3A_280 = arith.constant 128 : i32
    %mul3A_281 = arith.muli %select_n3A_279, %mul3A_280 : i32
    %multiple_of3A_282 = tpu.assume_multiple %mul3A_281, 128 : i32
    %dma_start3A_283 = arith.constant 5 : i32
    %dma_start3A_284 = arith.constant 0 : i32
    %dma_start3A_285 = arith.constant 0 : i32
    %dma_start3A_286 = tpu.memref_slice %arg6[%dma_start3A_283, %dma_start3A_284, %dma_start3A_285] : memref<8x32x128xf32, #tpu.memory_space<vmem>> -> memref<1x32x128xf32, #tpu.memory_space<vmem>>
    %dma_start3A_287 = tpu.memref_squeeze %dma_start3A_286 : memref<1x32x128xf32, #tpu.memory_space<vmem>> -> memref<32x128xf32, #tpu.memory_space<vmem>>
    %dma_start3A_288 = arith.constant 0 : i32
    %dma_start3A_289 = tpu.memref_slice %arg3[%dma_start3A_288, %multiple_of3A_282] : memref<32x1000000xf32, #tpu.memory_space<hbm>> -> memref<32x128xf32, #tpu.memory_space<hbm>>
    %dma_start3A_290 = arith.constant 0 : i32
    %dma_start3A_291 = arith.constant 0 : i32
    %dma_start3A_292 = tpu.memref_slice %arg6[%dma_start3A_283, %dma_start3A_290, %dma_start3A_291] : memref<8x32x128xf32, #tpu.memory_space<vmem>> -> memref<1x32x128xf32, #tpu.memory_space<vmem>>
    %dma_start3A_293 = tpu.memref_squeeze %dma_start3A_292 : memref<1x32x128xf32, #tpu.memory_space<vmem>> -> memref<32x128xf32, #tpu.memory_space<vmem>>
    %dma_start3A_294 = arith.constant 0 : i32
    %dma_start3A_295 = tpu.memref_slice %arg3[%dma_start3A_294, %multiple_of3A_282] : memref<32x1000000xf32, #tpu.memory_space<hbm>> -> memref<32x128xf32, #tpu.memory_space<hbm>>
    tpu.enqueue_dma source(%dma_start3A_295 : memref<32x128xf32, #tpu.memory_space<hbm>>) target(%dma_start3A_293 : memref<32x128xf32, #tpu.memory_space<vmem>>) target_semaphore(%arg10 : memref<!tpu.dma_semaphore, #tpu.memory_space<semaphore_mem>>)
    %slice3A_296 = vector.extract_strided_slice %get3A_46 {offsets = [6], sizes = [1], strides = [1]} : vector<16xi32> to vector<1xi32>
    %squeeze3A_297 = vector.extract %slice3A_296[0] : i32 from vector<1xi32>
    %jit3A_298 = arith.constant 128 : i32
    %div3A_299 = arith.divsi %squeeze3A_297, %jit3A_298 : i32
    %sign3A_300 = arith.constant 0 : i32
    %sign3A_301 = arith.cmpi sgt, %squeeze3A_297, %sign3A_300 : i32
    %sign3A_302 = arith.extui %sign3A_301 : i1 to i32
    %sign3A_303 = arith.constant 0 : i32
    %sign3A_304 = arith.cmpi slt, %squeeze3A_297, %sign3A_303 : i32
    %sign3A_305 = arith.extui %sign3A_304 : i1 to i32
    %sign3A_306 = arith.subi %sign3A_302, %sign3A_305 : i32
    %sign3A_307 = arith.constant 0 : i32
    %sign3A_308 = arith.cmpi sgt, %jit3A_298, %sign3A_307 : i32
    %sign3A_309 = arith.extui %sign3A_308 : i1 to i32
    %sign3A_310 = arith.constant 0 : i32
    %sign3A_311 = arith.cmpi slt, %jit3A_298, %sign3A_310 : i32
    %sign3A_312 = arith.extui %sign3A_311 : i1 to i32
    %sign3A_313 = arith.subi %sign3A_309, %sign3A_312 : i32
    %ne3A_314 = arith.cmpi ne, %sign3A_306, %sign3A_313 : i32
    %rem3A_315 = arith.remsi %squeeze3A_297, %jit3A_298 : i32
    %ne3A_316 = arith.constant 0 : i32
    %ne3A_317 = arith.cmpi ne, %rem3A_315, %ne3A_316 : i32
    %and3A_318 = arith.andi %ne3A_314, %ne3A_317 : i1
    %sub3A_319 = arith.constant 1 : i32
    %sub3A_320 = arith.subi %div3A_299, %sub3A_319 : i32
    %select_n3A_321 = arith.select %and3A_318, %sub3A_320, %div3A_299 : i32
    %mul3A_322 = arith.constant 128 : i32
    %mul3A_323 = arith.muli %select_n3A_321, %mul3A_322 : i32
    %multiple_of3A_324 = tpu.assume_multiple %mul3A_323, 128 : i32
    %dma_start3A_325 = arith.constant 6 : i32
    %dma_start3A_326 = arith.constant 0 : i32
    %dma_start3A_327 = arith.constant 0 : i32
    %dma_start3A_328 = tpu.memref_slice %arg6[%dma_start3A_325, %dma_start3A_326, %dma_start3A_327] : memref<8x32x128xf32, #tpu.memory_space<vmem>> -> memref<1x32x128xf32, #tpu.memory_space<vmem>>
    %dma_start3A_329 = tpu.memref_squeeze %dma_start3A_328 : memref<1x32x128xf32, #tpu.memory_space<vmem>> -> memref<32x128xf32, #tpu.memory_space<vmem>>
    %dma_start3A_330 = arith.constant 0 : i32
    %dma_start3A_331 = tpu.memref_slice %arg3[%dma_start3A_330, %multiple_of3A_324] : memref<32x1000000xf32, #tpu.memory_space<hbm>> -> memref<32x128xf32, #tpu.memory_space<hbm>>
    %dma_start3A_332 = arith.constant 0 : i32
    %dma_start3A_333 = arith.constant 0 : i32
    %dma_start3A_334 = tpu.memref_slice %arg6[%dma_start3A_325, %dma_start3A_332, %dma_start3A_333] : memref<8x32x128xf32, #tpu.memory_space<vmem>> -> memref<1x32x128xf32, #tpu.memory_space<vmem>>
    %dma_start3A_335 = tpu.memref_squeeze %dma_start3A_334 : memref<1x32x128xf32, #tpu.memory_space<vmem>> -> memref<32x128xf32, #tpu.memory_space<vmem>>
    %dma_start3A_336 = arith.constant 0 : i32
    %dma_start3A_337 = tpu.memref_slice %arg3[%dma_start3A_336, %multiple_of3A_324] : memref<32x1000000xf32, #tpu.memory_space<hbm>> -> memref<32x128xf32, #tpu.memory_space<hbm>>
    tpu.enqueue_dma source(%dma_start3A_337 : memref<32x128xf32, #tpu.memory_space<hbm>>) target(%dma_start3A_335 : memref<32x128xf32, #tpu.memory_space<vmem>>) target_semaphore(%arg10 : memref<!tpu.dma_semaphore, #tpu.memory_space<semaphore_mem>>)
    %slice3A_338 = vector.extract_strided_slice %get3A_46 {offsets = [7], sizes = [1], strides = [1]} : vector<16xi32> to vector<1xi32>
    %squeeze3A_339 = vector.extract %slice3A_338[0] : i32 from vector<1xi32>
    %jit3A_340 = arith.constant 128 : i32
    %div3A_341 = arith.divsi %squeeze3A_339, %jit3A_340 : i32
    %sign3A_342 = arith.constant 0 : i32
    %sign3A_343 = arith.cmpi sgt, %squeeze3A_339, %sign3A_342 : i32
    %sign3A_344 = arith.extui %sign3A_343 : i1 to i32
    %sign3A_345 = arith.constant 0 : i32
    %sign3A_346 = arith.cmpi slt, %squeeze3A_339, %sign3A_345 : i32
    %sign3A_347 = arith.extui %sign3A_346 : i1 to i32
    %sign3A_348 = arith.subi %sign3A_344, %sign3A_347 : i32
    %sign3A_349 = arith.constant 0 : i32
    %sign3A_350 = arith.cmpi sgt, %jit3A_340, %sign3A_349 : i32
    %sign3A_351 = arith.extui %sign3A_350 : i1 to i32
    %sign3A_352 = arith.constant 0 : i32
    %sign3A_353 = arith.cmpi slt, %jit3A_340, %sign3A_352 : i32
    %sign3A_354 = arith.extui %sign3A_353 : i1 to i32
    %sign3A_355 = arith.subi %sign3A_351, %sign3A_354 : i32
    %ne3A_356 = arith.cmpi ne, %sign3A_348, %sign3A_355 : i32
    %rem3A_357 = arith.remsi %squeeze3A_339, %jit3A_340 : i32
    %ne3A_358 = arith.constant 0 : i32
    %ne3A_359 = arith.cmpi ne, %rem3A_357, %ne3A_358 : i32
    %and3A_360 = arith.andi %ne3A_356, %ne3A_359 : i1
    %sub3A_361 = arith.constant 1 : i32
    %sub3A_362 = arith.subi %div3A_341, %sub3A_361 : i32
    %select_n3A_363 = arith.select %and3A_360, %sub3A_362, %div3A_341 : i32
    %mul3A_364 = arith.constant 128 : i32
    %mul3A_365 = arith.muli %select_n3A_363, %mul3A_364 : i32
    %multiple_of3A_366 = tpu.assume_multiple %mul3A_365, 128 : i32
    %dma_start3A_367 = arith.constant 7 : i32
    %dma_start3A_368 = arith.constant 0 : i32
    %dma_start3A_369 = arith.constant 0 : i32
    %dma_start3A_370 = tpu.memref_slice %arg6[%dma_start3A_367, %dma_start3A_368, %dma_start3A_369] : memref<8x32x128xf32, #tpu.memory_space<vmem>> -> memref<1x32x128xf32, #tpu.memory_space<vmem>>
    %dma_start3A_371 = tpu.memref_squeeze %dma_start3A_370 : memref<1x32x128xf32, #tpu.memory_space<vmem>> -> memref<32x128xf32, #tpu.memory_space<vmem>>
    %dma_start3A_372 = arith.constant 0 : i32
    %dma_start3A_373 = tpu.memref_slice %arg3[%dma_start3A_372, %multiple_of3A_366] : memref<32x1000000xf32, #tpu.memory_space<hbm>> -> memref<32x128xf32, #tpu.memory_space<hbm>>
    %dma_start3A_374 = arith.constant 0 : i32
    %dma_start3A_375 = arith.constant 0 : i32
    %dma_start3A_376 = tpu.memref_slice %arg6[%dma_start3A_367, %dma_start3A_374, %dma_start3A_375] : memref<8x32x128xf32, #tpu.memory_space<vmem>> -> memref<1x32x128xf32, #tpu.memory_space<vmem>>
    %dma_start3A_377 = tpu.memref_squeeze %dma_start3A_376 : memref<1x32x128xf32, #tpu.memory_space<vmem>> -> memref<32x128xf32, #tpu.memory_space<vmem>>
    %dma_start3A_378 = arith.constant 0 : i32
    %dma_start3A_379 = tpu.memref_slice %arg3[%dma_start3A_378, %multiple_of3A_366] : memref<32x1000000xf32, #tpu.memory_space<hbm>> -> memref<32x128xf32, #tpu.memory_space<hbm>>
    tpu.enqueue_dma source(%dma_start3A_379 : memref<32x128xf32, #tpu.memory_space<hbm>>) target(%dma_start3A_377 : memref<32x128xf32, #tpu.memory_space<vmem>>) target_semaphore(%arg10 : memref<!tpu.dma_semaphore, #tpu.memory_space<semaphore_mem>>)
    %get3A_380 = arith.constant 8 : index
    %get3A_381 = tpu.vector_load %arg5[%get3A_380] {strides = array<i32>} : memref<528xi32, #tpu.memory_space<vmem>>, vector<16xi32>,
    %slice3A_382 = vector.extract_strided_slice %get3A_381 {offsets = [0], sizes = [1], strides = [1]} : vector<16xi32> to vector<1xi32>
    %squeeze3A_383 = vector.extract %slice3A_382[0] : i32 from vector<1xi32>
    %jit3A_384 = arith.constant 128 : i32
    %div3A_385 = arith.divsi %squeeze3A_383, %jit3A_384 : i32
    %sign3A_386 = arith.constant 0 : i32
    %sign3A_387 = arith.cmpi sgt, %squeeze3A_383, %sign3A_386 : i32
    %sign3A_388 = arith.extui %sign3A_387 : i1 to i32
    %sign3A_389 = arith.constant 0 : i32
    %sign3A_390 = arith.cmpi slt, %squeeze3A_383, %sign3A_389 : i32
    %sign3A_391 = arith.extui %sign3A_390 : i1 to i32
    %sign3A_392 = arith.subi %sign3A_388, %sign3A_391 : i32
    %sign3A_393 = arith.constant 0 : i32
    %sign3A_394 = arith.cmpi sgt, %jit3A_384, %sign3A_393 : i32
    %sign3A_395 = arith.extui %sign3A_394 : i1 to i32
    %sign3A_396 = arith.constant 0 : i32
    %sign3A_397 = arith.cmpi slt, %jit3A_384, %sign3A_396 : i32
    %sign3A_398 = arith.extui %sign3A_397 : i1 to i32
    %sign3A_399 = arith.subi %sign3A_395, %sign3A_398 : i32
    %ne3A_400 = arith.cmpi ne, %sign3A_392, %sign3A_399 : i32
    %rem3A_401 = arith.remsi %squeeze3A_383, %jit3A_384 : i32
    %ne3A_402 = arith.constant 0 : i32
    %ne3A_403 = arith.cmpi ne, %rem3A_401, %ne3A_402 : i32
    %and3A_404 = arith.andi %ne3A_400, %ne3A_403 : i1
    %sub3A_405 = arith.constant 1 : i32
    %sub3A_406 = arith.subi %div3A_385, %sub3A_405 : i32
    %select_n3A_407 = arith.select %and3A_404, %sub3A_406, %div3A_385 : i32
    %mul3A_408 = arith.constant 128 : i32
    %mul3A_409 = arith.muli %select_n3A_407, %mul3A_408 : i32
    %multiple_of3A_410 = tpu.assume_multiple %mul3A_409, 128 : i32
    %dma_start3A_411 = arith.constant 0 : i32
    %dma_start3A_412 = arith.constant 0 : i32
    %dma_start3A_413 = arith.constant 0 : i32
    %dma_start3A_414 = tpu.memref_slice %arg7[%dma_start3A_411, %dma_start3A_412, %dma_start3A_413] : memref<8x32x128xf32, #tpu.memory_space<vmem>> -> memref<1x32x128xf32, #tpu.memory_space<vmem>>
    %dma_start3A_415 = tpu.memref_squeeze %dma_start3A_414 : memref<1x32x128xf32, #tpu.memory_space<vmem>> -> memref<32x128xf32, #tpu.memory_space<vmem>>
    %dma_start3A_416 = arith.constant 0 : i32
    %dma_start3A_417 = tpu.memref_slice %arg3[%dma_start3A_416, %multiple_of3A_410] : memref<32x1000000xf32, #tpu.memory_space<hbm>> -> memref<32x128xf32, #tpu.memory_space<hbm>>
    %dma_start3A_418 = arith.constant 0 : i32
    %dma_start3A_419 = arith.constant 0 : i32
    %dma_start3A_420 = tpu.memref_slice %arg7[%dma_start3A_411, %dma_start3A_418, %dma_start3A_419] : memref<8x32x128xf32, #tpu.memory_space<vmem>> -> memref<1x32x128xf32, #tpu.memory_space<vmem>>
    %dma_start3A_421 = tpu.memref_squeeze %dma_start3A_420 : memref<1x32x128xf32, #tpu.memory_space<vmem>> -> memref<32x128xf32, #tpu.memory_space<vmem>>
    %dma_start3A_422 = arith.constant 0 : i32
    %dma_start3A_423 = tpu.memref_slice %arg3[%dma_start3A_422, %multiple_of3A_410] : memref<32x1000000xf32, #tpu.memory_space<hbm>> -> memref<32x128xf32, #tpu.memory_space<hbm>>
    tpu.enqueue_dma source(%dma_start3A_423 : memref<32x128xf32, #tpu.memory_space<hbm>>) target(%dma_start3A_421 : memref<32x128xf32, #tpu.memory_space<vmem>>) target_semaphore(%arg11 : memref<!tpu.dma_semaphore, #tpu.memory_space<semaphore_mem>>)
    %slice3A_424 = vector.extract_strided_slice %get3A_381 {offsets = [1], sizes = [1], strides = [1]} : vector<16xi32> to vector<1xi32>
    %squeeze3A_425 = vector.extract %slice3A_424[0] : i32 from vector<1xi32>
    %jit3A_426 = arith.constant 128 : i32
    %div3A_427 = arith.divsi %squeeze3A_425, %jit3A_426 : i32
    %sign3A_428 = arith.constant 0 : i32
    %sign3A_429 = arith.cmpi sgt, %squeeze3A_425, %sign3A_428 : i32
    %sign3A_430 = arith.extui %sign3A_429 : i1 to i32
    %sign3A_431 = arith.constant 0 : i32
    %sign3A_432 = arith.cmpi slt, %squeeze3A_425, %sign3A_431 : i32
    %sign3A_433 = arith.extui %sign3A_432 : i1 to i32
    %sign3A_434 = arith.subi %sign3A_430, %sign3A_433 : i32
    %sign3A_435 = arith.constant 0 : i32
    %sign3A_436 = arith.cmpi sgt, %jit3A_426, %sign3A_435 : i32
    %sign3A_437 = arith.extui %sign3A_436 : i1 to i32
    %sign3A_438 = arith.constant 0 : i32
    %sign3A_439 = arith.cmpi slt, %jit3A_426, %sign3A_438 : i32
    %sign3A_440 = arith.extui %sign3A_439 : i1 to i32
    %sign3A_441 = arith.subi %sign3A_437, %sign3A_440 : i32
    %ne3A_442 = arith.cmpi ne, %sign3A_434, %sign3A_441 : i32
    %rem3A_443 = arith.remsi %squeeze3A_425, %jit3A_426 : i32
    %ne3A_444 = arith.constant 0 : i32
    %ne3A_445 = arith.cmpi ne, %rem3A_443, %ne3A_444 : i32
    %and3A_446 = arith.andi %ne3A_442, %ne3A_445 : i1
    %sub3A_447 = arith.constant 1 : i32
    %sub3A_448 = arith.subi %div3A_427, %sub3A_447 : i32
    %select_n3A_449 = arith.select %and3A_446, %sub3A_448, %div3A_427 : i32
    %mul3A_450 = arith.constant 128 : i32
    %mul3A_451 = arith.muli %select_n3A_449, %mul3A_450 : i32
    %multiple_of3A_452 = tpu.assume_multiple %mul3A_451, 128 : i32
    %dma_start3A_453 = arith.constant 1 : i32
    %dma_start3A_454 = arith.constant 0 : i32
    %dma_start3A_455 = arith.constant 0 : i32
    %dma_start3A_456 = tpu.memref_slice %arg7[%dma_start3A_453, %dma_start3A_454, %dma_start3A_455] : memref<8x32x128xf32, #tpu.memory_space<vmem>> -> memref<1x32x128xf32, #tpu.memory_space<vmem>>
    %dma_start3A_457 = tpu.memref_squeeze %dma_start3A_456 : memref<1x32x128xf32, #tpu.memory_space<vmem>> -> memref<32x128xf32, #tpu.memory_space<vmem>>
    %dma_start3A_458 = arith.constant 0 : i32
    %dma_start3A_459 = tpu.memref_slice %arg3[%dma_start3A_458, %multiple_of3A_452] : memref<32x1000000xf32, #tpu.memory_space<hbm>> -> memref<32x128xf32, #tpu.memory_space<hbm>>
    %dma_start3A_460 = arith.constant 0 : i32
    %dma_start3A_461 = arith.constant 0 : i32
    %dma_start3A_462 = tpu.memref_slice %arg7[%dma_start3A_453, %dma_start3A_460, %dma_start3A_461] : memref<8x32x128xf32, #tpu.memory_space<vmem>> -> memref<1x32x128xf32, #tpu.memory_space<vmem>>
    %dma_start3A_463 = tpu.memref_squeeze %dma_start3A_462 : memref<1x32x128xf32, #tpu.memory_space<vmem>> -> memref<32x128xf32, #tpu.memory_space<vmem>>
    %dma_start3A_464 = arith.constant 0 : i32
    %dma_start3A_465 = tpu.memref_slice %arg3[%dma_start3A_464, %multiple_of3A_452] : memref<32x1000000xf32, #tpu.memory_space<hbm>> -> memref<32x128xf32, #tpu.memory_space<hbm>>
    tpu.enqueue_dma source(%dma_start3A_465 : memref<32x128xf32, #tpu.memory_space<hbm>>) target(%dma_start3A_463 : memref<32x128xf32, #tpu.memory_space<vmem>>) target_semaphore(%arg11 : memref<!tpu.dma_semaphore, #tpu.memory_space<semaphore_mem>>)
    %slice3A_466 = vector.extract_strided_slice %get3A_381 {offsets = [2], sizes = [1], strides = [1]} : vector<16xi32> to vector<1xi32>
    %squeeze3A_467 = vector.extract %slice3A_466[0] : i32 from vector<1xi32>
    %jit3A_468 = arith.constant 128 : i32
    %div3A_469 = arith.divsi %squeeze3A_467, %jit3A_468 : i32
    %sign3A_470 = arith.constant 0 : i32
    %sign3A_471 = arith.cmpi sgt, %squeeze3A_467, %sign3A_470 : i32
    %sign3A_472 = arith.extui %sign3A_471 : i1 to i32
    %sign3A_473 = arith.constant 0 : i32
    %sign3A_474 = arith.cmpi slt, %squeeze3A_467, %sign3A_473 : i32
    %sign3A_475 = arith.extui %sign3A_474 : i1 to i32
    %sign3A_476 = arith.subi %sign3A_472, %sign3A_475 : i32
    %sign3A_477 = arith.constant 0 : i32
    %sign3A_478 = arith.cmpi sgt, %jit3A_468, %sign3A_477 : i32
    %sign3A_479 = arith.extui %sign3A_478 : i1 to i32
    %sign3A_480 = arith.constant 0 : i32
    %sign3A_481 = arith.cmpi slt, %jit3A_468, %sign3A_480 : i32
    %sign3A_482 = arith.extui %sign3A_481 : i1 to i32
    %sign3A_483 = arith.subi %sign3A_479, %sign3A_482 : i32
    %ne3A_484 = arith.cmpi ne, %sign3A_476, %sign3A_483 : i32
    %rem3A_485 = arith.remsi %squeeze3A_467, %jit3A_468 : i32
    %ne3A_486 = arith.constant 0 : i32
    %ne3A_487 = arith.cmpi ne, %rem3A_485, %ne3A_486 : i32
    %and3A_488 = arith.andi %ne3A_484, %ne3A_487 : i1
    %sub3A_489 = arith.constant 1 : i32
    %sub3A_490 = arith.subi %div3A_469, %sub3A_489 : i32
    %select_n3A_491 = arith.select %and3A_488, %sub3A_490, %div3A_469 : i32
    %mul3A_492 = arith.constant 128 : i32
    %mul3A_493 = arith.muli %select_n3A_491, %mul3A_492 : i32
    %multiple_of3A_494 = tpu.assume_multiple %mul3A_493, 128 : i32
    %dma_start3A_495 = arith.constant 2 : i32
    %dma_start3A_496 = arith.constant 0 : i32
    %dma_start3A_497 = arith.constant 0 : i32
    %dma_start3A_498 = tpu.memref_slice %arg7[%dma_start3A_495, %dma_start3A_496, %dma_start3A_497] : memref<8x32x128xf32, #tpu.memory_space<vmem>> -> memref<1x32x128xf32, #tpu.memory_space<vmem>>
    %dma_start3A_499 = tpu.memref_squeeze %dma_start3A_498 : memref<1x32x128xf32, #tpu.memory_space<vmem>> -> memref<32x128xf32, #tpu.memory_space<vmem>>
    %dma_start3A_500 = arith.constant 0 : i32
    %dma_start3A_501 = tpu.memref_slice %arg3[%dma_start3A_500, %multiple_of3A_494] : memref<32x1000000xf32, #tpu.memory_space<hbm>> -> memref<32x128xf32, #tpu.memory_space<hbm>>
    %dma_start3A_502 = arith.constant 0 : i32
    %dma_start3A_503 = arith.constant 0 : i32
    %dma_start3A_504 = tpu.memref_slice %arg7[%dma_start3A_495, %dma_start3A_502, %dma_start3A_503] : memref<8x32x128xf32, #tpu.memory_space<vmem>> -> memref<1x32x128xf32, #tpu.memory_space<vmem>>
    %dma_start3A_505 = tpu.memref_squeeze %dma_start3A_504 : memref<1x32x128xf32, #tpu.memory_space<vmem>> -> memref<32x128xf32, #tpu.memory_space<vmem>>
    %dma_start3A_506 = arith.constant 0 : i32
    %dma_start3A_507 = tpu.memref_slice %arg3[%dma_start3A_506, %multiple_of3A_494] : memref<32x1000000xf32, #tpu.memory_space<hbm>> -> memref<32x128xf32, #tpu.memory_space<hbm>>
    tpu.enqueue_dma source(%dma_start3A_507 : memref<32x128xf32, #tpu.memory_space<hbm>>) target(%dma_start3A_505 : memref<32x128xf32, #tpu.memory_space<vmem>>) target_semaphore(%arg11 : memref<!tpu.dma_semaphore, #tpu.memory_space<semaphore_mem>>)
    %slice3A_508 = vector.extract_strided_slice %get3A_381 {offsets = [3], sizes = [1], strides = [1]} : vector<16xi32> to vector<1xi32>
    %squeeze3A_509 = vector.extract %slice3A_508[0] : i32 from vector<1xi32>
    %jit3A_510 = arith.constant 128 : i32
    %div3A_511 = arith.divsi %squeeze3A_509, %jit3A_510 : i32
    %sign3A_512 = arith.constant 0 : i32
    %sign3A_513 = arith.cmpi sgt, %squeeze3A_509, %sign3A_512 : i32
    %sign3A_514 = arith.extui %sign3A_513 : i1 to i32
    %sign3A_515 = arith.constant 0 : i32
    %sign3A_516 = arith.cmpi slt, %squeeze3A_509, %sign3A_515 : i32
    %sign3A_517 = arith.extui %sign3A_516 : i1 to i32
    %sign3A_518 = arith.subi %sign3A_514, %sign3A_517 : i32
    %sign3A_519 = arith.constant 0 : i32
    %sign3A_520 = arith.cmpi sgt, %jit3A_510, %sign3A_519 : i32
    %sign3A_521 = arith.extui %sign3A_520 : i1 to i32
    %sign3A_522 = arith.constant 0 : i32
    %sign3A_523 = arith.cmpi slt, %jit3A_510, %sign3A_522 : i32
    %sign3A_524 = arith.extui %sign3A_523 : i1 to i32
    %sign3A_525 = arith.subi %sign3A_521, %sign3A_524 : i32
    %ne3A_526 = arith.cmpi ne, %sign3A_518, %sign3A_525 : i32
    %rem3A_527 = arith.remsi %squeeze3A_509, %jit3A_510 : i32
    %ne3A_528 = arith.constant 0 : i32
    %ne3A_529 = arith.cmpi ne, %rem3A_527, %ne3A_528 : i32
    %and3A_530 = arith.andi %ne3A_526, %ne3A_529 : i1
    %sub3A_531 = arith.constant 1 : i32
    %sub3A_532 = arith.subi %div3A_511, %sub3A_531 : i32
    %select_n3A_533 = arith.select %and3A_530, %sub3A_532, %div3A_511 : i32
    %mul3A_534 = arith.constant 128 : i32
    %mul3A_535 = arith.muli %select_n3A_533, %mul3A_534 : i32
    %multiple_of3A_536 = tpu.assume_multiple %mul3A_535, 128 : i32
    %dma_start3A_537 = arith.constant 3 : i32
    %dma_start3A_538 = arith.constant 0 : i32
    %dma_start3A_539 = arith.constant 0 : i32
    %dma_start3A_540 = tpu.memref_slice %arg7[%dma_start3A_537, %dma_start3A_538, %dma_start3A_539] : memref<8x32x128xf32, #tpu.memory_space<vmem>> -> memref<1x32x128xf32, #tpu.memory_space<vmem>>
    %dma_start3A_541 = tpu.memref_squeeze %dma_start3A_540 : memref<1x32x128xf32, #tpu.memory_space<vmem>> -> memref<32x128xf32, #tpu.memory_space<vmem>>
    %dma_start3A_542 = arith.constant 0 : i32
    %dma_start3A_543 = tpu.memref_slice %arg3[%dma_start3A_542, %multiple_of3A_536] : memref<32x1000000xf32, #tpu.memory_space<hbm>> -> memref<32x128xf32, #tpu.memory_space<hbm>>
    %dma_start3A_544 = arith.constant 0 : i32
    %dma_start3A_545 = arith.constant 0 : i32
    %dma_start3A_546 = tpu.memref_slice %arg7[%dma_start3A_537, %dma_start3A_544, %dma_start3A_545] : memref<8x32x128xf32, #tpu.memory_space<vmem>> -> memref<1x32x128xf32, #tpu.memory_space<vmem>>
    %dma_start3A_547 = tpu.memref_squeeze %dma_start3A_546 : memref<1x32x128xf32, #tpu.memory_space<vmem>> -> memref<32x128xf32, #tpu.memory_space<vmem>>
    %dma_start3A_548 = arith.constant 0 : i32
    %dma_start3A_549 = tpu.memref_slice %arg3[%dma_start3A_548, %multiple_of3A_536] : memref<32x1000000xf32, #tpu.memory_space<hbm>> -> memref<32x128xf32, #tpu.memory_space<hbm>>
    tpu.enqueue_dma source(%dma_start3A_549 : memref<32x128xf32, #tpu.memory_space<hbm>>) target(%dma_start3A_547 : memref<32x128xf32, #tpu.memory_space<vmem>>) target_semaphore(%arg11 : memref<!tpu.dma_semaphore, #tpu.memory_space<semaphore_mem>>)
    %slice3A_550 = vector.extract_strided_slice %get3A_381 {offsets = [4], sizes = [1], strides = [1]} : vector<16xi32> to vector<1xi32>
    %squeeze3A_551 = vector.extract %slice3A_550[0] : i32 from vector<1xi32>
    %jit3A_552 = arith.constant 128 : i32
    %div3A_553 = arith.divsi %squeeze3A_551, %jit3A_552 : i32
    %sign3A_554 = arith.constant 0 : i32
    %sign3A_555 = arith.cmpi sgt, %squeeze3A_551, %sign3A_554 : i32
    %sign3A_556 = arith.extui %sign3A_555 : i1 to i32
    %sign3A_557 = arith.constant 0 : i32
    %sign3A_558 = arith.cmpi slt, %squeeze3A_551, %sign3A_557 : i32
    %sign3A_559 = arith.extui %sign3A_558 : i1 to i32
    %sign3A_560 = arith.subi %sign3A_556, %sign3A_559 : i32
    %sign3A_561 = arith.constant 0 : i32
    %sign3A_562 = arith.cmpi sgt, %jit3A_552, %sign3A_561 : i32
    %sign3A_563 = arith.extui %sign3A_562 : i1 to i32
    %sign3A_564 = arith.constant 0 : i32
    %sign3A_565 = arith.cmpi slt, %jit3A_552, %sign3A_564 : i32
    %sign3A_566 = arith.extui %sign3A_565 : i1 to i32
    %sign3A_567 = arith.subi %sign3A_563, %sign3A_566 : i32
    %ne3A_568 = arith.cmpi ne, %sign3A_560, %sign3A_567 : i32
    %rem3A_569 = arith.remsi %squeeze3A_551, %jit3A_552 : i32
    %ne3A_570 = arith.constant 0 : i32
    %ne3A_571 = arith.cmpi ne, %rem3A_569, %ne3A_570 : i32
    %and3A_572 = arith.andi %ne3A_568, %ne3A_571 : i1
    %sub3A_573 = arith.constant 1 : i32
    %sub3A_574 = arith.subi %div3A_553, %sub3A_573 : i32
    %select_n3A_575 = arith.select %and3A_572, %sub3A_574, %div3A_553 : i32
    %mul3A_576 = arith.constant 128 : i32
    %mul3A_577 = arith.muli %select_n3A_575, %mul3A_576 : i32
    %multiple_of3A_578 = tpu.assume_multiple %mul3A_577, 128 : i32
    %dma_start3A_579 = arith.constant 4 : i32
    %dma_start3A_580 = arith.constant 0 : i32
    %dma_start3A_581 = arith.constant 0 : i32
    %dma_start3A_582 = tpu.memref_slice %arg7[%dma_start3A_579, %dma_start3A_580, %dma_start3A_581] : memref<8x32x128xf32, #tpu.memory_space<vmem>> -> memref<1x32x128xf32, #tpu.memory_space<vmem>>
    %dma_start3A_583 = tpu.memref_squeeze %dma_start3A_582 : memref<1x32x128xf32, #tpu.memory_space<vmem>> -> memref<32x128xf32, #tpu.memory_space<vmem>>
    %dma_start3A_584 = arith.constant 0 : i32
    %dma_start3A_585 = tpu.memref_slice %arg3[%dma_start3A_584, %multiple_of3A_578] : memref<32x1000000xf32, #tpu.memory_space<hbm>> -> memref<32x128xf32, #tpu.memory_space<hbm>>
    %dma_start3A_586 = arith.constant 0 : i32
    %dma_start3A_587 = arith.constant 0 : i32
    %dma_start3A_588 = tpu.memref_slice %arg7[%dma_start3A_579, %dma_start3A_586, %dma_start3A_587] : memref<8x32x128xf32, #tpu.memory_space<vmem>> -> memref<1x32x128xf32, #tpu.memory_space<vmem>>
    %dma_start3A_589 = tpu.memref_squeeze %dma_start3A_588 : memref<1x32x128xf32, #tpu.memory_space<vmem>> -> memref<32x128xf32, #tpu.memory_space<vmem>>
    %dma_start3A_590 = arith.constant 0 : i32
    %dma_start3A_591 = tpu.memref_slice %arg3[%dma_start3A_590, %multiple_of3A_578] : memref<32x1000000xf32, #tpu.memory_space<hbm>> -> memref<32x128xf32, #tpu.memory_space<hbm>>
    tpu.enqueue_dma source(%dma_start3A_591 : memref<32x128xf32, #tpu.memory_space<hbm>>) target(%dma_start3A_589 : memref<32x128xf32, #tpu.memory_space<vmem>>) target_semaphore(%arg11 : memref<!tpu.dma_semaphore, #tpu.memory_space<semaphore_mem>>)
    %slice3A_592 = vector.extract_strided_slice %get3A_381 {offsets = [5], sizes = [1], strides = [1]} : vector<16xi32> to vector<1xi32>
    %squeeze3A_593 = vector.extract %slice3A_592[0] : i32 from vector<1xi32>
    %jit3A_594 = arith.constant 128 : i32
    %div3A_595 = arith.divsi %squeeze3A_593, %jit3A_594 : i32
    %sign3A_596 = arith.constant 0 : i32
    %sign3A_597 = arith.cmpi sgt, %squeeze3A_593, %sign3A_596 : i32
    %sign3A_598 = arith.extui %sign3A_597 : i1 to i32
    %sign3A_599 = arith.constant 0 : i32
    %sign3A_600 = arith.cmpi slt, %squeeze3A_593, %sign3A_599 : i32
    %sign3A_601 = arith.extui %sign3A_600 : i1 to i32
    %sign3A_602 = arith.subi %sign3A_598, %sign3A_601 : i32
    %sign3A_603 = arith.constant 0 : i32
    %sign3A_604 = arith.cmpi sgt, %jit3A_594, %sign3A_603 : i32
    %sign3A_605 = arith.extui %sign3A_604 : i1 to i32
    %sign3A_606 = arith.constant 0 : i32
    %sign3A_607 = arith.cmpi slt, %jit3A_594, %sign3A_606 : i32
    %sign3A_608 = arith.extui %sign3A_607 : i1 to i32
    %sign3A_609 = arith.subi %sign3A_605, %sign3A_608 : i32
    %ne3A_610 = arith.cmpi ne, %sign3A_602, %sign3A_609 : i32
    %rem3A_611 = arith.remsi %squeeze3A_593, %jit3A_594 : i32
    %ne3A_612 = arith.constant 0 : i32
    %ne3A_613 = arith.cmpi ne, %rem3A_611, %ne3A_612 : i32
    %and3A_614 = arith.andi %ne3A_610, %ne3A_613 : i1
    %sub3A_615 = arith.constant 1 : i32
    %sub3A_616 = arith.subi %div3A_595, %sub3A_615 : i32
    %select_n3A_617 = arith.select %and3A_614, %sub3A_616, %div3A_595 : i32
    %mul3A_618 = arith.constant 128 : i32
    %mul3A_619 = arith.muli %select_n3A_617, %mul3A_618 : i32
    %multiple_of3A_620 = tpu.assume_multiple %mul3A_619, 128 : i32
    %dma_start3A_621 = arith.constant 5 : i32
    %dma_start3A_622 = arith.constant 0 : i32
    %dma_start3A_623 = arith.constant 0 : i32
    %dma_start3A_624 = tpu.memref_slice %arg7[%dma_start3A_621, %dma_start3A_622, %dma_start3A_623] : memref<8x32x128xf32, #tpu.memory_space<vmem>> -> memref<1x32x128xf32, #tpu.memory_space<vmem>>
    %dma_start3A_625 = tpu.memref_squeeze %dma_start3A_624 : memref<1x32x128xf32, #tpu.memory_space<vmem>> -> memref<32x128xf32, #tpu.memory_space<vmem>>
    %dma_start3A_626 = arith.constant 0 : i32
    %dma_start3A_627 = tpu.memref_slice %arg3[%dma_start3A_626, %multiple_of3A_620] : memref<32x1000000xf32, #tpu.memory_space<hbm>> -> memref<32x128xf32, #tpu.memory_space<hbm>>
    %dma_start3A_628 = arith.constant 0 : i32
    %dma_start3A_629 = arith.constant 0 : i32
    %dma_start3A_630 = tpu.memref_slice %arg7[%dma_start3A_621, %dma_start3A_628, %dma_start3A_629] : memref<8x32x128xf32, #tpu.memory_space<vmem>> -> memref<1x32x128xf32, #tpu.memory_space<vmem>>
    %dma_start3A_631 = tpu.memref_squeeze %dma_start3A_630 : memref<1x32x128xf32, #tpu.memory_space<vmem>> -> memref<32x128xf32, #tpu.memory_space<vmem>>
    %dma_start3A_632 = arith.constant 0 : i32
    %dma_start3A_633 = tpu.memref_slice %arg3[%dma_start3A_632, %multiple_of3A_620] : memref<32x1000000xf32, #tpu.memory_space<hbm>> -> memref<32x128xf32, #tpu.memory_space<hbm>>
    tpu.enqueue_dma source(%dma_start3A_633 : memref<32x128xf32, #tpu.memory_space<hbm>>) target(%dma_start3A_631 : memref<32x128xf32, #tpu.memory_space<vmem>>) target_semaphore(%arg11 : memref<!tpu.dma_semaphore, #tpu.memory_space<semaphore_mem>>)
    %slice3A_634 = vector.extract_strided_slice %get3A_381 {offsets = [6], sizes = [1], strides = [1]} : vector<16xi32> to vector<1xi32>
    %squeeze3A_635 = vector.extract %slice3A_634[0] : i32 from vector<1xi32>
    %jit3A_636 = arith.constant 128 : i32
    %div3A_637 = arith.divsi %squeeze3A_635, %jit3A_636 : i32
    %sign3A_638 = arith.constant 0 : i32
    %sign3A_639 = arith.cmpi sgt, %squeeze3A_635, %sign3A_638 : i32
    %sign3A_640 = arith.extui %sign3A_639 : i1 to i32
    %sign3A_641 = arith.constant 0 : i32
    %sign3A_642 = arith.cmpi slt, %squeeze3A_635, %sign3A_641 : i32
    %sign3A_643 = arith.extui %sign3A_642 : i1 to i32
    %sign3A_644 = arith.subi %sign3A_640, %sign3A_643 : i32
    %sign3A_645 = arith.constant 0 : i32
    %sign3A_646 = arith.cmpi sgt, %jit3A_636, %sign3A_645 : i32
    %sign3A_647 = arith.extui %sign3A_646 : i1 to i32
    %sign3A_648 = arith.constant 0 : i32
    %sign3A_649 = arith.cmpi slt, %jit3A_636, %sign3A_648 : i32
    %sign3A_650 = arith.extui %sign3A_649 : i1 to i32
    %sign3A_651 = arith.subi %sign3A_647, %sign3A_650 : i32
    %ne3A_652 = arith.cmpi ne, %sign3A_644, %sign3A_651 : i32
    %rem3A_653 = arith.remsi %squeeze3A_635, %jit3A_636 : i32
    %ne3A_654 = arith.constant 0 : i32
    %ne3A_655 = arith.cmpi ne, %rem3A_653, %ne3A_654 : i32
    %and3A_656 = arith.andi %ne3A_652, %ne3A_655 : i1
    %sub3A_657 = arith.constant 1 : i32
    %sub3A_658 = arith.subi %div3A_637, %sub3A_657 : i32
    %select_n3A_659 = arith.select %and3A_656, %sub3A_658, %div3A_637 : i32
    %mul3A_660 = arith.constant 128 : i32
    %mul3A_661 = arith.muli %select_n3A_659, %mul3A_660 : i32
    %multiple_of3A_662 = tpu.assume_multiple %mul3A_661, 128 : i32
    %dma_start3A_663 = arith.constant 6 : i32
    %dma_start3A_664 = arith.constant 0 : i32
    %dma_start3A_665 = arith.constant 0 : i32
    %dma_start3A_666 = tpu.memref_slice %arg7[%dma_start3A_663, %dma_start3A_664, %dma_start3A_665] : memref<8x32x128xf32, #tpu.memory_space<vmem>> -> memref<1x32x128xf32, #tpu.memory_space<vmem>>
    %dma_start3A_667 = tpu.memref_squeeze %dma_start3A_666 : memref<1x32x128xf32, #tpu.memory_space<vmem>> -> memref<32x128xf32, #tpu.memory_space<vmem>>
    %dma_start3A_668 = arith.constant 0 : i32
    %dma_start3A_669 = tpu.memref_slice %arg3[%dma_start3A_668, %multiple_of3A_662] : memref<32x1000000xf32, #tpu.memory_space<hbm>> -> memref<32x128xf32, #tpu.memory_space<hbm>>
    %dma_start3A_670 = arith.constant 0 : i32
    %dma_start3A_671 = arith.constant 0 : i32
    %dma_start3A_672 = tpu.memref_slice %arg7[%dma_start3A_663, %dma_start3A_670, %dma_start3A_671] : memref<8x32x128xf32, #tpu.memory_space<vmem>> -> memref<1x32x128xf32, #tpu.memory_space<vmem>>
    %dma_start3A_673 = tpu.memref_squeeze %dma_start3A_672 : memref<1x32x128xf32, #tpu.memory_space<vmem>> -> memref<32x128xf32, #tpu.memory_space<vmem>>
    %dma_start3A_674 = arith.constant 0 : i32
    %dma_start3A_675 = tpu.memref_slice %arg3[%dma_start3A_674, %multiple_of3A_662] : memref<32x1000000xf32, #tpu.memory_space<hbm>> -> memref<32x128xf32, #tpu.memory_space<hbm>>
    tpu.enqueue_dma source(%dma_start3A_675 : memref<32x128xf32, #tpu.memory_space<hbm>>) target(%dma_start3A_673 : memref<32x128xf32, #tpu.memory_space<vmem>>) target_semaphore(%arg11 : memref<!tpu.dma_semaphore, #tpu.memory_space<semaphore_mem>>)
    %slice3A_676 = vector.extract_strided_slice %get3A_381 {offsets = [7], sizes = [1], strides = [1]} : vector<16xi32> to vector<1xi32>
    %squeeze3A_677 = vector.extract %slice3A_676[0] : i32 from vector<1xi32>
    %jit3A_678 = arith.constant 128 : i32
    %div3A_679 = arith.divsi %squeeze3A_677, %jit3A_678 : i32
    %sign3A_680 = arith.constant 0 : i32
    %sign3A_681 = arith.cmpi sgt, %squeeze3A_677, %sign3A_680 : i32
    %sign3A_682 = arith.extui %sign3A_681 : i1 to i32
    %sign3A_683 = arith.constant 0 : i32
    %sign3A_684 = arith.cmpi slt, %squeeze3A_677, %sign3A_683 : i32
    %sign3A_685 = arith.extui %sign3A_684 : i1 to i32
    %sign3A_686 = arith.subi %sign3A_682, %sign3A_685 : i32
    %sign3A_687 = arith.constant 0 : i32
    %sign3A_688 = arith.cmpi sgt, %jit3A_678, %sign3A_687 : i32
    %sign3A_689 = arith.extui %sign3A_688 : i1 to i32
    %sign3A_690 = arith.constant 0 : i32
    %sign3A_691 = arith.cmpi slt, %jit3A_678, %sign3A_690 : i32
    %sign3A_692 = arith.extui %sign3A_691 : i1 to i32
    %sign3A_693 = arith.subi %sign3A_689, %sign3A_692 : i32
    %ne3A_694 = arith.cmpi ne, %sign3A_686, %sign3A_693 : i32
    %rem3A_695 = arith.remsi %squeeze3A_677, %jit3A_678 : i32
    %ne3A_696 = arith.constant 0 : i32
    %ne3A_697 = arith.cmpi ne, %rem3A_695, %ne3A_696 : i32
    %and3A_698 = arith.andi %ne3A_694, %ne3A_697 : i1
    %sub3A_699 = arith.constant 1 : i32
    %sub3A_700 = arith.subi %div3A_679, %sub3A_699 : i32
    %select_n3A_701 = arith.select %and3A_698, %sub3A_700, %div3A_679 : i32
    %mul3A_702 = arith.constant 128 : i32
    %mul3A_703 = arith.muli %select_n3A_701, %mul3A_702 : i32
    %multiple_of3A_704 = tpu.assume_multiple %mul3A_703, 128 : i32
    %dma_start3A_705 = arith.constant 7 : i32
    %dma_start3A_706 = arith.constant 0 : i32
    %dma_start3A_707 = arith.constant 0 : i32
    %dma_start3A_708 = tpu.memref_slice %arg7[%dma_start3A_705, %dma_start3A_706, %dma_start3A_707] : memref<8x32x128xf32, #tpu.memory_space<vmem>> -> memref<1x32x128xf32, #tpu.memory_space<vmem>>
    %dma_start3A_709 = tpu.memref_squeeze %dma_start3A_708 : memref<1x32x128xf32, #tpu.memory_space<vmem>> -> memref<32x128xf32, #tpu.memory_space<vmem>>
    %dma_start3A_710 = arith.constant 0 : i32
    %dma_start3A_711 = tpu.memref_slice %arg3[%dma_start3A_710, %multiple_of3A_704] : memref<32x1000000xf32, #tpu.memory_space<hbm>> -> memref<32x128xf32, #tpu.memory_space<hbm>>
    %dma_start3A_712 = arith.constant 0 : i32
    %dma_start3A_713 = arith.constant 0 : i32
    %dma_start3A_714 = tpu.memref_slice %arg7[%dma_start3A_705, %dma_start3A_712, %dma_start3A_713] : memref<8x32x128xf32, #tpu.memory_space<vmem>> -> memref<1x32x128xf32, #tpu.memory_space<vmem>>
    %dma_start3A_715 = tpu.memref_squeeze %dma_start3A_714 : memref<1x32x128xf32, #tpu.memory_space<vmem>> -> memref<32x128xf32, #tpu.memory_space<vmem>>
    %dma_start3A_716 = arith.constant 0 : i32
    %dma_start3A_717 = tpu.memref_slice %arg3[%dma_start3A_716, %multiple_of3A_704] : memref<32x1000000xf32, #tpu.memory_space<hbm>> -> memref<32x128xf32, #tpu.memory_space<hbm>>
    tpu.enqueue_dma source(%dma_start3A_717 : memref<32x128xf32, #tpu.memory_space<hbm>>) target(%dma_start3A_715 : memref<32x128xf32, #tpu.memory_space<vmem>>) target_semaphore(%arg11 : memref<!tpu.dma_semaphore, #tpu.memory_space<semaphore_mem>>)
    %scan3A = arith.constant 0 : i32
    %scan3A_718 = arith.constant 0 : i32
    %scan3A_719 = arith.constant 21 : i32
    %scan3A_720 = arith.addi %scan3A_718, %scan3A_719 : i32
    %scan3A_721 = arith.constant 1 : i32
    scf.for %scan3A_1345 = %scan3A_718 to %scan3A_720 step %scan3A_721  : i32 {
      %mul3A_1346 = arith.constant 3 : i32
      %mul3A_1347 = arith.muli %mul3A_1346, %scan3A_1345 : i32
      %add3A_1348 = arith.constant 2 : i32
      %add3A_1349 = arith.addi %mul3A_1347, %add3A_1348 : i32
      %mul3A_1350 = arith.constant 8 : i32
      %mul3A_1351 = arith.muli %add3A_1349, %mul3A_1350 : i32
      %get3A_1352 = arith.index_cast %mul3A_1351 : i32 to index
      %get3A_1353 = tpu.vector_load %arg5[%get3A_1352] {strides = array<i32>} : memref<528xi32, #tpu.memory_space<vmem>>, vector<16xi32>,
      %slice3A_1354 = vector.extract_strided_slice %get3A_1353 {offsets = [0], sizes = [1], strides = [1]} : vector<16xi32> to vector<1xi32>
      %squeeze3A_1355 = vector.extract %slice3A_1354[0] : i32 from vector<1xi32>
      %jit3A_1356 = arith.constant 128 : i32
      %div3A_1357 = arith.divsi %squeeze3A_1355, %jit3A_1356 : i32
      %sign3A_1358 = arith.constant 0 : i32
      %sign3A_1359 = arith.cmpi sgt, %squeeze3A_1355, %sign3A_1358 : i32
      %sign3A_1360 = arith.extui %sign3A_1359 : i1 to i32
      %sign3A_1361 = arith.constant 0 : i32
      %sign3A_1362 = arith.cmpi slt, %squeeze3A_1355, %sign3A_1361 : i32
      %sign3A_1363 = arith.extui %sign3A_1362 : i1 to i32
      %sign3A_1364 = arith.subi %sign3A_1360, %sign3A_1363 : i32
      %sign3A_1365 = arith.constant 0 : i32
      %sign3A_1366 = arith.cmpi sgt, %jit3A_1356, %sign3A_1365 : i32
      %sign3A_1367 = arith.extui %sign3A_1366 : i1 to i32
      %sign3A_1368 = arith.constant 0 : i32
      %sign3A_1369 = arith.cmpi slt, %jit3A_1356, %sign3A_1368 : i32
      %sign3A_1370 = arith.extui %sign3A_1369 : i1 to i32
      %sign3A_1371 = arith.subi %sign3A_1367, %sign3A_1370 : i32
      %ne3A_1372 = arith.cmpi ne, %sign3A_1364, %sign3A_1371 : i32
      %rem3A_1373 = arith.remsi %squeeze3A_1355, %jit3A_1356 : i32
      %ne3A_1374 = arith.constant 0 : i32
      %ne3A_1375 = arith.cmpi ne, %rem3A_1373, %ne3A_1374 : i32
      %and3A_1376 = arith.andi %ne3A_1372, %ne3A_1375 : i1
      %sub3A_1377 = arith.constant 1 : i32
      %sub3A_1378 = arith.subi %div3A_1357, %sub3A_1377 : i32
      %select_n3A_1379 = arith.select %and3A_1376, %sub3A_1378, %div3A_1357 : i32
      %mul3A_1380 = arith.constant 128 : i32
      %mul3A_1381 = arith.muli %select_n3A_1379, %mul3A_1380 : i32
      %multiple_of3A_1382 = tpu.assume_multiple %mul3A_1381, 128 : i32
      %dma_start3A_1383 = arith.constant 0 : i32
      %dma_start3A_1384 = arith.constant 0 : i32
      %dma_start3A_1385 = arith.constant 0 : i32
      %dma_start3A_1386 = tpu.memref_slice %arg8[%dma_start3A_1383, %dma_start3A_1384, %dma_start3A_1385] : memref<8x32x128xf32, #tpu.memory_space<vmem>> -> memref<1x32x128xf32, #tpu.memory_space<vmem>>
      %dma_start3A_1387 = tpu.memref_squeeze %dma_start3A_1386 : memref<1x32x128xf32, #tpu.memory_space<vmem>> -> memref<32x128xf32, #tpu.memory_space<vmem>>
      %dma_start3A_1388 = arith.constant 0 : i32
      %dma_start3A_1389 = tpu.memref_slice %arg3[%dma_start3A_1388, %multiple_of3A_1382] : memref<32x1000000xf32, #tpu.memory_space<hbm>> -> memref<32x128xf32, #tpu.memory_space<hbm>>
      %dma_start3A_1390 = arith.constant 0 : i32
      %dma_start3A_1391 = arith.constant 0 : i32
      %dma_start3A_1392 = tpu.memref_slice %arg8[%dma_start3A_1383, %dma_start3A_1390, %dma_start3A_1391] : memref<8x32x128xf32, #tpu.memory_space<vmem>> -> memref<1x32x128xf32, #tpu.memory_space<vmem>>
      %dma_start3A_1393 = tpu.memref_squeeze %dma_start3A_1392 : memref<1x32x128xf32, #tpu.memory_space<vmem>> -> memref<32x128xf32, #tpu.memory_space<vmem>>
      %dma_start3A_1394 = arith.constant 0 : i32
      %dma_start3A_1395 = tpu.memref_slice %arg3[%dma_start3A_1394, %multiple_of3A_1382] : memref<32x1000000xf32, #tpu.memory_space<hbm>> -> memref<32x128xf32, #tpu.memory_space<hbm>>
      tpu.enqueue_dma source(%dma_start3A_1395 : memref<32x128xf32, #tpu.memory_space<hbm>>) target(%dma_start3A_1393 : memref<32x128xf32, #tpu.memory_space<vmem>>) target_semaphore(%arg12 : memref<!tpu.dma_semaphore, #tpu.memory_space<semaphore_mem>>)
      %slice3A_1396 = vector.extract_strided_slice %get3A_1353 {offsets = [1], sizes = [1], strides = [1]} : vector<16xi32> to vector<1xi32>
      %squeeze3A_1397 = vector.extract %slice3A_1396[0] : i32 from vector<1xi32>
      %jit3A_1398 = arith.constant 128 : i32
      %div3A_1399 = arith.divsi %squeeze3A_1397, %jit3A_1398 : i32
      %sign3A_1400 = arith.constant 0 : i32
      %sign3A_1401 = arith.cmpi sgt, %squeeze3A_1397, %sign3A_1400 : i32
      %sign3A_1402 = arith.extui %sign3A_1401 : i1 to i32
      %sign3A_1403 = arith.constant 0 : i32
      %sign3A_1404 = arith.cmpi slt, %squeeze3A_1397, %sign3A_1403 : i32
      %sign3A_1405 = arith.extui %sign3A_1404 : i1 to i32
      %sign3A_1406 = arith.subi %sign3A_1402, %sign3A_1405 : i32
      %sign3A_1407 = arith.constant 0 : i32
      %sign3A_1408 = arith.cmpi sgt, %jit3A_1398, %sign3A_1407 : i32
      %sign3A_1409 = arith.extui %sign3A_1408 : i1 to i32
      %sign3A_1410 = arith.constant 0 : i32
      %sign3A_1411 = arith.cmpi slt, %jit3A_1398, %sign3A_1410 : i32
      %sign3A_1412 = arith.extui %sign3A_1411 : i1 to i32
      %sign3A_1413 = arith.subi %sign3A_1409, %sign3A_1412 : i32
      %ne3A_1414 = arith.cmpi ne, %sign3A_1406, %sign3A_1413 : i32
      %rem3A_1415 = arith.remsi %squeeze3A_1397, %jit3A_1398 : i32
      %ne3A_1416 = arith.constant 0 : i32
      %ne3A_1417 = arith.cmpi ne, %rem3A_1415, %ne3A_1416 : i32
      %and3A_1418 = arith.andi %ne3A_1414, %ne3A_1417 : i1
      %sub3A_1419 = arith.constant 1 : i32
      %sub3A_1420 = arith.subi %div3A_1399, %sub3A_1419 : i32
      %select_n3A_1421 = arith.select %and3A_1418, %sub3A_1420, %div3A_1399 : i32
      %mul3A_1422 = arith.constant 128 : i32
      %mul3A_1423 = arith.muli %select_n3A_1421, %mul3A_1422 : i32
      %multiple_of3A_1424 = tpu.assume_multiple %mul3A_1423, 128 : i32
      %dma_start3A_1425 = arith.constant 1 : i32
      %dma_start3A_1426 = arith.constant 0 : i32
      %dma_start3A_1427 = arith.constant 0 : i32
      %dma_start3A_1428 = tpu.memref_slice %arg8[%dma_start3A_1425, %dma_start3A_1426, %dma_start3A_1427] : memref<8x32x128xf32, #tpu.memory_space<vmem>> -> memref<1x32x128xf32, #tpu.memory_space<vmem>>
      %dma_start3A_1429 = tpu.memref_squeeze %dma_start3A_1428 : memref<1x32x128xf32, #tpu.memory_space<vmem>> -> memref<32x128xf32, #tpu.memory_space<vmem>>
      %dma_start3A_1430 = arith.constant 0 : i32
      %dma_start3A_1431 = tpu.memref_slice %arg3[%dma_start3A_1430, %multiple_of3A_1424] : memref<32x1000000xf32, #tpu.memory_space<hbm>> -> memref<32x128xf32, #tpu.memory_space<hbm>>
      %dma_start3A_1432 = arith.constant 0 : i32
      %dma_start3A_1433 = arith.constant 0 : i32
      %dma_start3A_1434 = tpu.memref_slice %arg8[%dma_start3A_1425, %dma_start3A_1432, %dma_start3A_1433] : memref<8x32x128xf32, #tpu.memory_space<vmem>> -> memref<1x32x128xf32, #tpu.memory_space<vmem>>
      %dma_start3A_1435 = tpu.memref_squeeze %dma_start3A_1434 : memref<1x32x128xf32, #tpu.memory_space<vmem>> -> memref<32x128xf32, #tpu.memory_space<vmem>>
      %dma_start3A_1436 = arith.constant 0 : i32
      %dma_start3A_1437 = tpu.memref_slice %arg3[%dma_start3A_1436, %multiple_of3A_1424] : memref<32x1000000xf32, #tpu.memory_space<hbm>> -> memref<32x128xf32, #tpu.memory_space<hbm>>
      tpu.enqueue_dma source(%dma_start3A_1437 : memref<32x128xf32, #tpu.memory_space<hbm>>) target(%dma_start3A_1435 : memref<32x128xf32, #tpu.memory_space<vmem>>) target_semaphore(%arg12 : memref<!tpu.dma_semaphore, #tpu.memory_space<semaphore_mem>>)
      %slice3A_1438 = vector.extract_strided_slice %get3A_1353 {offsets = [2], sizes = [1], strides = [1]} : vector<16xi32> to vector<1xi32>
      %squeeze3A_1439 = vector.extract %slice3A_1438[0] : i32 from vector<1xi32>
      %jit3A_1440 = arith.constant 128 : i32
      %div3A_1441 = arith.divsi %squeeze3A_1439, %jit3A_1440 : i32
      %sign3A_1442 = arith.constant 0 : i32
      %sign3A_1443 = arith.cmpi sgt, %squeeze3A_1439, %sign3A_1442 : i32
      %sign3A_1444 = arith.extui %sign3A_1443 : i1 to i32
      %sign3A_1445 = arith.constant 0 : i32
      %sign3A_1446 = arith.cmpi slt, %squeeze3A_1439, %sign3A_1445 : i32
      %sign3A_1447 = arith.extui %sign3A_1446 : i1 to i32
      %sign3A_1448 = arith.subi %sign3A_1444, %sign3A_1447 : i32
      %sign3A_1449 = arith.constant 0 : i32
      %sign3A_1450 = arith.cmpi sgt, %jit3A_1440, %sign3A_1449 : i32
      %sign3A_1451 = arith.extui %sign3A_1450 : i1 to i32
      %sign3A_1452 = arith.constant 0 : i32
      %sign3A_1453 = arith.cmpi slt, %jit3A_1440, %sign3A_1452 : i32
      %sign3A_1454 = arith.extui %sign3A_1453 : i1 to i32
      %sign3A_1455 = arith.subi %sign3A_1451, %sign3A_1454 : i32
      %ne3A_1456 = arith.cmpi ne, %sign3A_1448, %sign3A_1455 : i32
      %rem3A_1457 = arith.remsi %squeeze3A_1439, %jit3A_1440 : i32
      %ne3A_1458 = arith.constant 0 : i32
      %ne3A_1459 = arith.cmpi ne, %rem3A_1457, %ne3A_1458 : i32
      %and3A_1460 = arith.andi %ne3A_1456, %ne3A_1459 : i1
      %sub3A_1461 = arith.constant 1 : i32
      %sub3A_1462 = arith.subi %div3A_1441, %sub3A_1461 : i32
      %select_n3A_1463 = arith.select %and3A_1460, %sub3A_1462, %div3A_1441 : i32
      %mul3A_1464 = arith.constant 128 : i32
      %mul3A_1465 = arith.muli %select_n3A_1463, %mul3A_1464 : i32
      %multiple_of3A_1466 = tpu.assume_multiple %mul3A_1465, 128 : i32
      %dma_start3A_1467 = arith.constant 2 : i32
      %dma_start3A_1468 = arith.constant 0 : i32
      %dma_start3A_1469 = arith.constant 0 : i32
      %dma_start3A_1470 = tpu.memref_slice %arg8[%dma_start3A_1467, %dma_start3A_1468, %dma_start3A_1469] : memref<8x32x128xf32, #tpu.memory_space<vmem>> -> memref<1x32x128xf32, #tpu.memory_space<vmem>>
      %dma_start3A_1471 = tpu.memref_squeeze %dma_start3A_1470 : memref<1x32x128xf32, #tpu.memory_space<vmem>> -> memref<32x128xf32, #tpu.memory_space<vmem>>
      %dma_start3A_1472 = arith.constant 0 : i32
      %dma_start3A_1473 = tpu.memref_slice %arg3[%dma_start3A_1472, %multiple_of3A_1466] : memref<32x1000000xf32, #tpu.memory_space<hbm>> -> memref<32x128xf32, #tpu.memory_space<hbm>>
      %dma_start3A_1474 = arith.constant 0 : i32
      %dma_start3A_1475 = arith.constant 0 : i32
      %dma_start3A_1476 = tpu.memref_slice %arg8[%dma_start3A_1467, %dma_start3A_1474, %dma_start3A_1475] : memref<8x32x128xf32, #tpu.memory_space<vmem>> -> memref<1x32x128xf32, #tpu.memory_space<vmem>>
      %dma_start3A_1477 = tpu.memref_squeeze %dma_start3A_1476 : memref<1x32x128xf32, #tpu.memory_space<vmem>> -> memref<32x128xf32, #tpu.memory_space<vmem>>
      %dma_start3A_1478 = arith.constant 0 : i32
      %dma_start3A_1479 = tpu.memref_slice %arg3[%dma_start3A_1478, %multiple_of3A_1466] : memref<32x1000000xf32, #tpu.memory_space<hbm>> -> memref<32x128xf32, #tpu.memory_space<hbm>>
      tpu.enqueue_dma source(%dma_start3A_1479 : memref<32x128xf32, #tpu.memory_space<hbm>>) target(%dma_start3A_1477 : memref<32x128xf32, #tpu.memory_space<vmem>>) target_semaphore(%arg12 : memref<!tpu.dma_semaphore, #tpu.memory_space<semaphore_mem>>)
      %slice3A_1480 = vector.extract_strided_slice %get3A_1353 {offsets = [3], sizes = [1], strides = [1]} : vector<16xi32> to vector<1xi32>
      %squeeze3A_1481 = vector.extract %slice3A_1480[0] : i32 from vector<1xi32>
      %jit3A_1482 = arith.constant 128 : i32
      %div3A_1483 = arith.divsi %squeeze3A_1481, %jit3A_1482 : i32
      %sign3A_1484 = arith.constant 0 : i32
      %sign3A_1485 = arith.cmpi sgt, %squeeze3A_1481, %sign3A_1484 : i32
      %sign3A_1486 = arith.extui %sign3A_1485 : i1 to i32
      %sign3A_1487 = arith.constant 0 : i32
      %sign3A_1488 = arith.cmpi slt, %squeeze3A_1481, %sign3A_1487 : i32
      %sign3A_1489 = arith.extui %sign3A_1488 : i1 to i32
      %sign3A_1490 = arith.subi %sign3A_1486, %sign3A_1489 : i32
      %sign3A_1491 = arith.constant 0 : i32
      %sign3A_1492 = arith.cmpi sgt, %jit3A_1482, %sign3A_1491 : i32
      %sign3A_1493 = arith.extui %sign3A_1492 : i1 to i32
      %sign3A_1494 = arith.constant 0 : i32
      %sign3A_1495 = arith.cmpi slt, %jit3A_1482, %sign3A_1494 : i32
      %sign3A_1496 = arith.extui %sign3A_1495 : i1 to i32
      %sign3A_1497 = arith.subi %sign3A_1493, %sign3A_1496 : i32
      %ne3A_1498 = arith.cmpi ne, %sign3A_1490, %sign3A_1497 : i32
      %rem3A_1499 = arith.remsi %squeeze3A_1481, %jit3A_1482 : i32
      %ne3A_1500 = arith.constant 0 : i32
      %ne3A_1501 = arith.cmpi ne, %rem3A_1499, %ne3A_1500 : i32
      %and3A_1502 = arith.andi %ne3A_1498, %ne3A_1501 : i1
      %sub3A_1503 = arith.constant 1 : i32
      %sub3A_1504 = arith.subi %div3A_1483, %sub3A_1503 : i32
      %select_n3A_1505 = arith.select %and3A_1502, %sub3A_1504, %div3A_1483 : i32
      %mul3A_1506 = arith.constant 128 : i32
      %mul3A_1507 = arith.muli %select_n3A_1505, %mul3A_1506 : i32
      %multiple_of3A_1508 = tpu.assume_multiple %mul3A_1507, 128 : i32
      %dma_start3A_1509 = arith.constant 3 : i32
      %dma_start3A_1510 = arith.constant 0 : i32
      %dma_start3A_1511 = arith.constant 0 : i32
      %dma_start3A_1512 = tpu.memref_slice %arg8[%dma_start3A_1509, %dma_start3A_1510, %dma_start3A_1511] : memref<8x32x128xf32, #tpu.memory_space<vmem>> -> memref<1x32x128xf32, #tpu.memory_space<vmem>>
      %dma_start3A_1513 = tpu.memref_squeeze %dma_start3A_1512 : memref<1x32x128xf32, #tpu.memory_space<vmem>> -> memref<32x128xf32, #tpu.memory_space<vmem>>
      %dma_start3A_1514 = arith.constant 0 : i32
      %dma_start3A_1515 = tpu.memref_slice %arg3[%dma_start3A_1514, %multiple_of3A_1508] : memref<32x1000000xf32, #tpu.memory_space<hbm>> -> memref<32x128xf32, #tpu.memory_space<hbm>>
      %dma_start3A_1516 = arith.constant 0 : i32
      %dma_start3A_1517 = arith.constant 0 : i32
      %dma_start3A_1518 = tpu.memref_slice %arg8[%dma_start3A_1509, %dma_start3A_1516, %dma_start3A_1517] : memref<8x32x128xf32, #tpu.memory_space<vmem>> -> memref<1x32x128xf32, #tpu.memory_space<vmem>>
      %dma_start3A_1519 = tpu.memref_squeeze %dma_start3A_1518 : memref<1x32x128xf32, #tpu.memory_space<vmem>> -> memref<32x128xf32, #tpu.memory_space<vmem>>
      %dma_start3A_1520 = arith.constant 0 : i32
      %dma_start3A_1521 = tpu.memref_slice %arg3[%dma_start3A_1520, %multiple_of3A_1508] : memref<32x1000000xf32, #tpu.memory_space<hbm>> -> memref<32x128xf32, #tpu.memory_space<hbm>>
      tpu.enqueue_dma source(%dma_start3A_1521 : memref<32x128xf32, #tpu.memory_space<hbm>>) target(%dma_start3A_1519 : memref<32x128xf32, #tpu.memory_space<vmem>>) target_semaphore(%arg12 : memref<!tpu.dma_semaphore, #tpu.memory_space<semaphore_mem>>)
      %slice3A_1522 = vector.extract_strided_slice %get3A_1353 {offsets = [4], sizes = [1], strides = [1]} : vector<16xi32> to vector<1xi32>
      %squeeze3A_1523 = vector.extract %slice3A_1522[0] : i32 from vector<1xi32>
      %jit3A_1524 = arith.constant 128 : i32
      %div3A_1525 = arith.divsi %squeeze3A_1523, %jit3A_1524 : i32
      %sign3A_1526 = arith.constant 0 : i32
      %sign3A_1527 = arith.cmpi sgt, %squeeze3A_1523, %sign3A_1526 : i32
      %sign3A_1528 = arith.extui %sign3A_1527 : i1 to i32
      %sign3A_1529 = arith.constant 0 : i32
      %sign3A_1530 = arith.cmpi slt, %squeeze3A_1523, %sign3A_1529 : i32
      %sign3A_1531 = arith.extui %sign3A_1530 : i1 to i32
      %sign3A_1532 = arith.subi %sign3A_1528, %sign3A_1531 : i32
      %sign3A_1533 = arith.constant 0 : i32
      %sign3A_1534 = arith.cmpi sgt, %jit3A_1524, %sign3A_1533 : i32
      %sign3A_1535 = arith.extui %sign3A_1534 : i1 to i32
      %sign3A_1536 = arith.constant 0 : i32
      %sign3A_1537 = arith.cmpi slt, %jit3A_1524, %sign3A_1536 : i32
      %sign3A_1538 = arith.extui %sign3A_1537 : i1 to i32
      %sign3A_1539 = arith.subi %sign3A_1535, %sign3A_1538 : i32
      %ne3A_1540 = arith.cmpi ne, %sign3A_1532, %sign3A_1539 : i32
      %rem3A_1541 = arith.remsi %squeeze3A_1523, %jit3A_1524 : i32
      %ne3A_1542 = arith.constant 0 : i32
      %ne3A_1543 = arith.cmpi ne, %rem3A_1541, %ne3A_1542 : i32
      %and3A_1544 = arith.andi %ne3A_1540, %ne3A_1543 : i1
      %sub3A_1545 = arith.constant 1 : i32
      %sub3A_1546 = arith.subi %div3A_1525, %sub3A_1545 : i32
      %select_n3A_1547 = arith.select %and3A_1544, %sub3A_1546, %div3A_1525 : i32
      %mul3A_1548 = arith.constant 128 : i32
      %mul3A_1549 = arith.muli %select_n3A_1547, %mul3A_1548 : i32
      %multiple_of3A_1550 = tpu.assume_multiple %mul3A_1549, 128 : i32
      %dma_start3A_1551 = arith.constant 4 : i32
      %dma_start3A_1552 = arith.constant 0 : i32
      %dma_start3A_1553 = arith.constant 0 : i32
      %dma_start3A_1554 = tpu.memref_slice %arg8[%dma_start3A_1551, %dma_start3A_1552, %dma_start3A_1553] : memref<8x32x128xf32, #tpu.memory_space<vmem>> -> memref<1x32x128xf32, #tpu.memory_space<vmem>>
      %dma_start3A_1555 = tpu.memref_squeeze %dma_start3A_1554 : memref<1x32x128xf32, #tpu.memory_space<vmem>> -> memref<32x128xf32, #tpu.memory_space<vmem>>
      %dma_start3A_1556 = arith.constant 0 : i32
      %dma_start3A_1557 = tpu.memref_slice %arg3[%dma_start3A_1556, %multiple_of3A_1550] : memref<32x1000000xf32, #tpu.memory_space<hbm>> -> memref<32x128xf32, #tpu.memory_space<hbm>>
      %dma_start3A_1558 = arith.constant 0 : i32
      %dma_start3A_1559 = arith.constant 0 : i32
      %dma_start3A_1560 = tpu.memref_slice %arg8[%dma_start3A_1551, %dma_start3A_1558, %dma_start3A_1559] : memref<8x32x128xf32, #tpu.memory_space<vmem>> -> memref<1x32x128xf32, #tpu.memory_space<vmem>>
      %dma_start3A_1561 = tpu.memref_squeeze %dma_start3A_1560 : memref<1x32x128xf32, #tpu.memory_space<vmem>> -> memref<32x128xf32, #tpu.memory_space<vmem>>
      %dma_start3A_1562 = arith.constant 0 : i32
      %dma_start3A_1563 = tpu.memref_slice %arg3[%dma_start3A_1562, %multiple_of3A_1550] : memref<32x1000000xf32, #tpu.memory_space<hbm>> -> memref<32x128xf32, #tpu.memory_space<hbm>>
      tpu.enqueue_dma source(%dma_start3A_1563 : memref<32x128xf32, #tpu.memory_space<hbm>>) target(%dma_start3A_1561 : memref<32x128xf32, #tpu.memory_space<vmem>>) target_semaphore(%arg12 : memref<!tpu.dma_semaphore, #tpu.memory_space<semaphore_mem>>)
      %slice3A_1564 = vector.extract_strided_slice %get3A_1353 {offsets = [5], sizes = [1], strides = [1]} : vector<16xi32> to vector<1xi32>
      %squeeze3A_1565 = vector.extract %slice3A_1564[0] : i32 from vector<1xi32>
      %jit3A_1566 = arith.constant 128 : i32
      %div3A_1567 = arith.divsi %squeeze3A_1565, %jit3A_1566 : i32
      %sign3A_1568 = arith.constant 0 : i32
      %sign3A_1569 = arith.cmpi sgt, %squeeze3A_1565, %sign3A_1568 : i32
      %sign3A_1570 = arith.extui %sign3A_1569 : i1 to i32
      %sign3A_1571 = arith.constant 0 : i32
      %sign3A_1572 = arith.cmpi slt, %squeeze3A_1565, %sign3A_1571 : i32
      %sign3A_1573 = arith.extui %sign3A_1572 : i1 to i32
      %sign3A_1574 = arith.subi %sign3A_1570, %sign3A_1573 : i32
      %sign3A_1575 = arith.constant 0 : i32
      %sign3A_1576 = arith.cmpi sgt, %jit3A_1566, %sign3A_1575 : i32
      %sign3A_1577 = arith.extui %sign3A_1576 : i1 to i32
      %sign3A_1578 = arith.constant 0 : i32
      %sign3A_1579 = arith.cmpi slt, %jit3A_1566, %sign3A_1578 : i32
      %sign3A_1580 = arith.extui %sign3A_1579 : i1 to i32
      %sign3A_1581 = arith.subi %sign3A_1577, %sign3A_1580 : i32
      %ne3A_1582 = arith.cmpi ne, %sign3A_1574, %sign3A_1581 : i32
      %rem3A_1583 = arith.remsi %squeeze3A_1565, %jit3A_1566 : i32
      %ne3A_1584 = arith.constant 0 : i32
      %ne3A_1585 = arith.cmpi ne, %rem3A_1583, %ne3A_1584 : i32
      %and3A_1586 = arith.andi %ne3A_1582, %ne3A_1585 : i1
      %sub3A_1587 = arith.constant 1 : i32
      %sub3A_1588 = arith.subi %div3A_1567, %sub3A_1587 : i32
      %select_n3A_1589 = arith.select %and3A_1586, %sub3A_1588, %div3A_1567 : i32
      %mul3A_1590 = arith.constant 128 : i32
      %mul3A_1591 = arith.muli %select_n3A_1589, %mul3A_1590 : i32
      %multiple_of3A_1592 = tpu.assume_multiple %mul3A_1591, 128 : i32
      %dma_start3A_1593 = arith.constant 5 : i32
      %dma_start3A_1594 = arith.constant 0 : i32
      %dma_start3A_1595 = arith.constant 0 : i32
      %dma_start3A_1596 = tpu.memref_slice %arg8[%dma_start3A_1593, %dma_start3A_1594, %dma_start3A_1595] : memref<8x32x128xf32, #tpu.memory_space<vmem>> -> memref<1x32x128xf32, #tpu.memory_space<vmem>>
      %dma_start3A_1597 = tpu.memref_squeeze %dma_start3A_1596 : memref<1x32x128xf32, #tpu.memory_space<vmem>> -> memref<32x128xf32, #tpu.memory_space<vmem>>
      %dma_start3A_1598 = arith.constant 0 : i32
      %dma_start3A_1599 = tpu.memref_slice %arg3[%dma_start3A_1598, %multiple_of3A_1592] : memref<32x1000000xf32, #tpu.memory_space<hbm>> -> memref<32x128xf32, #tpu.memory_space<hbm>>
      %dma_start3A_1600 = arith.constant 0 : i32
      %dma_start3A_1601 = arith.constant 0 : i32
      %dma_start3A_1602 = tpu.memref_slice %arg8[%dma_start3A_1593, %dma_start3A_1600, %dma_start3A_1601] : memref<8x32x128xf32, #tpu.memory_space<vmem>> -> memref<1x32x128xf32, #tpu.memory_space<vmem>>
      %dma_start3A_1603 = tpu.memref_squeeze %dma_start3A_1602 : memref<1x32x128xf32, #tpu.memory_space<vmem>> -> memref<32x128xf32, #tpu.memory_space<vmem>>
      %dma_start3A_1604 = arith.constant 0 : i32
      %dma_start3A_1605 = tpu.memref_slice %arg3[%dma_start3A_1604, %multiple_of3A_1592] : memref<32x1000000xf32, #tpu.memory_space<hbm>> -> memref<32x128xf32, #tpu.memory_space<hbm>>
      tpu.enqueue_dma source(%dma_start3A_1605 : memref<32x128xf32, #tpu.memory_space<hbm>>) target(%dma_start3A_1603 : memref<32x128xf32, #tpu.memory_space<vmem>>) target_semaphore(%arg12 : memref<!tpu.dma_semaphore, #tpu.memory_space<semaphore_mem>>)
      %slice3A_1606 = vector.extract_strided_slice %get3A_1353 {offsets = [6], sizes = [1], strides = [1]} : vector<16xi32> to vector<1xi32>
      %squeeze3A_1607 = vector.extract %slice3A_1606[0] : i32 from vector<1xi32>
      %jit3A_1608 = arith.constant 128 : i32
      %div3A_1609 = arith.divsi %squeeze3A_1607, %jit3A_1608 : i32
      %sign3A_1610 = arith.constant 0 : i32
      %sign3A_1611 = arith.cmpi sgt, %squeeze3A_1607, %sign3A_1610 : i32
      %sign3A_1612 = arith.extui %sign3A_1611 : i1 to i32
      %sign3A_1613 = arith.constant 0 : i32
      %sign3A_1614 = arith.cmpi slt, %squeeze3A_1607, %sign3A_1613 : i32
      %sign3A_1615 = arith.extui %sign3A_1614 : i1 to i32
      %sign3A_1616 = arith.subi %sign3A_1612, %sign3A_1615 : i32
      %sign3A_1617 = arith.constant 0 : i32
      %sign3A_1618 = arith.cmpi sgt, %jit3A_1608, %sign3A_1617 : i32
      %sign3A_1619 = arith.extui %sign3A_1618 : i1 to i32
      %sign3A_1620 = arith.constant 0 : i32
      %sign3A_1621 = arith.cmpi slt, %jit3A_1608, %sign3A_1620 : i32
      %sign3A_1622 = arith.extui %sign3A_1621 : i1 to i32
      %sign3A_1623 = arith.subi %sign3A_1619, %sign3A_1622 : i32
      %ne3A_1624 = arith.cmpi ne, %sign3A_1616, %sign3A_1623 : i32
      %rem3A_1625 = arith.remsi %squeeze3A_1607, %jit3A_1608 : i32
      %ne3A_1626 = arith.constant 0 : i32
      %ne3A_1627 = arith.cmpi ne, %rem3A_1625, %ne3A_1626 : i32
      %and3A_1628 = arith.andi %ne3A_1624, %ne3A_1627 : i1
      %sub3A_1629 = arith.constant 1 : i32
      %sub3A_1630 = arith.subi %div3A_1609, %sub3A_1629 : i32
      %select_n3A_1631 = arith.select %and3A_1628, %sub3A_1630, %div3A_1609 : i32
      %mul3A_1632 = arith.constant 128 : i32
      %mul3A_1633 = arith.muli %select_n3A_1631, %mul3A_1632 : i32
      %multiple_of3A_1634 = tpu.assume_multiple %mul3A_1633, 128 : i32
      %dma_start3A_1635 = arith.constant 6 : i32
      %dma_start3A_1636 = arith.constant 0 : i32
      %dma_start3A_1637 = arith.constant 0 : i32
      %dma_start3A_1638 = tpu.memref_slice %arg8[%dma_start3A_1635, %dma_start3A_1636, %dma_start3A_1637] : memref<8x32x128xf32, #tpu.memory_space<vmem>> -> memref<1x32x128xf32, #tpu.memory_space<vmem>>
      %dma_start3A_1639 = tpu.memref_squeeze %dma_start3A_1638 : memref<1x32x128xf32, #tpu.memory_space<vmem>> -> memref<32x128xf32, #tpu.memory_space<vmem>>
      %dma_start3A_1640 = arith.constant 0 : i32
      %dma_start3A_1641 = tpu.memref_slice %arg3[%dma_start3A_1640, %multiple_of3A_1634] : memref<32x1000000xf32, #tpu.memory_space<hbm>> -> memref<32x128xf32, #tpu.memory_space<hbm>>
      %dma_start3A_1642 = arith.constant 0 : i32
      %dma_start3A_1643 = arith.constant 0 : i32
      %dma_start3A_1644 = tpu.memref_slice %arg8[%dma_start3A_1635, %dma_start3A_1642, %dma_start3A_1643] : memref<8x32x128xf32, #tpu.memory_space<vmem>> -> memref<1x32x128xf32, #tpu.memory_space<vmem>>
      %dma_start3A_1645 = tpu.memref_squeeze %dma_start3A_1644 : memref<1x32x128xf32, #tpu.memory_space<vmem>> -> memref<32x128xf32, #tpu.memory_space<vmem>>
      %dma_start3A_1646 = arith.constant 0 : i32
      %dma_start3A_1647 = tpu.memref_slice %arg3[%dma_start3A_1646, %multiple_of3A_1634] : memref<32x1000000xf32, #tpu.memory_space<hbm>> -> memref<32x128xf32, #tpu.memory_space<hbm>>
      tpu.enqueue_dma source(%dma_start3A_1647 : memref<32x128xf32, #tpu.memory_space<hbm>>) target(%dma_start3A_1645 : memref<32x128xf32, #tpu.memory_space<vmem>>) target_semaphore(%arg12 : memref<!tpu.dma_semaphore, #tpu.memory_space<semaphore_mem>>)
      %slice3A_1648 = vector.extract_strided_slice %get3A_1353 {offsets = [7], sizes = [1], strides = [1]} : vector<16xi32> to vector<1xi32>
      %squeeze3A_1649 = vector.extract %slice3A_1648[0] : i32 from vector<1xi32>
      %jit3A_1650 = arith.constant 128 : i32
      %div3A_1651 = arith.divsi %squeeze3A_1649, %jit3A_1650 : i32
      %sign3A_1652 = arith.constant 0 : i32
      %sign3A_1653 = arith.cmpi sgt, %squeeze3A_1649, %sign3A_1652 : i32
      %sign3A_1654 = arith.extui %sign3A_1653 : i1 to i32
      %sign3A_1655 = arith.constant 0 : i32
      %sign3A_1656 = arith.cmpi slt, %squeeze3A_1649, %sign3A_1655 : i32
      %sign3A_1657 = arith.extui %sign3A_1656 : i1 to i32
      %sign3A_1658 = arith.subi %sign3A_1654, %sign3A_1657 : i32
      %sign3A_1659 = arith.constant 0 : i32
      %sign3A_1660 = arith.cmpi sgt, %jit3A_1650, %sign3A_1659 : i32
      %sign3A_1661 = arith.extui %sign3A_1660 : i1 to i32
      %sign3A_1662 = arith.constant 0 : i32
      %sign3A_1663 = arith.cmpi slt, %jit3A_1650, %sign3A_1662 : i32
      %sign3A_1664 = arith.extui %sign3A_1663 : i1 to i32
      %sign3A_1665 = arith.subi %sign3A_1661, %sign3A_1664 : i32
      %ne3A_1666 = arith.cmpi ne, %sign3A_1658, %sign3A_1665 : i32
      %rem3A_1667 = arith.remsi %squeeze3A_1649, %jit3A_1650 : i32
      %ne3A_1668 = arith.constant 0 : i32
      %ne3A_1669 = arith.cmpi ne, %rem3A_1667, %ne3A_1668 : i32
      %and3A_1670 = arith.andi %ne3A_1666, %ne3A_1669 : i1
      %sub3A_1671 = arith.constant 1 : i32
      %sub3A_1672 = arith.subi %div3A_1651, %sub3A_1671 : i32
      %select_n3A_1673 = arith.select %and3A_1670, %sub3A_1672, %div3A_1651 : i32
      %mul3A_1674 = arith.constant 128 : i32
      %mul3A_1675 = arith.muli %select_n3A_1673, %mul3A_1674 : i32
      %multiple_of3A_1676 = tpu.assume_multiple %mul3A_1675, 128 : i32
      %dma_start3A_1677 = arith.constant 7 : i32
      %dma_start3A_1678 = arith.constant 0 : i32
      %dma_start3A_1679 = arith.constant 0 : i32
      %dma_start3A_1680 = tpu.memref_slice %arg8[%dma_start3A_1677, %dma_start3A_1678, %dma_start3A_1679] : memref<8x32x128xf32, #tpu.memory_space<vmem>> -> memref<1x32x128xf32, #tpu.memory_space<vmem>>
      %dma_start3A_1681 = tpu.memref_squeeze %dma_start3A_1680 : memref<1x32x128xf32, #tpu.memory_space<vmem>> -> memref<32x128xf32, #tpu.memory_space<vmem>>
      %dma_start3A_1682 = arith.constant 0 : i32
      %dma_start3A_1683 = tpu.memref_slice %arg3[%dma_start3A_1682, %multiple_of3A_1676] : memref<32x1000000xf32, #tpu.memory_space<hbm>> -> memref<32x128xf32, #tpu.memory_space<hbm>>
      %dma_start3A_1684 = arith.constant 0 : i32
      %dma_start3A_1685 = arith.constant 0 : i32
      %dma_start3A_1686 = tpu.memref_slice %arg8[%dma_start3A_1677, %dma_start3A_1684, %dma_start3A_1685] : memref<8x32x128xf32, #tpu.memory_space<vmem>> -> memref<1x32x128xf32, #tpu.memory_space<vmem>>
      %dma_start3A_1687 = tpu.memref_squeeze %dma_start3A_1686 : memref<1x32x128xf32, #tpu.memory_space<vmem>> -> memref<32x128xf32, #tpu.memory_space<vmem>>
      %dma_start3A_1688 = arith.constant 0 : i32
      %dma_start3A_1689 = tpu.memref_slice %arg3[%dma_start3A_1688, %multiple_of3A_1676] : memref<32x1000000xf32, #tpu.memory_space<hbm>> -> memref<32x128xf32, #tpu.memory_space<hbm>>
      tpu.enqueue_dma source(%dma_start3A_1689 : memref<32x128xf32, #tpu.memory_space<hbm>>) target(%dma_start3A_1687 : memref<32x128xf32, #tpu.memory_space<vmem>>) target_semaphore(%arg12 : memref<!tpu.dma_semaphore, #tpu.memory_space<semaphore_mem>>)
      %dma_wait3A_1690 = arith.constant 0 : i32
      %dma_wait3A_1691 = arith.constant 0 : i32
      %dma_wait3A_1692 = arith.constant 0 : i32
      %dma_wait3A_1693 = tpu.memref_slice %arg6[%dma_wait3A_1690, %dma_wait3A_1691, %dma_wait3A_1692] : memref<8x32x128xf32, #tpu.memory_space<vmem>> -> memref<1x32x128xf32, #tpu.memory_space<vmem>>
      %dma_wait3A_1694 = tpu.memref_squeeze %dma_wait3A_1693 : memref<1x32x128xf32, #tpu.memory_space<vmem>> -> memref<32x128xf32, #tpu.memory_space<vmem>>
      %dma_wait3A_1695 = arith.constant 0 : i32
      %dma_wait3A_1696 = arith.constant 0 : i32
      %dma_wait3A_1697 = tpu.memref_slice %arg3[%dma_wait3A_1695, %dma_wait3A_1696] : memref<32x1000000xf32, #tpu.memory_space<hbm>> -> memref<32x128xf32, #tpu.memory_space<hbm>>
      %dma_wait3A_1698 = arith.constant 0 : i32
      %dma_wait3A_1699 = arith.constant 0 : i32
      %dma_wait3A_1700 = tpu.memref_slice %arg6[%dma_wait3A_1690, %dma_wait3A_1698, %dma_wait3A_1699] : memref<8x32x128xf32, #tpu.memory_space<vmem>> -> memref<1x32x128xf32, #tpu.memory_space<vmem>>
      %dma_wait3A_1701 = tpu.memref_squeeze %dma_wait3A_1700 : memref<1x32x128xf32, #tpu.memory_space<vmem>> -> memref<32x128xf32, #tpu.memory_space<vmem>>
      %dma_wait3A_1702 = arith.constant 0 : i32
      %dma_wait3A_1703 = arith.constant 0 : i32
      %dma_wait3A_1704 = tpu.memref_slice %arg3[%dma_wait3A_1702, %dma_wait3A_1703] : memref<32x1000000xf32, #tpu.memory_space<hbm>> -> memref<32x128xf32, #tpu.memory_space<hbm>>
      tpu.wait_dma2 semaphore(%arg10 : memref<!tpu.dma_semaphore, #tpu.memory_space<semaphore_mem>>) src(%dma_wait3A_1704 : memref<32x128xf32, #tpu.memory_space<hbm>>) dst(%dma_wait3A_1701 : memref<32x128xf32, #tpu.memory_space<vmem>>)
      %dma_wait3A_1705 = arith.constant 1 : i32
      %dma_wait3A_1706 = arith.constant 0 : i32
      %dma_wait3A_1707 = arith.constant 0 : i32
      %dma_wait3A_1708 = tpu.memref_slice %arg6[%dma_wait3A_1705, %dma_wait3A_1706, %dma_wait3A_1707] : memref<8x32x128xf32, #tpu.memory_space<vmem>> -> memref<1x32x128xf32, #tpu.memory_space<vmem>>
      %dma_wait3A_1709 = tpu.memref_squeeze %dma_wait3A_1708 : memref<1x32x128xf32, #tpu.memory_space<vmem>> -> memref<32x128xf32, #tpu.memory_space<vmem>>
      %dma_wait3A_1710 = arith.constant 0 : i32
      %dma_wait3A_1711 = arith.constant 0 : i32
      %dma_wait3A_1712 = tpu.memref_slice %arg3[%dma_wait3A_1710, %dma_wait3A_1711] : memref<32x1000000xf32, #tpu.memory_space<hbm>> -> memref<32x128xf32, #tpu.memory_space<hbm>>
      %dma_wait3A_1713 = arith.constant 0 : i32
      %dma_wait3A_1714 = arith.constant 0 : i32
      %dma_wait3A_1715 = tpu.memref_slice %arg6[%dma_wait3A_1705, %dma_wait3A_1713, %dma_wait3A_1714] : memref<8x32x128xf32, #tpu.memory_space<vmem>> -> memref<1x32x128xf32, #tpu.memory_space<vmem>>
      %dma_wait3A_1716 = tpu.memref_squeeze %dma_wait3A_1715 : memref<1x32x128xf32, #tpu.memory_space<vmem>> -> memref<32x128xf32, #tpu.memory_space<vmem>>
      %dma_wait3A_1717 = arith.constant 0 : i32
      %dma_wait3A_1718 = arith.constant 0 : i32
      %dma_wait3A_1719 = tpu.memref_slice %arg3[%dma_wait3A_1717, %dma_wait3A_1718] : memref<32x1000000xf32, #tpu.memory_space<hbm>> -> memref<32x128xf32, #tpu.memory_space<hbm>>
      tpu.wait_dma2 semaphore(%arg10 : memref<!tpu.dma_semaphore, #tpu.memory_space<semaphore_mem>>) src(%dma_wait3A_1719 : memref<32x128xf32, #tpu.memory_space<hbm>>) dst(%dma_wait3A_1716 : memref<32x128xf32, #tpu.memory_space<vmem>>)
      %dma_wait3A_1720 = arith.constant 2 : i32
      %dma_wait3A_1721 = arith.constant 0 : i32
      %dma_wait3A_1722 = arith.constant 0 : i32
      %dma_wait3A_1723 = tpu.memref_slice %arg6[%dma_wait3A_1720, %dma_wait3A_1721, %dma_wait3A_1722] : memref<8x32x128xf32, #tpu.memory_space<vmem>> -> memref<1x32x128xf32, #tpu.memory_space<vmem>>
      %dma_wait3A_1724 = tpu.memref_squeeze %dma_wait3A_1723 : memref<1x32x128xf32, #tpu.memory_space<vmem>> -> memref<32x128xf32, #tpu.memory_space<vmem>>
      %dma_wait3A_1725 = arith.constant 0 : i32
      %dma_wait3A_1726 = arith.constant 0 : i32
      %dma_wait3A_1727 = tpu.memref_slice %arg3[%dma_wait3A_1725, %dma_wait3A_1726] : memref<32x1000000xf32, #tpu.memory_space<hbm>> -> memref<32x128xf32, #tpu.memory_space<hbm>>
      %dma_wait3A_1728 = arith.constant 0 : i32
      %dma_wait3A_1729 = arith.constant 0 : i32
      %dma_wait3A_1730 = tpu.memref_slice %arg6[%dma_wait3A_1720, %dma_wait3A_1728, %dma_wait3A_1729] : memref<8x32x128xf32, #tpu.memory_space<vmem>> -> memref<1x32x128xf32, #tpu.memory_space<vmem>>
      %dma_wait3A_1731 = tpu.memref_squeeze %dma_wait3A_1730 : memref<1x32x128xf32, #tpu.memory_space<vmem>> -> memref<32x128xf32, #tpu.memory_space<vmem>>
      %dma_wait3A_1732 = arith.constant 0 : i32
      %dma_wait3A_1733 = arith.constant 0 : i32
      %dma_wait3A_1734 = tpu.memref_slice %arg3[%dma_wait3A_1732, %dma_wait3A_1733] : memref<32x1000000xf32, #tpu.memory_space<hbm>> -> memref<32x128xf32, #tpu.memory_space<hbm>>
      tpu.wait_dma2 semaphore(%arg10 : memref<!tpu.dma_semaphore, #tpu.memory_space<semaphore_mem>>) src(%dma_wait3A_1734 : memref<32x128xf32, #tpu.memory_space<hbm>>) dst(%dma_wait3A_1731 : memref<32x128xf32, #tpu.memory_space<vmem>>)
      %dma_wait3A_1735 = arith.constant 3 : i32
      %dma_wait3A_1736 = arith.constant 0 : i32
      %dma_wait3A_1737 = arith.constant 0 : i32
      %dma_wait3A_1738 = tpu.memref_slice %arg6[%dma_wait3A_1735, %dma_wait3A_1736, %dma_wait3A_1737] : memref<8x32x128xf32, #tpu.memory_space<vmem>> -> memref<1x32x128xf32, #tpu.memory_space<vmem>>
      %dma_wait3A_1739 = tpu.memref_squeeze %dma_wait3A_1738 : memref<1x32x128xf32, #tpu.memory_space<vmem>> -> memref<32x128xf32, #tpu.memory_space<vmem>>
      %dma_wait3A_1740 = arith.constant 0 : i32
      %dma_wait3A_1741 = arith.constant 0 : i32
      %dma_wait3A_1742 = tpu.memref_slice %arg3[%dma_wait3A_1740, %dma_wait3A_1741] : memref<32x1000000xf32, #tpu.memory_space<hbm>> -> memref<32x128xf32, #tpu.memory_space<hbm>>
      %dma_wait3A_1743 = arith.constant 0 : i32
      %dma_wait3A_1744 = arith.constant 0 : i32
      %dma_wait3A_1745 = tpu.memref_slice %arg6[%dma_wait3A_1735, %dma_wait3A_1743, %dma_wait3A_1744] : memref<8x32x128xf32, #tpu.memory_space<vmem>> -> memref<1x32x128xf32, #tpu.memory_space<vmem>>
      %dma_wait3A_1746 = tpu.memref_squeeze %dma_wait3A_1745 : memref<1x32x128xf32, #tpu.memory_space<vmem>> -> memref<32x128xf32, #tpu.memory_space<vmem>>
      %dma_wait3A_1747 = arith.constant 0 : i32
      %dma_wait3A_1748 = arith.constant 0 : i32
      %dma_wait3A_1749 = tpu.memref_slice %arg3[%dma_wait3A_1747, %dma_wait3A_1748] : memref<32x1000000xf32, #tpu.memory_space<hbm>> -> memref<32x128xf32, #tpu.memory_space<hbm>>
      tpu.wait_dma2 semaphore(%arg10 : memref<!tpu.dma_semaphore, #tpu.memory_space<semaphore_mem>>) src(%dma_wait3A_1749 : memref<32x128xf32, #tpu.memory_space<hbm>>) dst(%dma_wait3A_1746 : memref<32x128xf32, #tpu.memory_space<vmem>>)
      %dma_wait3A_1750 = arith.constant 4 : i32
      %dma_wait3A_1751 = arith.constant 0 : i32
      %dma_wait3A_1752 = arith.constant 0 : i32
      %dma_wait3A_1753 = tpu.memref_slice %arg6[%dma_wait3A_1750, %dma_wait3A_1751, %dma_wait3A_1752] : memref<8x32x128xf32, #tpu.memory_space<vmem>> -> memref<1x32x128xf32, #tpu.memory_space<vmem>>
      %dma_wait3A_1754 = tpu.memref_squeeze %dma_wait3A_1753 : memref<1x32x128xf32, #tpu.memory_space<vmem>> -> memref<32x128xf32, #tpu.memory_space<vmem>>
      %dma_wait3A_1755 = arith.constant 0 : i32
      %dma_wait3A_1756 = arith.constant 0 : i32
      %dma_wait3A_1757 = tpu.memref_slice %arg3[%dma_wait3A_1755, %dma_wait3A_1756] : memref<32x1000000xf32, #tpu.memory_space<hbm>> -> memref<32x128xf32, #tpu.memory_space<hbm>>
      %dma_wait3A_1758 = arith.constant 0 : i32
      %dma_wait3A_1759 = arith.constant 0 : i32
      %dma_wait3A_1760 = tpu.memref_slice %arg6[%dma_wait3A_1750, %dma_wait3A_1758, %dma_wait3A_1759] : memref<8x32x128xf32, #tpu.memory_space<vmem>> -> memref<1x32x128xf32, #tpu.memory_space<vmem>>
      %dma_wait3A_1761 = tpu.memref_squeeze %dma_wait3A_1760 : memref<1x32x128xf32, #tpu.memory_space<vmem>> -> memref<32x128xf32, #tpu.memory_space<vmem>>
      %dma_wait3A_1762 = arith.constant 0 : i32
      %dma_wait3A_1763 = arith.constant 0 : i32
      %dma_wait3A_1764 = tpu.memref_slice %arg3[%dma_wait3A_1762, %dma_wait3A_1763] : memref<32x1000000xf32, #tpu.memory_space<hbm>> -> memref<32x128xf32, #tpu.memory_space<hbm>>
      tpu.wait_dma2 semaphore(%arg10 : memref<!tpu.dma_semaphore, #tpu.memory_space<semaphore_mem>>) src(%dma_wait3A_1764 : memref<32x128xf32, #tpu.memory_space<hbm>>) dst(%dma_wait3A_1761 : memref<32x128xf32, #tpu.memory_space<vmem>>)
      %dma_wait3A_1765 = arith.constant 5 : i32
      %dma_wait3A_1766 = arith.constant 0 : i32
      %dma_wait3A_1767 = arith.constant 0 : i32
      %dma_wait3A_1768 = tpu.memref_slice %arg6[%dma_wait3A_1765, %dma_wait3A_1766, %dma_wait3A_1767] : memref<8x32x128xf32, #tpu.memory_space<vmem>> -> memref<1x32x128xf32, #tpu.memory_space<vmem>>
      %dma_wait3A_1769 = tpu.memref_squeeze %dma_wait3A_1768 : memref<1x32x128xf32, #tpu.memory_space<vmem>> -> memref<32x128xf32, #tpu.memory_space<vmem>>
      %dma_wait3A_1770 = arith.constant 0 : i32
      %dma_wait3A_1771 = arith.constant 0 : i32
      %dma_wait3A_1772 = tpu.memref_slice %arg3[%dma_wait3A_1770, %dma_wait3A_1771] : memref<32x1000000xf32, #tpu.memory_space<hbm>> -> memref<32x128xf32, #tpu.memory_space<hbm>>
      %dma_wait3A_1773 = arith.constant 0 : i32
      %dma_wait3A_1774 = arith.constant 0 : i32
      %dma_wait3A_1775 = tpu.memref_slice %arg6[%dma_wait3A_1765, %dma_wait3A_1773, %dma_wait3A_1774] : memref<8x32x128xf32, #tpu.memory_space<vmem>> -> memref<1x32x128xf32, #tpu.memory_space<vmem>>
      %dma_wait3A_1776 = tpu.memref_squeeze %dma_wait3A_1775 : memref<1x32x128xf32, #tpu.memory_space<vmem>> -> memref<32x128xf32, #tpu.memory_space<vmem>>
      %dma_wait3A_1777 = arith.constant 0 : i32
      %dma_wait3A_1778 = arith.constant 0 : i32
      %dma_wait3A_1779 = tpu.memref_slice %arg3[%dma_wait3A_1777, %dma_wait3A_1778] : memref<32x1000000xf32, #tpu.memory_space<hbm>> -> memref<32x128xf32, #tpu.memory_space<hbm>>
      tpu.wait_dma2 semaphore(%arg10 : memref<!tpu.dma_semaphore, #tpu.memory_space<semaphore_mem>>) src(%dma_wait3A_1779 : memref<32x128xf32, #tpu.memory_space<hbm>>) dst(%dma_wait3A_1776 : memref<32x128xf32, #tpu.memory_space<vmem>>)
      %dma_wait3A_1780 = arith.constant 6 : i32
      %dma_wait3A_1781 = arith.constant 0 : i32
      %dma_wait3A_1782 = arith.constant 0 : i32
      %dma_wait3A_1783 = tpu.memref_slice %arg6[%dma_wait3A_1780, %dma_wait3A_1781, %dma_wait3A_1782] : memref<8x32x128xf32, #tpu.memory_space<vmem>> -> memref<1x32x128xf32, #tpu.memory_space<vmem>>
      %dma_wait3A_1784 = tpu.memref_squeeze %dma_wait3A_1783 : memref<1x32x128xf32, #tpu.memory_space<vmem>> -> memref<32x128xf32, #tpu.memory_space<vmem>>
      %dma_wait3A_1785 = arith.constant 0 : i32
      %dma_wait3A_1786 = arith.constant 0 : i32
      %dma_wait3A_1787 = tpu.memref_slice %arg3[%dma_wait3A_1785, %dma_wait3A_1786] : memref<32x1000000xf32, #tpu.memory_space<hbm>> -> memref<32x128xf32, #tpu.memory_space<hbm>>
      %dma_wait3A_1788 = arith.constant 0 : i32
      %dma_wait3A_1789 = arith.constant 0 : i32
      %dma_wait3A_1790 = tpu.memref_slice %arg6[%dma_wait3A_1780, %dma_wait3A_1788, %dma_wait3A_1789] : memref<8x32x128xf32, #tpu.memory_space<vmem>> -> memref<1x32x128xf32, #tpu.memory_space<vmem>>
      %dma_wait3A_1791 = tpu.memref_squeeze %dma_wait3A_1790 : memref<1x32x128xf32, #tpu.memory_space<vmem>> -> memref<32x128xf32, #tpu.memory_space<vmem>>
      %dma_wait3A_1792 = arith.constant 0 : i32
      %dma_wait3A_1793 = arith.constant 0 : i32
      %dma_wait3A_1794 = tpu.memref_slice %arg3[%dma_wait3A_1792, %dma_wait3A_1793] : memref<32x1000000xf32, #tpu.memory_space<hbm>> -> memref<32x128xf32, #tpu.memory_space<hbm>>
      tpu.wait_dma2 semaphore(%arg10 : memref<!tpu.dma_semaphore, #tpu.memory_space<semaphore_mem>>) src(%dma_wait3A_1794 : memref<32x128xf32, #tpu.memory_space<hbm>>) dst(%dma_wait3A_1791 : memref<32x128xf32, #tpu.memory_space<vmem>>)
      %dma_wait3A_1795 = arith.constant 7 : i32
      %dma_wait3A_1796 = arith.constant 0 : i32
      %dma_wait3A_1797 = arith.constant 0 : i32
      %dma_wait3A_1798 = tpu.memref_slice %arg6[%dma_wait3A_1795, %dma_wait3A_1796, %dma_wait3A_1797] : memref<8x32x128xf32, #tpu.memory_space<vmem>> -> memref<1x32x128xf32, #tpu.memory_space<vmem>>
      %dma_wait3A_1799 = tpu.memref_squeeze %dma_wait3A_1798 : memref<1x32x128xf32, #tpu.memory_space<vmem>> -> memref<32x128xf32, #tpu.memory_space<vmem>>
      %dma_wait3A_1800 = arith.constant 0 : i32
      %dma_wait3A_1801 = arith.constant 0 : i32
      %dma_wait3A_1802 = tpu.memref_slice %arg3[%dma_wait3A_1800, %dma_wait3A_1801] : memref<32x1000000xf32, #tpu.memory_space<hbm>> -> memref<32x128xf32, #tpu.memory_space<hbm>>
      %dma_wait3A_1803 = arith.constant 0 : i32
      %dma_wait3A_1804 = arith.constant 0 : i32
      %dma_wait3A_1805 = tpu.memref_slice %arg6[%dma_wait3A_1795, %dma_wait3A_1803, %dma_wait3A_1804] : memref<8x32x128xf32, #tpu.memory_space<vmem>> -> memref<1x32x128xf32, #tpu.memory_space<vmem>>
      %dma_wait3A_1806 = tpu.memref_squeeze %dma_wait3A_1805 : memref<1x32x128xf32, #tpu.memory_space<vmem>> -> memref<32x128xf32, #tpu.memory_space<vmem>>
      %dma_wait3A_1807 = arith.constant 0 : i32
      %dma_wait3A_1808 = arith.constant 0 : i32
      %dma_wait3A_1809 = tpu.memref_slice %arg3[%dma_wait3A_1807, %dma_wait3A_1808] : memref<32x1000000xf32, #tpu.memory_space<hbm>> -> memref<32x128xf32, #tpu.memory_space<hbm>>
      tpu.wait_dma2 semaphore(%arg10 : memref<!tpu.dma_semaphore, #tpu.memory_space<semaphore_mem>>) src(%dma_wait3A_1809 : memref<32x128xf32, #tpu.memory_space<hbm>>) dst(%dma_wait3A_1806 : memref<32x128xf32, #tpu.memory_space<vmem>>)
      %mul3A_1810 = arith.constant 8 : i32
      %mul3A_1811 = arith.muli %mul3A_1347, %mul3A_1810 : i32
      %get3A_1812 = arith.index_cast %mul3A_1811 : i32 to index
      %get3A_1813 = tpu.vector_load %arg5[%get3A_1812] {strides = array<i32>} : memref<528xi32, #tpu.memory_space<vmem>>, vector<16xi32>,
      %lt3A_1814 = arith.constant 0 : i32
      %lt3A_1815 = vector.broadcast %lt3A_1814 : i32 to vector<16xi32>
      %lt3A_1816 = arith.cmpi slt, %select_n3A, %lt3A_1815 : vector<16xi32>
      %add3A_1817 = arith.constant 16 : i32
      %add3A_1818 = vector.broadcast %add3A_1817 : i32 to vector<16xi32>
      %add3A_1819 = arith.addi %select_n3A, %add3A_1818 : vector<16xi32>
      %select_n3A_1820 = arith.select %lt3A_1816, %add3A_1819, %select_n3A : vector<16xi1>, vector<16xi32>
      %broadcast_in_dim3A_1821 = vector.shape_cast %select_n3A_1820 : vector<16xi32> to vector<16x1xi32>
      %gather3A_1822 = vector.shape_cast %broadcast_in_dim3A_1821 : vector<16x1xi32> to vector<16xi32>
      %gather3A_1823 = tpu.dynamic_gather %get3A_1813[%gather3A_1822] in [0] : vector<16xi32>, vector<16xi32> -> vector<16xi32>
      %jit3A_1824 = arith.constant 128 : i32
      %eq3A_1825 = arith.constant 0 : i32
      %eq3A_1826 = arith.cmpi eq, %jit3A_1824, %eq3A_1825 : i32
      %jit3A_1827 = arith.constant 1 : i32
      %select_n3A_1828 = arith.select %eq3A_1826, %jit3A_1827, %jit3A_1824 : i32
      %rem3A_1829 = vector.broadcast %select_n3A_1828 : i32 to vector<16xi32>
      %rem3A_1830 = arith.remsi %gather3A_1823, %rem3A_1829 : vector<16xi32>
      %ne3A_1831 = arith.constant 0 : i32
      %ne3A_1832 = vector.broadcast %ne3A_1831 : i32 to vector<16xi32>
      %ne3A_1833 = arith.cmpi ne, %rem3A_1830, %ne3A_1832 : vector<16xi32>
      %lt3A_1834 = arith.constant 0 : i32
      %lt3A_1835 = vector.broadcast %lt3A_1834 : i32 to vector<16xi32>
      %lt3A_1836 = arith.cmpi slt, %rem3A_1830, %lt3A_1835 : vector<16xi32>
      %lt3A_1837 = arith.constant 0 : i32
      %lt3A_1838 = arith.cmpi slt, %select_n3A_1828, %lt3A_1837 : i32
      %ne3A_1839 = vector.broadcast %lt3A_1838 : i1 to vector<16xi1>
      %ne3A_1840 = vector.broadcast %ne3A_1839 : vector<16xi1> to vector<16xi1>
      %ne3A_1841 = arith.xori %lt3A_1836, %ne3A_1840 : vector<16xi1>
      %and3A_1842 = arith.andi %ne3A_1841, %ne3A_1833 : vector<16xi1>
      %add3A_1843 = vector.broadcast %select_n3A_1828 : i32 to vector<16xi32>
      %add3A_1844 = arith.addi %rem3A_1830, %add3A_1843 : vector<16xi32>
      %select_n3A_1845 = arith.select %and3A_1842, %add3A_1844, %rem3A_1830 : vector<16xi1>, vector<16xi32>
      %mul3A_1846 = arith.constant 8 : i32
      %mul3A_1847 = arith.muli %mul3A_1347, %mul3A_1846 : i32
      %add3A_1848 = vector.broadcast %mul3A_1847 : i32 to vector<16xi32>
      %add3A_1849 = arith.addi %add3A_1848, %select_n3A : vector<16xi32>
      %add3A_1850 = arith.constant 0 : i32
      %add3A_1851 = vector.broadcast %add3A_1850 : i32 to vector<16xi32>
      %add3A_1852 = arith.addi %add3A_1851, %select_n3A_45 : vector<16xi32>
      %gather3A_1853 = tpu.vector_load_idx %arg6[%select_n3A, %add3A_1852, %select_n3A_1845] : memref<8x32x128xf32, #tpu.memory_space<vmem>>[vector<16xi32>, vector<16xi32>, vector<16xi32>], vector<16xf32>,
      %mul3A_1854 = arith.constant 32 : i32
      %mul3A_1855 = vector.broadcast %mul3A_1854 : i32 to vector<16xi32>
      %mul3A_1856 = arith.muli %add3A_1849, %mul3A_1855 : vector<16xi32>
      %add3A_1857 = arith.addi %mul3A_1856, %add3A_1852 : vector<16xi32>
      tpu.vector_store_idx %arg9[%add3A_1857], %gather3A_1853 : memref<16384xf32, #tpu.memory_space<vmem>>[vector<16xi32>], vector<16xf32>,
      %add3A_1858 = arith.constant 2 : i32
      %add3A_1859 = vector.broadcast %add3A_1858 : i32 to vector<16xi32>
      %add3A_1860 = arith.addi %add3A_1859, %select_n3A_45 : vector<16xi32>
      %gather3A_1861 = tpu.vector_load_idx %arg6[%select_n3A, %add3A_1860, %select_n3A_1845] : memref<8x32x128xf32, #tpu.memory_space<vmem>>[vector<16xi32>, vector<16xi32>, vector<16xi32>], vector<16xf32>,
      %mul3A_1862 = arith.constant 32 : i32
      %mul3A_1863 = vector.broadcast %mul3A_1862 : i32 to vector<16xi32>
      %mul3A_1864 = arith.muli %add3A_1849, %mul3A_1863 : vector<16xi32>
      %add3A_1865 = arith.addi %mul3A_1864, %add3A_1860 : vector<16xi32>
      tpu.vector_store_idx %arg9[%add3A_1865], %gather3A_1861 : memref<16384xf32, #tpu.memory_space<vmem>>[vector<16xi32>], vector<16xf32>,
      %add3A_1866 = arith.constant 4 : i32
      %add3A_1867 = vector.broadcast %add3A_1866 : i32 to vector<16xi32>
      %add3A_1868 = arith.addi %add3A_1867, %select_n3A_45 : vector<16xi32>
      %gather3A_1869 = tpu.vector_load_idx %arg6[%select_n3A, %add3A_1868, %select_n3A_1845] : memref<8x32x128xf32, #tpu.memory_space<vmem>>[vector<16xi32>, vector<16xi32>, vector<16xi32>], vector<16xf32>,
      %mul3A_1870 = arith.constant 32 : i32
      %mul3A_1871 = vector.broadcast %mul3A_1870 : i32 to vector<16xi32>
      %mul3A_1872 = arith.muli %add3A_1849, %mul3A_1871 : vector<16xi32>
      %add3A_1873 = arith.addi %mul3A_1872, %add3A_1868 : vector<16xi32>
      tpu.vector_store_idx %arg9[%add3A_1873], %gather3A_1869 : memref<16384xf32, #tpu.memory_space<vmem>>[vector<16xi32>], vector<16xf32>,
      %add3A_1874 = arith.constant 6 : i32
      %add3A_1875 = vector.broadcast %add3A_1874 : i32 to vector<16xi32>
      %add3A_1876 = arith.addi %add3A_1875, %select_n3A_45 : vector<16xi32>
      %gather3A_1877 = tpu.vector_load_idx %arg6[%select_n3A, %add3A_1876, %select_n3A_1845] : memref<8x32x128xf32, #tpu.memory_space<vmem>>[vector<16xi32>, vector<16xi32>, vector<16xi32>], vector<16xf32>,
      %mul3A_1878 = arith.constant 32 : i32
      %mul3A_1879 = vector.broadcast %mul3A_1878 : i32 to vector<16xi32>
      %mul3A_1880 = arith.muli %add3A_1849, %mul3A_1879 : vector<16xi32>
      %add3A_1881 = arith.addi %mul3A_1880, %add3A_1876 : vector<16xi32>
      tpu.vector_store_idx %arg9[%add3A_1881], %gather3A_1877 : memref<16384xf32, #tpu.memory_space<vmem>>[vector<16xi32>], vector<16xf32>,
      %add3A_1882 = arith.constant 8 : i32
      %add3A_1883 = vector.broadcast %add3A_1882 : i32 to vector<16xi32>
      %add3A_1884 = arith.addi %add3A_1883, %select_n3A_45 : vector<16xi32>
      %gather3A_1885 = tpu.vector_load_idx %arg6[%select_n3A, %add3A_1884, %select_n3A_1845] : memref<8x32x128xf32, #tpu.memory_space<vmem>>[vector<16xi32>, vector<16xi32>, vector<16xi32>], vector<16xf32>,
      %mul3A_1886 = arith.constant 32 : i32
      %mul3A_1887 = vector.broadcast %mul3A_1886 : i32 to vector<16xi32>
      %mul3A_1888 = arith.muli %add3A_1849, %mul3A_1887 : vector<16xi32>
      %add3A_1889 = arith.addi %mul3A_1888, %add3A_1884 : vector<16xi32>
      tpu.vector_store_idx %arg9[%add3A_1889], %gather3A_1885 : memref<16384xf32, #tpu.memory_space<vmem>>[vector<16xi32>], vector<16xf32>,
      %add3A_1890 = arith.constant 10 : i32
      %add3A_1891 = vector.broadcast %add3A_1890 : i32 to vector<16xi32>
      %add3A_1892 = arith.addi %add3A_1891, %select_n3A_45 : vector<16xi32>
      %gather3A_1893 = tpu.vector_load_idx %arg6[%select_n3A, %add3A_1892, %select_n3A_1845] : memref<8x32x128xf32, #tpu.memory_space<vmem>>[vector<16xi32>, vector<16xi32>, vector<16xi32>], vector<16xf32>,
      %mul3A_1894 = arith.constant 32 : i32
      %mul3A_1895 = vector.broadcast %mul3A_1894 : i32 to vector<16xi32>
      %mul3A_1896 = arith.muli %add3A_1849, %mul3A_1895 : vector<16xi32>
      %add3A_1897 = arith.addi %mul3A_1896, %add3A_1892 : vector<16xi32>
      tpu.vector_store_idx %arg9[%add3A_1897], %gather3A_1893 : memref<16384xf32, #tpu.memory_space<vmem>>[vector<16xi32>], vector<16xf32>,
      %add3A_1898 = arith.constant 12 : i32
      %add3A_1899 = vector.broadcast %add3A_1898 : i32 to vector<16xi32>
      %add3A_1900 = arith.addi %add3A_1899, %select_n3A_45 : vector<16xi32>
      %gather3A_1901 = tpu.vector_load_idx %arg6[%select_n3A, %add3A_1900, %select_n3A_1845] : memref<8x32x128xf32, #tpu.memory_space<vmem>>[vector<16xi32>, vector<16xi32>, vector<16xi32>], vector<16xf32>,
      %mul3A_1902 = arith.constant 32 : i32
      %mul3A_1903 = vector.broadcast %mul3A_1902 : i32 to vector<16xi32>
      %mul3A_1904 = arith.muli %add3A_1849, %mul3A_1903 : vector<16xi32>
      %add3A_1905 = arith.addi %mul3A_1904, %add3A_1900 : vector<16xi32>
      tpu.vector_store_idx %arg9[%add3A_1905], %gather3A_1901 : memref<16384xf32, #tpu.memory_space<vmem>>[vector<16xi32>], vector<16xf32>,
      %add3A_1906 = arith.constant 14 : i32
      %add3A_1907 = vector.broadcast %add3A_1906 : i32 to vector<16xi32>
      %add3A_1908 = arith.addi %add3A_1907, %select_n3A_45 : vector<16xi32>
      %gather3A_1909 = tpu.vector_load_idx %arg6[%select_n3A, %add3A_1908, %select_n3A_1845] : memref<8x32x128xf32, #tpu.memory_space<vmem>>[vector<16xi32>, vector<16xi32>, vector<16xi32>], vector<16xf32>,
      %mul3A_1910 = arith.constant 32 : i32
      %mul3A_1911 = vector.broadcast %mul3A_1910 : i32 to vector<16xi32>
      %mul3A_1912 = arith.muli %add3A_1849, %mul3A_1911 : vector<16xi32>
      %add3A_1913 = arith.addi %mul3A_1912, %add3A_1908 : vector<16xi32>
      tpu.vector_store_idx %arg9[%add3A_1913], %gather3A_1909 : memref<16384xf32, #tpu.memory_space<vmem>>[vector<16xi32>], vector<16xf32>,
      %add3A_1914 = arith.constant 16 : i32
      %add3A_1915 = vector.broadcast %add3A_1914 : i32 to vector<16xi32>
      %add3A_1916 = arith.addi %add3A_1915, %select_n3A_45 : vector<16xi32>
      %gather3A_1917 = tpu.vector_load_idx %arg6[%select_n3A, %add3A_1916, %select_n3A_1845] : memref<8x32x128xf32, #tpu.memory_space<vmem>>[vector<16xi32>, vector<16xi32>, vector<16xi32>], vector<16xf32>,
      %mul3A_1918 = arith.constant 32 : i32
      %mul3A_1919 = vector.broadcast %mul3A_1918 : i32 to vector<16xi32>
      %mul3A_1920 = arith.muli %add3A_1849, %mul3A_1919 : vector<16xi32>
      %add3A_1921 = arith.addi %mul3A_1920, %add3A_1916 : vector<16xi32>
      tpu.vector_store_idx %arg9[%add3A_1921], %gather3A_1917 : memref<16384xf32, #tpu.memory_space<vmem>>[vector<16xi32>], vector<16xf32>,
      %add3A_1922 = arith.constant 18 : i32
      %add3A_1923 = vector.broadcast %add3A_1922 : i32 to vector<16xi32>
      %add3A_1924 = arith.addi %add3A_1923, %select_n3A_45 : vector<16xi32>
      %gather3A_1925 = tpu.vector_load_idx %arg6[%select_n3A, %add3A_1924, %select_n3A_1845] : memref<8x32x128xf32, #tpu.memory_space<vmem>>[vector<16xi32>, vector<16xi32>, vector<16xi32>], vector<16xf32>,
      %mul3A_1926 = arith.constant 32 : i32
      %mul3A_1927 = vector.broadcast %mul3A_1926 : i32 to vector<16xi32>
      %mul3A_1928 = arith.muli %add3A_1849, %mul3A_1927 : vector<16xi32>
      %add3A_1929 = arith.addi %mul3A_1928, %add3A_1924 : vector<16xi32>
      tpu.vector_store_idx %arg9[%add3A_1929], %gather3A_1925 : memref<16384xf32, #tpu.memory_space<vmem>>[vector<16xi32>], vector<16xf32>,
      %add3A_1930 = arith.constant 20 : i32
      %add3A_1931 = vector.broadcast %add3A_1930 : i32 to vector<16xi32>
      %add3A_1932 = arith.addi %add3A_1931, %select_n3A_45 : vector<16xi32>
      %gather3A_1933 = tpu.vector_load_idx %arg6[%select_n3A, %add3A_1932, %select_n3A_1845] : memref<8x32x128xf32, #tpu.memory_space<vmem>>[vector<16xi32>, vector<16xi32>, vector<16xi32>], vector<16xf32>,
      %mul3A_1934 = arith.constant 32 : i32
      %mul3A_1935 = vector.broadcast %mul3A_1934 : i32 to vector<16xi32>
      %mul3A_1936 = arith.muli %add3A_1849, %mul3A_1935 : vector<16xi32>
      %add3A_1937 = arith.addi %mul3A_1936, %add3A_1932 : vector<16xi32>
      tpu.vector_store_idx %arg9[%add3A_1937], %gather3A_1933 : memref<16384xf32, #tpu.memory_space<vmem>>[vector<16xi32>], vector<16xf32>,
      %add3A_1938 = arith.constant 22 : i32
      %add3A_1939 = vector.broadcast %add3A_1938 : i32 to vector<16xi32>
      %add3A_1940 = arith.addi %add3A_1939, %select_n3A_45 : vector<16xi32>
      %gather3A_1941 = tpu.vector_load_idx %arg6[%select_n3A, %add3A_1940, %select_n3A_1845] : memref<8x32x128xf32, #tpu.memory_space<vmem>>[vector<16xi32>, vector<16xi32>, vector<16xi32>], vector<16xf32>,
      %mul3A_1942 = arith.constant 32 : i32
      %mul3A_1943 = vector.broadcast %mul3A_1942 : i32 to vector<16xi32>
      %mul3A_1944 = arith.muli %add3A_1849, %mul3A_1943 : vector<16xi32>
      %add3A_1945 = arith.addi %mul3A_1944, %add3A_1940 : vector<16xi32>
      tpu.vector_store_idx %arg9[%add3A_1945], %gather3A_1941 : memref<16384xf32, #tpu.memory_space<vmem>>[vector<16xi32>], vector<16xf32>,
      %add3A_1946 = arith.constant 24 : i32
      %add3A_1947 = vector.broadcast %add3A_1946 : i32 to vector<16xi32>
      %add3A_1948 = arith.addi %add3A_1947, %select_n3A_45 : vector<16xi32>
      %gather3A_1949 = tpu.vector_load_idx %arg6[%select_n3A, %add3A_1948, %select_n3A_1845] : memref<8x32x128xf32, #tpu.memory_space<vmem>>[vector<16xi32>, vector<16xi32>, vector<16xi32>], vector<16xf32>,
      %mul3A_1950 = arith.constant 32 : i32
      %mul3A_1951 = vector.broadcast %mul3A_1950 : i32 to vector<16xi32>
      %mul3A_1952 = arith.muli %add3A_1849, %mul3A_1951 : vector<16xi32>
      %add3A_1953 = arith.addi %mul3A_1952, %add3A_1948 : vector<16xi32>
      tpu.vector_store_idx %arg9[%add3A_1953], %gather3A_1949 : memref<16384xf32, #tpu.memory_space<vmem>>[vector<16xi32>], vector<16xf32>,
      %add3A_1954 = arith.constant 26 : i32
      %add3A_1955 = vector.broadcast %add3A_1954 : i32 to vector<16xi32>
      %add3A_1956 = arith.addi %add3A_1955, %select_n3A_45 : vector<16xi32>
      %gather3A_1957 = tpu.vector_load_idx %arg6[%select_n3A, %add3A_1956, %select_n3A_1845] : memref<8x32x128xf32, #tpu.memory_space<vmem>>[vector<16xi32>, vector<16xi32>, vector<16xi32>], vector<16xf32>,
      %mul3A_1958 = arith.constant 32 : i32
      %mul3A_1959 = vector.broadcast %mul3A_1958 : i32 to vector<16xi32>
      %mul3A_1960 = arith.muli %add3A_1849, %mul3A_1959 : vector<16xi32>
      %add3A_1961 = arith.addi %mul3A_1960, %add3A_1956 : vector<16xi32>
      tpu.vector_store_idx %arg9[%add3A_1961], %gather3A_1957 : memref<16384xf32, #tpu.memory_space<vmem>>[vector<16xi32>], vector<16xf32>,
      %add3A_1962 = arith.constant 28 : i32
      %add3A_1963 = vector.broadcast %add3A_1962 : i32 to vector<16xi32>
      %add3A_1964 = arith.addi %add3A_1963, %select_n3A_45 : vector<16xi32>
      %gather3A_1965 = tpu.vector_load_idx %arg6[%select_n3A, %add3A_1964, %select_n3A_1845] : memref<8x32x128xf32, #tpu.memory_space<vmem>>[vector<16xi32>, vector<16xi32>, vector<16xi32>], vector<16xf32>,
      %mul3A_1966 = arith.constant 32 : i32
      %mul3A_1967 = vector.broadcast %mul3A_1966 : i32 to vector<16xi32>
      %mul3A_1968 = arith.muli %add3A_1849, %mul3A_1967 : vector<16xi32>
      %add3A_1969 = arith.addi %mul3A_1968, %add3A_1964 : vector<16xi32>
      tpu.vector_store_idx %arg9[%add3A_1969], %gather3A_1965 : memref<16384xf32, #tpu.memory_space<vmem>>[vector<16xi32>], vector<16xf32>,
      %add3A_1970 = arith.constant 30 : i32
      %add3A_1971 = vector.broadcast %add3A_1970 : i32 to vector<16xi32>
      %add3A_1972 = arith.addi %add3A_1971, %select_n3A_45 : vector<16xi32>
      %gather3A_1973 = tpu.vector_load_idx %arg6[%select_n3A, %add3A_1972, %select_n3A_1845] : memref<8x32x128xf32, #tpu.memory_space<vmem>>[vector<16xi32>, vector<16xi32>, vector<16xi32>], vector<16xf32>,
      %mul3A_1974 = arith.constant 32 : i32
      %mul3A_1975 = vector.broadcast %mul3A_1974 : i32 to vector<16xi32>
      %mul3A_1976 = arith.muli %add3A_1849, %mul3A_1975 : vector<16xi32>
      %add3A_1977 = arith.addi %mul3A_1976, %add3A_1972 : vector<16xi32>
      tpu.vector_store_idx %arg9[%add3A_1977], %gather3A_1973 : memref<16384xf32, #tpu.memory_space<vmem>>[vector<16xi32>], vector<16xf32>,
      %lt3A_1978 = arith.constant 20 : i32
      %lt3A_1979 = arith.cmpi slt, %scan3A_1345, %lt3A_1978 : i32
      %convert_element_type3A = arith.extui %lt3A_1979 : i1 to i32
      %cond3A = arith.constant 0 : i32
      %cond3A_1980 = arith.cmpi ne, %convert_element_type3A, %cond3A : i32
      scf.if %cond3A_1980 {
        %add3A_2566 = arith.constant 3 : i32
        %add3A_2567 = arith.addi %mul3A_1347, %add3A_2566 : i32
        %mul3A_2568 = arith.constant 8 : i32
        %mul3A_2569 = arith.muli %add3A_2567, %mul3A_2568 : i32
        %get3A_2570 = arith.index_cast %mul3A_2569 : i32 to index
        %get3A_2571 = tpu.vector_load %arg5[%get3A_2570] {strides = array<i32>} : memref<528xi32, #tpu.memory_space<vmem>>, vector<16xi32>,
        %slice3A_2572 = vector.extract_strided_slice %get3A_2571 {offsets = [0], sizes = [1], strides = [1]} : vector<16xi32> to vector<1xi32>
        %squeeze3A_2573 = vector.extract %slice3A_2572[0] : i32 from vector<1xi32>
        %jit3A_2574 = arith.constant 128 : i32
        %div3A_2575 = arith.divsi %squeeze3A_2573, %jit3A_2574 : i32
        %sign3A_2576 = arith.constant 0 : i32
        %sign3A_2577 = arith.cmpi sgt, %squeeze3A_2573, %sign3A_2576 : i32
        %sign3A_2578 = arith.extui %sign3A_2577 : i1 to i32
        %sign3A_2579 = arith.constant 0 : i32
        %sign3A_2580 = arith.cmpi slt, %squeeze3A_2573, %sign3A_2579 : i32
        %sign3A_2581 = arith.extui %sign3A_2580 : i1 to i32
        %sign3A_2582 = arith.subi %sign3A_2578, %sign3A_2581 : i32
        %sign3A_2583 = arith.constant 0 : i32
        %sign3A_2584 = arith.cmpi sgt, %jit3A_2574, %sign3A_2583 : i32
        %sign3A_2585 = arith.extui %sign3A_2584 : i1 to i32
        %sign3A_2586 = arith.constant 0 : i32
        %sign3A_2587 = arith.cmpi slt, %jit3A_2574, %sign3A_2586 : i32
        %sign3A_2588 = arith.extui %sign3A_2587 : i1 to i32
        %sign3A_2589 = arith.subi %sign3A_2585, %sign3A_2588 : i32
        %ne3A_2590 = arith.cmpi ne, %sign3A_2582, %sign3A_2589 : i32
        %rem3A_2591 = arith.remsi %squeeze3A_2573, %jit3A_2574 : i32
        %ne3A_2592 = arith.constant 0 : i32
        %ne3A_2593 = arith.cmpi ne, %rem3A_2591, %ne3A_2592 : i32
        %and3A_2594 = arith.andi %ne3A_2590, %ne3A_2593 : i1
        %sub3A_2595 = arith.constant 1 : i32
        %sub3A_2596 = arith.subi %div3A_2575, %sub3A_2595 : i32
        %select_n3A_2597 = arith.select %and3A_2594, %sub3A_2596, %div3A_2575 : i32
        %mul3A_2598 = arith.constant 128 : i32
        %mul3A_2599 = arith.muli %select_n3A_2597, %mul3A_2598 : i32
        %multiple_of3A_2600 = tpu.assume_multiple %mul3A_2599, 128 : i32
        %dma_start3A_2601 = arith.constant 0 : i32
        %dma_start3A_2602 = arith.constant 0 : i32
        %dma_start3A_2603 = arith.constant 0 : i32
        %dma_start3A_2604 = tpu.memref_slice %arg6[%dma_start3A_2601, %dma_start3A_2602, %dma_start3A_2603] : memref<8x32x128xf32, #tpu.memory_space<vmem>> -> memref<1x32x128xf32, #tpu.memory_space<vmem>>
        %dma_start3A_2605 = tpu.memref_squeeze %dma_start3A_2604 : memref<1x32x128xf32, #tpu.memory_space<vmem>> -> memref<32x128xf32, #tpu.memory_space<vmem>>
        %dma_start3A_2606 = arith.constant 0 : i32
        %dma_start3A_2607 = tpu.memref_slice %arg3[%dma_start3A_2606, %multiple_of3A_2600] : memref<32x1000000xf32, #tpu.memory_space<hbm>> -> memref<32x128xf32, #tpu.memory_space<hbm>>
        %dma_start3A_2608 = arith.constant 0 : i32
        %dma_start3A_2609 = arith.constant 0 : i32
        %dma_start3A_2610 = tpu.memref_slice %arg6[%dma_start3A_2601, %dma_start3A_2608, %dma_start3A_2609] : memref<8x32x128xf32, #tpu.memory_space<vmem>> -> memref<1x32x128xf32, #tpu.memory_space<vmem>>
        %dma_start3A_2611 = tpu.memref_squeeze %dma_start3A_2610 : memref<1x32x128xf32, #tpu.memory_space<vmem>> -> memref<32x128xf32, #tpu.memory_space<vmem>>
        %dma_start3A_2612 = arith.constant 0 : i32
        %dma_start3A_2613 = tpu.memref_slice %arg3[%dma_start3A_2612, %multiple_of3A_2600] : memref<32x1000000xf32, #tpu.memory_space<hbm>> -> memref<32x128xf32, #tpu.memory_space<hbm>>
        tpu.enqueue_dma source(%dma_start3A_2613 : memref<32x128xf32, #tpu.memory_space<hbm>>) target(%dma_start3A_2611 : memref<32x128xf32, #tpu.memory_space<vmem>>) target_semaphore(%arg10 : memref<!tpu.dma_semaphore, #tpu.memory_space<semaphore_mem>>)
        %slice3A_2614 = vector.extract_strided_slice %get3A_2571 {offsets = [1], sizes = [1], strides = [1]} : vector<16xi32> to vector<1xi32>
        %squeeze3A_2615 = vector.extract %slice3A_2614[0] : i32 from vector<1xi32>
        %jit3A_2616 = arith.constant 128 : i32
        %div3A_2617 = arith.divsi %squeeze3A_2615, %jit3A_2616 : i32
        %sign3A_2618 = arith.constant 0 : i32
        %sign3A_2619 = arith.cmpi sgt, %squeeze3A_2615, %sign3A_2618 : i32
        %sign3A_2620 = arith.extui %sign3A_2619 : i1 to i32
        %sign3A_2621 = arith.constant 0 : i32
        %sign3A_2622 = arith.cmpi slt, %squeeze3A_2615, %sign3A_2621 : i32
        %sign3A_2623 = arith.extui %sign3A_2622 : i1 to i32
        %sign3A_2624 = arith.subi %sign3A_2620, %sign3A_2623 : i32
        %sign3A_2625 = arith.constant 0 : i32
        %sign3A_2626 = arith.cmpi sgt, %jit3A_2616, %sign3A_2625 : i32
        %sign3A_2627 = arith.extui %sign3A_2626 : i1 to i32
        %sign3A_2628 = arith.constant 0 : i32
        %sign3A_2629 = arith.cmpi slt, %jit3A_2616, %sign3A_2628 : i32
        %sign3A_2630 = arith.extui %sign3A_2629 : i1 to i32
        %sign3A_2631 = arith.subi %sign3A_2627, %sign3A_2630 : i32
        %ne3A_2632 = arith.cmpi ne, %sign3A_2624, %sign3A_2631 : i32
        %rem3A_2633 = arith.remsi %squeeze3A_2615, %jit3A_2616 : i32
        %ne3A_2634 = arith.constant 0 : i32
        %ne3A_2635 = arith.cmpi ne, %rem3A_2633, %ne3A_2634 : i32
        %and3A_2636 = arith.andi %ne3A_2632, %ne3A_2635 : i1
        %sub3A_2637 = arith.constant 1 : i32
        %sub3A_2638 = arith.subi %div3A_2617, %sub3A_2637 : i32
        %select_n3A_2639 = arith.select %and3A_2636, %sub3A_2638, %div3A_2617 : i32
        %mul3A_2640 = arith.constant 128 : i32
        %mul3A_2641 = arith.muli %select_n3A_2639, %mul3A_2640 : i32
        %multiple_of3A_2642 = tpu.assume_multiple %mul3A_2641, 128 : i32
        %dma_start3A_2643 = arith.constant 1 : i32
        %dma_start3A_2644 = arith.constant 0 : i32
        %dma_start3A_2645 = arith.constant 0 : i32
        %dma_start3A_2646 = tpu.memref_slice %arg6[%dma_start3A_2643, %dma_start3A_2644, %dma_start3A_2645] : memref<8x32x128xf32, #tpu.memory_space<vmem>> -> memref<1x32x128xf32, #tpu.memory_space<vmem>>
        %dma_start3A_2647 = tpu.memref_squeeze %dma_start3A_2646 : memref<1x32x128xf32, #tpu.memory_space<vmem>> -> memref<32x128xf32, #tpu.memory_space<vmem>>
        %dma_start3A_2648 = arith.constant 0 : i32
        %dma_start3A_2649 = tpu.memref_slice %arg3[%dma_start3A_2648, %multiple_of3A_2642] : memref<32x1000000xf32, #tpu.memory_space<hbm>> -> memref<32x128xf32, #tpu.memory_space<hbm>>
        %dma_start3A_2650 = arith.constant 0 : i32
        %dma_start3A_2651 = arith.constant 0 : i32
        %dma_start3A_2652 = tpu.memref_slice %arg6[%dma_start3A_2643, %dma_start3A_2650, %dma_start3A_2651] : memref<8x32x128xf32, #tpu.memory_space<vmem>> -> memref<1x32x128xf32, #tpu.memory_space<vmem>>
        %dma_start3A_2653 = tpu.memref_squeeze %dma_start3A_2652 : memref<1x32x128xf32, #tpu.memory_space<vmem>> -> memref<32x128xf32, #tpu.memory_space<vmem>>
        %dma_start3A_2654 = arith.constant 0 : i32
        %dma_start3A_2655 = tpu.memref_slice %arg3[%dma_start3A_2654, %multiple_of3A_2642] : memref<32x1000000xf32, #tpu.memory_space<hbm>> -> memref<32x128xf32, #tpu.memory_space<hbm>>
        tpu.enqueue_dma source(%dma_start3A_2655 : memref<32x128xf32, #tpu.memory_space<hbm>>) target(%dma_start3A_2653 : memref<32x128xf32, #tpu.memory_space<vmem>>) target_semaphore(%arg10 : memref<!tpu.dma_semaphore, #tpu.memory_space<semaphore_mem>>)
        %slice3A_2656 = vector.extract_strided_slice %get3A_2571 {offsets = [2], sizes = [1], strides = [1]} : vector<16xi32> to vector<1xi32>
        %squeeze3A_2657 = vector.extract %slice3A_2656[0] : i32 from vector<1xi32>
        %jit3A_2658 = arith.constant 128 : i32
        %div3A_2659 = arith.divsi %squeeze3A_2657, %jit3A_2658 : i32
        %sign3A_2660 = arith.constant 0 : i32
        %sign3A_2661 = arith.cmpi sgt, %squeeze3A_2657, %sign3A_2660 : i32
        %sign3A_2662 = arith.extui %sign3A_2661 : i1 to i32
        %sign3A_2663 = arith.constant 0 : i32
        %sign3A_2664 = arith.cmpi slt, %squeeze3A_2657, %sign3A_2663 : i32
        %sign3A_2665 = arith.extui %sign3A_2664 : i1 to i32
        %sign3A_2666 = arith.subi %sign3A_2662, %sign3A_2665 : i32
        %sign3A_2667 = arith.constant 0 : i32
        %sign3A_2668 = arith.cmpi sgt, %jit3A_2658, %sign3A_2667 : i32
        %sign3A_2669 = arith.extui %sign3A_2668 : i1 to i32
        %sign3A_2670 = arith.constant 0 : i32
        %sign3A_2671 = arith.cmpi slt, %jit3A_2658, %sign3A_2670 : i32
        %sign3A_2672 = arith.extui %sign3A_2671 : i1 to i32
        %sign3A_2673 = arith.subi %sign3A_2669, %sign3A_2672 : i32
        %ne3A_2674 = arith.cmpi ne, %sign3A_2666, %sign3A_2673 : i32
        %rem3A_2675 = arith.remsi %squeeze3A_2657, %jit3A_2658 : i32
        %ne3A_2676 = arith.constant 0 : i32
        %ne3A_2677 = arith.cmpi ne, %rem3A_2675, %ne3A_2676 : i32
        %and3A_2678 = arith.andi %ne3A_2674, %ne3A_2677 : i1
        %sub3A_2679 = arith.constant 1 : i32
        %sub3A_2680 = arith.subi %div3A_2659, %sub3A_2679 : i32
        %select_n3A_2681 = arith.select %and3A_2678, %sub3A_2680, %div3A_2659 : i32
        %mul3A_2682 = arith.constant 128 : i32
        %mul3A_2683 = arith.muli %select_n3A_2681, %mul3A_2682 : i32
        %multiple_of3A_2684 = tpu.assume_multiple %mul3A_2683, 128 : i32
        %dma_start3A_2685 = arith.constant 2 : i32
        %dma_start3A_2686 = arith.constant 0 : i32
        %dma_start3A_2687 = arith.constant 0 : i32
        %dma_start3A_2688 = tpu.memref_slice %arg6[%dma_start3A_2685, %dma_start3A_2686, %dma_start3A_2687] : memref<8x32x128xf32, #tpu.memory_space<vmem>> -> memref<1x32x128xf32, #tpu.memory_space<vmem>>
        %dma_start3A_2689 = tpu.memref_squeeze %dma_start3A_2688 : memref<1x32x128xf32, #tpu.memory_space<vmem>> -> memref<32x128xf32, #tpu.memory_space<vmem>>
        %dma_start3A_2690 = arith.constant 0 : i32
        %dma_start3A_2691 = tpu.memref_slice %arg3[%dma_start3A_2690, %multiple_of3A_2684] : memref<32x1000000xf32, #tpu.memory_space<hbm>> -> memref<32x128xf32, #tpu.memory_space<hbm>>
        %dma_start3A_2692 = arith.constant 0 : i32
        %dma_start3A_2693 = arith.constant 0 : i32
        %dma_start3A_2694 = tpu.memref_slice %arg6[%dma_start3A_2685, %dma_start3A_2692, %dma_start3A_2693] : memref<8x32x128xf32, #tpu.memory_space<vmem>> -> memref<1x32x128xf32, #tpu.memory_space<vmem>>
        %dma_start3A_2695 = tpu.memref_squeeze %dma_start3A_2694 : memref<1x32x128xf32, #tpu.memory_space<vmem>> -> memref<32x128xf32, #tpu.memory_space<vmem>>
        %dma_start3A_2696 = arith.constant 0 : i32
        %dma_start3A_2697 = tpu.memref_slice %arg3[%dma_start3A_2696, %multiple_of3A_2684] : memref<32x1000000xf32, #tpu.memory_space<hbm>> -> memref<32x128xf32, #tpu.memory_space<hbm>>
        tpu.enqueue_dma source(%dma_start3A_2697 : memref<32x128xf32, #tpu.memory_space<hbm>>) target(%dma_start3A_2695 : memref<32x128xf32, #tpu.memory_space<vmem>>) target_semaphore(%arg10 : memref<!tpu.dma_semaphore, #tpu.memory_space<semaphore_mem>>)
        %slice3A_2698 = vector.extract_strided_slice %get3A_2571 {offsets = [3], sizes = [1], strides = [1]} : vector<16xi32> to vector<1xi32>
        %squeeze3A_2699 = vector.extract %slice3A_2698[0] : i32 from vector<1xi32>
        %jit3A_2700 = arith.constant 128 : i32
        %div3A_2701 = arith.divsi %squeeze3A_2699, %jit3A_2700 : i32
        %sign3A_2702 = arith.constant 0 : i32
        %sign3A_2703 = arith.cmpi sgt, %squeeze3A_2699, %sign3A_2702 : i32
        %sign3A_2704 = arith.extui %sign3A_2703 : i1 to i32
        %sign3A_2705 = arith.constant 0 : i32
        %sign3A_2706 = arith.cmpi slt, %squeeze3A_2699, %sign3A_2705 : i32
        %sign3A_2707 = arith.extui %sign3A_2706 : i1 to i32
        %sign3A_2708 = arith.subi %sign3A_2704, %sign3A_2707 : i32
        %sign3A_2709 = arith.constant 0 : i32
        %sign3A_2710 = arith.cmpi sgt, %jit3A_2700, %sign3A_2709 : i32
        %sign3A_2711 = arith.extui %sign3A_2710 : i1 to i32
        %sign3A_2712 = arith.constant 0 : i32
        %sign3A_2713 = arith.cmpi slt, %jit3A_2700, %sign3A_2712 : i32
        %sign3A_2714 = arith.extui %sign3A_2713 : i1 to i32
        %sign3A_2715 = arith.subi %sign3A_2711, %sign3A_2714 : i32
        %ne3A_2716 = arith.cmpi ne, %sign3A_2708, %sign3A_2715 : i32
        %rem3A_2717 = arith.remsi %squeeze3A_2699, %jit3A_2700 : i32
        %ne3A_2718 = arith.constant 0 : i32
        %ne3A_2719 = arith.cmpi ne, %rem3A_2717, %ne3A_2718 : i32
        %and3A_2720 = arith.andi %ne3A_2716, %ne3A_2719 : i1
        %sub3A_2721 = arith.constant 1 : i32
        %sub3A_2722 = arith.subi %div3A_2701, %sub3A_2721 : i32
        %select_n3A_2723 = arith.select %and3A_2720, %sub3A_2722, %div3A_2701 : i32
        %mul3A_2724 = arith.constant 128 : i32
        %mul3A_2725 = arith.muli %select_n3A_2723, %mul3A_2724 : i32
        %multiple_of3A_2726 = tpu.assume_multiple %mul3A_2725, 128 : i32
        %dma_start3A_2727 = arith.constant 3 : i32
        %dma_start3A_2728 = arith.constant 0 : i32
        %dma_start3A_2729 = arith.constant 0 : i32
        %dma_start3A_2730 = tpu.memref_slice %arg6[%dma_start3A_2727, %dma_start3A_2728, %dma_start3A_2729] : memref<8x32x128xf32, #tpu.memory_space<vmem>> -> memref<1x32x128xf32, #tpu.memory_space<vmem>>
        %dma_start3A_2731 = tpu.memref_squeeze %dma_start3A_2730 : memref<1x32x128xf32, #tpu.memory_space<vmem>> -> memref<32x128xf32, #tpu.memory_space<vmem>>
        %dma_start3A_2732 = arith.constant 0 : i32
        %dma_start3A_2733 = tpu.memref_slice %arg3[%dma_start3A_2732, %multiple_of3A_2726] : memref<32x1000000xf32, #tpu.memory_space<hbm>> -> memref<32x128xf32, #tpu.memory_space<hbm>>
        %dma_start3A_2734 = arith.constant 0 : i32
        %dma_start3A_2735 = arith.constant 0 : i32
        %dma_start3A_2736 = tpu.memref_slice %arg6[%dma_start3A_2727, %dma_start3A_2734, %dma_start3A_2735] : memref<8x32x128xf32, #tpu.memory_space<vmem>> -> memref<1x32x128xf32, #tpu.memory_space<vmem>>
        %dma_start3A_2737 = tpu.memref_squeeze %dma_start3A_2736 : memref<1x32x128xf32, #tpu.memory_space<vmem>> -> memref<32x128xf32, #tpu.memory_space<vmem>>
        %dma_start3A_2738 = arith.constant 0 : i32
        %dma_start3A_2739 = tpu.memref_slice %arg3[%dma_start3A_2738, %multiple_of3A_2726] : memref<32x1000000xf32, #tpu.memory_space<hbm>> -> memref<32x128xf32, #tpu.memory_space<hbm>>
        tpu.enqueue_dma source(%dma_start3A_2739 : memref<32x128xf32, #tpu.memory_space<hbm>>) target(%dma_start3A_2737 : memref<32x128xf32, #tpu.memory_space<vmem>>) target_semaphore(%arg10 : memref<!tpu.dma_semaphore, #tpu.memory_space<semaphore_mem>>)
        %slice3A_2740 = vector.extract_strided_slice %get3A_2571 {offsets = [4], sizes = [1], strides = [1]} : vector<16xi32> to vector<1xi32>
        %squeeze3A_2741 = vector.extract %slice3A_2740[0] : i32 from vector<1xi32>
        %jit3A_2742 = arith.constant 128 : i32
        %div3A_2743 = arith.divsi %squeeze3A_2741, %jit3A_2742 : i32
        %sign3A_2744 = arith.constant 0 : i32
        %sign3A_2745 = arith.cmpi sgt, %squeeze3A_2741, %sign3A_2744 : i32
        %sign3A_2746 = arith.extui %sign3A_2745 : i1 to i32
        %sign3A_2747 = arith.constant 0 : i32
        %sign3A_2748 = arith.cmpi slt, %squeeze3A_2741, %sign3A_2747 : i32
        %sign3A_2749 = arith.extui %sign3A_2748 : i1 to i32
        %sign3A_2750 = arith.subi %sign3A_2746, %sign3A_2749 : i32
        %sign3A_2751 = arith.constant 0 : i32
        %sign3A_2752 = arith.cmpi sgt, %jit3A_2742, %sign3A_2751 : i32
        %sign3A_2753 = arith.extui %sign3A_2752 : i1 to i32
        %sign3A_2754 = arith.constant 0 : i32
        %sign3A_2755 = arith.cmpi slt, %jit3A_2742, %sign3A_2754 : i32
        %sign3A_2756 = arith.extui %sign3A_2755 : i1 to i32
        %sign3A_2757 = arith.subi %sign3A_2753, %sign3A_2756 : i32
        %ne3A_2758 = arith.cmpi ne, %sign3A_2750, %sign3A_2757 : i32
        %rem3A_2759 = arith.remsi %squeeze3A_2741, %jit3A_2742 : i32
        %ne3A_2760 = arith.constant 0 : i32
        %ne3A_2761 = arith.cmpi ne, %rem3A_2759, %ne3A_2760 : i32
        %and3A_2762 = arith.andi %ne3A_2758, %ne3A_2761 : i1
        %sub3A_2763 = arith.constant 1 : i32
        %sub3A_2764 = arith.subi %div3A_2743, %sub3A_2763 : i32
        %select_n3A_2765 = arith.select %and3A_2762, %sub3A_2764, %div3A_2743 : i32
        %mul3A_2766 = arith.constant 128 : i32
        %mul3A_2767 = arith.muli %select_n3A_2765, %mul3A_2766 : i32
        %multiple_of3A_2768 = tpu.assume_multiple %mul3A_2767, 128 : i32
        %dma_start3A_2769 = arith.constant 4 : i32
        %dma_start3A_2770 = arith.constant 0 : i32
        %dma_start3A_2771 = arith.constant 0 : i32
        %dma_start3A_2772 = tpu.memref_slice %arg6[%dma_start3A_2769, %dma_start3A_2770, %dma_start3A_2771] : memref<8x32x128xf32, #tpu.memory_space<vmem>> -> memref<1x32x128xf32, #tpu.memory_space<vmem>>
        %dma_start3A_2773 = tpu.memref_squeeze %dma_start3A_2772 : memref<1x32x128xf32, #tpu.memory_space<vmem>> -> memref<32x128xf32, #tpu.memory_space<vmem>>
        %dma_start3A_2774 = arith.constant 0 : i32
        %dma_start3A_2775 = tpu.memref_slice %arg3[%dma_start3A_2774, %multiple_of3A_2768] : memref<32x1000000xf32, #tpu.memory_space<hbm>> -> memref<32x128xf32, #tpu.memory_space<hbm>>
        %dma_start3A_2776 = arith.constant 0 : i32
        %dma_start3A_2777 = arith.constant 0 : i32
        %dma_start3A_2778 = tpu.memref_slice %arg6[%dma_start3A_2769, %dma_start3A_2776, %dma_start3A_2777] : memref<8x32x128xf32, #tpu.memory_space<vmem>> -> memref<1x32x128xf32, #tpu.memory_space<vmem>>
        %dma_start3A_2779 = tpu.memref_squeeze %dma_start3A_2778 : memref<1x32x128xf32, #tpu.memory_space<vmem>> -> memref<32x128xf32, #tpu.memory_space<vmem>>
        %dma_start3A_2780 = arith.constant 0 : i32
        %dma_start3A_2781 = tpu.memref_slice %arg3[%dma_start3A_2780, %multiple_of3A_2768] : memref<32x1000000xf32, #tpu.memory_space<hbm>> -> memref<32x128xf32, #tpu.memory_space<hbm>>
        tpu.enqueue_dma source(%dma_start3A_2781 : memref<32x128xf32, #tpu.memory_space<hbm>>) target(%dma_start3A_2779 : memref<32x128xf32, #tpu.memory_space<vmem>>) target_semaphore(%arg10 : memref<!tpu.dma_semaphore, #tpu.memory_space<semaphore_mem>>)
        %slice3A_2782 = vector.extract_strided_slice %get3A_2571 {offsets = [5], sizes = [1], strides = [1]} : vector<16xi32> to vector<1xi32>
        %squeeze3A_2783 = vector.extract %slice3A_2782[0] : i32 from vector<1xi32>
        %jit3A_2784 = arith.constant 128 : i32
        %div3A_2785 = arith.divsi %squeeze3A_2783, %jit3A_2784 : i32
        %sign3A_2786 = arith.constant 0 : i32
        %sign3A_2787 = arith.cmpi sgt, %squeeze3A_2783, %sign3A_2786 : i32
        %sign3A_2788 = arith.extui %sign3A_2787 : i1 to i32
        %sign3A_2789 = arith.constant 0 : i32
        %sign3A_2790 = arith.cmpi slt, %squeeze3A_2783, %sign3A_2789 : i32
        %sign3A_2791 = arith.extui %sign3A_2790 : i1 to i32
        %sign3A_2792 = arith.subi %sign3A_2788, %sign3A_2791 : i32
        %sign3A_2793 = arith.constant 0 : i32
        %sign3A_2794 = arith.cmpi sgt, %jit3A_2784, %sign3A_2793 : i32
        %sign3A_2795 = arith.extui %sign3A_2794 : i1 to i32
        %sign3A_2796 = arith.constant 0 : i32
        %sign3A_2797 = arith.cmpi slt, %jit3A_2784, %sign3A_2796 : i32
        %sign3A_2798 = arith.extui %sign3A_2797 : i1 to i32
        %sign3A_2799 = arith.subi %sign3A_2795, %sign3A_2798 : i32
        %ne3A_2800 = arith.cmpi ne, %sign3A_2792, %sign3A_2799 : i32
        %rem3A_2801 = arith.remsi %squeeze3A_2783, %jit3A_2784 : i32
        %ne3A_2802 = arith.constant 0 : i32
        %ne3A_2803 = arith.cmpi ne, %rem3A_2801, %ne3A_2802 : i32
        %and3A_2804 = arith.andi %ne3A_2800, %ne3A_2803 : i1
        %sub3A_2805 = arith.constant 1 : i32
        %sub3A_2806 = arith.subi %div3A_2785, %sub3A_2805 : i32
        %select_n3A_2807 = arith.select %and3A_2804, %sub3A_2806, %div3A_2785 : i32
        %mul3A_2808 = arith.constant 128 : i32
        %mul3A_2809 = arith.muli %select_n3A_2807, %mul3A_2808 : i32
        %multiple_of3A_2810 = tpu.assume_multiple %mul3A_2809, 128 : i32
        %dma_start3A_2811 = arith.constant 5 : i32
        %dma_start3A_2812 = arith.constant 0 : i32
        %dma_start3A_2813 = arith.constant 0 : i32
        %dma_start3A_2814 = tpu.memref_slice %arg6[%dma_start3A_2811, %dma_start3A_2812, %dma_start3A_2813] : memref<8x32x128xf32, #tpu.memory_space<vmem>> -> memref<1x32x128xf32, #tpu.memory_space<vmem>>
        %dma_start3A_2815 = tpu.memref_squeeze %dma_start3A_2814 : memref<1x32x128xf32, #tpu.memory_space<vmem>> -> memref<32x128xf32, #tpu.memory_space<vmem>>
        %dma_start3A_2816 = arith.constant 0 : i32
        %dma_start3A_2817 = tpu.memref_slice %arg3[%dma_start3A_2816, %multiple_of3A_2810] : memref<32x1000000xf32, #tpu.memory_space<hbm>> -> memref<32x128xf32, #tpu.memory_space<hbm>>
        %dma_start3A_2818 = arith.constant 0 : i32
        %dma_start3A_2819 = arith.constant 0 : i32
        %dma_start3A_2820 = tpu.memref_slice %arg6[%dma_start3A_2811, %dma_start3A_2818, %dma_start3A_2819] : memref<8x32x128xf32, #tpu.memory_space<vmem>> -> memref<1x32x128xf32, #tpu.memory_space<vmem>>
        %dma_start3A_2821 = tpu.memref_squeeze %dma_start3A_2820 : memref<1x32x128xf32, #tpu.memory_space<vmem>> -> memref<32x128xf32, #tpu.memory_space<vmem>>
        %dma_start3A_2822 = arith.constant 0 : i32
        %dma_start3A_2823 = tpu.memref_slice %arg3[%dma_start3A_2822, %multiple_of3A_2810] : memref<32x1000000xf32, #tpu.memory_space<hbm>> -> memref<32x128xf32, #tpu.memory_space<hbm>>
        tpu.enqueue_dma source(%dma_start3A_2823 : memref<32x128xf32, #tpu.memory_space<hbm>>) target(%dma_start3A_2821 : memref<32x128xf32, #tpu.memory_space<vmem>>) target_semaphore(%arg10 : memref<!tpu.dma_semaphore, #tpu.memory_space<semaphore_mem>>)
        %slice3A_2824 = vector.extract_strided_slice %get3A_2571 {offsets = [6], sizes = [1], strides = [1]} : vector<16xi32> to vector<1xi32>
        %squeeze3A_2825 = vector.extract %slice3A_2824[0] : i32 from vector<1xi32>
        %jit3A_2826 = arith.constant 128 : i32
        %div3A_2827 = arith.divsi %squeeze3A_2825, %jit3A_2826 : i32
        %sign3A_2828 = arith.constant 0 : i32
        %sign3A_2829 = arith.cmpi sgt, %squeeze3A_2825, %sign3A_2828 : i32
        %sign3A_2830 = arith.extui %sign3A_2829 : i1 to i32
        %sign3A_2831 = arith.constant 0 : i32
        %sign3A_2832 = arith.cmpi slt, %squeeze3A_2825, %sign3A_2831 : i32
        %sign3A_2833 = arith.extui %sign3A_2832 : i1 to i32
        %sign3A_2834 = arith.subi %sign3A_2830, %sign3A_2833 : i32
        %sign3A_2835 = arith.constant 0 : i32
        %sign3A_2836 = arith.cmpi sgt, %jit3A_2826, %sign3A_2835 : i32
        %sign3A_2837 = arith.extui %sign3A_2836 : i1 to i32
        %sign3A_2838 = arith.constant 0 : i32
        %sign3A_2839 = arith.cmpi slt, %jit3A_2826, %sign3A_2838 : i32
        %sign3A_2840 = arith.extui %sign3A_2839 : i1 to i32
        %sign3A_2841 = arith.subi %sign3A_2837, %sign3A_2840 : i32
        %ne3A_2842 = arith.cmpi ne, %sign3A_2834, %sign3A_2841 : i32
        %rem3A_2843 = arith.remsi %squeeze3A_2825, %jit3A_2826 : i32
        %ne3A_2844 = arith.constant 0 : i32
        %ne3A_2845 = arith.cmpi ne, %rem3A_2843, %ne3A_2844 : i32
        %and3A_2846 = arith.andi %ne3A_2842, %ne3A_2845 : i1
        %sub3A_2847 = arith.constant 1 : i32
        %sub3A_2848 = arith.subi %div3A_2827, %sub3A_2847 : i32
        %select_n3A_2849 = arith.select %and3A_2846, %sub3A_2848, %div3A_2827 : i32
        %mul3A_2850 = arith.constant 128 : i32
        %mul3A_2851 = arith.muli %select_n3A_2849, %mul3A_2850 : i32
        %multiple_of3A_2852 = tpu.assume_multiple %mul3A_2851, 128 : i32
        %dma_start3A_2853 = arith.constant 6 : i32
        %dma_start3A_2854 = arith.constant 0 : i32
        %dma_start3A_2855 = arith.constant 0 : i32
        %dma_start3A_2856 = tpu.memref_slice %arg6[%dma_start3A_2853, %dma_start3A_2854, %dma_start3A_2855] : memref<8x32x128xf32, #tpu.memory_space<vmem>> -> memref<1x32x128xf32, #tpu.memory_space<vmem>>
        %dma_start3A_2857 = tpu.memref_squeeze %dma_start3A_2856 : memref<1x32x128xf32, #tpu.memory_space<vmem>> -> memref<32x128xf32, #tpu.memory_space<vmem>>
        %dma_start3A_2858 = arith.constant 0 : i32
        %dma_start3A_2859 = tpu.memref_slice %arg3[%dma_start3A_2858, %multiple_of3A_2852] : memref<32x1000000xf32, #tpu.memory_space<hbm>> -> memref<32x128xf32, #tpu.memory_space<hbm>>
        %dma_start3A_2860 = arith.constant 0 : i32
        %dma_start3A_2861 = arith.constant 0 : i32
        %dma_start3A_2862 = tpu.memref_slice %arg6[%dma_start3A_2853, %dma_start3A_2860, %dma_start3A_2861] : memref<8x32x128xf32, #tpu.memory_space<vmem>> -> memref<1x32x128xf32, #tpu.memory_space<vmem>>
        %dma_start3A_2863 = tpu.memref_squeeze %dma_start3A_2862 : memref<1x32x128xf32, #tpu.memory_space<vmem>> -> memref<32x128xf32, #tpu.memory_space<vmem>>
        %dma_start3A_2864 = arith.constant 0 : i32
        %dma_start3A_2865 = tpu.memref_slice %arg3[%dma_start3A_2864, %multiple_of3A_2852] : memref<32x1000000xf32, #tpu.memory_space<hbm>> -> memref<32x128xf32, #tpu.memory_space<hbm>>
        tpu.enqueue_dma source(%dma_start3A_2865 : memref<32x128xf32, #tpu.memory_space<hbm>>) target(%dma_start3A_2863 : memref<32x128xf32, #tpu.memory_space<vmem>>) target_semaphore(%arg10 : memref<!tpu.dma_semaphore, #tpu.memory_space<semaphore_mem>>)
        %slice3A_2866 = vector.extract_strided_slice %get3A_2571 {offsets = [7], sizes = [1], strides = [1]} : vector<16xi32> to vector<1xi32>
        %squeeze3A_2867 = vector.extract %slice3A_2866[0] : i32 from vector<1xi32>
        %jit3A_2868 = arith.constant 128 : i32
        %div3A_2869 = arith.divsi %squeeze3A_2867, %jit3A_2868 : i32
        %sign3A_2870 = arith.constant 0 : i32
        %sign3A_2871 = arith.cmpi sgt, %squeeze3A_2867, %sign3A_2870 : i32
        %sign3A_2872 = arith.extui %sign3A_2871 : i1 to i32
        %sign3A_2873 = arith.constant 0 : i32
        %sign3A_2874 = arith.cmpi slt, %squeeze3A_2867, %sign3A_2873 : i32
        %sign3A_2875 = arith.extui %sign3A_2874 : i1 to i32
        %sign3A_2876 = arith.subi %sign3A_2872, %sign3A_2875 : i32
        %sign3A_2877 = arith.constant 0 : i32
        %sign3A_2878 = arith.cmpi sgt, %jit3A_2868, %sign3A_2877 : i32
        %sign3A_2879 = arith.extui %sign3A_2878 : i1 to i32
        %sign3A_2880 = arith.constant 0 : i32
        %sign3A_2881 = arith.cmpi slt, %jit3A_2868, %sign3A_2880 : i32
        %sign3A_2882 = arith.extui %sign3A_2881 : i1 to i32
        %sign3A_2883 = arith.subi %sign3A_2879, %sign3A_2882 : i32
        %ne3A_2884 = arith.cmpi ne, %sign3A_2876, %sign3A_2883 : i32
        %rem3A_2885 = arith.remsi %squeeze3A_2867, %jit3A_2868 : i32
        %ne3A_2886 = arith.constant 0 : i32
        %ne3A_2887 = arith.cmpi ne, %rem3A_2885, %ne3A_2886 : i32
        %and3A_2888 = arith.andi %ne3A_2884, %ne3A_2887 : i1
        %sub3A_2889 = arith.constant 1 : i32
        %sub3A_2890 = arith.subi %div3A_2869, %sub3A_2889 : i32
        %select_n3A_2891 = arith.select %and3A_2888, %sub3A_2890, %div3A_2869 : i32
        %mul3A_2892 = arith.constant 128 : i32
        %mul3A_2893 = arith.muli %select_n3A_2891, %mul3A_2892 : i32
        %multiple_of3A_2894 = tpu.assume_multiple %mul3A_2893, 128 : i32
        %dma_start3A_2895 = arith.constant 7 : i32
        %dma_start3A_2896 = arith.constant 0 : i32
        %dma_start3A_2897 = arith.constant 0 : i32
        %dma_start3A_2898 = tpu.memref_slice %arg6[%dma_start3A_2895, %dma_start3A_2896, %dma_start3A_2897] : memref<8x32x128xf32, #tpu.memory_space<vmem>> -> memref<1x32x128xf32, #tpu.memory_space<vmem>>
        %dma_start3A_2899 = tpu.memref_squeeze %dma_start3A_2898 : memref<1x32x128xf32, #tpu.memory_space<vmem>> -> memref<32x128xf32, #tpu.memory_space<vmem>>
        %dma_start3A_2900 = arith.constant 0 : i32
        %dma_start3A_2901 = tpu.memref_slice %arg3[%dma_start3A_2900, %multiple_of3A_2894] : memref<32x1000000xf32, #tpu.memory_space<hbm>> -> memref<32x128xf32, #tpu.memory_space<hbm>>
        %dma_start3A_2902 = arith.constant 0 : i32
        %dma_start3A_2903 = arith.constant 0 : i32
        %dma_start3A_2904 = tpu.memref_slice %arg6[%dma_start3A_2895, %dma_start3A_2902, %dma_start3A_2903] : memref<8x32x128xf32, #tpu.memory_space<vmem>> -> memref<1x32x128xf32, #tpu.memory_space<vmem>>
        %dma_start3A_2905 = tpu.memref_squeeze %dma_start3A_2904 : memref<1x32x128xf32, #tpu.memory_space<vmem>> -> memref<32x128xf32, #tpu.memory_space<vmem>>
        %dma_start3A_2906 = arith.constant 0 : i32
        %dma_start3A_2907 = tpu.memref_slice %arg3[%dma_start3A_2906, %multiple_of3A_2894] : memref<32x1000000xf32, #tpu.memory_space<hbm>> -> memref<32x128xf32, #tpu.memory_space<hbm>>
        tpu.enqueue_dma source(%dma_start3A_2907 : memref<32x128xf32, #tpu.memory_space<hbm>>) target(%dma_start3A_2905 : memref<32x128xf32, #tpu.memory_space<vmem>>) target_semaphore(%arg10 : memref<!tpu.dma_semaphore, #tpu.memory_space<semaphore_mem>>)
      } else {
      }
      %dma_wait3A_1981 = arith.constant 0 : i32
      %dma_wait3A_1982 = arith.constant 0 : i32
      %dma_wait3A_1983 = arith.constant 0 : i32
      %dma_wait3A_1984 = tpu.memref_slice %arg7[%dma_wait3A_1981, %dma_wait3A_1982, %dma_wait3A_1983] : memref<8x32x128xf32, #tpu.memory_space<vmem>> -> memref<1x32x128xf32, #tpu.memory_space<vmem>>
      %dma_wait3A_1985 = tpu.memref_squeeze %dma_wait3A_1984 : memref<1x32x128xf32, #tpu.memory_space<vmem>> -> memref<32x128xf32, #tpu.memory_space<vmem>>
      %dma_wait3A_1986 = arith.constant 0 : i32
      %dma_wait3A_1987 = arith.constant 0 : i32
      %dma_wait3A_1988 = tpu.memref_slice %arg3[%dma_wait3A_1986, %dma_wait3A_1987] : memref<32x1000000xf32, #tpu.memory_space<hbm>> -> memref<32x128xf32, #tpu.memory_space<hbm>>
      %dma_wait3A_1989 = arith.constant 0 : i32
      %dma_wait3A_1990 = arith.constant 0 : i32
      %dma_wait3A_1991 = tpu.memref_slice %arg7[%dma_wait3A_1981, %dma_wait3A_1989, %dma_wait3A_1990] : memref<8x32x128xf32, #tpu.memory_space<vmem>> -> memref<1x32x128xf32, #tpu.memory_space<vmem>>
      %dma_wait3A_1992 = tpu.memref_squeeze %dma_wait3A_1991 : memref<1x32x128xf32, #tpu.memory_space<vmem>> -> memref<32x128xf32, #tpu.memory_space<vmem>>
      %dma_wait3A_1993 = arith.constant 0 : i32
      %dma_wait3A_1994 = arith.constant 0 : i32
      %dma_wait3A_1995 = tpu.memref_slice %arg3[%dma_wait3A_1993, %dma_wait3A_1994] : memref<32x1000000xf32, #tpu.memory_space<hbm>> -> memref<32x128xf32, #tpu.memory_space<hbm>>
      tpu.wait_dma2 semaphore(%arg11 : memref<!tpu.dma_semaphore, #tpu.memory_space<semaphore_mem>>) src(%dma_wait3A_1995 : memref<32x128xf32, #tpu.memory_space<hbm>>) dst(%dma_wait3A_1992 : memref<32x128xf32, #tpu.memory_space<vmem>>)
      %dma_wait3A_1996 = arith.constant 1 : i32
      %dma_wait3A_1997 = arith.constant 0 : i32
      %dma_wait3A_1998 = arith.constant 0 : i32
      %dma_wait3A_1999 = tpu.memref_slice %arg7[%dma_wait3A_1996, %dma_wait3A_1997, %dma_wait3A_1998] : memref<8x32x128xf32, #tpu.memory_space<vmem>> -> memref<1x32x128xf32, #tpu.memory_space<vmem>>
      %dma_wait3A_2000 = tpu.memref_squeeze %dma_wait3A_1999 : memref<1x32x128xf32, #tpu.memory_space<vmem>> -> memref<32x128xf32, #tpu.memory_space<vmem>>
      %dma_wait3A_2001 = arith.constant 0 : i32
      %dma_wait3A_2002 = arith.constant 0 : i32
      %dma_wait3A_2003 = tpu.memref_slice %arg3[%dma_wait3A_2001, %dma_wait3A_2002] : memref<32x1000000xf32, #tpu.memory_space<hbm>> -> memref<32x128xf32, #tpu.memory_space<hbm>>
      %dma_wait3A_2004 = arith.constant 0 : i32
      %dma_wait3A_2005 = arith.constant 0 : i32
      %dma_wait3A_2006 = tpu.memref_slice %arg7[%dma_wait3A_1996, %dma_wait3A_2004, %dma_wait3A_2005] : memref<8x32x128xf32, #tpu.memory_space<vmem>> -> memref<1x32x128xf32, #tpu.memory_space<vmem>>
      %dma_wait3A_2007 = tpu.memref_squeeze %dma_wait3A_2006 : memref<1x32x128xf32, #tpu.memory_space<vmem>> -> memref<32x128xf32, #tpu.memory_space<vmem>>
      %dma_wait3A_2008 = arith.constant 0 : i32
      %dma_wait3A_2009 = arith.constant 0 : i32
      %dma_wait3A_2010 = tpu.memref_slice %arg3[%dma_wait3A_2008, %dma_wait3A_2009] : memref<32x1000000xf32, #tpu.memory_space<hbm>> -> memref<32x128xf32, #tpu.memory_space<hbm>>
      tpu.wait_dma2 semaphore(%arg11 : memref<!tpu.dma_semaphore, #tpu.memory_space<semaphore_mem>>) src(%dma_wait3A_2010 : memref<32x128xf32, #tpu.memory_space<hbm>>) dst(%dma_wait3A_2007 : memref<32x128xf32, #tpu.memory_space<vmem>>)
      %dma_wait3A_2011 = arith.constant 2 : i32
      %dma_wait3A_2012 = arith.constant 0 : i32
      %dma_wait3A_2013 = arith.constant 0 : i32
      %dma_wait3A_2014 = tpu.memref_slice %arg7[%dma_wait3A_2011, %dma_wait3A_2012, %dma_wait3A_2013] : memref<8x32x128xf32, #tpu.memory_space<vmem>> -> memref<1x32x128xf32, #tpu.memory_space<vmem>>
      %dma_wait3A_2015 = tpu.memref_squeeze %dma_wait3A_2014 : memref<1x32x128xf32, #tpu.memory_space<vmem>> -> memref<32x128xf32, #tpu.memory_space<vmem>>
      %dma_wait3A_2016 = arith.constant 0 : i32
      %dma_wait3A_2017 = arith.constant 0 : i32
      %dma_wait3A_2018 = tpu.memref_slice %arg3[%dma_wait3A_2016, %dma_wait3A_2017] : memref<32x1000000xf32, #tpu.memory_space<hbm>> -> memref<32x128xf32, #tpu.memory_space<hbm>>
      %dma_wait3A_2019 = arith.constant 0 : i32
      %dma_wait3A_2020 = arith.constant 0 : i32
      %dma_wait3A_2021 = tpu.memref_slice %arg7[%dma_wait3A_2011, %dma_wait3A_2019, %dma_wait3A_2020] : memref<8x32x128xf32, #tpu.memory_space<vmem>> -> memref<1x32x128xf32, #tpu.memory_space<vmem>>
      %dma_wait3A_2022 = tpu.memref_squeeze %dma_wait3A_2021 : memref<1x32x128xf32, #tpu.memory_space<vmem>> -> memref<32x128xf32, #tpu.memory_space<vmem>>
      %dma_wait3A_2023 = arith.constant 0 : i32
      %dma_wait3A_2024 = arith.constant 0 : i32
      %dma_wait3A_2025 = tpu.memref_slice %arg3[%dma_wait3A_2023, %dma_wait3A_2024] : memref<32x1000000xf32, #tpu.memory_space<hbm>> -> memref<32x128xf32, #tpu.memory_space<hbm>>
      tpu.wait_dma2 semaphore(%arg11 : memref<!tpu.dma_semaphore, #tpu.memory_space<semaphore_mem>>) src(%dma_wait3A_2025 : memref<32x128xf32, #tpu.memory_space<hbm>>) dst(%dma_wait3A_2022 : memref<32x128xf32, #tpu.memory_space<vmem>>)
      %dma_wait3A_2026 = arith.constant 3 : i32
      %dma_wait3A_2027 = arith.constant 0 : i32
      %dma_wait3A_2028 = arith.constant 0 : i32
      %dma_wait3A_2029 = tpu.memref_slice %arg7[%dma_wait3A_2026, %dma_wait3A_2027, %dma_wait3A_2028] : memref<8x32x128xf32, #tpu.memory_space<vmem>> -> memref<1x32x128xf32, #tpu.memory_space<vmem>>
      %dma_wait3A_2030 = tpu.memref_squeeze %dma_wait3A_2029 : memref<1x32x128xf32, #tpu.memory_space<vmem>> -> memref<32x128xf32, #tpu.memory_space<vmem>>
      %dma_wait3A_2031 = arith.constant 0 : i32
      %dma_wait3A_2032 = arith.constant 0 : i32
      %dma_wait3A_2033 = tpu.memref_slice %arg3[%dma_wait3A_2031, %dma_wait3A_2032] : memref<32x1000000xf32, #tpu.memory_space<hbm>> -> memref<32x128xf32, #tpu.memory_space<hbm>>
      %dma_wait3A_2034 = arith.constant 0 : i32
      %dma_wait3A_2035 = arith.constant 0 : i32
      %dma_wait3A_2036 = tpu.memref_slice %arg7[%dma_wait3A_2026, %dma_wait3A_2034, %dma_wait3A_2035] : memref<8x32x128xf32, #tpu.memory_space<vmem>> -> memref<1x32x128xf32, #tpu.memory_space<vmem>>
      %dma_wait3A_2037 = tpu.memref_squeeze %dma_wait3A_2036 : memref<1x32x128xf32, #tpu.memory_space<vmem>> -> memref<32x128xf32, #tpu.memory_space<vmem>>
      %dma_wait3A_2038 = arith.constant 0 : i32
      %dma_wait3A_2039 = arith.constant 0 : i32
      %dma_wait3A_2040 = tpu.memref_slice %arg3[%dma_wait3A_2038, %dma_wait3A_2039] : memref<32x1000000xf32, #tpu.memory_space<hbm>> -> memref<32x128xf32, #tpu.memory_space<hbm>>
      tpu.wait_dma2 semaphore(%arg11 : memref<!tpu.dma_semaphore, #tpu.memory_space<semaphore_mem>>) src(%dma_wait3A_2040 : memref<32x128xf32, #tpu.memory_space<hbm>>) dst(%dma_wait3A_2037 : memref<32x128xf32, #tpu.memory_space<vmem>>)
      %dma_wait3A_2041 = arith.constant 4 : i32
      %dma_wait3A_2042 = arith.constant 0 : i32
      %dma_wait3A_2043 = arith.constant 0 : i32
      %dma_wait3A_2044 = tpu.memref_slice %arg7[%dma_wait3A_2041, %dma_wait3A_2042, %dma_wait3A_2043] : memref<8x32x128xf32, #tpu.memory_space<vmem>> -> memref<1x32x128xf32, #tpu.memory_space<vmem>>
      %dma_wait3A_2045 = tpu.memref_squeeze %dma_wait3A_2044 : memref<1x32x128xf32, #tpu.memory_space<vmem>> -> memref<32x128xf32, #tpu.memory_space<vmem>>
      %dma_wait3A_2046 = arith.constant 0 : i32
      %dma_wait3A_2047 = arith.constant 0 : i32
      %dma_wait3A_2048 = tpu.memref_slice %arg3[%dma_wait3A_2046, %dma_wait3A_2047] : memref<32x1000000xf32, #tpu.memory_space<hbm>> -> memref<32x128xf32, #tpu.memory_space<hbm>>
      %dma_wait3A_2049 = arith.constant 0 : i32
      %dma_wait3A_2050 = arith.constant 0 : i32
      %dma_wait3A_2051 = tpu.memref_slice %arg7[%dma_wait3A_2041, %dma_wait3A_2049, %dma_wait3A_2050] : memref<8x32x128xf32, #tpu.memory_space<vmem>> -> memref<1x32x128xf32, #tpu.memory_space<vmem>>
      %dma_wait3A_2052 = tpu.memref_squeeze %dma_wait3A_2051 : memref<1x32x128xf32, #tpu.memory_space<vmem>> -> memref<32x128xf32, #tpu.memory_space<vmem>>
      %dma_wait3A_2053 = arith.constant 0 : i32
      %dma_wait3A_2054 = arith.constant 0 : i32
      %dma_wait3A_2055 = tpu.memref_slice %arg3[%dma_wait3A_2053, %dma_wait3A_2054] : memref<32x1000000xf32, #tpu.memory_space<hbm>> -> memref<32x128xf32, #tpu.memory_space<hbm>>
      tpu.wait_dma2 semaphore(%arg11 : memref<!tpu.dma_semaphore, #tpu.memory_space<semaphore_mem>>) src(%dma_wait3A_2055 : memref<32x128xf32, #tpu.memory_space<hbm>>) dst(%dma_wait3A_2052 : memref<32x128xf32, #tpu.memory_space<vmem>>)
      %dma_wait3A_2056 = arith.constant 5 : i32
      %dma_wait3A_2057 = arith.constant 0 : i32
      %dma_wait3A_2058 = arith.constant 0 : i32
      %dma_wait3A_2059 = tpu.memref_slice %arg7[%dma_wait3A_2056, %dma_wait3A_2057, %dma_wait3A_2058] : memref<8x32x128xf32, #tpu.memory_space<vmem>> -> memref<1x32x128xf32, #tpu.memory_space<vmem>>
      %dma_wait3A_2060 = tpu.memref_squeeze %dma_wait3A_2059 : memref<1x32x128xf32, #tpu.memory_space<vmem>> -> memref<32x128xf32, #tpu.memory_space<vmem>>
      %dma_wait3A_2061 = arith.constant 0 : i32
      %dma_wait3A_2062 = arith.constant 0 : i32
      %dma_wait3A_2063 = tpu.memref_slice %arg3[%dma_wait3A_2061, %dma_wait3A_2062] : memref<32x1000000xf32, #tpu.memory_space<hbm>> -> memref<32x128xf32, #tpu.memory_space<hbm>>
      %dma_wait3A_2064 = arith.constant 0 : i32
      %dma_wait3A_2065 = arith.constant 0 : i32
      %dma_wait3A_2066 = tpu.memref_slice %arg7[%dma_wait3A_2056, %dma_wait3A_2064, %dma_wait3A_2065] : memref<8x32x128xf32, #tpu.memory_space<vmem>> -> memref<1x32x128xf32, #tpu.memory_space<vmem>>
      %dma_wait3A_2067 = tpu.memref_squeeze %dma_wait3A_2066 : memref<1x32x128xf32, #tpu.memory_space<vmem>> -> memref<32x128xf32, #tpu.memory_space<vmem>>
      %dma_wait3A_2068 = arith.constant 0 : i32
      %dma_wait3A_2069 = arith.constant 0 : i32
      %dma_wait3A_2070 = tpu.memref_slice %arg3[%dma_wait3A_2068, %dma_wait3A_2069] : memref<32x1000000xf32, #tpu.memory_space<hbm>> -> memref<32x128xf32, #tpu.memory_space<hbm>>
      tpu.wait_dma2 semaphore(%arg11 : memref<!tpu.dma_semaphore, #tpu.memory_space<semaphore_mem>>) src(%dma_wait3A_2070 : memref<32x128xf32, #tpu.memory_space<hbm>>) dst(%dma_wait3A_2067 : memref<32x128xf32, #tpu.memory_space<vmem>>)
      %dma_wait3A_2071 = arith.constant 6 : i32
      %dma_wait3A_2072 = arith.constant 0 : i32
      %dma_wait3A_2073 = arith.constant 0 : i32
      %dma_wait3A_2074 = tpu.memref_slice %arg7[%dma_wait3A_2071, %dma_wait3A_2072, %dma_wait3A_2073] : memref<8x32x128xf32, #tpu.memory_space<vmem>> -> memref<1x32x128xf32, #tpu.memory_space<vmem>>
      %dma_wait3A_2075 = tpu.memref_squeeze %dma_wait3A_2074 : memref<1x32x128xf32, #tpu.memory_space<vmem>> -> memref<32x128xf32, #tpu.memory_space<vmem>>
      %dma_wait3A_2076 = arith.constant 0 : i32
      %dma_wait3A_2077 = arith.constant 0 : i32
      %dma_wait3A_2078 = tpu.memref_slice %arg3[%dma_wait3A_2076, %dma_wait3A_2077] : memref<32x1000000xf32, #tpu.memory_space<hbm>> -> memref<32x128xf32, #tpu.memory_space<hbm>>
      %dma_wait3A_2079 = arith.constant 0 : i32
      %dma_wait3A_2080 = arith.constant 0 : i32
      %dma_wait3A_2081 = tpu.memref_slice %arg7[%dma_wait3A_2071, %dma_wait3A_2079, %dma_wait3A_2080] : memref<8x32x128xf32, #tpu.memory_space<vmem>> -> memref<1x32x128xf32, #tpu.memory_space<vmem>>
      %dma_wait3A_2082 = tpu.memref_squeeze %dma_wait3A_2081 : memref<1x32x128xf32, #tpu.memory_space<vmem>> -> memref<32x128xf32, #tpu.memory_space<vmem>>
      %dma_wait3A_2083 = arith.constant 0 : i32
      %dma_wait3A_2084 = arith.constant 0 : i32
      %dma_wait3A_2085 = tpu.memref_slice %arg3[%dma_wait3A_2083, %dma_wait3A_2084] : memref<32x1000000xf32, #tpu.memory_space<hbm>> -> memref<32x128xf32, #tpu.memory_space<hbm>>
      tpu.wait_dma2 semaphore(%arg11 : memref<!tpu.dma_semaphore, #tpu.memory_space<semaphore_mem>>) src(%dma_wait3A_2085 : memref<32x128xf32, #tpu.memory_space<hbm>>) dst(%dma_wait3A_2082 : memref<32x128xf32, #tpu.memory_space<vmem>>)
      %dma_wait3A_2086 = arith.constant 7 : i32
      %dma_wait3A_2087 = arith.constant 0 : i32
      %dma_wait3A_2088 = arith.constant 0 : i32
      %dma_wait3A_2089 = tpu.memref_slice %arg7[%dma_wait3A_2086, %dma_wait3A_2087, %dma_wait3A_2088] : memref<8x32x128xf32, #tpu.memory_space<vmem>> -> memref<1x32x128xf32, #tpu.memory_space<vmem>>
      %dma_wait3A_2090 = tpu.memref_squeeze %dma_wait3A_2089 : memref<1x32x128xf32, #tpu.memory_space<vmem>> -> memref<32x128xf32, #tpu.memory_space<vmem>>
      %dma_wait3A_2091 = arith.constant 0 : i32
      %dma_wait3A_2092 = arith.constant 0 : i32
      %dma_wait3A_2093 = tpu.memref_slice %arg3[%dma_wait3A_2091, %dma_wait3A_2092] : memref<32x1000000xf32, #tpu.memory_space<hbm>> -> memref<32x128xf32, #tpu.memory_space<hbm>>
      %dma_wait3A_2094 = arith.constant 0 : i32
      %dma_wait3A_2095 = arith.constant 0 : i32
      %dma_wait3A_2096 = tpu.memref_slice %arg7[%dma_wait3A_2086, %dma_wait3A_2094, %dma_wait3A_2095] : memref<8x32x128xf32, #tpu.memory_space<vmem>> -> memref<1x32x128xf32, #tpu.memory_space<vmem>>
      %dma_wait3A_2097 = tpu.memref_squeeze %dma_wait3A_2096 : memref<1x32x128xf32, #tpu.memory_space<vmem>> -> memref<32x128xf32, #tpu.memory_space<vmem>>
      %dma_wait3A_2098 = arith.constant 0 : i32
      %dma_wait3A_2099 = arith.constant 0 : i32
      %dma_wait3A_2100 = tpu.memref_slice %arg3[%dma_wait3A_2098, %dma_wait3A_2099] : memref<32x1000000xf32, #tpu.memory_space<hbm>> -> memref<32x128xf32, #tpu.memory_space<hbm>>
      tpu.wait_dma2 semaphore(%arg11 : memref<!tpu.dma_semaphore, #tpu.memory_space<semaphore_mem>>) src(%dma_wait3A_2100 : memref<32x128xf32, #tpu.memory_space<hbm>>) dst(%dma_wait3A_2097 : memref<32x128xf32, #tpu.memory_space<vmem>>)
      %add3A_2101 = arith.constant 1 : i32
      %add3A_2102 = arith.addi %mul3A_1347, %add3A_2101 : i32
      %mul3A_2103 = arith.constant 8 : i32
      %mul3A_2104 = arith.muli %add3A_2102, %mul3A_2103 : i32
      %get3A_2105 = arith.index_cast %mul3A_2104 : i32 to index
      %get3A_2106 = tpu.vector_load %arg5[%get3A_2105] {strides = array<i32>} : memref<528xi32, #tpu.memory_space<vmem>>, vector<16xi32>,
      %lt3A_2107 = arith.constant 0 : i32
      %lt3A_2108 = vector.broadcast %lt3A_2107 : i32 to vector<16xi32>
      %lt3A_2109 = arith.cmpi slt, %select_n3A, %lt3A_2108 : vector<16xi32>
      %add3A_2110 = arith.constant 16 : i32
      %add3A_2111 = vector.broadcast %add3A_2110 : i32 to vector<16xi32>
      %add3A_2112 = arith.addi %select_n3A, %add3A_2111 : vector<16xi32>
      %select_n3A_2113 = arith.select %lt3A_2109, %add3A_2112, %select_n3A : vector<16xi1>, vector<16xi32>
      %broadcast_in_dim3A_2114 = vector.shape_cast %select_n3A_2113 : vector<16xi32> to vector<16x1xi32>
      %gather3A_2115 = vector.shape_cast %broadcast_in_dim3A_2114 : vector<16x1xi32> to vector<16xi32>
      %gather3A_2116 = tpu.dynamic_gather %get3A_2106[%gather3A_2115] in [0] : vector<16xi32>, vector<16xi32> -> vector<16xi32>
      %jit3A_2117 = arith.constant 128 : i32
      %eq3A_2118 = arith.constant 0 : i32
      %eq3A_2119 = arith.cmpi eq, %jit3A_2117, %eq3A_2118 : i32
      %jit3A_2120 = arith.constant 1 : i32
      %select_n3A_2121 = arith.select %eq3A_2119, %jit3A_2120, %jit3A_2117 : i32
      %rem3A_2122 = vector.broadcast %select_n3A_2121 : i32 to vector<16xi32>
      %rem3A_2123 = arith.remsi %gather3A_2116, %rem3A_2122 : vector<16xi32>
      %ne3A_2124 = arith.constant 0 : i32
      %ne3A_2125 = vector.broadcast %ne3A_2124 : i32 to vector<16xi32>
      %ne3A_2126 = arith.cmpi ne, %rem3A_2123, %ne3A_2125 : vector<16xi32>
      %lt3A_2127 = arith.constant 0 : i32
      %lt3A_2128 = vector.broadcast %lt3A_2127 : i32 to vector<16xi32>
      %lt3A_2129 = arith.cmpi slt, %rem3A_2123, %lt3A_2128 : vector<16xi32>
      %lt3A_2130 = arith.constant 0 : i32
      %lt3A_2131 = arith.cmpi slt, %select_n3A_2121, %lt3A_2130 : i32
      %ne3A_2132 = vector.broadcast %lt3A_2131 : i1 to vector<16xi1>
      %ne3A_2133 = vector.broadcast %ne3A_2132 : vector<16xi1> to vector<16xi1>
      %ne3A_2134 = arith.xori %lt3A_2129, %ne3A_2133 : vector<16xi1>
      %and3A_2135 = arith.andi %ne3A_2134, %ne3A_2126 : vector<16xi1>
      %add3A_2136 = vector.broadcast %select_n3A_2121 : i32 to vector<16xi32>
      %add3A_2137 = arith.addi %rem3A_2123, %add3A_2136 : vector<16xi32>
      %select_n3A_2138 = arith.select %and3A_2135, %add3A_2137, %rem3A_2123 : vector<16xi1>, vector<16xi32>
      %mul3A_2139 = arith.constant 8 : i32
      %mul3A_2140 = arith.muli %add3A_2102, %mul3A_2139 : i32
      %add3A_2141 = vector.broadcast %mul3A_2140 : i32 to vector<16xi32>
      %add3A_2142 = arith.addi %add3A_2141, %select_n3A : vector<16xi32>
      %add3A_2143 = arith.constant 0 : i32
      %add3A_2144 = vector.broadcast %add3A_2143 : i32 to vector<16xi32>
      %add3A_2145 = arith.addi %add3A_2144, %select_n3A_45 : vector<16xi32>
      %gather3A_2146 = tpu.vector_load_idx %arg7[%select_n3A, %add3A_2145, %select_n3A_2138] : memref<8x32x128xf32, #tpu.memory_space<vmem>>[vector<16xi32>, vector<16xi32>, vector<16xi32>], vector<16xf32>,
      %mul3A_2147 = arith.constant 32 : i32
      %mul3A_2148 = vector.broadcast %mul3A_2147 : i32 to vector<16xi32>
      %mul3A_2149 = arith.muli %add3A_2142, %mul3A_2148 : vector<16xi32>
      %add3A_2150 = arith.addi %mul3A_2149, %add3A_2145 : vector<16xi32>
      tpu.vector_store_idx %arg9[%add3A_2150], %gather3A_2146 : memref<16384xf32, #tpu.memory_space<vmem>>[vector<16xi32>], vector<16xf32>,
      %add3A_2151 = arith.constant 2 : i32
      %add3A_2152 = vector.broadcast %add3A_2151 : i32 to vector<16xi32>
      %add3A_2153 = arith.addi %add3A_2152, %select_n3A_45 : vector<16xi32>
      %gather3A_2154 = tpu.vector_load_idx %arg7[%select_n3A, %add3A_2153, %select_n3A_2138] : memref<8x32x128xf32, #tpu.memory_space<vmem>>[vector<16xi32>, vector<16xi32>, vector<16xi32>], vector<16xf32>,
      %mul3A_2155 = arith.constant 32 : i32
      %mul3A_2156 = vector.broadcast %mul3A_2155 : i32 to vector<16xi32>
      %mul3A_2157 = arith.muli %add3A_2142, %mul3A_2156 : vector<16xi32>
      %add3A_2158 = arith.addi %mul3A_2157, %add3A_2153 : vector<16xi32>
      tpu.vector_store_idx %arg9[%add3A_2158], %gather3A_2154 : memref<16384xf32, #tpu.memory_space<vmem>>[vector<16xi32>], vector<16xf32>,
      %add3A_2159 = arith.constant 4 : i32
      %add3A_2160 = vector.broadcast %add3A_2159 : i32 to vector<16xi32>
      %add3A_2161 = arith.addi %add3A_2160, %select_n3A_45 : vector<16xi32>
      %gather3A_2162 = tpu.vector_load_idx %arg7[%select_n3A, %add3A_2161, %select_n3A_2138] : memref<8x32x128xf32, #tpu.memory_space<vmem>>[vector<16xi32>, vector<16xi32>, vector<16xi32>], vector<16xf32>,
      %mul3A_2163 = arith.constant 32 : i32
      %mul3A_2164 = vector.broadcast %mul3A_2163 : i32 to vector<16xi32>
      %mul3A_2165 = arith.muli %add3A_2142, %mul3A_2164 : vector<16xi32>
      %add3A_2166 = arith.addi %mul3A_2165, %add3A_2161 : vector<16xi32>
      tpu.vector_store_idx %arg9[%add3A_2166], %gather3A_2162 : memref<16384xf32, #tpu.memory_space<vmem>>[vector<16xi32>], vector<16xf32>,
      %add3A_2167 = arith.constant 6 : i32
      %add3A_2168 = vector.broadcast %add3A_2167 : i32 to vector<16xi32>
      %add3A_2169 = arith.addi %add3A_2168, %select_n3A_45 : vector<16xi32>
      %gather3A_2170 = tpu.vector_load_idx %arg7[%select_n3A, %add3A_2169, %select_n3A_2138] : memref<8x32x128xf32, #tpu.memory_space<vmem>>[vector<16xi32>, vector<16xi32>, vector<16xi32>], vector<16xf32>,
      %mul3A_2171 = arith.constant 32 : i32
      %mul3A_2172 = vector.broadcast %mul3A_2171 : i32 to vector<16xi32>
      %mul3A_2173 = arith.muli %add3A_2142, %mul3A_2172 : vector<16xi32>
      %add3A_2174 = arith.addi %mul3A_2173, %add3A_2169 : vector<16xi32>
      tpu.vector_store_idx %arg9[%add3A_2174], %gather3A_2170 : memref<16384xf32, #tpu.memory_space<vmem>>[vector<16xi32>], vector<16xf32>,
      %add3A_2175 = arith.constant 8 : i32
      %add3A_2176 = vector.broadcast %add3A_2175 : i32 to vector<16xi32>
      %add3A_2177 = arith.addi %add3A_2176, %select_n3A_45 : vector<16xi32>
      %gather3A_2178 = tpu.vector_load_idx %arg7[%select_n3A, %add3A_2177, %select_n3A_2138] : memref<8x32x128xf32, #tpu.memory_space<vmem>>[vector<16xi32>, vector<16xi32>, vector<16xi32>], vector<16xf32>,
      %mul3A_2179 = arith.constant 32 : i32
      %mul3A_2180 = vector.broadcast %mul3A_2179 : i32 to vector<16xi32>
      %mul3A_2181 = arith.muli %add3A_2142, %mul3A_2180 : vector<16xi32>
      %add3A_2182 = arith.addi %mul3A_2181, %add3A_2177 : vector<16xi32>
      tpu.vector_store_idx %arg9[%add3A_2182], %gather3A_2178 : memref<16384xf32, #tpu.memory_space<vmem>>[vector<16xi32>], vector<16xf32>,
      %add3A_2183 = arith.constant 10 : i32
      %add3A_2184 = vector.broadcast %add3A_2183 : i32 to vector<16xi32>
      %add3A_2185 = arith.addi %add3A_2184, %select_n3A_45 : vector<16xi32>
      %gather3A_2186 = tpu.vector_load_idx %arg7[%select_n3A, %add3A_2185, %select_n3A_2138] : memref<8x32x128xf32, #tpu.memory_space<vmem>>[vector<16xi32>, vector<16xi32>, vector<16xi32>], vector<16xf32>,
      %mul3A_2187 = arith.constant 32 : i32
      %mul3A_2188 = vector.broadcast %mul3A_2187 : i32 to vector<16xi32>
      %mul3A_2189 = arith.muli %add3A_2142, %mul3A_2188 : vector<16xi32>
      %add3A_2190 = arith.addi %mul3A_2189, %add3A_2185 : vector<16xi32>
      tpu.vector_store_idx %arg9[%add3A_2190], %gather3A_2186 : memref<16384xf32, #tpu.memory_space<vmem>>[vector<16xi32>], vector<16xf32>,
      %add3A_2191 = arith.constant 12 : i32
      %add3A_2192 = vector.broadcast %add3A_2191 : i32 to vector<16xi32>
      %add3A_2193 = arith.addi %add3A_2192, %select_n3A_45 : vector<16xi32>
      %gather3A_2194 = tpu.vector_load_idx %arg7[%select_n3A, %add3A_2193, %select_n3A_2138] : memref<8x32x128xf32, #tpu.memory_space<vmem>>[vector<16xi32>, vector<16xi32>, vector<16xi32>], vector<16xf32>,
      %mul3A_2195 = arith.constant 32 : i32
      %mul3A_2196 = vector.broadcast %mul3A_2195 : i32 to vector<16xi32>
      %mul3A_2197 = arith.muli %add3A_2142, %mul3A_2196 : vector<16xi32>
      %add3A_2198 = arith.addi %mul3A_2197, %add3A_2193 : vector<16xi32>
      tpu.vector_store_idx %arg9[%add3A_2198], %gather3A_2194 : memref<16384xf32, #tpu.memory_space<vmem>>[vector<16xi32>], vector<16xf32>,
      %add3A_2199 = arith.constant 14 : i32
      %add3A_2200 = vector.broadcast %add3A_2199 : i32 to vector<16xi32>
      %add3A_2201 = arith.addi %add3A_2200, %select_n3A_45 : vector<16xi32>
      %gather3A_2202 = tpu.vector_load_idx %arg7[%select_n3A, %add3A_2201, %select_n3A_2138] : memref<8x32x128xf32, #tpu.memory_space<vmem>>[vector<16xi32>, vector<16xi32>, vector<16xi32>], vector<16xf32>,
      %mul3A_2203 = arith.constant 32 : i32
      %mul3A_2204 = vector.broadcast %mul3A_2203 : i32 to vector<16xi32>
      %mul3A_2205 = arith.muli %add3A_2142, %mul3A_2204 : vector<16xi32>
      %add3A_2206 = arith.addi %mul3A_2205, %add3A_2201 : vector<16xi32>
      tpu.vector_store_idx %arg9[%add3A_2206], %gather3A_2202 : memref<16384xf32, #tpu.memory_space<vmem>>[vector<16xi32>], vector<16xf32>,
      %add3A_2207 = arith.constant 16 : i32
      %add3A_2208 = vector.broadcast %add3A_2207 : i32 to vector<16xi32>
      %add3A_2209 = arith.addi %add3A_2208, %select_n3A_45 : vector<16xi32>
      %gather3A_2210 = tpu.vector_load_idx %arg7[%select_n3A, %add3A_2209, %select_n3A_2138] : memref<8x32x128xf32, #tpu.memory_space<vmem>>[vector<16xi32>, vector<16xi32>, vector<16xi32>], vector<16xf32>,
      %mul3A_2211 = arith.constant 32 : i32
      %mul3A_2212 = vector.broadcast %mul3A_2211 : i32 to vector<16xi32>
      %mul3A_2213 = arith.muli %add3A_2142, %mul3A_2212 : vector<16xi32>
      %add3A_2214 = arith.addi %mul3A_2213, %add3A_2209 : vector<16xi32>
      tpu.vector_store_idx %arg9[%add3A_2214], %gather3A_2210 : memref<16384xf32, #tpu.memory_space<vmem>>[vector<16xi32>], vector<16xf32>,
      %add3A_2215 = arith.constant 18 : i32
      %add3A_2216 = vector.broadcast %add3A_2215 : i32 to vector<16xi32>
      %add3A_2217 = arith.addi %add3A_2216, %select_n3A_45 : vector<16xi32>
      %gather3A_2218 = tpu.vector_load_idx %arg7[%select_n3A, %add3A_2217, %select_n3A_2138] : memref<8x32x128xf32, #tpu.memory_space<vmem>>[vector<16xi32>, vector<16xi32>, vector<16xi32>], vector<16xf32>,
      %mul3A_2219 = arith.constant 32 : i32
      %mul3A_2220 = vector.broadcast %mul3A_2219 : i32 to vector<16xi32>
      %mul3A_2221 = arith.muli %add3A_2142, %mul3A_2220 : vector<16xi32>
      %add3A_2222 = arith.addi %mul3A_2221, %add3A_2217 : vector<16xi32>
      tpu.vector_store_idx %arg9[%add3A_2222], %gather3A_2218 : memref<16384xf32, #tpu.memory_space<vmem>>[vector<16xi32>], vector<16xf32>,
      %add3A_2223 = arith.constant 20 : i32
      %add3A_2224 = vector.broadcast %add3A_2223 : i32 to vector<16xi32>
      %add3A_2225 = arith.addi %add3A_2224, %select_n3A_45 : vector<16xi32>
      %gather3A_2226 = tpu.vector_load_idx %arg7[%select_n3A, %add3A_2225, %select_n3A_2138] : memref<8x32x128xf32, #tpu.memory_space<vmem>>[vector<16xi32>, vector<16xi32>, vector<16xi32>], vector<16xf32>,
      %mul3A_2227 = arith.constant 32 : i32
      %mul3A_2228 = vector.broadcast %mul3A_2227 : i32 to vector<16xi32>
      %mul3A_2229 = arith.muli %add3A_2142, %mul3A_2228 : vector<16xi32>
      %add3A_2230 = arith.addi %mul3A_2229, %add3A_2225 : vector<16xi32>
      tpu.vector_store_idx %arg9[%add3A_2230], %gather3A_2226 : memref<16384xf32, #tpu.memory_space<vmem>>[vector<16xi32>], vector<16xf32>,
      %add3A_2231 = arith.constant 22 : i32
      %add3A_2232 = vector.broadcast %add3A_2231 : i32 to vector<16xi32>
      %add3A_2233 = arith.addi %add3A_2232, %select_n3A_45 : vector<16xi32>
      %gather3A_2234 = tpu.vector_load_idx %arg7[%select_n3A, %add3A_2233, %select_n3A_2138] : memref<8x32x128xf32, #tpu.memory_space<vmem>>[vector<16xi32>, vector<16xi32>, vector<16xi32>], vector<16xf32>,
      %mul3A_2235 = arith.constant 32 : i32
      %mul3A_2236 = vector.broadcast %mul3A_2235 : i32 to vector<16xi32>
      %mul3A_2237 = arith.muli %add3A_2142, %mul3A_2236 : vector<16xi32>
      %add3A_2238 = arith.addi %mul3A_2237, %add3A_2233 : vector<16xi32>
      tpu.vector_store_idx %arg9[%add3A_2238], %gather3A_2234 : memref<16384xf32, #tpu.memory_space<vmem>>[vector<16xi32>], vector<16xf32>,
      %add3A_2239 = arith.constant 24 : i32
      %add3A_2240 = vector.broadcast %add3A_2239 : i32 to vector<16xi32>
      %add3A_2241 = arith.addi %add3A_2240, %select_n3A_45 : vector<16xi32>
      %gather3A_2242 = tpu.vector_load_idx %arg7[%select_n3A, %add3A_2241, %select_n3A_2138] : memref<8x32x128xf32, #tpu.memory_space<vmem>>[vector<16xi32>, vector<16xi32>, vector<16xi32>], vector<16xf32>,
      %mul3A_2243 = arith.constant 32 : i32
      %mul3A_2244 = vector.broadcast %mul3A_2243 : i32 to vector<16xi32>
      %mul3A_2245 = arith.muli %add3A_2142, %mul3A_2244 : vector<16xi32>
      %add3A_2246 = arith.addi %mul3A_2245, %add3A_2241 : vector<16xi32>
      tpu.vector_store_idx %arg9[%add3A_2246], %gather3A_2242 : memref<16384xf32, #tpu.memory_space<vmem>>[vector<16xi32>], vector<16xf32>,
      %add3A_2247 = arith.constant 26 : i32
      %add3A_2248 = vector.broadcast %add3A_2247 : i32 to vector<16xi32>
      %add3A_2249 = arith.addi %add3A_2248, %select_n3A_45 : vector<16xi32>
      %gather3A_2250 = tpu.vector_load_idx %arg7[%select_n3A, %add3A_2249, %select_n3A_2138] : memref<8x32x128xf32, #tpu.memory_space<vmem>>[vector<16xi32>, vector<16xi32>, vector<16xi32>], vector<16xf32>,
      %mul3A_2251 = arith.constant 32 : i32
      %mul3A_2252 = vector.broadcast %mul3A_2251 : i32 to vector<16xi32>
      %mul3A_2253 = arith.muli %add3A_2142, %mul3A_2252 : vector<16xi32>
      %add3A_2254 = arith.addi %mul3A_2253, %add3A_2249 : vector<16xi32>
      tpu.vector_store_idx %arg9[%add3A_2254], %gather3A_2250 : memref<16384xf32, #tpu.memory_space<vmem>>[vector<16xi32>], vector<16xf32>,
      %add3A_2255 = arith.constant 28 : i32
      %add3A_2256 = vector.broadcast %add3A_2255 : i32 to vector<16xi32>
      %add3A_2257 = arith.addi %add3A_2256, %select_n3A_45 : vector<16xi32>
      %gather3A_2258 = tpu.vector_load_idx %arg7[%select_n3A, %add3A_2257, %select_n3A_2138] : memref<8x32x128xf32, #tpu.memory_space<vmem>>[vector<16xi32>, vector<16xi32>, vector<16xi32>], vector<16xf32>,
      %mul3A_2259 = arith.constant 32 : i32
      %mul3A_2260 = vector.broadcast %mul3A_2259 : i32 to vector<16xi32>
      %mul3A_2261 = arith.muli %add3A_2142, %mul3A_2260 : vector<16xi32>
      %add3A_2262 = arith.addi %mul3A_2261, %add3A_2257 : vector<16xi32>
      tpu.vector_store_idx %arg9[%add3A_2262], %gather3A_2258 : memref<16384xf32, #tpu.memory_space<vmem>>[vector<16xi32>], vector<16xf32>,
      %add3A_2263 = arith.constant 30 : i32
      %add3A_2264 = vector.broadcast %add3A_2263 : i32 to vector<16xi32>
      %add3A_2265 = arith.addi %add3A_2264, %select_n3A_45 : vector<16xi32>
      %gather3A_2266 = tpu.vector_load_idx %arg7[%select_n3A, %add3A_2265, %select_n3A_2138] : memref<8x32x128xf32, #tpu.memory_space<vmem>>[vector<16xi32>, vector<16xi32>, vector<16xi32>], vector<16xf32>,
      %mul3A_2267 = arith.constant 32 : i32
      %mul3A_2268 = vector.broadcast %mul3A_2267 : i32 to vector<16xi32>
      %mul3A_2269 = arith.muli %add3A_2142, %mul3A_2268 : vector<16xi32>
      %add3A_2270 = arith.addi %mul3A_2269, %add3A_2265 : vector<16xi32>
      tpu.vector_store_idx %arg9[%add3A_2270], %gather3A_2266 : memref<16384xf32, #tpu.memory_space<vmem>>[vector<16xi32>], vector<16xf32>,
      %lt3A_2271 = arith.constant 20 : i32
      %lt3A_2272 = arith.cmpi slt, %scan3A_1345, %lt3A_2271 : i32
      %convert_element_type3A_2273 = arith.extui %lt3A_2272 : i1 to i32
      %cond3A_2274 = arith.constant 0 : i32
      %cond3A_2275 = arith.cmpi ne, %convert_element_type3A_2273, %cond3A_2274 : i32
      scf.if %cond3A_2275 {
        %add3A_2566 = arith.constant 4 : i32
        %add3A_2567 = arith.addi %mul3A_1347, %add3A_2566 : i32
        %mul3A_2568 = arith.constant 8 : i32
        %mul3A_2569 = arith.muli %add3A_2567, %mul3A_2568 : i32
        %get3A_2570 = arith.index_cast %mul3A_2569 : i32 to index
        %get3A_2571 = tpu.vector_load %arg5[%get3A_2570] {strides = array<i32>} : memref<528xi32, #tpu.memory_space<vmem>>, vector<16xi32>,
        %slice3A_2572 = vector.extract_strided_slice %get3A_2571 {offsets = [0], sizes = [1], strides = [1]} : vector<16xi32> to vector<1xi32>
        %squeeze3A_2573 = vector.extract %slice3A_2572[0] : i32 from vector<1xi32>
        %jit3A_2574 = arith.constant 128 : i32
        %div3A_2575 = arith.divsi %squeeze3A_2573, %jit3A_2574 : i32
        %sign3A_2576 = arith.constant 0 : i32
        %sign3A_2577 = arith.cmpi sgt, %squeeze3A_2573, %sign3A_2576 : i32
        %sign3A_2578 = arith.extui %sign3A_2577 : i1 to i32
        %sign3A_2579 = arith.constant 0 : i32
        %sign3A_2580 = arith.cmpi slt, %squeeze3A_2573, %sign3A_2579 : i32
        %sign3A_2581 = arith.extui %sign3A_2580 : i1 to i32
        %sign3A_2582 = arith.subi %sign3A_2578, %sign3A_2581 : i32
        %sign3A_2583 = arith.constant 0 : i32
        %sign3A_2584 = arith.cmpi sgt, %jit3A_2574, %sign3A_2583 : i32
        %sign3A_2585 = arith.extui %sign3A_2584 : i1 to i32
        %sign3A_2586 = arith.constant 0 : i32
        %sign3A_2587 = arith.cmpi slt, %jit3A_2574, %sign3A_2586 : i32
        %sign3A_2588 = arith.extui %sign3A_2587 : i1 to i32
        %sign3A_2589 = arith.subi %sign3A_2585, %sign3A_2588 : i32
        %ne3A_2590 = arith.cmpi ne, %sign3A_2582, %sign3A_2589 : i32
        %rem3A_2591 = arith.remsi %squeeze3A_2573, %jit3A_2574 : i32
        %ne3A_2592 = arith.constant 0 : i32
        %ne3A_2593 = arith.cmpi ne, %rem3A_2591, %ne3A_2592 : i32
        %and3A_2594 = arith.andi %ne3A_2590, %ne3A_2593 : i1
        %sub3A_2595 = arith.constant 1 : i32
        %sub3A_2596 = arith.subi %div3A_2575, %sub3A_2595 : i32
        %select_n3A_2597 = arith.select %and3A_2594, %sub3A_2596, %div3A_2575 : i32
        %mul3A_2598 = arith.constant 128 : i32
        %mul3A_2599 = arith.muli %select_n3A_2597, %mul3A_2598 : i32
        %multiple_of3A_2600 = tpu.assume_multiple %mul3A_2599, 128 : i32
        %dma_start3A_2601 = arith.constant 0 : i32
        %dma_start3A_2602 = arith.constant 0 : i32
        %dma_start3A_2603 = arith.constant 0 : i32
        %dma_start3A_2604 = tpu.memref_slice %arg7[%dma_start3A_2601, %dma_start3A_2602, %dma_start3A_2603] : memref<8x32x128xf32, #tpu.memory_space<vmem>> -> memref<1x32x128xf32, #tpu.memory_space<vmem>>
        %dma_start3A_2605 = tpu.memref_squeeze %dma_start3A_2604 : memref<1x32x128xf32, #tpu.memory_space<vmem>> -> memref<32x128xf32, #tpu.memory_space<vmem>>
        %dma_start3A_2606 = arith.constant 0 : i32
        %dma_start3A_2607 = tpu.memref_slice %arg3[%dma_start3A_2606, %multiple_of3A_2600] : memref<32x1000000xf32, #tpu.memory_space<hbm>> -> memref<32x128xf32, #tpu.memory_space<hbm>>
        %dma_start3A_2608 = arith.constant 0 : i32
        %dma_start3A_2609 = arith.constant 0 : i32
        %dma_start3A_2610 = tpu.memref_slice %arg7[%dma_start3A_2601, %dma_start3A_2608, %dma_start3A_2609] : memref<8x32x128xf32, #tpu.memory_space<vmem>> -> memref<1x32x128xf32, #tpu.memory_space<vmem>>
        %dma_start3A_2611 = tpu.memref_squeeze %dma_start3A_2610 : memref<1x32x128xf32, #tpu.memory_space<vmem>> -> memref<32x128xf32, #tpu.memory_space<vmem>>
        %dma_start3A_2612 = arith.constant 0 : i32
        %dma_start3A_2613 = tpu.memref_slice %arg3[%dma_start3A_2612, %multiple_of3A_2600] : memref<32x1000000xf32, #tpu.memory_space<hbm>> -> memref<32x128xf32, #tpu.memory_space<hbm>>
        tpu.enqueue_dma source(%dma_start3A_2613 : memref<32x128xf32, #tpu.memory_space<hbm>>) target(%dma_start3A_2611 : memref<32x128xf32, #tpu.memory_space<vmem>>) target_semaphore(%arg11 : memref<!tpu.dma_semaphore, #tpu.memory_space<semaphore_mem>>)
        %slice3A_2614 = vector.extract_strided_slice %get3A_2571 {offsets = [1], sizes = [1], strides = [1]} : vector<16xi32> to vector<1xi32>
        %squeeze3A_2615 = vector.extract %slice3A_2614[0] : i32 from vector<1xi32>
        %jit3A_2616 = arith.constant 128 : i32
        %div3A_2617 = arith.divsi %squeeze3A_2615, %jit3A_2616 : i32
        %sign3A_2618 = arith.constant 0 : i32
        %sign3A_2619 = arith.cmpi sgt, %squeeze3A_2615, %sign3A_2618 : i32
        %sign3A_2620 = arith.extui %sign3A_2619 : i1 to i32
        %sign3A_2621 = arith.constant 0 : i32
        %sign3A_2622 = arith.cmpi slt, %squeeze3A_2615, %sign3A_2621 : i32
        %sign3A_2623 = arith.extui %sign3A_2622 : i1 to i32
        %sign3A_2624 = arith.subi %sign3A_2620, %sign3A_2623 : i32
        %sign3A_2625 = arith.constant 0 : i32
        %sign3A_2626 = arith.cmpi sgt, %jit3A_2616, %sign3A_2625 : i32
        %sign3A_2627 = arith.extui %sign3A_2626 : i1 to i32
        %sign3A_2628 = arith.constant 0 : i32
        %sign3A_2629 = arith.cmpi slt, %jit3A_2616, %sign3A_2628 : i32
        %sign3A_2630 = arith.extui %sign3A_2629 : i1 to i32
        %sign3A_2631 = arith.subi %sign3A_2627, %sign3A_2630 : i32
        %ne3A_2632 = arith.cmpi ne, %sign3A_2624, %sign3A_2631 : i32
        %rem3A_2633 = arith.remsi %squeeze3A_2615, %jit3A_2616 : i32
        %ne3A_2634 = arith.constant 0 : i32
        %ne3A_2635 = arith.cmpi ne, %rem3A_2633, %ne3A_2634 : i32
        %and3A_2636 = arith.andi %ne3A_2632, %ne3A_2635 : i1
        %sub3A_2637 = arith.constant 1 : i32
        %sub3A_2638 = arith.subi %div3A_2617, %sub3A_2637 : i32
        %select_n3A_2639 = arith.select %and3A_2636, %sub3A_2638, %div3A_2617 : i32
        %mul3A_2640 = arith.constant 128 : i32
        %mul3A_2641 = arith.muli %select_n3A_2639, %mul3A_2640 : i32
        %multiple_of3A_2642 = tpu.assume_multiple %mul3A_2641, 128 : i32
        %dma_start3A_2643 = arith.constant 1 : i32
        %dma_start3A_2644 = arith.constant 0 : i32
        %dma_start3A_2645 = arith.constant 0 : i32
        %dma_start3A_2646 = tpu.memref_slice %arg7[%dma_start3A_2643, %dma_start3A_2644, %dma_start3A_2645] : memref<8x32x128xf32, #tpu.memory_space<vmem>> -> memref<1x32x128xf32, #tpu.memory_space<vmem>>
        %dma_start3A_2647 = tpu.memref_squeeze %dma_start3A_2646 : memref<1x32x128xf32, #tpu.memory_space<vmem>> -> memref<32x128xf32, #tpu.memory_space<vmem>>
        %dma_start3A_2648 = arith.constant 0 : i32
        %dma_start3A_2649 = tpu.memref_slice %arg3[%dma_start3A_2648, %multiple_of3A_2642] : memref<32x1000000xf32, #tpu.memory_space<hbm>> -> memref<32x128xf32, #tpu.memory_space<hbm>>
        %dma_start3A_2650 = arith.constant 0 : i32
        %dma_start3A_2651 = arith.constant 0 : i32
        %dma_start3A_2652 = tpu.memref_slice %arg7[%dma_start3A_2643, %dma_start3A_2650, %dma_start3A_2651] : memref<8x32x128xf32, #tpu.memory_space<vmem>> -> memref<1x32x128xf32, #tpu.memory_space<vmem>>
        %dma_start3A_2653 = tpu.memref_squeeze %dma_start3A_2652 : memref<1x32x128xf32, #tpu.memory_space<vmem>> -> memref<32x128xf32, #tpu.memory_space<vmem>>
        %dma_start3A_2654 = arith.constant 0 : i32
        %dma_start3A_2655 = tpu.memref_slice %arg3[%dma_start3A_2654, %multiple_of3A_2642] : memref<32x1000000xf32, #tpu.memory_space<hbm>> -> memref<32x128xf32, #tpu.memory_space<hbm>>
        tpu.enqueue_dma source(%dma_start3A_2655 : memref<32x128xf32, #tpu.memory_space<hbm>>) target(%dma_start3A_2653 : memref<32x128xf32, #tpu.memory_space<vmem>>) target_semaphore(%arg11 : memref<!tpu.dma_semaphore, #tpu.memory_space<semaphore_mem>>)
        %slice3A_2656 = vector.extract_strided_slice %get3A_2571 {offsets = [2], sizes = [1], strides = [1]} : vector<16xi32> to vector<1xi32>
        %squeeze3A_2657 = vector.extract %slice3A_2656[0] : i32 from vector<1xi32>
        %jit3A_2658 = arith.constant 128 : i32
        %div3A_2659 = arith.divsi %squeeze3A_2657, %jit3A_2658 : i32
        %sign3A_2660 = arith.constant 0 : i32
        %sign3A_2661 = arith.cmpi sgt, %squeeze3A_2657, %sign3A_2660 : i32
        %sign3A_2662 = arith.extui %sign3A_2661 : i1 to i32
        %sign3A_2663 = arith.constant 0 : i32
        %sign3A_2664 = arith.cmpi slt, %squeeze3A_2657, %sign3A_2663 : i32
        %sign3A_2665 = arith.extui %sign3A_2664 : i1 to i32
        %sign3A_2666 = arith.subi %sign3A_2662, %sign3A_2665 : i32
        %sign3A_2667 = arith.constant 0 : i32
        %sign3A_2668 = arith.cmpi sgt, %jit3A_2658, %sign3A_2667 : i32
        %sign3A_2669 = arith.extui %sign3A_2668 : i1 to i32
        %sign3A_2670 = arith.constant 0 : i32
        %sign3A_2671 = arith.cmpi slt, %jit3A_2658, %sign3A_2670 : i32
        %sign3A_2672 = arith.extui %sign3A_2671 : i1 to i32
        %sign3A_2673 = arith.subi %sign3A_2669, %sign3A_2672 : i32
        %ne3A_2674 = arith.cmpi ne, %sign3A_2666, %sign3A_2673 : i32
        %rem3A_2675 = arith.remsi %squeeze3A_2657, %jit3A_2658 : i32
        %ne3A_2676 = arith.constant 0 : i32
        %ne3A_2677 = arith.cmpi ne, %rem3A_2675, %ne3A_2676 : i32
        %and3A_2678 = arith.andi %ne3A_2674, %ne3A_2677 : i1
        %sub3A_2679 = arith.constant 1 : i32
        %sub3A_2680 = arith.subi %div3A_2659, %sub3A_2679 : i32
        %select_n3A_2681 = arith.select %and3A_2678, %sub3A_2680, %div3A_2659 : i32
        %mul3A_2682 = arith.constant 128 : i32
        %mul3A_2683 = arith.muli %select_n3A_2681, %mul3A_2682 : i32
        %multiple_of3A_2684 = tpu.assume_multiple %mul3A_2683, 128 : i32
        %dma_start3A_2685 = arith.constant 2 : i32
        %dma_start3A_2686 = arith.constant 0 : i32
        %dma_start3A_2687 = arith.constant 0 : i32
        %dma_start3A_2688 = tpu.memref_slice %arg7[%dma_start3A_2685, %dma_start3A_2686, %dma_start3A_2687] : memref<8x32x128xf32, #tpu.memory_space<vmem>> -> memref<1x32x128xf32, #tpu.memory_space<vmem>>
        %dma_start3A_2689 = tpu.memref_squeeze %dma_start3A_2688 : memref<1x32x128xf32, #tpu.memory_space<vmem>> -> memref<32x128xf32, #tpu.memory_space<vmem>>
        %dma_start3A_2690 = arith.constant 0 : i32
        %dma_start3A_2691 = tpu.memref_slice %arg3[%dma_start3A_2690, %multiple_of3A_2684] : memref<32x1000000xf32, #tpu.memory_space<hbm>> -> memref<32x128xf32, #tpu.memory_space<hbm>>
        %dma_start3A_2692 = arith.constant 0 : i32
        %dma_start3A_2693 = arith.constant 0 : i32
        %dma_start3A_2694 = tpu.memref_slice %arg7[%dma_start3A_2685, %dma_start3A_2692, %dma_start3A_2693] : memref<8x32x128xf32, #tpu.memory_space<vmem>> -> memref<1x32x128xf32, #tpu.memory_space<vmem>>
        %dma_start3A_2695 = tpu.memref_squeeze %dma_start3A_2694 : memref<1x32x128xf32, #tpu.memory_space<vmem>> -> memref<32x128xf32, #tpu.memory_space<vmem>>
        %dma_start3A_2696 = arith.constant 0 : i32
        %dma_start3A_2697 = tpu.memref_slice %arg3[%dma_start3A_2696, %multiple_of3A_2684] : memref<32x1000000xf32, #tpu.memory_space<hbm>> -> memref<32x128xf32, #tpu.memory_space<hbm>>
        tpu.enqueue_dma source(%dma_start3A_2697 : memref<32x128xf32, #tpu.memory_space<hbm>>) target(%dma_start3A_2695 : memref<32x128xf32, #tpu.memory_space<vmem>>) target_semaphore(%arg11 : memref<!tpu.dma_semaphore, #tpu.memory_space<semaphore_mem>>)
        %slice3A_2698 = vector.extract_strided_slice %get3A_2571 {offsets = [3], sizes = [1], strides = [1]} : vector<16xi32> to vector<1xi32>
        %squeeze3A_2699 = vector.extract %slice3A_2698[0] : i32 from vector<1xi32>
        %jit3A_2700 = arith.constant 128 : i32
        %div3A_2701 = arith.divsi %squeeze3A_2699, %jit3A_2700 : i32
        %sign3A_2702 = arith.constant 0 : i32
        %sign3A_2703 = arith.cmpi sgt, %squeeze3A_2699, %sign3A_2702 : i32
        %sign3A_2704 = arith.extui %sign3A_2703 : i1 to i32
        %sign3A_2705 = arith.constant 0 : i32
        %sign3A_2706 = arith.cmpi slt, %squeeze3A_2699, %sign3A_2705 : i32
        %sign3A_2707 = arith.extui %sign3A_2706 : i1 to i32
        %sign3A_2708 = arith.subi %sign3A_2704, %sign3A_2707 : i32
        %sign3A_2709 = arith.constant 0 : i32
        %sign3A_2710 = arith.cmpi sgt, %jit3A_2700, %sign3A_2709 : i32
        %sign3A_2711 = arith.extui %sign3A_2710 : i1 to i32
        %sign3A_2712 = arith.constant 0 : i32
        %sign3A_2713 = arith.cmpi slt, %jit3A_2700, %sign3A_2712 : i32
        %sign3A_2714 = arith.extui %sign3A_2713 : i1 to i32
        %sign3A_2715 = arith.subi %sign3A_2711, %sign3A_2714 : i32
        %ne3A_2716 = arith.cmpi ne, %sign3A_2708, %sign3A_2715 : i32
        %rem3A_2717 = arith.remsi %squeeze3A_2699, %jit3A_2700 : i32
        %ne3A_2718 = arith.constant 0 : i32
        %ne3A_2719 = arith.cmpi ne, %rem3A_2717, %ne3A_2718 : i32
        %and3A_2720 = arith.andi %ne3A_2716, %ne3A_2719 : i1
        %sub3A_2721 = arith.constant 1 : i32
        %sub3A_2722 = arith.subi %div3A_2701, %sub3A_2721 : i32
        %select_n3A_2723 = arith.select %and3A_2720, %sub3A_2722, %div3A_2701 : i32
        %mul3A_2724 = arith.constant 128 : i32
        %mul3A_2725 = arith.muli %select_n3A_2723, %mul3A_2724 : i32
        %multiple_of3A_2726 = tpu.assume_multiple %mul3A_2725, 128 : i32
        %dma_start3A_2727 = arith.constant 3 : i32
        %dma_start3A_2728 = arith.constant 0 : i32
        %dma_start3A_2729 = arith.constant 0 : i32
        %dma_start3A_2730 = tpu.memref_slice %arg7[%dma_start3A_2727, %dma_start3A_2728, %dma_start3A_2729] : memref<8x32x128xf32, #tpu.memory_space<vmem>> -> memref<1x32x128xf32, #tpu.memory_space<vmem>>
        %dma_start3A_2731 = tpu.memref_squeeze %dma_start3A_2730 : memref<1x32x128xf32, #tpu.memory_space<vmem>> -> memref<32x128xf32, #tpu.memory_space<vmem>>
        %dma_start3A_2732 = arith.constant 0 : i32
        %dma_start3A_2733 = tpu.memref_slice %arg3[%dma_start3A_2732, %multiple_of3A_2726] : memref<32x1000000xf32, #tpu.memory_space<hbm>> -> memref<32x128xf32, #tpu.memory_space<hbm>>
        %dma_start3A_2734 = arith.constant 0 : i32
        %dma_start3A_2735 = arith.constant 0 : i32
        %dma_start3A_2736 = tpu.memref_slice %arg7[%dma_start3A_2727, %dma_start3A_2734, %dma_start3A_2735] : memref<8x32x128xf32, #tpu.memory_space<vmem>> -> memref<1x32x128xf32, #tpu.memory_space<vmem>>
        %dma_start3A_2737 = tpu.memref_squeeze %dma_start3A_2736 : memref<1x32x128xf32, #tpu.memory_space<vmem>> -> memref<32x128xf32, #tpu.memory_space<vmem>>
        %dma_start3A_2738 = arith.constant 0 : i32
        %dma_start3A_2739 = tpu.memref_slice %arg3[%dma_start3A_2738, %multiple_of3A_2726] : memref<32x1000000xf32, #tpu.memory_space<hbm>> -> memref<32x128xf32, #tpu.memory_space<hbm>>
        tpu.enqueue_dma source(%dma_start3A_2739 : memref<32x128xf32, #tpu.memory_space<hbm>>) target(%dma_start3A_2737 : memref<32x128xf32, #tpu.memory_space<vmem>>) target_semaphore(%arg11 : memref<!tpu.dma_semaphore, #tpu.memory_space<semaphore_mem>>)
        %slice3A_2740 = vector.extract_strided_slice %get3A_2571 {offsets = [4], sizes = [1], strides = [1]} : vector<16xi32> to vector<1xi32>
        %squeeze3A_2741 = vector.extract %slice3A_2740[0] : i32 from vector<1xi32>
        %jit3A_2742 = arith.constant 128 : i32
        %div3A_2743 = arith.divsi %squeeze3A_2741, %jit3A_2742 : i32
        %sign3A_2744 = arith.constant 0 : i32
        %sign3A_2745 = arith.cmpi sgt, %squeeze3A_2741, %sign3A_2744 : i32
        %sign3A_2746 = arith.extui %sign3A_2745 : i1 to i32
        %sign3A_2747 = arith.constant 0 : i32
        %sign3A_2748 = arith.cmpi slt, %squeeze3A_2741, %sign3A_2747 : i32
        %sign3A_2749 = arith.extui %sign3A_2748 : i1 to i32
        %sign3A_2750 = arith.subi %sign3A_2746, %sign3A_2749 : i32
        %sign3A_2751 = arith.constant 0 : i32
        %sign3A_2752 = arith.cmpi sgt, %jit3A_2742, %sign3A_2751 : i32
        %sign3A_2753 = arith.extui %sign3A_2752 : i1 to i32
        %sign3A_2754 = arith.constant 0 : i32
        %sign3A_2755 = arith.cmpi slt, %jit3A_2742, %sign3A_2754 : i32
        %sign3A_2756 = arith.extui %sign3A_2755 : i1 to i32
        %sign3A_2757 = arith.subi %sign3A_2753, %sign3A_2756 : i32
        %ne3A_2758 = arith.cmpi ne, %sign3A_2750, %sign3A_2757 : i32
        %rem3A_2759 = arith.remsi %squeeze3A_2741, %jit3A_2742 : i32
        %ne3A_2760 = arith.constant 0 : i32
        %ne3A_2761 = arith.cmpi ne, %rem3A_2759, %ne3A_2760 : i32
        %and3A_2762 = arith.andi %ne3A_2758, %ne3A_2761 : i1
        %sub3A_2763 = arith.constant 1 : i32
        %sub3A_2764 = arith.subi %div3A_2743, %sub3A_2763 : i32
        %select_n3A_2765 = arith.select %and3A_2762, %sub3A_2764, %div3A_2743 : i32
        %mul3A_2766 = arith.constant 128 : i32
        %mul3A_2767 = arith.muli %select_n3A_2765, %mul3A_2766 : i32
        %multiple_of3A_2768 = tpu.assume_multiple %mul3A_2767, 128 : i32
        %dma_start3A_2769 = arith.constant 4 : i32
        %dma_start3A_2770 = arith.constant 0 : i32
        %dma_start3A_2771 = arith.constant 0 : i32
        %dma_start3A_2772 = tpu.memref_slice %arg7[%dma_start3A_2769, %dma_start3A_2770, %dma_start3A_2771] : memref<8x32x128xf32, #tpu.memory_space<vmem>> -> memref<1x32x128xf32, #tpu.memory_space<vmem>>
        %dma_start3A_2773 = tpu.memref_squeeze %dma_start3A_2772 : memref<1x32x128xf32, #tpu.memory_space<vmem>> -> memref<32x128xf32, #tpu.memory_space<vmem>>
        %dma_start3A_2774 = arith.constant 0 : i32
        %dma_start3A_2775 = tpu.memref_slice %arg3[%dma_start3A_2774, %multiple_of3A_2768] : memref<32x1000000xf32, #tpu.memory_space<hbm>> -> memref<32x128xf32, #tpu.memory_space<hbm>>
        %dma_start3A_2776 = arith.constant 0 : i32
        %dma_start3A_2777 = arith.constant 0 : i32
        %dma_start3A_2778 = tpu.memref_slice %arg7[%dma_start3A_2769, %dma_start3A_2776, %dma_start3A_2777] : memref<8x32x128xf32, #tpu.memory_space<vmem>> -> memref<1x32x128xf32, #tpu.memory_space<vmem>>
        %dma_start3A_2779 = tpu.memref_squeeze %dma_start3A_2778 : memref<1x32x128xf32, #tpu.memory_space<vmem>> -> memref<32x128xf32, #tpu.memory_space<vmem>>
        %dma_start3A_2780 = arith.constant 0 : i32
        %dma_start3A_2781 = tpu.memref_slice %arg3[%dma_start3A_2780, %multiple_of3A_2768] : memref<32x1000000xf32, #tpu.memory_space<hbm>> -> memref<32x128xf32, #tpu.memory_space<hbm>>
        tpu.enqueue_dma source(%dma_start3A_2781 : memref<32x128xf32, #tpu.memory_space<hbm>>) target(%dma_start3A_2779 : memref<32x128xf32, #tpu.memory_space<vmem>>) target_semaphore(%arg11 : memref<!tpu.dma_semaphore, #tpu.memory_space<semaphore_mem>>)
        %slice3A_2782 = vector.extract_strided_slice %get3A_2571 {offsets = [5], sizes = [1], strides = [1]} : vector<16xi32> to vector<1xi32>
        %squeeze3A_2783 = vector.extract %slice3A_2782[0] : i32 from vector<1xi32>
        %jit3A_2784 = arith.constant 128 : i32
        %div3A_2785 = arith.divsi %squeeze3A_2783, %jit3A_2784 : i32
        %sign3A_2786 = arith.constant 0 : i32
        %sign3A_2787 = arith.cmpi sgt, %squeeze3A_2783, %sign3A_2786 : i32
        %sign3A_2788 = arith.extui %sign3A_2787 : i1 to i32
        %sign3A_2789 = arith.constant 0 : i32
        %sign3A_2790 = arith.cmpi slt, %squeeze3A_2783, %sign3A_2789 : i32
        %sign3A_2791 = arith.extui %sign3A_2790 : i1 to i32
        %sign3A_2792 = arith.subi %sign3A_2788, %sign3A_2791 : i32
        %sign3A_2793 = arith.constant 0 : i32
        %sign3A_2794 = arith.cmpi sgt, %jit3A_2784, %sign3A_2793 : i32
        %sign3A_2795 = arith.extui %sign3A_2794 : i1 to i32
        %sign3A_2796 = arith.constant 0 : i32
        %sign3A_2797 = arith.cmpi slt, %jit3A_2784, %sign3A_2796 : i32
        %sign3A_2798 = arith.extui %sign3A_2797 : i1 to i32
        %sign3A_2799 = arith.subi %sign3A_2795, %sign3A_2798 : i32
        %ne3A_2800 = arith.cmpi ne, %sign3A_2792, %sign3A_2799 : i32
        %rem3A_2801 = arith.remsi %squeeze3A_2783, %jit3A_2784 : i32
        %ne3A_2802 = arith.constant 0 : i32
        %ne3A_2803 = arith.cmpi ne, %rem3A_2801, %ne3A_2802 : i32
        %and3A_2804 = arith.andi %ne3A_2800, %ne3A_2803 : i1
        %sub3A_2805 = arith.constant 1 : i32
        %sub3A_2806 = arith.subi %div3A_2785, %sub3A_2805 : i32
        %select_n3A_2807 = arith.select %and3A_2804, %sub3A_2806, %div3A_2785 : i32
        %mul3A_2808 = arith.constant 128 : i32
        %mul3A_2809 = arith.muli %select_n3A_2807, %mul3A_2808 : i32
        %multiple_of3A_2810 = tpu.assume_multiple %mul3A_2809, 128 : i32
        %dma_start3A_2811 = arith.constant 5 : i32
        %dma_start3A_2812 = arith.constant 0 : i32
        %dma_start3A_2813 = arith.constant 0 : i32
        %dma_start3A_2814 = tpu.memref_slice %arg7[%dma_start3A_2811, %dma_start3A_2812, %dma_start3A_2813] : memref<8x32x128xf32, #tpu.memory_space<vmem>> -> memref<1x32x128xf32, #tpu.memory_space<vmem>>
        %dma_start3A_2815 = tpu.memref_squeeze %dma_start3A_2814 : memref<1x32x128xf32, #tpu.memory_space<vmem>> -> memref<32x128xf32, #tpu.memory_space<vmem>>
        %dma_start3A_2816 = arith.constant 0 : i32
        %dma_start3A_2817 = tpu.memref_slice %arg3[%dma_start3A_2816, %multiple_of3A_2810] : memref<32x1000000xf32, #tpu.memory_space<hbm>> -> memref<32x128xf32, #tpu.memory_space<hbm>>
        %dma_start3A_2818 = arith.constant 0 : i32
        %dma_start3A_2819 = arith.constant 0 : i32
        %dma_start3A_2820 = tpu.memref_slice %arg7[%dma_start3A_2811, %dma_start3A_2818, %dma_start3A_2819] : memref<8x32x128xf32, #tpu.memory_space<vmem>> -> memref<1x32x128xf32, #tpu.memory_space<vmem>>
        %dma_start3A_2821 = tpu.memref_squeeze %dma_start3A_2820 : memref<1x32x128xf32, #tpu.memory_space<vmem>> -> memref<32x128xf32, #tpu.memory_space<vmem>>
        %dma_start3A_2822 = arith.constant 0 : i32
        %dma_start3A_2823 = tpu.memref_slice %arg3[%dma_start3A_2822, %multiple_of3A_2810] : memref<32x1000000xf32, #tpu.memory_space<hbm>> -> memref<32x128xf32, #tpu.memory_space<hbm>>
        tpu.enqueue_dma source(%dma_start3A_2823 : memref<32x128xf32, #tpu.memory_space<hbm>>) target(%dma_start3A_2821 : memref<32x128xf32, #tpu.memory_space<vmem>>) target_semaphore(%arg11 : memref<!tpu.dma_semaphore, #tpu.memory_space<semaphore_mem>>)
        %slice3A_2824 = vector.extract_strided_slice %get3A_2571 {offsets = [6], sizes = [1], strides = [1]} : vector<16xi32> to vector<1xi32>
        %squeeze3A_2825 = vector.extract %slice3A_2824[0] : i32 from vector<1xi32>
        %jit3A_2826 = arith.constant 128 : i32
        %div3A_2827 = arith.divsi %squeeze3A_2825, %jit3A_2826 : i32
        %sign3A_2828 = arith.constant 0 : i32
        %sign3A_2829 = arith.cmpi sgt, %squeeze3A_2825, %sign3A_2828 : i32
        %sign3A_2830 = arith.extui %sign3A_2829 : i1 to i32
        %sign3A_2831 = arith.constant 0 : i32
        %sign3A_2832 = arith.cmpi slt, %squeeze3A_2825, %sign3A_2831 : i32
        %sign3A_2833 = arith.extui %sign3A_2832 : i1 to i32
        %sign3A_2834 = arith.subi %sign3A_2830, %sign3A_2833 : i32
        %sign3A_2835 = arith.constant 0 : i32
        %sign3A_2836 = arith.cmpi sgt, %jit3A_2826, %sign3A_2835 : i32
        %sign3A_2837 = arith.extui %sign3A_2836 : i1 to i32
        %sign3A_2838 = arith.constant 0 : i32
        %sign3A_2839 = arith.cmpi slt, %jit3A_2826, %sign3A_2838 : i32
        %sign3A_2840 = arith.extui %sign3A_2839 : i1 to i32
        %sign3A_2841 = arith.subi %sign3A_2837, %sign3A_2840 : i32
        %ne3A_2842 = arith.cmpi ne, %sign3A_2834, %sign3A_2841 : i32
        %rem3A_2843 = arith.remsi %squeeze3A_2825, %jit3A_2826 : i32
        %ne3A_2844 = arith.constant 0 : i32
        %ne3A_2845 = arith.cmpi ne, %rem3A_2843, %ne3A_2844 : i32
        %and3A_2846 = arith.andi %ne3A_2842, %ne3A_2845 : i1
        %sub3A_2847 = arith.constant 1 : i32
        %sub3A_2848 = arith.subi %div3A_2827, %sub3A_2847 : i32
        %select_n3A_2849 = arith.select %and3A_2846, %sub3A_2848, %div3A_2827 : i32
        %mul3A_2850 = arith.constant 128 : i32
        %mul3A_2851 = arith.muli %select_n3A_2849, %mul3A_2850 : i32
        %multiple_of3A_2852 = tpu.assume_multiple %mul3A_2851, 128 : i32
        %dma_start3A_2853 = arith.constant 6 : i32
        %dma_start3A_2854 = arith.constant 0 : i32
        %dma_start3A_2855 = arith.constant 0 : i32
        %dma_start3A_2856 = tpu.memref_slice %arg7[%dma_start3A_2853, %dma_start3A_2854, %dma_start3A_2855] : memref<8x32x128xf32, #tpu.memory_space<vmem>> -> memref<1x32x128xf32, #tpu.memory_space<vmem>>
        %dma_start3A_2857 = tpu.memref_squeeze %dma_start3A_2856 : memref<1x32x128xf32, #tpu.memory_space<vmem>> -> memref<32x128xf32, #tpu.memory_space<vmem>>
        %dma_start3A_2858 = arith.constant 0 : i32
        %dma_start3A_2859 = tpu.memref_slice %arg3[%dma_start3A_2858, %multiple_of3A_2852] : memref<32x1000000xf32, #tpu.memory_space<hbm>> -> memref<32x128xf32, #tpu.memory_space<hbm>>
        %dma_start3A_2860 = arith.constant 0 : i32
        %dma_start3A_2861 = arith.constant 0 : i32
        %dma_start3A_2862 = tpu.memref_slice %arg7[%dma_start3A_2853, %dma_start3A_2860, %dma_start3A_2861] : memref<8x32x128xf32, #tpu.memory_space<vmem>> -> memref<1x32x128xf32, #tpu.memory_space<vmem>>
        %dma_start3A_2863 = tpu.memref_squeeze %dma_start3A_2862 : memref<1x32x128xf32, #tpu.memory_space<vmem>> -> memref<32x128xf32, #tpu.memory_space<vmem>>
        %dma_start3A_2864 = arith.constant 0 : i32
        %dma_start3A_2865 = tpu.memref_slice %arg3[%dma_start3A_2864, %multiple_of3A_2852] : memref<32x1000000xf32, #tpu.memory_space<hbm>> -> memref<32x128xf32, #tpu.memory_space<hbm>>
        tpu.enqueue_dma source(%dma_start3A_2865 : memref<32x128xf32, #tpu.memory_space<hbm>>) target(%dma_start3A_2863 : memref<32x128xf32, #tpu.memory_space<vmem>>) target_semaphore(%arg11 : memref<!tpu.dma_semaphore, #tpu.memory_space<semaphore_mem>>)
        %slice3A_2866 = vector.extract_strided_slice %get3A_2571 {offsets = [7], sizes = [1], strides = [1]} : vector<16xi32> to vector<1xi32>
        %squeeze3A_2867 = vector.extract %slice3A_2866[0] : i32 from vector<1xi32>
        %jit3A_2868 = arith.constant 128 : i32
        %div3A_2869 = arith.divsi %squeeze3A_2867, %jit3A_2868 : i32
        %sign3A_2870 = arith.constant 0 : i32
        %sign3A_2871 = arith.cmpi sgt, %squeeze3A_2867, %sign3A_2870 : i32
        %sign3A_2872 = arith.extui %sign3A_2871 : i1 to i32
        %sign3A_2873 = arith.constant 0 : i32
        %sign3A_2874 = arith.cmpi slt, %squeeze3A_2867, %sign3A_2873 : i32
        %sign3A_2875 = arith.extui %sign3A_2874 : i1 to i32
        %sign3A_2876 = arith.subi %sign3A_2872, %sign3A_2875 : i32
        %sign3A_2877 = arith.constant 0 : i32
        %sign3A_2878 = arith.cmpi sgt, %jit3A_2868, %sign3A_2877 : i32
        %sign3A_2879 = arith.extui %sign3A_2878 : i1 to i32
        %sign3A_2880 = arith.constant 0 : i32
        %sign3A_2881 = arith.cmpi slt, %jit3A_2868, %sign3A_2880 : i32
        %sign3A_2882 = arith.extui %sign3A_2881 : i1 to i32
        %sign3A_2883 = arith.subi %sign3A_2879, %sign3A_2882 : i32
        %ne3A_2884 = arith.cmpi ne, %sign3A_2876, %sign3A_2883 : i32
        %rem3A_2885 = arith.remsi %squeeze3A_2867, %jit3A_2868 : i32
        %ne3A_2886 = arith.constant 0 : i32
        %ne3A_2887 = arith.cmpi ne, %rem3A_2885, %ne3A_2886 : i32
        %and3A_2888 = arith.andi %ne3A_2884, %ne3A_2887 : i1
        %sub3A_2889 = arith.constant 1 : i32
        %sub3A_2890 = arith.subi %div3A_2869, %sub3A_2889 : i32
        %select_n3A_2891 = arith.select %and3A_2888, %sub3A_2890, %div3A_2869 : i32
        %mul3A_2892 = arith.constant 128 : i32
        %mul3A_2893 = arith.muli %select_n3A_2891, %mul3A_2892 : i32
        %multiple_of3A_2894 = tpu.assume_multiple %mul3A_2893, 128 : i32
        %dma_start3A_2895 = arith.constant 7 : i32
        %dma_start3A_2896 = arith.constant 0 : i32
        %dma_start3A_2897 = arith.constant 0 : i32
        %dma_start3A_2898 = tpu.memref_slice %arg7[%dma_start3A_2895, %dma_start3A_2896, %dma_start3A_2897] : memref<8x32x128xf32, #tpu.memory_space<vmem>> -> memref<1x32x128xf32, #tpu.memory_space<vmem>>
        %dma_start3A_2899 = tpu.memref_squeeze %dma_start3A_2898 : memref<1x32x128xf32, #tpu.memory_space<vmem>> -> memref<32x128xf32, #tpu.memory_space<vmem>>
        %dma_start3A_2900 = arith.constant 0 : i32
        %dma_start3A_2901 = tpu.memref_slice %arg3[%dma_start3A_2900, %multiple_of3A_2894] : memref<32x1000000xf32, #tpu.memory_space<hbm>> -> memref<32x128xf32, #tpu.memory_space<hbm>>
        %dma_start3A_2902 = arith.constant 0 : i32
        %dma_start3A_2903 = arith.constant 0 : i32
        %dma_start3A_2904 = tpu.memref_slice %arg7[%dma_start3A_2895, %dma_start3A_2902, %dma_start3A_2903] : memref<8x32x128xf32, #tpu.memory_space<vmem>> -> memref<1x32x128xf32, #tpu.memory_space<vmem>>
        %dma_start3A_2905 = tpu.memref_squeeze %dma_start3A_2904 : memref<1x32x128xf32, #tpu.memory_space<vmem>> -> memref<32x128xf32, #tpu.memory_space<vmem>>
        %dma_start3A_2906 = arith.constant 0 : i32
        %dma_start3A_2907 = tpu.memref_slice %arg3[%dma_start3A_2906, %multiple_of3A_2894] : memref<32x1000000xf32, #tpu.memory_space<hbm>> -> memref<32x128xf32, #tpu.memory_space<hbm>>
        tpu.enqueue_dma source(%dma_start3A_2907 : memref<32x128xf32, #tpu.memory_space<hbm>>) target(%dma_start3A_2905 : memref<32x128xf32, #tpu.memory_space<vmem>>) target_semaphore(%arg11 : memref<!tpu.dma_semaphore, #tpu.memory_space<semaphore_mem>>)
      } else {
      }
      %dma_wait3A_2276 = arith.constant 0 : i32
      %dma_wait3A_2277 = arith.constant 0 : i32
      %dma_wait3A_2278 = arith.constant 0 : i32
      %dma_wait3A_2279 = tpu.memref_slice %arg8[%dma_wait3A_2276, %dma_wait3A_2277, %dma_wait3A_2278] : memref<8x32x128xf32, #tpu.memory_space<vmem>> -> memref<1x32x128xf32, #tpu.memory_space<vmem>>
      %dma_wait3A_2280 = tpu.memref_squeeze %dma_wait3A_2279 : memref<1x32x128xf32, #tpu.memory_space<vmem>> -> memref<32x128xf32, #tpu.memory_space<vmem>>
      %dma_wait3A_2281 = arith.constant 0 : i32
      %dma_wait3A_2282 = arith.constant 0 : i32
      %dma_wait3A_2283 = tpu.memref_slice %arg3[%dma_wait3A_2281, %dma_wait3A_2282] : memref<32x1000000xf32, #tpu.memory_space<hbm>> -> memref<32x128xf32, #tpu.memory_space<hbm>>
      %dma_wait3A_2284 = arith.constant 0 : i32
      %dma_wait3A_2285 = arith.constant 0 : i32
      %dma_wait3A_2286 = tpu.memref_slice %arg8[%dma_wait3A_2276, %dma_wait3A_2284, %dma_wait3A_2285] : memref<8x32x128xf32, #tpu.memory_space<vmem>> -> memref<1x32x128xf32, #tpu.memory_space<vmem>>
      %dma_wait3A_2287 = tpu.memref_squeeze %dma_wait3A_2286 : memref<1x32x128xf32, #tpu.memory_space<vmem>> -> memref<32x128xf32, #tpu.memory_space<vmem>>
      %dma_wait3A_2288 = arith.constant 0 : i32
      %dma_wait3A_2289 = arith.constant 0 : i32
      %dma_wait3A_2290 = tpu.memref_slice %arg3[%dma_wait3A_2288, %dma_wait3A_2289] : memref<32x1000000xf32, #tpu.memory_space<hbm>> -> memref<32x128xf32, #tpu.memory_space<hbm>>
      tpu.wait_dma2 semaphore(%arg12 : memref<!tpu.dma_semaphore, #tpu.memory_space<semaphore_mem>>) src(%dma_wait3A_2290 : memref<32x128xf32, #tpu.memory_space<hbm>>) dst(%dma_wait3A_2287 : memref<32x128xf32, #tpu.memory_space<vmem>>)
      %dma_wait3A_2291 = arith.constant 1 : i32
      %dma_wait3A_2292 = arith.constant 0 : i32
      %dma_wait3A_2293 = arith.constant 0 : i32
      %dma_wait3A_2294 = tpu.memref_slice %arg8[%dma_wait3A_2291, %dma_wait3A_2292, %dma_wait3A_2293] : memref<8x32x128xf32, #tpu.memory_space<vmem>> -> memref<1x32x128xf32, #tpu.memory_space<vmem>>
      %dma_wait3A_2295 = tpu.memref_squeeze %dma_wait3A_2294 : memref<1x32x128xf32, #tpu.memory_space<vmem>> -> memref<32x128xf32, #tpu.memory_space<vmem>>
      %dma_wait3A_2296 = arith.constant 0 : i32
      %dma_wait3A_2297 = arith.constant 0 : i32
      %dma_wait3A_2298 = tpu.memref_slice %arg3[%dma_wait3A_2296, %dma_wait3A_2297] : memref<32x1000000xf32, #tpu.memory_space<hbm>> -> memref<32x128xf32, #tpu.memory_space<hbm>>
      %dma_wait3A_2299 = arith.constant 0 : i32
      %dma_wait3A_2300 = arith.constant 0 : i32
      %dma_wait3A_2301 = tpu.memref_slice %arg8[%dma_wait3A_2291, %dma_wait3A_2299, %dma_wait3A_2300] : memref<8x32x128xf32, #tpu.memory_space<vmem>> -> memref<1x32x128xf32, #tpu.memory_space<vmem>>
      %dma_wait3A_2302 = tpu.memref_squeeze %dma_wait3A_2301 : memref<1x32x128xf32, #tpu.memory_space<vmem>> -> memref<32x128xf32, #tpu.memory_space<vmem>>
      %dma_wait3A_2303 = arith.constant 0 : i32
      %dma_wait3A_2304 = arith.constant 0 : i32
      %dma_wait3A_2305 = tpu.memref_slice %arg3[%dma_wait3A_2303, %dma_wait3A_2304] : memref<32x1000000xf32, #tpu.memory_space<hbm>> -> memref<32x128xf32, #tpu.memory_space<hbm>>
      tpu.wait_dma2 semaphore(%arg12 : memref<!tpu.dma_semaphore, #tpu.memory_space<semaphore_mem>>) src(%dma_wait3A_2305 : memref<32x128xf32, #tpu.memory_space<hbm>>) dst(%dma_wait3A_2302 : memref<32x128xf32, #tpu.memory_space<vmem>>)
      %dma_wait3A_2306 = arith.constant 2 : i32
      %dma_wait3A_2307 = arith.constant 0 : i32
      %dma_wait3A_2308 = arith.constant 0 : i32
      %dma_wait3A_2309 = tpu.memref_slice %arg8[%dma_wait3A_2306, %dma_wait3A_2307, %dma_wait3A_2308] : memref<8x32x128xf32, #tpu.memory_space<vmem>> -> memref<1x32x128xf32, #tpu.memory_space<vmem>>
      %dma_wait3A_2310 = tpu.memref_squeeze %dma_wait3A_2309 : memref<1x32x128xf32, #tpu.memory_space<vmem>> -> memref<32x128xf32, #tpu.memory_space<vmem>>
      %dma_wait3A_2311 = arith.constant 0 : i32
      %dma_wait3A_2312 = arith.constant 0 : i32
      %dma_wait3A_2313 = tpu.memref_slice %arg3[%dma_wait3A_2311, %dma_wait3A_2312] : memref<32x1000000xf32, #tpu.memory_space<hbm>> -> memref<32x128xf32, #tpu.memory_space<hbm>>
      %dma_wait3A_2314 = arith.constant 0 : i32
      %dma_wait3A_2315 = arith.constant 0 : i32
      %dma_wait3A_2316 = tpu.memref_slice %arg8[%dma_wait3A_2306, %dma_wait3A_2314, %dma_wait3A_2315] : memref<8x32x128xf32, #tpu.memory_space<vmem>> -> memref<1x32x128xf32, #tpu.memory_space<vmem>>
      %dma_wait3A_2317 = tpu.memref_squeeze %dma_wait3A_2316 : memref<1x32x128xf32, #tpu.memory_space<vmem>> -> memref<32x128xf32, #tpu.memory_space<vmem>>
      %dma_wait3A_2318 = arith.constant 0 : i32
      %dma_wait3A_2319 = arith.constant 0 : i32
      %dma_wait3A_2320 = tpu.memref_slice %arg3[%dma_wait3A_2318, %dma_wait3A_2319] : memref<32x1000000xf32, #tpu.memory_space<hbm>> -> memref<32x128xf32, #tpu.memory_space<hbm>>
      tpu.wait_dma2 semaphore(%arg12 : memref<!tpu.dma_semaphore, #tpu.memory_space<semaphore_mem>>) src(%dma_wait3A_2320 : memref<32x128xf32, #tpu.memory_space<hbm>>) dst(%dma_wait3A_2317 : memref<32x128xf32, #tpu.memory_space<vmem>>)
      %dma_wait3A_2321 = arith.constant 3 : i32
      %dma_wait3A_2322 = arith.constant 0 : i32
      %dma_wait3A_2323 = arith.constant 0 : i32
      %dma_wait3A_2324 = tpu.memref_slice %arg8[%dma_wait3A_2321, %dma_wait3A_2322, %dma_wait3A_2323] : memref<8x32x128xf32, #tpu.memory_space<vmem>> -> memref<1x32x128xf32, #tpu.memory_space<vmem>>
      %dma_wait3A_2325 = tpu.memref_squeeze %dma_wait3A_2324 : memref<1x32x128xf32, #tpu.memory_space<vmem>> -> memref<32x128xf32, #tpu.memory_space<vmem>>
      %dma_wait3A_2326 = arith.constant 0 : i32
      %dma_wait3A_2327 = arith.constant 0 : i32
      %dma_wait3A_2328 = tpu.memref_slice %arg3[%dma_wait3A_2326, %dma_wait3A_2327] : memref<32x1000000xf32, #tpu.memory_space<hbm>> -> memref<32x128xf32, #tpu.memory_space<hbm>>
      %dma_wait3A_2329 = arith.constant 0 : i32
      %dma_wait3A_2330 = arith.constant 0 : i32
      %dma_wait3A_2331 = tpu.memref_slice %arg8[%dma_wait3A_2321, %dma_wait3A_2329, %dma_wait3A_2330] : memref<8x32x128xf32, #tpu.memory_space<vmem>> -> memref<1x32x128xf32, #tpu.memory_space<vmem>>
      %dma_wait3A_2332 = tpu.memref_squeeze %dma_wait3A_2331 : memref<1x32x128xf32, #tpu.memory_space<vmem>> -> memref<32x128xf32, #tpu.memory_space<vmem>>
      %dma_wait3A_2333 = arith.constant 0 : i32
      %dma_wait3A_2334 = arith.constant 0 : i32
      %dma_wait3A_2335 = tpu.memref_slice %arg3[%dma_wait3A_2333, %dma_wait3A_2334] : memref<32x1000000xf32, #tpu.memory_space<hbm>> -> memref<32x128xf32, #tpu.memory_space<hbm>>
      tpu.wait_dma2 semaphore(%arg12 : memref<!tpu.dma_semaphore, #tpu.memory_space<semaphore_mem>>) src(%dma_wait3A_2335 : memref<32x128xf32, #tpu.memory_space<hbm>>) dst(%dma_wait3A_2332 : memref<32x128xf32, #tpu.memory_space<vmem>>)
      %dma_wait3A_2336 = arith.constant 4 : i32
      %dma_wait3A_2337 = arith.constant 0 : i32
      %dma_wait3A_2338 = arith.constant 0 : i32
      %dma_wait3A_2339 = tpu.memref_slice %arg8[%dma_wait3A_2336, %dma_wait3A_2337, %dma_wait3A_2338] : memref<8x32x128xf32, #tpu.memory_space<vmem>> -> memref<1x32x128xf32, #tpu.memory_space<vmem>>
      %dma_wait3A_2340 = tpu.memref_squeeze %dma_wait3A_2339 : memref<1x32x128xf32, #tpu.memory_space<vmem>> -> memref<32x128xf32, #tpu.memory_space<vmem>>
      %dma_wait3A_2341 = arith.constant 0 : i32
      %dma_wait3A_2342 = arith.constant 0 : i32
      %dma_wait3A_2343 = tpu.memref_slice %arg3[%dma_wait3A_2341, %dma_wait3A_2342] : memref<32x1000000xf32, #tpu.memory_space<hbm>> -> memref<32x128xf32, #tpu.memory_space<hbm>>
      %dma_wait3A_2344 = arith.constant 0 : i32
      %dma_wait3A_2345 = arith.constant 0 : i32
      %dma_wait3A_2346 = tpu.memref_slice %arg8[%dma_wait3A_2336, %dma_wait3A_2344, %dma_wait3A_2345] : memref<8x32x128xf32, #tpu.memory_space<vmem>> -> memref<1x32x128xf32, #tpu.memory_space<vmem>>
      %dma_wait3A_2347 = tpu.memref_squeeze %dma_wait3A_2346 : memref<1x32x128xf32, #tpu.memory_space<vmem>> -> memref<32x128xf32, #tpu.memory_space<vmem>>
      %dma_wait3A_2348 = arith.constant 0 : i32
      %dma_wait3A_2349 = arith.constant 0 : i32
      %dma_wait3A_2350 = tpu.memref_slice %arg3[%dma_wait3A_2348, %dma_wait3A_2349] : memref<32x1000000xf32, #tpu.memory_space<hbm>> -> memref<32x128xf32, #tpu.memory_space<hbm>>
      tpu.wait_dma2 semaphore(%arg12 : memref<!tpu.dma_semaphore, #tpu.memory_space<semaphore_mem>>) src(%dma_wait3A_2350 : memref<32x128xf32, #tpu.memory_space<hbm>>) dst(%dma_wait3A_2347 : memref<32x128xf32, #tpu.memory_space<vmem>>)
      %dma_wait3A_2351 = arith.constant 5 : i32
      %dma_wait3A_2352 = arith.constant 0 : i32
      %dma_wait3A_2353 = arith.constant 0 : i32
      %dma_wait3A_2354 = tpu.memref_slice %arg8[%dma_wait3A_2351, %dma_wait3A_2352, %dma_wait3A_2353] : memref<8x32x128xf32, #tpu.memory_space<vmem>> -> memref<1x32x128xf32, #tpu.memory_space<vmem>>
      %dma_wait3A_2355 = tpu.memref_squeeze %dma_wait3A_2354 : memref<1x32x128xf32, #tpu.memory_space<vmem>> -> memref<32x128xf32, #tpu.memory_space<vmem>>
      %dma_wait3A_2356 = arith.constant 0 : i32
      %dma_wait3A_2357 = arith.constant 0 : i32
      %dma_wait3A_2358 = tpu.memref_slice %arg3[%dma_wait3A_2356, %dma_wait3A_2357] : memref<32x1000000xf32, #tpu.memory_space<hbm>> -> memref<32x128xf32, #tpu.memory_space<hbm>>
      %dma_wait3A_2359 = arith.constant 0 : i32
      %dma_wait3A_2360 = arith.constant 0 : i32
      %dma_wait3A_2361 = tpu.memref_slice %arg8[%dma_wait3A_2351, %dma_wait3A_2359, %dma_wait3A_2360] : memref<8x32x128xf32, #tpu.memory_space<vmem>> -> memref<1x32x128xf32, #tpu.memory_space<vmem>>
      %dma_wait3A_2362 = tpu.memref_squeeze %dma_wait3A_2361 : memref<1x32x128xf32, #tpu.memory_space<vmem>> -> memref<32x128xf32, #tpu.memory_space<vmem>>
      %dma_wait3A_2363 = arith.constant 0 : i32
      %dma_wait3A_2364 = arith.constant 0 : i32
      %dma_wait3A_2365 = tpu.memref_slice %arg3[%dma_wait3A_2363, %dma_wait3A_2364] : memref<32x1000000xf32, #tpu.memory_space<hbm>> -> memref<32x128xf32, #tpu.memory_space<hbm>>
      tpu.wait_dma2 semaphore(%arg12 : memref<!tpu.dma_semaphore, #tpu.memory_space<semaphore_mem>>) src(%dma_wait3A_2365 : memref<32x128xf32, #tpu.memory_space<hbm>>) dst(%dma_wait3A_2362 : memref<32x128xf32, #tpu.memory_space<vmem>>)
      %dma_wait3A_2366 = arith.constant 6 : i32
      %dma_wait3A_2367 = arith.constant 0 : i32
      %dma_wait3A_2368 = arith.constant 0 : i32
      %dma_wait3A_2369 = tpu.memref_slice %arg8[%dma_wait3A_2366, %dma_wait3A_2367, %dma_wait3A_2368] : memref<8x32x128xf32, #tpu.memory_space<vmem>> -> memref<1x32x128xf32, #tpu.memory_space<vmem>>
      %dma_wait3A_2370 = tpu.memref_squeeze %dma_wait3A_2369 : memref<1x32x128xf32, #tpu.memory_space<vmem>> -> memref<32x128xf32, #tpu.memory_space<vmem>>
      %dma_wait3A_2371 = arith.constant 0 : i32
      %dma_wait3A_2372 = arith.constant 0 : i32
      %dma_wait3A_2373 = tpu.memref_slice %arg3[%dma_wait3A_2371, %dma_wait3A_2372] : memref<32x1000000xf32, #tpu.memory_space<hbm>> -> memref<32x128xf32, #tpu.memory_space<hbm>>
      %dma_wait3A_2374 = arith.constant 0 : i32
      %dma_wait3A_2375 = arith.constant 0 : i32
      %dma_wait3A_2376 = tpu.memref_slice %arg8[%dma_wait3A_2366, %dma_wait3A_2374, %dma_wait3A_2375] : memref<8x32x128xf32, #tpu.memory_space<vmem>> -> memref<1x32x128xf32, #tpu.memory_space<vmem>>
      %dma_wait3A_2377 = tpu.memref_squeeze %dma_wait3A_2376 : memref<1x32x128xf32, #tpu.memory_space<vmem>> -> memref<32x128xf32, #tpu.memory_space<vmem>>
      %dma_wait3A_2378 = arith.constant 0 : i32
      %dma_wait3A_2379 = arith.constant 0 : i32
      %dma_wait3A_2380 = tpu.memref_slice %arg3[%dma_wait3A_2378, %dma_wait3A_2379] : memref<32x1000000xf32, #tpu.memory_space<hbm>> -> memref<32x128xf32, #tpu.memory_space<hbm>>
      tpu.wait_dma2 semaphore(%arg12 : memref<!tpu.dma_semaphore, #tpu.memory_space<semaphore_mem>>) src(%dma_wait3A_2380 : memref<32x128xf32, #tpu.memory_space<hbm>>) dst(%dma_wait3A_2377 : memref<32x128xf32, #tpu.memory_space<vmem>>)
      %dma_wait3A_2381 = arith.constant 7 : i32
      %dma_wait3A_2382 = arith.constant 0 : i32
      %dma_wait3A_2383 = arith.constant 0 : i32
      %dma_wait3A_2384 = tpu.memref_slice %arg8[%dma_wait3A_2381, %dma_wait3A_2382, %dma_wait3A_2383] : memref<8x32x128xf32, #tpu.memory_space<vmem>> -> memref<1x32x128xf32, #tpu.memory_space<vmem>>
      %dma_wait3A_2385 = tpu.memref_squeeze %dma_wait3A_2384 : memref<1x32x128xf32, #tpu.memory_space<vmem>> -> memref<32x128xf32, #tpu.memory_space<vmem>>
      %dma_wait3A_2386 = arith.constant 0 : i32
      %dma_wait3A_2387 = arith.constant 0 : i32
      %dma_wait3A_2388 = tpu.memref_slice %arg3[%dma_wait3A_2386, %dma_wait3A_2387] : memref<32x1000000xf32, #tpu.memory_space<hbm>> -> memref<32x128xf32, #tpu.memory_space<hbm>>
      %dma_wait3A_2389 = arith.constant 0 : i32
      %dma_wait3A_2390 = arith.constant 0 : i32
      %dma_wait3A_2391 = tpu.memref_slice %arg8[%dma_wait3A_2381, %dma_wait3A_2389, %dma_wait3A_2390] : memref<8x32x128xf32, #tpu.memory_space<vmem>> -> memref<1x32x128xf32, #tpu.memory_space<vmem>>
      %dma_wait3A_2392 = tpu.memref_squeeze %dma_wait3A_2391 : memref<1x32x128xf32, #tpu.memory_space<vmem>> -> memref<32x128xf32, #tpu.memory_space<vmem>>
      %dma_wait3A_2393 = arith.constant 0 : i32
      %dma_wait3A_2394 = arith.constant 0 : i32
      %dma_wait3A_2395 = tpu.memref_slice %arg3[%dma_wait3A_2393, %dma_wait3A_2394] : memref<32x1000000xf32, #tpu.memory_space<hbm>> -> memref<32x128xf32, #tpu.memory_space<hbm>>
      tpu.wait_dma2 semaphore(%arg12 : memref<!tpu.dma_semaphore, #tpu.memory_space<semaphore_mem>>) src(%dma_wait3A_2395 : memref<32x128xf32, #tpu.memory_space<hbm>>) dst(%dma_wait3A_2392 : memref<32x128xf32, #tpu.memory_space<vmem>>)
      %add3A_2396 = arith.constant 2 : i32
      %add3A_2397 = arith.addi %mul3A_1347, %add3A_2396 : i32
      %mul3A_2398 = arith.constant 8 : i32
      %mul3A_2399 = arith.muli %add3A_2397, %mul3A_2398 : i32
      %get3A_2400 = arith.index_cast %mul3A_2399 : i32 to index
      %get3A_2401 = tpu.vector_load %arg5[%get3A_2400] {strides = array<i32>} : memref<528xi32, #tpu.memory_space<vmem>>, vector<16xi32>,
      %lt3A_2402 = arith.constant 0 : i32
      %lt3A_2403 = vector.broadcast %lt3A_2402 : i32 to vector<16xi32>
      %lt3A_2404 = arith.cmpi slt, %select_n3A, %lt3A_2403 : vector<16xi32>
      %add3A_2405 = arith.constant 16 : i32
      %add3A_2406 = vector.broadcast %add3A_2405 : i32 to vector<16xi32>
      %add3A_2407 = arith.addi %select_n3A, %add3A_2406 : vector<16xi32>
      %select_n3A_2408 = arith.select %lt3A_2404, %add3A_2407, %select_n3A : vector<16xi1>, vector<16xi32>
      %broadcast_in_dim3A_2409 = vector.shape_cast %select_n3A_2408 : vector<16xi32> to vector<16x1xi32>
      %gather3A_2410 = vector.shape_cast %broadcast_in_dim3A_2409 : vector<16x1xi32> to vector<16xi32>
      %gather3A_2411 = tpu.dynamic_gather %get3A_2401[%gather3A_2410] in [0] : vector<16xi32>, vector<16xi32> -> vector<16xi32>
      %jit3A_2412 = arith.constant 128 : i32
      %eq3A_2413 = arith.constant 0 : i32
      %eq3A_2414 = arith.cmpi eq, %jit3A_2412, %eq3A_2413 : i32
      %jit3A_2415 = arith.constant 1 : i32
      %select_n3A_2416 = arith.select %eq3A_2414, %jit3A_2415, %jit3A_2412 : i32
      %rem3A_2417 = vector.broadcast %select_n3A_2416 : i32 to vector<16xi32>
      %rem3A_2418 = arith.remsi %gather3A_2411, %rem3A_2417 : vector<16xi32>
      %ne3A_2419 = arith.constant 0 : i32
      %ne3A_2420 = vector.broadcast %ne3A_2419 : i32 to vector<16xi32>
      %ne3A_2421 = arith.cmpi ne, %rem3A_2418, %ne3A_2420 : vector<16xi32>
      %lt3A_2422 = arith.constant 0 : i32
      %lt3A_2423 = vector.broadcast %lt3A_2422 : i32 to vector<16xi32>
      %lt3A_2424 = arith.cmpi slt, %rem3A_2418, %lt3A_2423 : vector<16xi32>
      %lt3A_2425 = arith.constant 0 : i32
      %lt3A_2426 = arith.cmpi slt, %select_n3A_2416, %lt3A_2425 : i32
      %ne3A_2427 = vector.broadcast %lt3A_2426 : i1 to vector<16xi1>
      %ne3A_2428 = vector.broadcast %ne3A_2427 : vector<16xi1> to vector<16xi1>
      %ne3A_2429 = arith.xori %lt3A_2424, %ne3A_2428 : vector<16xi1>
      %and3A_2430 = arith.andi %ne3A_2429, %ne3A_2421 : vector<16xi1>
      %add3A_2431 = vector.broadcast %select_n3A_2416 : i32 to vector<16xi32>
      %add3A_2432 = arith.addi %rem3A_2418, %add3A_2431 : vector<16xi32>
      %select_n3A_2433 = arith.select %and3A_2430, %add3A_2432, %rem3A_2418 : vector<16xi1>, vector<16xi32>
      %mul3A_2434 = arith.constant 8 : i32
      %mul3A_2435 = arith.muli %add3A_2397, %mul3A_2434 : i32
      %add3A_2436 = vector.broadcast %mul3A_2435 : i32 to vector<16xi32>
      %add3A_2437 = arith.addi %add3A_2436, %select_n3A : vector<16xi32>
      %add3A_2438 = arith.constant 0 : i32
      %add3A_2439 = vector.broadcast %add3A_2438 : i32 to vector<16xi32>
      %add3A_2440 = arith.addi %add3A_2439, %select_n3A_45 : vector<16xi32>
      %gather3A_2441 = tpu.vector_load_idx %arg8[%select_n3A, %add3A_2440, %select_n3A_2433] : memref<8x32x128xf32, #tpu.memory_space<vmem>>[vector<16xi32>, vector<16xi32>, vector<16xi32>], vector<16xf32>,
      %mul3A_2442 = arith.constant 32 : i32
      %mul3A_2443 = vector.broadcast %mul3A_2442 : i32 to vector<16xi32>
      %mul3A_2444 = arith.muli %add3A_2437, %mul3A_2443 : vector<16xi32>
      %add3A_2445 = arith.addi %mul3A_2444, %add3A_2440 : vector<16xi32>
      tpu.vector_store_idx %arg9[%add3A_2445], %gather3A_2441 : memref<16384xf32, #tpu.memory_space<vmem>>[vector<16xi32>], vector<16xf32>,
      %add3A_2446 = arith.constant 2 : i32
      %add3A_2447 = vector.broadcast %add3A_2446 : i32 to vector<16xi32>
      %add3A_2448 = arith.addi %add3A_2447, %select_n3A_45 : vector<16xi32>
      %gather3A_2449 = tpu.vector_load_idx %arg8[%select_n3A, %add3A_2448, %select_n3A_2433] : memref<8x32x128xf32, #tpu.memory_space<vmem>>[vector<16xi32>, vector<16xi32>, vector<16xi32>], vector<16xf32>,
      %mul3A_2450 = arith.constant 32 : i32
      %mul3A_2451 = vector.broadcast %mul3A_2450 : i32 to vector<16xi32>
      %mul3A_2452 = arith.muli %add3A_2437, %mul3A_2451 : vector<16xi32>
      %add3A_2453 = arith.addi %mul3A_2452, %add3A_2448 : vector<16xi32>
      tpu.vector_store_idx %arg9[%add3A_2453], %gather3A_2449 : memref<16384xf32, #tpu.memory_space<vmem>>[vector<16xi32>], vector<16xf32>,
      %add3A_2454 = arith.constant 4 : i32
      %add3A_2455 = vector.broadcast %add3A_2454 : i32 to vector<16xi32>
      %add3A_2456 = arith.addi %add3A_2455, %select_n3A_45 : vector<16xi32>
      %gather3A_2457 = tpu.vector_load_idx %arg8[%select_n3A, %add3A_2456, %select_n3A_2433] : memref<8x32x128xf32, #tpu.memory_space<vmem>>[vector<16xi32>, vector<16xi32>, vector<16xi32>], vector<16xf32>,
      %mul3A_2458 = arith.constant 32 : i32
      %mul3A_2459 = vector.broadcast %mul3A_2458 : i32 to vector<16xi32>
      %mul3A_2460 = arith.muli %add3A_2437, %mul3A_2459 : vector<16xi32>
      %add3A_2461 = arith.addi %mul3A_2460, %add3A_2456 : vector<16xi32>
      tpu.vector_store_idx %arg9[%add3A_2461], %gather3A_2457 : memref<16384xf32, #tpu.memory_space<vmem>>[vector<16xi32>], vector<16xf32>,
      %add3A_2462 = arith.constant 6 : i32
      %add3A_2463 = vector.broadcast %add3A_2462 : i32 to vector<16xi32>
      %add3A_2464 = arith.addi %add3A_2463, %select_n3A_45 : vector<16xi32>
      %gather3A_2465 = tpu.vector_load_idx %arg8[%select_n3A, %add3A_2464, %select_n3A_2433] : memref<8x32x128xf32, #tpu.memory_space<vmem>>[vector<16xi32>, vector<16xi32>, vector<16xi32>], vector<16xf32>,
      %mul3A_2466 = arith.constant 32 : i32
      %mul3A_2467 = vector.broadcast %mul3A_2466 : i32 to vector<16xi32>
      %mul3A_2468 = arith.muli %add3A_2437, %mul3A_2467 : vector<16xi32>
      %add3A_2469 = arith.addi %mul3A_2468, %add3A_2464 : vector<16xi32>
      tpu.vector_store_idx %arg9[%add3A_2469], %gather3A_2465 : memref<16384xf32, #tpu.memory_space<vmem>>[vector<16xi32>], vector<16xf32>,
      %add3A_2470 = arith.constant 8 : i32
      %add3A_2471 = vector.broadcast %add3A_2470 : i32 to vector<16xi32>
      %add3A_2472 = arith.addi %add3A_2471, %select_n3A_45 : vector<16xi32>
      %gather3A_2473 = tpu.vector_load_idx %arg8[%select_n3A, %add3A_2472, %select_n3A_2433] : memref<8x32x128xf32, #tpu.memory_space<vmem>>[vector<16xi32>, vector<16xi32>, vector<16xi32>], vector<16xf32>,
      %mul3A_2474 = arith.constant 32 : i32
      %mul3A_2475 = vector.broadcast %mul3A_2474 : i32 to vector<16xi32>
      %mul3A_2476 = arith.muli %add3A_2437, %mul3A_2475 : vector<16xi32>
      %add3A_2477 = arith.addi %mul3A_2476, %add3A_2472 : vector<16xi32>
      tpu.vector_store_idx %arg9[%add3A_2477], %gather3A_2473 : memref<16384xf32, #tpu.memory_space<vmem>>[vector<16xi32>], vector<16xf32>,
      %add3A_2478 = arith.constant 10 : i32
      %add3A_2479 = vector.broadcast %add3A_2478 : i32 to vector<16xi32>
      %add3A_2480 = arith.addi %add3A_2479, %select_n3A_45 : vector<16xi32>
      %gather3A_2481 = tpu.vector_load_idx %arg8[%select_n3A, %add3A_2480, %select_n3A_2433] : memref<8x32x128xf32, #tpu.memory_space<vmem>>[vector<16xi32>, vector<16xi32>, vector<16xi32>], vector<16xf32>,
      %mul3A_2482 = arith.constant 32 : i32
      %mul3A_2483 = vector.broadcast %mul3A_2482 : i32 to vector<16xi32>
      %mul3A_2484 = arith.muli %add3A_2437, %mul3A_2483 : vector<16xi32>
      %add3A_2485 = arith.addi %mul3A_2484, %add3A_2480 : vector<16xi32>
      tpu.vector_store_idx %arg9[%add3A_2485], %gather3A_2481 : memref<16384xf32, #tpu.memory_space<vmem>>[vector<16xi32>], vector<16xf32>,
      %add3A_2486 = arith.constant 12 : i32
      %add3A_2487 = vector.broadcast %add3A_2486 : i32 to vector<16xi32>
      %add3A_2488 = arith.addi %add3A_2487, %select_n3A_45 : vector<16xi32>
      %gather3A_2489 = tpu.vector_load_idx %arg8[%select_n3A, %add3A_2488, %select_n3A_2433] : memref<8x32x128xf32, #tpu.memory_space<vmem>>[vector<16xi32>, vector<16xi32>, vector<16xi32>], vector<16xf32>,
      %mul3A_2490 = arith.constant 32 : i32
      %mul3A_2491 = vector.broadcast %mul3A_2490 : i32 to vector<16xi32>
      %mul3A_2492 = arith.muli %add3A_2437, %mul3A_2491 : vector<16xi32>
      %add3A_2493 = arith.addi %mul3A_2492, %add3A_2488 : vector<16xi32>
      tpu.vector_store_idx %arg9[%add3A_2493], %gather3A_2489 : memref<16384xf32, #tpu.memory_space<vmem>>[vector<16xi32>], vector<16xf32>,
      %add3A_2494 = arith.constant 14 : i32
      %add3A_2495 = vector.broadcast %add3A_2494 : i32 to vector<16xi32>
      %add3A_2496 = arith.addi %add3A_2495, %select_n3A_45 : vector<16xi32>
      %gather3A_2497 = tpu.vector_load_idx %arg8[%select_n3A, %add3A_2496, %select_n3A_2433] : memref<8x32x128xf32, #tpu.memory_space<vmem>>[vector<16xi32>, vector<16xi32>, vector<16xi32>], vector<16xf32>,
      %mul3A_2498 = arith.constant 32 : i32
      %mul3A_2499 = vector.broadcast %mul3A_2498 : i32 to vector<16xi32>
      %mul3A_2500 = arith.muli %add3A_2437, %mul3A_2499 : vector<16xi32>
      %add3A_2501 = arith.addi %mul3A_2500, %add3A_2496 : vector<16xi32>
      tpu.vector_store_idx %arg9[%add3A_2501], %gather3A_2497 : memref<16384xf32, #tpu.memory_space<vmem>>[vector<16xi32>], vector<16xf32>,
      %add3A_2502 = arith.constant 16 : i32
      %add3A_2503 = vector.broadcast %add3A_2502 : i32 to vector<16xi32>
      %add3A_2504 = arith.addi %add3A_2503, %select_n3A_45 : vector<16xi32>
      %gather3A_2505 = tpu.vector_load_idx %arg8[%select_n3A, %add3A_2504, %select_n3A_2433] : memref<8x32x128xf32, #tpu.memory_space<vmem>>[vector<16xi32>, vector<16xi32>, vector<16xi32>], vector<16xf32>,
      %mul3A_2506 = arith.constant 32 : i32
      %mul3A_2507 = vector.broadcast %mul3A_2506 : i32 to vector<16xi32>
      %mul3A_2508 = arith.muli %add3A_2437, %mul3A_2507 : vector<16xi32>
      %add3A_2509 = arith.addi %mul3A_2508, %add3A_2504 : vector<16xi32>
      tpu.vector_store_idx %arg9[%add3A_2509], %gather3A_2505 : memref<16384xf32, #tpu.memory_space<vmem>>[vector<16xi32>], vector<16xf32>,
      %add3A_2510 = arith.constant 18 : i32
      %add3A_2511 = vector.broadcast %add3A_2510 : i32 to vector<16xi32>
      %add3A_2512 = arith.addi %add3A_2511, %select_n3A_45 : vector<16xi32>
      %gather3A_2513 = tpu.vector_load_idx %arg8[%select_n3A, %add3A_2512, %select_n3A_2433] : memref<8x32x128xf32, #tpu.memory_space<vmem>>[vector<16xi32>, vector<16xi32>, vector<16xi32>], vector<16xf32>,
      %mul3A_2514 = arith.constant 32 : i32
      %mul3A_2515 = vector.broadcast %mul3A_2514 : i32 to vector<16xi32>
      %mul3A_2516 = arith.muli %add3A_2437, %mul3A_2515 : vector<16xi32>
      %add3A_2517 = arith.addi %mul3A_2516, %add3A_2512 : vector<16xi32>
      tpu.vector_store_idx %arg9[%add3A_2517], %gather3A_2513 : memref<16384xf32, #tpu.memory_space<vmem>>[vector<16xi32>], vector<16xf32>,
      %add3A_2518 = arith.constant 20 : i32
      %add3A_2519 = vector.broadcast %add3A_2518 : i32 to vector<16xi32>
      %add3A_2520 = arith.addi %add3A_2519, %select_n3A_45 : vector<16xi32>
      %gather3A_2521 = tpu.vector_load_idx %arg8[%select_n3A, %add3A_2520, %select_n3A_2433] : memref<8x32x128xf32, #tpu.memory_space<vmem>>[vector<16xi32>, vector<16xi32>, vector<16xi32>], vector<16xf32>,
      %mul3A_2522 = arith.constant 32 : i32
      %mul3A_2523 = vector.broadcast %mul3A_2522 : i32 to vector<16xi32>
      %mul3A_2524 = arith.muli %add3A_2437, %mul3A_2523 : vector<16xi32>
      %add3A_2525 = arith.addi %mul3A_2524, %add3A_2520 : vector<16xi32>
      tpu.vector_store_idx %arg9[%add3A_2525], %gather3A_2521 : memref<16384xf32, #tpu.memory_space<vmem>>[vector<16xi32>], vector<16xf32>,
      %add3A_2526 = arith.constant 22 : i32
      %add3A_2527 = vector.broadcast %add3A_2526 : i32 to vector<16xi32>
      %add3A_2528 = arith.addi %add3A_2527, %select_n3A_45 : vector<16xi32>
      %gather3A_2529 = tpu.vector_load_idx %arg8[%select_n3A, %add3A_2528, %select_n3A_2433] : memref<8x32x128xf32, #tpu.memory_space<vmem>>[vector<16xi32>, vector<16xi32>, vector<16xi32>], vector<16xf32>,
      %mul3A_2530 = arith.constant 32 : i32
      %mul3A_2531 = vector.broadcast %mul3A_2530 : i32 to vector<16xi32>
      %mul3A_2532 = arith.muli %add3A_2437, %mul3A_2531 : vector<16xi32>
      %add3A_2533 = arith.addi %mul3A_2532, %add3A_2528 : vector<16xi32>
      tpu.vector_store_idx %arg9[%add3A_2533], %gather3A_2529 : memref<16384xf32, #tpu.memory_space<vmem>>[vector<16xi32>], vector<16xf32>,
      %add3A_2534 = arith.constant 24 : i32
      %add3A_2535 = vector.broadcast %add3A_2534 : i32 to vector<16xi32>
      %add3A_2536 = arith.addi %add3A_2535, %select_n3A_45 : vector<16xi32>
      %gather3A_2537 = tpu.vector_load_idx %arg8[%select_n3A, %add3A_2536, %select_n3A_2433] : memref<8x32x128xf32, #tpu.memory_space<vmem>>[vector<16xi32>, vector<16xi32>, vector<16xi32>], vector<16xf32>,
      %mul3A_2538 = arith.constant 32 : i32
      %mul3A_2539 = vector.broadcast %mul3A_2538 : i32 to vector<16xi32>
      %mul3A_2540 = arith.muli %add3A_2437, %mul3A_2539 : vector<16xi32>
      %add3A_2541 = arith.addi %mul3A_2540, %add3A_2536 : vector<16xi32>
      tpu.vector_store_idx %arg9[%add3A_2541], %gather3A_2537 : memref<16384xf32, #tpu.memory_space<vmem>>[vector<16xi32>], vector<16xf32>,
      %add3A_2542 = arith.constant 26 : i32
      %add3A_2543 = vector.broadcast %add3A_2542 : i32 to vector<16xi32>
      %add3A_2544 = arith.addi %add3A_2543, %select_n3A_45 : vector<16xi32>
      %gather3A_2545 = tpu.vector_load_idx %arg8[%select_n3A, %add3A_2544, %select_n3A_2433] : memref<8x32x128xf32, #tpu.memory_space<vmem>>[vector<16xi32>, vector<16xi32>, vector<16xi32>], vector<16xf32>,
      %mul3A_2546 = arith.constant 32 : i32
      %mul3A_2547 = vector.broadcast %mul3A_2546 : i32 to vector<16xi32>
      %mul3A_2548 = arith.muli %add3A_2437, %mul3A_2547 : vector<16xi32>
      %add3A_2549 = arith.addi %mul3A_2548, %add3A_2544 : vector<16xi32>
      tpu.vector_store_idx %arg9[%add3A_2549], %gather3A_2545 : memref<16384xf32, #tpu.memory_space<vmem>>[vector<16xi32>], vector<16xf32>,
      %add3A_2550 = arith.constant 28 : i32
      %add3A_2551 = vector.broadcast %add3A_2550 : i32 to vector<16xi32>
      %add3A_2552 = arith.addi %add3A_2551, %select_n3A_45 : vector<16xi32>
      %gather3A_2553 = tpu.vector_load_idx %arg8[%select_n3A, %add3A_2552, %select_n3A_2433] : memref<8x32x128xf32, #tpu.memory_space<vmem>>[vector<16xi32>, vector<16xi32>, vector<16xi32>], vector<16xf32>,
      %mul3A_2554 = arith.constant 32 : i32
      %mul3A_2555 = vector.broadcast %mul3A_2554 : i32 to vector<16xi32>
      %mul3A_2556 = arith.muli %add3A_2437, %mul3A_2555 : vector<16xi32>
      %add3A_2557 = arith.addi %mul3A_2556, %add3A_2552 : vector<16xi32>
      tpu.vector_store_idx %arg9[%add3A_2557], %gather3A_2553 : memref<16384xf32, #tpu.memory_space<vmem>>[vector<16xi32>], vector<16xf32>,
      %add3A_2558 = arith.constant 30 : i32
      %add3A_2559 = vector.broadcast %add3A_2558 : i32 to vector<16xi32>
      %add3A_2560 = arith.addi %add3A_2559, %select_n3A_45 : vector<16xi32>
      %gather3A_2561 = tpu.vector_load_idx %arg8[%select_n3A, %add3A_2560, %select_n3A_2433] : memref<8x32x128xf32, #tpu.memory_space<vmem>>[vector<16xi32>, vector<16xi32>, vector<16xi32>], vector<16xf32>,
      %mul3A_2562 = arith.constant 32 : i32
      %mul3A_2563 = vector.broadcast %mul3A_2562 : i32 to vector<16xi32>
      %mul3A_2564 = arith.muli %add3A_2437, %mul3A_2563 : vector<16xi32>
      %add3A_2565 = arith.addi %mul3A_2564, %add3A_2560 : vector<16xi32>
      tpu.vector_store_idx %arg9[%add3A_2565], %gather3A_2561 : memref<16384xf32, #tpu.memory_space<vmem>>[vector<16xi32>], vector<16xf32>,
    }
    %scan3A_722 = arith.constant 21 : i32
    %get3A_723 = arith.constant 504 : index
    %get3A_724 = tpu.vector_load %arg5[%get3A_723] {strides = array<i32>} : memref<528xi32, #tpu.memory_space<vmem>>, vector<16xi32>,
    %slice3A_725 = vector.extract_strided_slice %get3A_724 {offsets = [0], sizes = [1], strides = [1]} : vector<16xi32> to vector<1xi32>
    %squeeze3A_726 = vector.extract %slice3A_725[0] : i32 from vector<1xi32>
    %jit3A_727 = arith.constant 128 : i32
    %div3A_728 = arith.divsi %squeeze3A_726, %jit3A_727 : i32
    %sign3A_729 = arith.constant 0 : i32
    %sign3A_730 = arith.cmpi sgt, %squeeze3A_726, %sign3A_729 : i32
    %sign3A_731 = arith.extui %sign3A_730 : i1 to i32
    %sign3A_732 = arith.constant 0 : i32
    %sign3A_733 = arith.cmpi slt, %squeeze3A_726, %sign3A_732 : i32
    %sign3A_734 = arith.extui %sign3A_733 : i1 to i32
    %sign3A_735 = arith.subi %sign3A_731, %sign3A_734 : i32
    %sign3A_736 = arith.constant 0 : i32
    %sign3A_737 = arith.cmpi sgt, %jit3A_727, %sign3A_736 : i32
    %sign3A_738 = arith.extui %sign3A_737 : i1 to i32
    %sign3A_739 = arith.constant 0 : i32
    %sign3A_740 = arith.cmpi slt, %jit3A_727, %sign3A_739 : i32
    %sign3A_741 = arith.extui %sign3A_740 : i1 to i32
    %sign3A_742 = arith.subi %sign3A_738, %sign3A_741 : i32
    %ne3A_743 = arith.cmpi ne, %sign3A_735, %sign3A_742 : i32
    %rem3A_744 = arith.remsi %squeeze3A_726, %jit3A_727 : i32
    %ne3A_745 = arith.constant 0 : i32
    %ne3A_746 = arith.cmpi ne, %rem3A_744, %ne3A_745 : i32
    %and3A_747 = arith.andi %ne3A_743, %ne3A_746 : i1
    %sub3A_748 = arith.constant 1 : i32
    %sub3A_749 = arith.subi %div3A_728, %sub3A_748 : i32
    %select_n3A_750 = arith.select %and3A_747, %sub3A_749, %div3A_728 : i32
    %mul3A_751 = arith.constant 128 : i32
    %mul3A_752 = arith.muli %select_n3A_750, %mul3A_751 : i32
    %multiple_of3A_753 = tpu.assume_multiple %mul3A_752, 128 : i32
    %dma_start3A_754 = arith.constant 0 : i32
    %dma_start3A_755 = arith.constant 0 : i32
    %dma_start3A_756 = arith.constant 0 : i32
    %dma_start3A_757 = tpu.memref_slice %arg6[%dma_start3A_754, %dma_start3A_755, %dma_start3A_756] : memref<8x32x128xf32, #tpu.memory_space<vmem>> -> memref<1x32x128xf32, #tpu.memory_space<vmem>>
    %dma_start3A_758 = tpu.memref_squeeze %dma_start3A_757 : memref<1x32x128xf32, #tpu.memory_space<vmem>> -> memref<32x128xf32, #tpu.memory_space<vmem>>
    %dma_start3A_759 = arith.constant 0 : i32
    %dma_start3A_760 = tpu.memref_slice %arg3[%dma_start3A_759, %multiple_of3A_753] : memref<32x1000000xf32, #tpu.memory_space<hbm>> -> memref<32x128xf32, #tpu.memory_space<hbm>>
    %dma_start3A_761 = arith.constant 0 : i32
    %dma_start3A_762 = arith.constant 0 : i32
    %dma_start3A_763 = tpu.memref_slice %arg6[%dma_start3A_754, %dma_start3A_761, %dma_start3A_762] : memref<8x32x128xf32, #tpu.memory_space<vmem>> -> memref<1x32x128xf32, #tpu.memory_space<vmem>>
    %dma_start3A_764 = tpu.memref_squeeze %dma_start3A_763 : memref<1x32x128xf32, #tpu.memory_space<vmem>> -> memref<32x128xf32, #tpu.memory_space<vmem>>
    %dma_start3A_765 = arith.constant 0 : i32
    %dma_start3A_766 = tpu.memref_slice %arg3[%dma_start3A_765, %multiple_of3A_753] : memref<32x1000000xf32, #tpu.memory_space<hbm>> -> memref<32x128xf32, #tpu.memory_space<hbm>>
    tpu.enqueue_dma source(%dma_start3A_766 : memref<32x128xf32, #tpu.memory_space<hbm>>) target(%dma_start3A_764 : memref<32x128xf32, #tpu.memory_space<vmem>>) target_semaphore(%arg10 : memref<!tpu.dma_semaphore, #tpu.memory_space<semaphore_mem>>)
    %slice3A_767 = vector.extract_strided_slice %get3A_724 {offsets = [1], sizes = [1], strides = [1]} : vector<16xi32> to vector<1xi32>
    %squeeze3A_768 = vector.extract %slice3A_767[0] : i32 from vector<1xi32>
    %jit3A_769 = arith.constant 128 : i32
    %div3A_770 = arith.divsi %squeeze3A_768, %jit3A_769 : i32
    %sign3A_771 = arith.constant 0 : i32
    %sign3A_772 = arith.cmpi sgt, %squeeze3A_768, %sign3A_771 : i32
    %sign3A_773 = arith.extui %sign3A_772 : i1 to i32
    %sign3A_774 = arith.constant 0 : i32
    %sign3A_775 = arith.cmpi slt, %squeeze3A_768, %sign3A_774 : i32
    %sign3A_776 = arith.extui %sign3A_775 : i1 to i32
    %sign3A_777 = arith.subi %sign3A_773, %sign3A_776 : i32
    %sign3A_778 = arith.constant 0 : i32
    %sign3A_779 = arith.cmpi sgt, %jit3A_769, %sign3A_778 : i32
    %sign3A_780 = arith.extui %sign3A_779 : i1 to i32
    %sign3A_781 = arith.constant 0 : i32
    %sign3A_782 = arith.cmpi slt, %jit3A_769, %sign3A_781 : i32
    %sign3A_783 = arith.extui %sign3A_782 : i1 to i32
    %sign3A_784 = arith.subi %sign3A_780, %sign3A_783 : i32
    %ne3A_785 = arith.cmpi ne, %sign3A_777, %sign3A_784 : i32
    %rem3A_786 = arith.remsi %squeeze3A_768, %jit3A_769 : i32
    %ne3A_787 = arith.constant 0 : i32
    %ne3A_788 = arith.cmpi ne, %rem3A_786, %ne3A_787 : i32
    %and3A_789 = arith.andi %ne3A_785, %ne3A_788 : i1
    %sub3A_790 = arith.constant 1 : i32
    %sub3A_791 = arith.subi %div3A_770, %sub3A_790 : i32
    %select_n3A_792 = arith.select %and3A_789, %sub3A_791, %div3A_770 : i32
    %mul3A_793 = arith.constant 128 : i32
    %mul3A_794 = arith.muli %select_n3A_792, %mul3A_793 : i32
    %multiple_of3A_795 = tpu.assume_multiple %mul3A_794, 128 : i32
    %dma_start3A_796 = arith.constant 1 : i32
    %dma_start3A_797 = arith.constant 0 : i32
    %dma_start3A_798 = arith.constant 0 : i32
    %dma_start3A_799 = tpu.memref_slice %arg6[%dma_start3A_796, %dma_start3A_797, %dma_start3A_798] : memref<8x32x128xf32, #tpu.memory_space<vmem>> -> memref<1x32x128xf32, #tpu.memory_space<vmem>>
    %dma_start3A_800 = tpu.memref_squeeze %dma_start3A_799 : memref<1x32x128xf32, #tpu.memory_space<vmem>> -> memref<32x128xf32, #tpu.memory_space<vmem>>
    %dma_start3A_801 = arith.constant 0 : i32
    %dma_start3A_802 = tpu.memref_slice %arg3[%dma_start3A_801, %multiple_of3A_795] : memref<32x1000000xf32, #tpu.memory_space<hbm>> -> memref<32x128xf32, #tpu.memory_space<hbm>>
    %dma_start3A_803 = arith.constant 0 : i32
    %dma_start3A_804 = arith.constant 0 : i32
    %dma_start3A_805 = tpu.memref_slice %arg6[%dma_start3A_796, %dma_start3A_803, %dma_start3A_804] : memref<8x32x128xf32, #tpu.memory_space<vmem>> -> memref<1x32x128xf32, #tpu.memory_space<vmem>>
    %dma_start3A_806 = tpu.memref_squeeze %dma_start3A_805 : memref<1x32x128xf32, #tpu.memory_space<vmem>> -> memref<32x128xf32, #tpu.memory_space<vmem>>
    %dma_start3A_807 = arith.constant 0 : i32
    %dma_start3A_808 = tpu.memref_slice %arg3[%dma_start3A_807, %multiple_of3A_795] : memref<32x1000000xf32, #tpu.memory_space<hbm>> -> memref<32x128xf32, #tpu.memory_space<hbm>>
    tpu.enqueue_dma source(%dma_start3A_808 : memref<32x128xf32, #tpu.memory_space<hbm>>) target(%dma_start3A_806 : memref<32x128xf32, #tpu.memory_space<vmem>>) target_semaphore(%arg10 : memref<!tpu.dma_semaphore, #tpu.memory_space<semaphore_mem>>)
    %slice3A_809 = vector.extract_strided_slice %get3A_724 {offsets = [2], sizes = [1], strides = [1]} : vector<16xi32> to vector<1xi32>
    %squeeze3A_810 = vector.extract %slice3A_809[0] : i32 from vector<1xi32>
    %jit3A_811 = arith.constant 128 : i32
    %div3A_812 = arith.divsi %squeeze3A_810, %jit3A_811 : i32
    %sign3A_813 = arith.constant 0 : i32
    %sign3A_814 = arith.cmpi sgt, %squeeze3A_810, %sign3A_813 : i32
    %sign3A_815 = arith.extui %sign3A_814 : i1 to i32
    %sign3A_816 = arith.constant 0 : i32
    %sign3A_817 = arith.cmpi slt, %squeeze3A_810, %sign3A_816 : i32
    %sign3A_818 = arith.extui %sign3A_817 : i1 to i32
    %sign3A_819 = arith.subi %sign3A_815, %sign3A_818 : i32
    %sign3A_820 = arith.constant 0 : i32
    %sign3A_821 = arith.cmpi sgt, %jit3A_811, %sign3A_820 : i32
    %sign3A_822 = arith.extui %sign3A_821 : i1 to i32
    %sign3A_823 = arith.constant 0 : i32
    %sign3A_824 = arith.cmpi slt, %jit3A_811, %sign3A_823 : i32
    %sign3A_825 = arith.extui %sign3A_824 : i1 to i32
    %sign3A_826 = arith.subi %sign3A_822, %sign3A_825 : i32
    %ne3A_827 = arith.cmpi ne, %sign3A_819, %sign3A_826 : i32
    %rem3A_828 = arith.remsi %squeeze3A_810, %jit3A_811 : i32
    %ne3A_829 = arith.constant 0 : i32
    %ne3A_830 = arith.cmpi ne, %rem3A_828, %ne3A_829 : i32
    %and3A_831 = arith.andi %ne3A_827, %ne3A_830 : i1
    %sub3A_832 = arith.constant 1 : i32
    %sub3A_833 = arith.subi %div3A_812, %sub3A_832 : i32
    %select_n3A_834 = arith.select %and3A_831, %sub3A_833, %div3A_812 : i32
    %mul3A_835 = arith.constant 128 : i32
    %mul3A_836 = arith.muli %select_n3A_834, %mul3A_835 : i32
    %multiple_of3A_837 = tpu.assume_multiple %mul3A_836, 128 : i32
    %dma_start3A_838 = arith.constant 2 : i32
    %dma_start3A_839 = arith.constant 0 : i32
    %dma_start3A_840 = arith.constant 0 : i32
    %dma_start3A_841 = tpu.memref_slice %arg6[%dma_start3A_838, %dma_start3A_839, %dma_start3A_840] : memref<8x32x128xf32, #tpu.memory_space<vmem>> -> memref<1x32x128xf32, #tpu.memory_space<vmem>>
    %dma_start3A_842 = tpu.memref_squeeze %dma_start3A_841 : memref<1x32x128xf32, #tpu.memory_space<vmem>> -> memref<32x128xf32, #tpu.memory_space<vmem>>
    %dma_start3A_843 = arith.constant 0 : i32
    %dma_start3A_844 = tpu.memref_slice %arg3[%dma_start3A_843, %multiple_of3A_837] : memref<32x1000000xf32, #tpu.memory_space<hbm>> -> memref<32x128xf32, #tpu.memory_space<hbm>>
    %dma_start3A_845 = arith.constant 0 : i32
    %dma_start3A_846 = arith.constant 0 : i32
    %dma_start3A_847 = tpu.memref_slice %arg6[%dma_start3A_838, %dma_start3A_845, %dma_start3A_846] : memref<8x32x128xf32, #tpu.memory_space<vmem>> -> memref<1x32x128xf32, #tpu.memory_space<vmem>>
    %dma_start3A_848 = tpu.memref_squeeze %dma_start3A_847 : memref<1x32x128xf32, #tpu.memory_space<vmem>> -> memref<32x128xf32, #tpu.memory_space<vmem>>
    %dma_start3A_849 = arith.constant 0 : i32
    %dma_start3A_850 = tpu.memref_slice %arg3[%dma_start3A_849, %multiple_of3A_837] : memref<32x1000000xf32, #tpu.memory_space<hbm>> -> memref<32x128xf32, #tpu.memory_space<hbm>>
    tpu.enqueue_dma source(%dma_start3A_850 : memref<32x128xf32, #tpu.memory_space<hbm>>) target(%dma_start3A_848 : memref<32x128xf32, #tpu.memory_space<vmem>>) target_semaphore(%arg10 : memref<!tpu.dma_semaphore, #tpu.memory_space<semaphore_mem>>)
    %slice3A_851 = vector.extract_strided_slice %get3A_724 {offsets = [3], sizes = [1], strides = [1]} : vector<16xi32> to vector<1xi32>
    %squeeze3A_852 = vector.extract %slice3A_851[0] : i32 from vector<1xi32>
    %jit3A_853 = arith.constant 128 : i32
    %div3A_854 = arith.divsi %squeeze3A_852, %jit3A_853 : i32
    %sign3A_855 = arith.constant 0 : i32
    %sign3A_856 = arith.cmpi sgt, %squeeze3A_852, %sign3A_855 : i32
    %sign3A_857 = arith.extui %sign3A_856 : i1 to i32
    %sign3A_858 = arith.constant 0 : i32
    %sign3A_859 = arith.cmpi slt, %squeeze3A_852, %sign3A_858 : i32
    %sign3A_860 = arith.extui %sign3A_859 : i1 to i32
    %sign3A_861 = arith.subi %sign3A_857, %sign3A_860 : i32
    %sign3A_862 = arith.constant 0 : i32
    %sign3A_863 = arith.cmpi sgt, %jit3A_853, %sign3A_862 : i32
    %sign3A_864 = arith.extui %sign3A_863 : i1 to i32
    %sign3A_865 = arith.constant 0 : i32
    %sign3A_866 = arith.cmpi slt, %jit3A_853, %sign3A_865 : i32
    %sign3A_867 = arith.extui %sign3A_866 : i1 to i32
    %sign3A_868 = arith.subi %sign3A_864, %sign3A_867 : i32
    %ne3A_869 = arith.cmpi ne, %sign3A_861, %sign3A_868 : i32
    %rem3A_870 = arith.remsi %squeeze3A_852, %jit3A_853 : i32
    %ne3A_871 = arith.constant 0 : i32
    %ne3A_872 = arith.cmpi ne, %rem3A_870, %ne3A_871 : i32
    %and3A_873 = arith.andi %ne3A_869, %ne3A_872 : i1
    %sub3A_874 = arith.constant 1 : i32
    %sub3A_875 = arith.subi %div3A_854, %sub3A_874 : i32
    %select_n3A_876 = arith.select %and3A_873, %sub3A_875, %div3A_854 : i32
    %mul3A_877 = arith.constant 128 : i32
    %mul3A_878 = arith.muli %select_n3A_876, %mul3A_877 : i32
    %multiple_of3A_879 = tpu.assume_multiple %mul3A_878, 128 : i32
    %dma_start3A_880 = arith.constant 3 : i32
    %dma_start3A_881 = arith.constant 0 : i32
    %dma_start3A_882 = arith.constant 0 : i32
    %dma_start3A_883 = tpu.memref_slice %arg6[%dma_start3A_880, %dma_start3A_881, %dma_start3A_882] : memref<8x32x128xf32, #tpu.memory_space<vmem>> -> memref<1x32x128xf32, #tpu.memory_space<vmem>>
    %dma_start3A_884 = tpu.memref_squeeze %dma_start3A_883 : memref<1x32x128xf32, #tpu.memory_space<vmem>> -> memref<32x128xf32, #tpu.memory_space<vmem>>
    %dma_start3A_885 = arith.constant 0 : i32
    %dma_start3A_886 = tpu.memref_slice %arg3[%dma_start3A_885, %multiple_of3A_879] : memref<32x1000000xf32, #tpu.memory_space<hbm>> -> memref<32x128xf32, #tpu.memory_space<hbm>>
    %dma_start3A_887 = arith.constant 0 : i32
    %dma_start3A_888 = arith.constant 0 : i32
    %dma_start3A_889 = tpu.memref_slice %arg6[%dma_start3A_880, %dma_start3A_887, %dma_start3A_888] : memref<8x32x128xf32, #tpu.memory_space<vmem>> -> memref<1x32x128xf32, #tpu.memory_space<vmem>>
    %dma_start3A_890 = tpu.memref_squeeze %dma_start3A_889 : memref<1x32x128xf32, #tpu.memory_space<vmem>> -> memref<32x128xf32, #tpu.memory_space<vmem>>
    %dma_start3A_891 = arith.constant 0 : i32
    %dma_start3A_892 = tpu.memref_slice %arg3[%dma_start3A_891, %multiple_of3A_879] : memref<32x1000000xf32, #tpu.memory_space<hbm>> -> memref<32x128xf32, #tpu.memory_space<hbm>>
    tpu.enqueue_dma source(%dma_start3A_892 : memref<32x128xf32, #tpu.memory_space<hbm>>) target(%dma_start3A_890 : memref<32x128xf32, #tpu.memory_space<vmem>>) target_semaphore(%arg10 : memref<!tpu.dma_semaphore, #tpu.memory_space<semaphore_mem>>)
    %slice3A_893 = vector.extract_strided_slice %get3A_724 {offsets = [4], sizes = [1], strides = [1]} : vector<16xi32> to vector<1xi32>
    %squeeze3A_894 = vector.extract %slice3A_893[0] : i32 from vector<1xi32>
    %jit3A_895 = arith.constant 128 : i32
    %div3A_896 = arith.divsi %squeeze3A_894, %jit3A_895 : i32
    %sign3A_897 = arith.constant 0 : i32
    %sign3A_898 = arith.cmpi sgt, %squeeze3A_894, %sign3A_897 : i32
    %sign3A_899 = arith.extui %sign3A_898 : i1 to i32
    %sign3A_900 = arith.constant 0 : i32
    %sign3A_901 = arith.cmpi slt, %squeeze3A_894, %sign3A_900 : i32
    %sign3A_902 = arith.extui %sign3A_901 : i1 to i32
    %sign3A_903 = arith.subi %sign3A_899, %sign3A_902 : i32
    %sign3A_904 = arith.constant 0 : i32
    %sign3A_905 = arith.cmpi sgt, %jit3A_895, %sign3A_904 : i32
    %sign3A_906 = arith.extui %sign3A_905 : i1 to i32
    %sign3A_907 = arith.constant 0 : i32
    %sign3A_908 = arith.cmpi slt, %jit3A_895, %sign3A_907 : i32
    %sign3A_909 = arith.extui %sign3A_908 : i1 to i32
    %sign3A_910 = arith.subi %sign3A_906, %sign3A_909 : i32
    %ne3A_911 = arith.cmpi ne, %sign3A_903, %sign3A_910 : i32
    %rem3A_912 = arith.remsi %squeeze3A_894, %jit3A_895 : i32
    %ne3A_913 = arith.constant 0 : i32
    %ne3A_914 = arith.cmpi ne, %rem3A_912, %ne3A_913 : i32
    %and3A_915 = arith.andi %ne3A_911, %ne3A_914 : i1
    %sub3A_916 = arith.constant 1 : i32
    %sub3A_917 = arith.subi %div3A_896, %sub3A_916 : i32
    %select_n3A_918 = arith.select %and3A_915, %sub3A_917, %div3A_896 : i32
    %mul3A_919 = arith.constant 128 : i32
    %mul3A_920 = arith.muli %select_n3A_918, %mul3A_919 : i32
    %multiple_of3A_921 = tpu.assume_multiple %mul3A_920, 128 : i32
    %dma_start3A_922 = arith.constant 4 : i32
    %dma_start3A_923 = arith.constant 0 : i32
    %dma_start3A_924 = arith.constant 0 : i32
    %dma_start3A_925 = tpu.memref_slice %arg6[%dma_start3A_922, %dma_start3A_923, %dma_start3A_924] : memref<8x32x128xf32, #tpu.memory_space<vmem>> -> memref<1x32x128xf32, #tpu.memory_space<vmem>>
    %dma_start3A_926 = tpu.memref_squeeze %dma_start3A_925 : memref<1x32x128xf32, #tpu.memory_space<vmem>> -> memref<32x128xf32, #tpu.memory_space<vmem>>
    %dma_start3A_927 = arith.constant 0 : i32
    %dma_start3A_928 = tpu.memref_slice %arg3[%dma_start3A_927, %multiple_of3A_921] : memref<32x1000000xf32, #tpu.memory_space<hbm>> -> memref<32x128xf32, #tpu.memory_space<hbm>>
    %dma_start3A_929 = arith.constant 0 : i32
    %dma_start3A_930 = arith.constant 0 : i32
    %dma_start3A_931 = tpu.memref_slice %arg6[%dma_start3A_922, %dma_start3A_929, %dma_start3A_930] : memref<8x32x128xf32, #tpu.memory_space<vmem>> -> memref<1x32x128xf32, #tpu.memory_space<vmem>>
    %dma_start3A_932 = tpu.memref_squeeze %dma_start3A_931 : memref<1x32x128xf32, #tpu.memory_space<vmem>> -> memref<32x128xf32, #tpu.memory_space<vmem>>
    %dma_start3A_933 = arith.constant 0 : i32
    %dma_start3A_934 = tpu.memref_slice %arg3[%dma_start3A_933, %multiple_of3A_921] : memref<32x1000000xf32, #tpu.memory_space<hbm>> -> memref<32x128xf32, #tpu.memory_space<hbm>>
    tpu.enqueue_dma source(%dma_start3A_934 : memref<32x128xf32, #tpu.memory_space<hbm>>) target(%dma_start3A_932 : memref<32x128xf32, #tpu.memory_space<vmem>>) target_semaphore(%arg10 : memref<!tpu.dma_semaphore, #tpu.memory_space<semaphore_mem>>)
    %slice3A_935 = vector.extract_strided_slice %get3A_724 {offsets = [5], sizes = [1], strides = [1]} : vector<16xi32> to vector<1xi32>
    %squeeze3A_936 = vector.extract %slice3A_935[0] : i32 from vector<1xi32>
    %jit3A_937 = arith.constant 128 : i32
    %div3A_938 = arith.divsi %squeeze3A_936, %jit3A_937 : i32
    %sign3A_939 = arith.constant 0 : i32
    %sign3A_940 = arith.cmpi sgt, %squeeze3A_936, %sign3A_939 : i32
    %sign3A_941 = arith.extui %sign3A_940 : i1 to i32
    %sign3A_942 = arith.constant 0 : i32
    %sign3A_943 = arith.cmpi slt, %squeeze3A_936, %sign3A_942 : i32
    %sign3A_944 = arith.extui %sign3A_943 : i1 to i32
    %sign3A_945 = arith.subi %sign3A_941, %sign3A_944 : i32
    %sign3A_946 = arith.constant 0 : i32
    %sign3A_947 = arith.cmpi sgt, %jit3A_937, %sign3A_946 : i32
    %sign3A_948 = arith.extui %sign3A_947 : i1 to i32
    %sign3A_949 = arith.constant 0 : i32
    %sign3A_950 = arith.cmpi slt, %jit3A_937, %sign3A_949 : i32
    %sign3A_951 = arith.extui %sign3A_950 : i1 to i32
    %sign3A_952 = arith.subi %sign3A_948, %sign3A_951 : i32
    %ne3A_953 = arith.cmpi ne, %sign3A_945, %sign3A_952 : i32
    %rem3A_954 = arith.remsi %squeeze3A_936, %jit3A_937 : i32
    %ne3A_955 = arith.constant 0 : i32
    %ne3A_956 = arith.cmpi ne, %rem3A_954, %ne3A_955 : i32
    %and3A_957 = arith.andi %ne3A_953, %ne3A_956 : i1
    %sub3A_958 = arith.constant 1 : i32
    %sub3A_959 = arith.subi %div3A_938, %sub3A_958 : i32
    %select_n3A_960 = arith.select %and3A_957, %sub3A_959, %div3A_938 : i32
    %mul3A_961 = arith.constant 128 : i32
    %mul3A_962 = arith.muli %select_n3A_960, %mul3A_961 : i32
    %multiple_of3A_963 = tpu.assume_multiple %mul3A_962, 128 : i32
    %dma_start3A_964 = arith.constant 5 : i32
    %dma_start3A_965 = arith.constant 0 : i32
    %dma_start3A_966 = arith.constant 0 : i32
    %dma_start3A_967 = tpu.memref_slice %arg6[%dma_start3A_964, %dma_start3A_965, %dma_start3A_966] : memref<8x32x128xf32, #tpu.memory_space<vmem>> -> memref<1x32x128xf32, #tpu.memory_space<vmem>>
    %dma_start3A_968 = tpu.memref_squeeze %dma_start3A_967 : memref<1x32x128xf32, #tpu.memory_space<vmem>> -> memref<32x128xf32, #tpu.memory_space<vmem>>
    %dma_start3A_969 = arith.constant 0 : i32
    %dma_start3A_970 = tpu.memref_slice %arg3[%dma_start3A_969, %multiple_of3A_963] : memref<32x1000000xf32, #tpu.memory_space<hbm>> -> memref<32x128xf32, #tpu.memory_space<hbm>>
    %dma_start3A_971 = arith.constant 0 : i32
    %dma_start3A_972 = arith.constant 0 : i32
    %dma_start3A_973 = tpu.memref_slice %arg6[%dma_start3A_964, %dma_start3A_971, %dma_start3A_972] : memref<8x32x128xf32, #tpu.memory_space<vmem>> -> memref<1x32x128xf32, #tpu.memory_space<vmem>>
    %dma_start3A_974 = tpu.memref_squeeze %dma_start3A_973 : memref<1x32x128xf32, #tpu.memory_space<vmem>> -> memref<32x128xf32, #tpu.memory_space<vmem>>
    %dma_start3A_975 = arith.constant 0 : i32
    %dma_start3A_976 = tpu.memref_slice %arg3[%dma_start3A_975, %multiple_of3A_963] : memref<32x1000000xf32, #tpu.memory_space<hbm>> -> memref<32x128xf32, #tpu.memory_space<hbm>>
    tpu.enqueue_dma source(%dma_start3A_976 : memref<32x128xf32, #tpu.memory_space<hbm>>) target(%dma_start3A_974 : memref<32x128xf32, #tpu.memory_space<vmem>>) target_semaphore(%arg10 : memref<!tpu.dma_semaphore, #tpu.memory_space<semaphore_mem>>)
    %slice3A_977 = vector.extract_strided_slice %get3A_724 {offsets = [6], sizes = [1], strides = [1]} : vector<16xi32> to vector<1xi32>
    %squeeze3A_978 = vector.extract %slice3A_977[0] : i32 from vector<1xi32>
    %jit3A_979 = arith.constant 128 : i32
    %div3A_980 = arith.divsi %squeeze3A_978, %jit3A_979 : i32
    %sign3A_981 = arith.constant 0 : i32
    %sign3A_982 = arith.cmpi sgt, %squeeze3A_978, %sign3A_981 : i32
    %sign3A_983 = arith.extui %sign3A_982 : i1 to i32
    %sign3A_984 = arith.constant 0 : i32
    %sign3A_985 = arith.cmpi slt, %squeeze3A_978, %sign3A_984 : i32
    %sign3A_986 = arith.extui %sign3A_985 : i1 to i32
    %sign3A_987 = arith.subi %sign3A_983, %sign3A_986 : i32
    %sign3A_988 = arith.constant 0 : i32
    %sign3A_989 = arith.cmpi sgt, %jit3A_979, %sign3A_988 : i32
    %sign3A_990 = arith.extui %sign3A_989 : i1 to i32
    %sign3A_991 = arith.constant 0 : i32
    %sign3A_992 = arith.cmpi slt, %jit3A_979, %sign3A_991 : i32
    %sign3A_993 = arith.extui %sign3A_992 : i1 to i32
    %sign3A_994 = arith.subi %sign3A_990, %sign3A_993 : i32
    %ne3A_995 = arith.cmpi ne, %sign3A_987, %sign3A_994 : i32
    %rem3A_996 = arith.remsi %squeeze3A_978, %jit3A_979 : i32
    %ne3A_997 = arith.constant 0 : i32
    %ne3A_998 = arith.cmpi ne, %rem3A_996, %ne3A_997 : i32
    %and3A_999 = arith.andi %ne3A_995, %ne3A_998 : i1
    %sub3A_1000 = arith.constant 1 : i32
    %sub3A_1001 = arith.subi %div3A_980, %sub3A_1000 : i32
    %select_n3A_1002 = arith.select %and3A_999, %sub3A_1001, %div3A_980 : i32
    %mul3A_1003 = arith.constant 128 : i32
    %mul3A_1004 = arith.muli %select_n3A_1002, %mul3A_1003 : i32
    %multiple_of3A_1005 = tpu.assume_multiple %mul3A_1004, 128 : i32
    %dma_start3A_1006 = arith.constant 6 : i32
    %dma_start3A_1007 = arith.constant 0 : i32
    %dma_start3A_1008 = arith.constant 0 : i32
    %dma_start3A_1009 = tpu.memref_slice %arg6[%dma_start3A_1006, %dma_start3A_1007, %dma_start3A_1008] : memref<8x32x128xf32, #tpu.memory_space<vmem>> -> memref<1x32x128xf32, #tpu.memory_space<vmem>>
    %dma_start3A_1010 = tpu.memref_squeeze %dma_start3A_1009 : memref<1x32x128xf32, #tpu.memory_space<vmem>> -> memref<32x128xf32, #tpu.memory_space<vmem>>
    %dma_start3A_1011 = arith.constant 0 : i32
    %dma_start3A_1012 = tpu.memref_slice %arg3[%dma_start3A_1011, %multiple_of3A_1005] : memref<32x1000000xf32, #tpu.memory_space<hbm>> -> memref<32x128xf32, #tpu.memory_space<hbm>>
    %dma_start3A_1013 = arith.constant 0 : i32
    %dma_start3A_1014 = arith.constant 0 : i32
    %dma_start3A_1015 = tpu.memref_slice %arg6[%dma_start3A_1006, %dma_start3A_1013, %dma_start3A_1014] : memref<8x32x128xf32, #tpu.memory_space<vmem>> -> memref<1x32x128xf32, #tpu.memory_space<vmem>>
    %dma_start3A_1016 = tpu.memref_squeeze %dma_start3A_1015 : memref<1x32x128xf32, #tpu.memory_space<vmem>> -> memref<32x128xf32, #tpu.memory_space<vmem>>
    %dma_start3A_1017 = arith.constant 0 : i32
    %dma_start3A_1018 = tpu.memref_slice %arg3[%dma_start3A_1017, %multiple_of3A_1005] : memref<32x1000000xf32, #tpu.memory_space<hbm>> -> memref<32x128xf32, #tpu.memory_space<hbm>>
    tpu.enqueue_dma source(%dma_start3A_1018 : memref<32x128xf32, #tpu.memory_space<hbm>>) target(%dma_start3A_1016 : memref<32x128xf32, #tpu.memory_space<vmem>>) target_semaphore(%arg10 : memref<!tpu.dma_semaphore, #tpu.memory_space<semaphore_mem>>)
    %slice3A_1019 = vector.extract_strided_slice %get3A_724 {offsets = [7], sizes = [1], strides = [1]} : vector<16xi32> to vector<1xi32>
    %squeeze3A_1020 = vector.extract %slice3A_1019[0] : i32 from vector<1xi32>
    %jit3A_1021 = arith.constant 128 : i32
    %div3A_1022 = arith.divsi %squeeze3A_1020, %jit3A_1021 : i32
    %sign3A_1023 = arith.constant 0 : i32
    %sign3A_1024 = arith.cmpi sgt, %squeeze3A_1020, %sign3A_1023 : i32
    %sign3A_1025 = arith.extui %sign3A_1024 : i1 to i32
    %sign3A_1026 = arith.constant 0 : i32
    %sign3A_1027 = arith.cmpi slt, %squeeze3A_1020, %sign3A_1026 : i32
    %sign3A_1028 = arith.extui %sign3A_1027 : i1 to i32
    %sign3A_1029 = arith.subi %sign3A_1025, %sign3A_1028 : i32
    %sign3A_1030 = arith.constant 0 : i32
    %sign3A_1031 = arith.cmpi sgt, %jit3A_1021, %sign3A_1030 : i32
    %sign3A_1032 = arith.extui %sign3A_1031 : i1 to i32
    %sign3A_1033 = arith.constant 0 : i32
    %sign3A_1034 = arith.cmpi slt, %jit3A_1021, %sign3A_1033 : i32
    %sign3A_1035 = arith.extui %sign3A_1034 : i1 to i32
    %sign3A_1036 = arith.subi %sign3A_1032, %sign3A_1035 : i32
    %ne3A_1037 = arith.cmpi ne, %sign3A_1029, %sign3A_1036 : i32
    %rem3A_1038 = arith.remsi %squeeze3A_1020, %jit3A_1021 : i32
    %ne3A_1039 = arith.constant 0 : i32
    %ne3A_1040 = arith.cmpi ne, %rem3A_1038, %ne3A_1039 : i32
    %and3A_1041 = arith.andi %ne3A_1037, %ne3A_1040 : i1
    %sub3A_1042 = arith.constant 1 : i32
    %sub3A_1043 = arith.subi %div3A_1022, %sub3A_1042 : i32
    %select_n3A_1044 = arith.select %and3A_1041, %sub3A_1043, %div3A_1022 : i32
    %mul3A_1045 = arith.constant 128 : i32
    %mul3A_1046 = arith.muli %select_n3A_1044, %mul3A_1045 : i32
    %multiple_of3A_1047 = tpu.assume_multiple %mul3A_1046, 128 : i32
    %dma_start3A_1048 = arith.constant 7 : i32
    %dma_start3A_1049 = arith.constant 0 : i32
    %dma_start3A_1050 = arith.constant 0 : i32
    %dma_start3A_1051 = tpu.memref_slice %arg6[%dma_start3A_1048, %dma_start3A_1049, %dma_start3A_1050] : memref<8x32x128xf32, #tpu.memory_space<vmem>> -> memref<1x32x128xf32, #tpu.memory_space<vmem>>
    %dma_start3A_1052 = tpu.memref_squeeze %dma_start3A_1051 : memref<1x32x128xf32, #tpu.memory_space<vmem>> -> memref<32x128xf32, #tpu.memory_space<vmem>>
    %dma_start3A_1053 = arith.constant 0 : i32
    %dma_start3A_1054 = tpu.memref_slice %arg3[%dma_start3A_1053, %multiple_of3A_1047] : memref<32x1000000xf32, #tpu.memory_space<hbm>> -> memref<32x128xf32, #tpu.memory_space<hbm>>
    %dma_start3A_1055 = arith.constant 0 : i32
    %dma_start3A_1056 = arith.constant 0 : i32
    %dma_start3A_1057 = tpu.memref_slice %arg6[%dma_start3A_1048, %dma_start3A_1055, %dma_start3A_1056] : memref<8x32x128xf32, #tpu.memory_space<vmem>> -> memref<1x32x128xf32, #tpu.memory_space<vmem>>
    %dma_start3A_1058 = tpu.memref_squeeze %dma_start3A_1057 : memref<1x32x128xf32, #tpu.memory_space<vmem>> -> memref<32x128xf32, #tpu.memory_space<vmem>>
    %dma_start3A_1059 = arith.constant 0 : i32
    %dma_start3A_1060 = tpu.memref_slice %arg3[%dma_start3A_1059, %multiple_of3A_1047] : memref<32x1000000xf32, #tpu.memory_space<hbm>> -> memref<32x128xf32, #tpu.memory_space<hbm>>
    tpu.enqueue_dma source(%dma_start3A_1060 : memref<32x128xf32, #tpu.memory_space<hbm>>) target(%dma_start3A_1058 : memref<32x128xf32, #tpu.memory_space<vmem>>) target_semaphore(%arg10 : memref<!tpu.dma_semaphore, #tpu.memory_space<semaphore_mem>>)
    %dma_wait3A = arith.constant 0 : i32
    %dma_wait3A_1061 = arith.constant 0 : i32
    %dma_wait3A_1062 = arith.constant 0 : i32
    %dma_wait3A_1063 = tpu.memref_slice %arg6[%dma_wait3A, %dma_wait3A_1061, %dma_wait3A_1062] : memref<8x32x128xf32, #tpu.memory_space<vmem>> -> memref<1x32x128xf32, #tpu.memory_space<vmem>>
    %dma_wait3A_1064 = tpu.memref_squeeze %dma_wait3A_1063 : memref<1x32x128xf32, #tpu.memory_space<vmem>> -> memref<32x128xf32, #tpu.memory_space<vmem>>
    %dma_wait3A_1065 = arith.constant 0 : i32
    %dma_wait3A_1066 = arith.constant 0 : i32
    %dma_wait3A_1067 = tpu.memref_slice %arg3[%dma_wait3A_1065, %dma_wait3A_1066] : memref<32x1000000xf32, #tpu.memory_space<hbm>> -> memref<32x128xf32, #tpu.memory_space<hbm>>
    %dma_wait3A_1068 = arith.constant 0 : i32
    %dma_wait3A_1069 = arith.constant 0 : i32
    %dma_wait3A_1070 = tpu.memref_slice %arg6[%dma_wait3A, %dma_wait3A_1068, %dma_wait3A_1069] : memref<8x32x128xf32, #tpu.memory_space<vmem>> -> memref<1x32x128xf32, #tpu.memory_space<vmem>>
    %dma_wait3A_1071 = tpu.memref_squeeze %dma_wait3A_1070 : memref<1x32x128xf32, #tpu.memory_space<vmem>> -> memref<32x128xf32, #tpu.memory_space<vmem>>
    %dma_wait3A_1072 = arith.constant 0 : i32
    %dma_wait3A_1073 = arith.constant 0 : i32
    %dma_wait3A_1074 = tpu.memref_slice %arg3[%dma_wait3A_1072, %dma_wait3A_1073] : memref<32x1000000xf32, #tpu.memory_space<hbm>> -> memref<32x128xf32, #tpu.memory_space<hbm>>
    tpu.wait_dma2 semaphore(%arg10 : memref<!tpu.dma_semaphore, #tpu.memory_space<semaphore_mem>>) src(%dma_wait3A_1074 : memref<32x128xf32, #tpu.memory_space<hbm>>) dst(%dma_wait3A_1071 : memref<32x128xf32, #tpu.memory_space<vmem>>)
    %dma_wait3A_1075 = arith.constant 1 : i32
    %dma_wait3A_1076 = arith.constant 0 : i32
    %dma_wait3A_1077 = arith.constant 0 : i32
    %dma_wait3A_1078 = tpu.memref_slice %arg6[%dma_wait3A_1075, %dma_wait3A_1076, %dma_wait3A_1077] : memref<8x32x128xf32, #tpu.memory_space<vmem>> -> memref<1x32x128xf32, #tpu.memory_space<vmem>>
    %dma_wait3A_1079 = tpu.memref_squeeze %dma_wait3A_1078 : memref<1x32x128xf32, #tpu.memory_space<vmem>> -> memref<32x128xf32, #tpu.memory_space<vmem>>
    %dma_wait3A_1080 = arith.constant 0 : i32
    %dma_wait3A_1081 = arith.constant 0 : i32
    %dma_wait3A_1082 = tpu.memref_slice %arg3[%dma_wait3A_1080, %dma_wait3A_1081] : memref<32x1000000xf32, #tpu.memory_space<hbm>> -> memref<32x128xf32, #tpu.memory_space<hbm>>
    %dma_wait3A_1083 = arith.constant 0 : i32
    %dma_wait3A_1084 = arith.constant 0 : i32
    %dma_wait3A_1085 = tpu.memref_slice %arg6[%dma_wait3A_1075, %dma_wait3A_1083, %dma_wait3A_1084] : memref<8x32x128xf32, #tpu.memory_space<vmem>> -> memref<1x32x128xf32, #tpu.memory_space<vmem>>
    %dma_wait3A_1086 = tpu.memref_squeeze %dma_wait3A_1085 : memref<1x32x128xf32, #tpu.memory_space<vmem>> -> memref<32x128xf32, #tpu.memory_space<vmem>>
    %dma_wait3A_1087 = arith.constant 0 : i32
    %dma_wait3A_1088 = arith.constant 0 : i32
    %dma_wait3A_1089 = tpu.memref_slice %arg3[%dma_wait3A_1087, %dma_wait3A_1088] : memref<32x1000000xf32, #tpu.memory_space<hbm>> -> memref<32x128xf32, #tpu.memory_space<hbm>>
    tpu.wait_dma2 semaphore(%arg10 : memref<!tpu.dma_semaphore, #tpu.memory_space<semaphore_mem>>) src(%dma_wait3A_1089 : memref<32x128xf32, #tpu.memory_space<hbm>>) dst(%dma_wait3A_1086 : memref<32x128xf32, #tpu.memory_space<vmem>>)
    %dma_wait3A_1090 = arith.constant 2 : i32
    %dma_wait3A_1091 = arith.constant 0 : i32
    %dma_wait3A_1092 = arith.constant 0 : i32
    %dma_wait3A_1093 = tpu.memref_slice %arg6[%dma_wait3A_1090, %dma_wait3A_1091, %dma_wait3A_1092] : memref<8x32x128xf32, #tpu.memory_space<vmem>> -> memref<1x32x128xf32, #tpu.memory_space<vmem>>
    %dma_wait3A_1094 = tpu.memref_squeeze %dma_wait3A_1093 : memref<1x32x128xf32, #tpu.memory_space<vmem>> -> memref<32x128xf32, #tpu.memory_space<vmem>>
    %dma_wait3A_1095 = arith.constant 0 : i32
    %dma_wait3A_1096 = arith.constant 0 : i32
    %dma_wait3A_1097 = tpu.memref_slice %arg3[%dma_wait3A_1095, %dma_wait3A_1096] : memref<32x1000000xf32, #tpu.memory_space<hbm>> -> memref<32x128xf32, #tpu.memory_space<hbm>>
    %dma_wait3A_1098 = arith.constant 0 : i32
    %dma_wait3A_1099 = arith.constant 0 : i32
    %dma_wait3A_1100 = tpu.memref_slice %arg6[%dma_wait3A_1090, %dma_wait3A_1098, %dma_wait3A_1099] : memref<8x32x128xf32, #tpu.memory_space<vmem>> -> memref<1x32x128xf32, #tpu.memory_space<vmem>>
    %dma_wait3A_1101 = tpu.memref_squeeze %dma_wait3A_1100 : memref<1x32x128xf32, #tpu.memory_space<vmem>> -> memref<32x128xf32, #tpu.memory_space<vmem>>
    %dma_wait3A_1102 = arith.constant 0 : i32
    %dma_wait3A_1103 = arith.constant 0 : i32
    %dma_wait3A_1104 = tpu.memref_slice %arg3[%dma_wait3A_1102, %dma_wait3A_1103] : memref<32x1000000xf32, #tpu.memory_space<hbm>> -> memref<32x128xf32, #tpu.memory_space<hbm>>
    tpu.wait_dma2 semaphore(%arg10 : memref<!tpu.dma_semaphore, #tpu.memory_space<semaphore_mem>>) src(%dma_wait3A_1104 : memref<32x128xf32, #tpu.memory_space<hbm>>) dst(%dma_wait3A_1101 : memref<32x128xf32, #tpu.memory_space<vmem>>)
    %dma_wait3A_1105 = arith.constant 3 : i32
    %dma_wait3A_1106 = arith.constant 0 : i32
    %dma_wait3A_1107 = arith.constant 0 : i32
    %dma_wait3A_1108 = tpu.memref_slice %arg6[%dma_wait3A_1105, %dma_wait3A_1106, %dma_wait3A_1107] : memref<8x32x128xf32, #tpu.memory_space<vmem>> -> memref<1x32x128xf32, #tpu.memory_space<vmem>>
    %dma_wait3A_1109 = tpu.memref_squeeze %dma_wait3A_1108 : memref<1x32x128xf32, #tpu.memory_space<vmem>> -> memref<32x128xf32, #tpu.memory_space<vmem>>
    %dma_wait3A_1110 = arith.constant 0 : i32
    %dma_wait3A_1111 = arith.constant 0 : i32
    %dma_wait3A_1112 = tpu.memref_slice %arg3[%dma_wait3A_1110, %dma_wait3A_1111] : memref<32x1000000xf32, #tpu.memory_space<hbm>> -> memref<32x128xf32, #tpu.memory_space<hbm>>
    %dma_wait3A_1113 = arith.constant 0 : i32
    %dma_wait3A_1114 = arith.constant 0 : i32
    %dma_wait3A_1115 = tpu.memref_slice %arg6[%dma_wait3A_1105, %dma_wait3A_1113, %dma_wait3A_1114] : memref<8x32x128xf32, #tpu.memory_space<vmem>> -> memref<1x32x128xf32, #tpu.memory_space<vmem>>
    %dma_wait3A_1116 = tpu.memref_squeeze %dma_wait3A_1115 : memref<1x32x128xf32, #tpu.memory_space<vmem>> -> memref<32x128xf32, #tpu.memory_space<vmem>>
    %dma_wait3A_1117 = arith.constant 0 : i32
    %dma_wait3A_1118 = arith.constant 0 : i32
    %dma_wait3A_1119 = tpu.memref_slice %arg3[%dma_wait3A_1117, %dma_wait3A_1118] : memref<32x1000000xf32, #tpu.memory_space<hbm>> -> memref<32x128xf32, #tpu.memory_space<hbm>>
    tpu.wait_dma2 semaphore(%arg10 : memref<!tpu.dma_semaphore, #tpu.memory_space<semaphore_mem>>) src(%dma_wait3A_1119 : memref<32x128xf32, #tpu.memory_space<hbm>>) dst(%dma_wait3A_1116 : memref<32x128xf32, #tpu.memory_space<vmem>>)
    %dma_wait3A_1120 = arith.constant 4 : i32
    %dma_wait3A_1121 = arith.constant 0 : i32
    %dma_wait3A_1122 = arith.constant 0 : i32
    %dma_wait3A_1123 = tpu.memref_slice %arg6[%dma_wait3A_1120, %dma_wait3A_1121, %dma_wait3A_1122] : memref<8x32x128xf32, #tpu.memory_space<vmem>> -> memref<1x32x128xf32, #tpu.memory_space<vmem>>
    %dma_wait3A_1124 = tpu.memref_squeeze %dma_wait3A_1123 : memref<1x32x128xf32, #tpu.memory_space<vmem>> -> memref<32x128xf32, #tpu.memory_space<vmem>>
    %dma_wait3A_1125 = arith.constant 0 : i32
    %dma_wait3A_1126 = arith.constant 0 : i32
    %dma_wait3A_1127 = tpu.memref_slice %arg3[%dma_wait3A_1125, %dma_wait3A_1126] : memref<32x1000000xf32, #tpu.memory_space<hbm>> -> memref<32x128xf32, #tpu.memory_space<hbm>>
    %dma_wait3A_1128 = arith.constant 0 : i32
    %dma_wait3A_1129 = arith.constant 0 : i32
    %dma_wait3A_1130 = tpu.memref_slice %arg6[%dma_wait3A_1120, %dma_wait3A_1128, %dma_wait3A_1129] : memref<8x32x128xf32, #tpu.memory_space<vmem>> -> memref<1x32x128xf32, #tpu.memory_space<vmem>>
    %dma_wait3A_1131 = tpu.memref_squeeze %dma_wait3A_1130 : memref<1x32x128xf32, #tpu.memory_space<vmem>> -> memref<32x128xf32, #tpu.memory_space<vmem>>
    %dma_wait3A_1132 = arith.constant 0 : i32
    %dma_wait3A_1133 = arith.constant 0 : i32
    %dma_wait3A_1134 = tpu.memref_slice %arg3[%dma_wait3A_1132, %dma_wait3A_1133] : memref<32x1000000xf32, #tpu.memory_space<hbm>> -> memref<32x128xf32, #tpu.memory_space<hbm>>
    tpu.wait_dma2 semaphore(%arg10 : memref<!tpu.dma_semaphore, #tpu.memory_space<semaphore_mem>>) src(%dma_wait3A_1134 : memref<32x128xf32, #tpu.memory_space<hbm>>) dst(%dma_wait3A_1131 : memref<32x128xf32, #tpu.memory_space<vmem>>)
    %dma_wait3A_1135 = arith.constant 5 : i32
    %dma_wait3A_1136 = arith.constant 0 : i32
    %dma_wait3A_1137 = arith.constant 0 : i32
    %dma_wait3A_1138 = tpu.memref_slice %arg6[%dma_wait3A_1135, %dma_wait3A_1136, %dma_wait3A_1137] : memref<8x32x128xf32, #tpu.memory_space<vmem>> -> memref<1x32x128xf32, #tpu.memory_space<vmem>>
    %dma_wait3A_1139 = tpu.memref_squeeze %dma_wait3A_1138 : memref<1x32x128xf32, #tpu.memory_space<vmem>> -> memref<32x128xf32, #tpu.memory_space<vmem>>
    %dma_wait3A_1140 = arith.constant 0 : i32
    %dma_wait3A_1141 = arith.constant 0 : i32
    %dma_wait3A_1142 = tpu.memref_slice %arg3[%dma_wait3A_1140, %dma_wait3A_1141] : memref<32x1000000xf32, #tpu.memory_space<hbm>> -> memref<32x128xf32, #tpu.memory_space<hbm>>
    %dma_wait3A_1143 = arith.constant 0 : i32
    %dma_wait3A_1144 = arith.constant 0 : i32
    %dma_wait3A_1145 = tpu.memref_slice %arg6[%dma_wait3A_1135, %dma_wait3A_1143, %dma_wait3A_1144] : memref<8x32x128xf32, #tpu.memory_space<vmem>> -> memref<1x32x128xf32, #tpu.memory_space<vmem>>
    %dma_wait3A_1146 = tpu.memref_squeeze %dma_wait3A_1145 : memref<1x32x128xf32, #tpu.memory_space<vmem>> -> memref<32x128xf32, #tpu.memory_space<vmem>>
    %dma_wait3A_1147 = arith.constant 0 : i32
    %dma_wait3A_1148 = arith.constant 0 : i32
    %dma_wait3A_1149 = tpu.memref_slice %arg3[%dma_wait3A_1147, %dma_wait3A_1148] : memref<32x1000000xf32, #tpu.memory_space<hbm>> -> memref<32x128xf32, #tpu.memory_space<hbm>>
    tpu.wait_dma2 semaphore(%arg10 : memref<!tpu.dma_semaphore, #tpu.memory_space<semaphore_mem>>) src(%dma_wait3A_1149 : memref<32x128xf32, #tpu.memory_space<hbm>>) dst(%dma_wait3A_1146 : memref<32x128xf32, #tpu.memory_space<vmem>>)
    %dma_wait3A_1150 = arith.constant 6 : i32
    %dma_wait3A_1151 = arith.constant 0 : i32
    %dma_wait3A_1152 = arith.constant 0 : i32
    %dma_wait3A_1153 = tpu.memref_slice %arg6[%dma_wait3A_1150, %dma_wait3A_1151, %dma_wait3A_1152] : memref<8x32x128xf32, #tpu.memory_space<vmem>> -> memref<1x32x128xf32, #tpu.memory_space<vmem>>
    %dma_wait3A_1154 = tpu.memref_squeeze %dma_wait3A_1153 : memref<1x32x128xf32, #tpu.memory_space<vmem>> -> memref<32x128xf32, #tpu.memory_space<vmem>>
    %dma_wait3A_1155 = arith.constant 0 : i32
    %dma_wait3A_1156 = arith.constant 0 : i32
    %dma_wait3A_1157 = tpu.memref_slice %arg3[%dma_wait3A_1155, %dma_wait3A_1156] : memref<32x1000000xf32, #tpu.memory_space<hbm>> -> memref<32x128xf32, #tpu.memory_space<hbm>>
    %dma_wait3A_1158 = arith.constant 0 : i32
    %dma_wait3A_1159 = arith.constant 0 : i32
    %dma_wait3A_1160 = tpu.memref_slice %arg6[%dma_wait3A_1150, %dma_wait3A_1158, %dma_wait3A_1159] : memref<8x32x128xf32, #tpu.memory_space<vmem>> -> memref<1x32x128xf32, #tpu.memory_space<vmem>>
    %dma_wait3A_1161 = tpu.memref_squeeze %dma_wait3A_1160 : memref<1x32x128xf32, #tpu.memory_space<vmem>> -> memref<32x128xf32, #tpu.memory_space<vmem>>
    %dma_wait3A_1162 = arith.constant 0 : i32
    %dma_wait3A_1163 = arith.constant 0 : i32
    %dma_wait3A_1164 = tpu.memref_slice %arg3[%dma_wait3A_1162, %dma_wait3A_1163] : memref<32x1000000xf32, #tpu.memory_space<hbm>> -> memref<32x128xf32, #tpu.memory_space<hbm>>
    tpu.wait_dma2 semaphore(%arg10 : memref<!tpu.dma_semaphore, #tpu.memory_space<semaphore_mem>>) src(%dma_wait3A_1164 : memref<32x128xf32, #tpu.memory_space<hbm>>) dst(%dma_wait3A_1161 : memref<32x128xf32, #tpu.memory_space<vmem>>)
    %dma_wait3A_1165 = arith.constant 7 : i32
    %dma_wait3A_1166 = arith.constant 0 : i32
    %dma_wait3A_1167 = arith.constant 0 : i32
    %dma_wait3A_1168 = tpu.memref_slice %arg6[%dma_wait3A_1165, %dma_wait3A_1166, %dma_wait3A_1167] : memref<8x32x128xf32, #tpu.memory_space<vmem>> -> memref<1x32x128xf32, #tpu.memory_space<vmem>>
    %dma_wait3A_1169 = tpu.memref_squeeze %dma_wait3A_1168 : memref<1x32x128xf32, #tpu.memory_space<vmem>> -> memref<32x128xf32, #tpu.memory_space<vmem>>
    %dma_wait3A_1170 = arith.constant 0 : i32
    %dma_wait3A_1171 = arith.constant 0 : i32
    %dma_wait3A_1172 = tpu.memref_slice %arg3[%dma_wait3A_1170, %dma_wait3A_1171] : memref<32x1000000xf32, #tpu.memory_space<hbm>> -> memref<32x128xf32, #tpu.memory_space<hbm>>
    %dma_wait3A_1173 = arith.constant 0 : i32
    %dma_wait3A_1174 = arith.constant 0 : i32
    %dma_wait3A_1175 = tpu.memref_slice %arg6[%dma_wait3A_1165, %dma_wait3A_1173, %dma_wait3A_1174] : memref<8x32x128xf32, #tpu.memory_space<vmem>> -> memref<1x32x128xf32, #tpu.memory_space<vmem>>
    %dma_wait3A_1176 = tpu.memref_squeeze %dma_wait3A_1175 : memref<1x32x128xf32, #tpu.memory_space<vmem>> -> memref<32x128xf32, #tpu.memory_space<vmem>>
    %dma_wait3A_1177 = arith.constant 0 : i32
    %dma_wait3A_1178 = arith.constant 0 : i32
    %dma_wait3A_1179 = tpu.memref_slice %arg3[%dma_wait3A_1177, %dma_wait3A_1178] : memref<32x1000000xf32, #tpu.memory_space<hbm>> -> memref<32x128xf32, #tpu.memory_space<hbm>>
    tpu.wait_dma2 semaphore(%arg10 : memref<!tpu.dma_semaphore, #tpu.memory_space<semaphore_mem>>) src(%dma_wait3A_1179 : memref<32x128xf32, #tpu.memory_space<hbm>>) dst(%dma_wait3A_1176 : memref<32x128xf32, #tpu.memory_space<vmem>>)
    %get3A_1180 = arith.constant 504 : index
    %get3A_1181 = tpu.vector_load %arg5[%get3A_1180] {strides = array<i32>} : memref<528xi32, #tpu.memory_space<vmem>>, vector<16xi32>,
    %lt3A_1182 = arith.constant 0 : i32
    %lt3A_1183 = vector.broadcast %lt3A_1182 : i32 to vector<16xi32>
    %lt3A_1184 = arith.cmpi slt, %select_n3A, %lt3A_1183 : vector<16xi32>
    %add3A_1185 = arith.constant 16 : i32
    %add3A_1186 = vector.broadcast %add3A_1185 : i32 to vector<16xi32>
    %add3A_1187 = arith.addi %select_n3A, %add3A_1186 : vector<16xi32>
    %select_n3A_1188 = arith.select %lt3A_1184, %add3A_1187, %select_n3A : vector<16xi1>, vector<16xi32>
    %broadcast_in_dim3A = vector.shape_cast %select_n3A_1188 : vector<16xi32> to vector<16x1xi32>
    %gather3A = vector.shape_cast %broadcast_in_dim3A : vector<16x1xi32> to vector<16xi32>
    %gather3A_1189 = tpu.dynamic_gather %get3A_1181[%gather3A] in [0] : vector<16xi32>, vector<16xi32> -> vector<16xi32>
    %jit3A_1190 = arith.constant 128 : i32
    %eq3A_1191 = arith.constant 0 : i32
    %eq3A_1192 = arith.cmpi eq, %jit3A_1190, %eq3A_1191 : i32
    %jit3A_1193 = arith.constant 1 : i32
    %select_n3A_1194 = arith.select %eq3A_1192, %jit3A_1193, %jit3A_1190 : i32
    %rem3A_1195 = vector.broadcast %select_n3A_1194 : i32 to vector<16xi32>
    %rem3A_1196 = arith.remsi %gather3A_1189, %rem3A_1195 : vector<16xi32>
    %ne3A_1197 = arith.constant 0 : i32
    %ne3A_1198 = vector.broadcast %ne3A_1197 : i32 to vector<16xi32>
    %ne3A_1199 = arith.cmpi ne, %rem3A_1196, %ne3A_1198 : vector<16xi32>
    %lt3A_1200 = arith.constant 0 : i32
    %lt3A_1201 = vector.broadcast %lt3A_1200 : i32 to vector<16xi32>
    %lt3A_1202 = arith.cmpi slt, %rem3A_1196, %lt3A_1201 : vector<16xi32>
    %lt3A_1203 = arith.constant 0 : i32
    %lt3A_1204 = arith.cmpi slt, %select_n3A_1194, %lt3A_1203 : i32
    %ne3A_1205 = vector.broadcast %lt3A_1204 : i1 to vector<16xi1>
    %ne3A_1206 = vector.broadcast %ne3A_1205 : vector<16xi1> to vector<16xi1>
    %ne3A_1207 = arith.xori %lt3A_1202, %ne3A_1206 : vector<16xi1>
    %and3A_1208 = arith.andi %ne3A_1207, %ne3A_1199 : vector<16xi1>
    %add3A_1209 = vector.broadcast %select_n3A_1194 : i32 to vector<16xi32>
    %add3A_1210 = arith.addi %rem3A_1196, %add3A_1209 : vector<16xi32>
    %select_n3A_1211 = arith.select %and3A_1208, %add3A_1210, %rem3A_1196 : vector<16xi1>, vector<16xi32>
    %add3A_1212 = arith.constant 504 : i32
    %add3A_1213 = vector.broadcast %add3A_1212 : i32 to vector<16xi32>
    %add3A_1214 = arith.addi %add3A_1213, %select_n3A : vector<16xi32>
    %add3A_1215 = arith.constant 0 : i32
    %add3A_1216 = vector.broadcast %add3A_1215 : i32 to vector<16xi32>
    %add3A_1217 = arith.addi %add3A_1216, %select_n3A_45 : vector<16xi32>
    %gather3A_1218 = tpu.vector_load_idx %arg6[%select_n3A, %add3A_1217, %select_n3A_1211] : memref<8x32x128xf32, #tpu.memory_space<vmem>>[vector<16xi32>, vector<16xi32>, vector<16xi32>], vector<16xf32>,
    %mul3A_1219 = arith.constant 32 : i32
    %mul3A_1220 = vector.broadcast %mul3A_1219 : i32 to vector<16xi32>
    %mul3A_1221 = arith.muli %add3A_1214, %mul3A_1220 : vector<16xi32>
    %add3A_1222 = arith.addi %mul3A_1221, %add3A_1217 : vector<16xi32>
    tpu.vector_store_idx %arg9[%add3A_1222], %gather3A_1218 : memref<16384xf32, #tpu.memory_space<vmem>>[vector<16xi32>], vector<16xf32>,
    %add3A_1223 = arith.constant 2 : i32
    %add3A_1224 = vector.broadcast %add3A_1223 : i32 to vector<16xi32>
    %add3A_1225 = arith.addi %add3A_1224, %select_n3A_45 : vector<16xi32>
    %gather3A_1226 = tpu.vector_load_idx %arg6[%select_n3A, %add3A_1225, %select_n3A_1211] : memref<8x32x128xf32, #tpu.memory_space<vmem>>[vector<16xi32>, vector<16xi32>, vector<16xi32>], vector<16xf32>,
    %mul3A_1227 = arith.constant 32 : i32
    %mul3A_1228 = vector.broadcast %mul3A_1227 : i32 to vector<16xi32>
    %mul3A_1229 = arith.muli %add3A_1214, %mul3A_1228 : vector<16xi32>
    %add3A_1230 = arith.addi %mul3A_1229, %add3A_1225 : vector<16xi32>
    tpu.vector_store_idx %arg9[%add3A_1230], %gather3A_1226 : memref<16384xf32, #tpu.memory_space<vmem>>[vector<16xi32>], vector<16xf32>,
    %add3A_1231 = arith.constant 4 : i32
    %add3A_1232 = vector.broadcast %add3A_1231 : i32 to vector<16xi32>
    %add3A_1233 = arith.addi %add3A_1232, %select_n3A_45 : vector<16xi32>
    %gather3A_1234 = tpu.vector_load_idx %arg6[%select_n3A, %add3A_1233, %select_n3A_1211] : memref<8x32x128xf32, #tpu.memory_space<vmem>>[vector<16xi32>, vector<16xi32>, vector<16xi32>], vector<16xf32>,
    %mul3A_1235 = arith.constant 32 : i32
    %mul3A_1236 = vector.broadcast %mul3A_1235 : i32 to vector<16xi32>
    %mul3A_1237 = arith.muli %add3A_1214, %mul3A_1236 : vector<16xi32>
    %add3A_1238 = arith.addi %mul3A_1237, %add3A_1233 : vector<16xi32>
    tpu.vector_store_idx %arg9[%add3A_1238], %gather3A_1234 : memref<16384xf32, #tpu.memory_space<vmem>>[vector<16xi32>], vector<16xf32>,
    %add3A_1239 = arith.constant 6 : i32
    %add3A_1240 = vector.broadcast %add3A_1239 : i32 to vector<16xi32>
    %add3A_1241 = arith.addi %add3A_1240, %select_n3A_45 : vector<16xi32>
    %gather3A_1242 = tpu.vector_load_idx %arg6[%select_n3A, %add3A_1241, %select_n3A_1211] : memref<8x32x128xf32, #tpu.memory_space<vmem>>[vector<16xi32>, vector<16xi32>, vector<16xi32>], vector<16xf32>,
    %mul3A_1243 = arith.constant 32 : i32
    %mul3A_1244 = vector.broadcast %mul3A_1243 : i32 to vector<16xi32>
    %mul3A_1245 = arith.muli %add3A_1214, %mul3A_1244 : vector<16xi32>
    %add3A_1246 = arith.addi %mul3A_1245, %add3A_1241 : vector<16xi32>
    tpu.vector_store_idx %arg9[%add3A_1246], %gather3A_1242 : memref<16384xf32, #tpu.memory_space<vmem>>[vector<16xi32>], vector<16xf32>,
    %add3A_1247 = arith.constant 8 : i32
    %add3A_1248 = vector.broadcast %add3A_1247 : i32 to vector<16xi32>
    %add3A_1249 = arith.addi %add3A_1248, %select_n3A_45 : vector<16xi32>
    %gather3A_1250 = tpu.vector_load_idx %arg6[%select_n3A, %add3A_1249, %select_n3A_1211] : memref<8x32x128xf32, #tpu.memory_space<vmem>>[vector<16xi32>, vector<16xi32>, vector<16xi32>], vector<16xf32>,
    %mul3A_1251 = arith.constant 32 : i32
    %mul3A_1252 = vector.broadcast %mul3A_1251 : i32 to vector<16xi32>
    %mul3A_1253 = arith.muli %add3A_1214, %mul3A_1252 : vector<16xi32>
    %add3A_1254 = arith.addi %mul3A_1253, %add3A_1249 : vector<16xi32>
    tpu.vector_store_idx %arg9[%add3A_1254], %gather3A_1250 : memref<16384xf32, #tpu.memory_space<vmem>>[vector<16xi32>], vector<16xf32>,
    %add3A_1255 = arith.constant 10 : i32
    %add3A_1256 = vector.broadcast %add3A_1255 : i32 to vector<16xi32>
    %add3A_1257 = arith.addi %add3A_1256, %select_n3A_45 : vector<16xi32>
    %gather3A_1258 = tpu.vector_load_idx %arg6[%select_n3A, %add3A_1257, %select_n3A_1211] : memref<8x32x128xf32, #tpu.memory_space<vmem>>[vector<16xi32>, vector<16xi32>, vector<16xi32>], vector<16xf32>,
    %mul3A_1259 = arith.constant 32 : i32
    %mul3A_1260 = vector.broadcast %mul3A_1259 : i32 to vector<16xi32>
    %mul3A_1261 = arith.muli %add3A_1214, %mul3A_1260 : vector<16xi32>
    %add3A_1262 = arith.addi %mul3A_1261, %add3A_1257 : vector<16xi32>
    tpu.vector_store_idx %arg9[%add3A_1262], %gather3A_1258 : memref<16384xf32, #tpu.memory_space<vmem>>[vector<16xi32>], vector<16xf32>,
    %add3A_1263 = arith.constant 12 : i32
    %add3A_1264 = vector.broadcast %add3A_1263 : i32 to vector<16xi32>
    %add3A_1265 = arith.addi %add3A_1264, %select_n3A_45 : vector<16xi32>
    %gather3A_1266 = tpu.vector_load_idx %arg6[%select_n3A, %add3A_1265, %select_n3A_1211] : memref<8x32x128xf32, #tpu.memory_space<vmem>>[vector<16xi32>, vector<16xi32>, vector<16xi32>], vector<16xf32>,
    %mul3A_1267 = arith.constant 32 : i32
    %mul3A_1268 = vector.broadcast %mul3A_1267 : i32 to vector<16xi32>
    %mul3A_1269 = arith.muli %add3A_1214, %mul3A_1268 : vector<16xi32>
    %add3A_1270 = arith.addi %mul3A_1269, %add3A_1265 : vector<16xi32>
    tpu.vector_store_idx %arg9[%add3A_1270], %gather3A_1266 : memref<16384xf32, #tpu.memory_space<vmem>>[vector<16xi32>], vector<16xf32>,
    %add3A_1271 = arith.constant 14 : i32
    %add3A_1272 = vector.broadcast %add3A_1271 : i32 to vector<16xi32>
    %add3A_1273 = arith.addi %add3A_1272, %select_n3A_45 : vector<16xi32>
    %gather3A_1274 = tpu.vector_load_idx %arg6[%select_n3A, %add3A_1273, %select_n3A_1211] : memref<8x32x128xf32, #tpu.memory_space<vmem>>[vector<16xi32>, vector<16xi32>, vector<16xi32>], vector<16xf32>,
    %mul3A_1275 = arith.constant 32 : i32
    %mul3A_1276 = vector.broadcast %mul3A_1275 : i32 to vector<16xi32>
    %mul3A_1277 = arith.muli %add3A_1214, %mul3A_1276 : vector<16xi32>
    %add3A_1278 = arith.addi %mul3A_1277, %add3A_1273 : vector<16xi32>
    tpu.vector_store_idx %arg9[%add3A_1278], %gather3A_1274 : memref<16384xf32, #tpu.memory_space<vmem>>[vector<16xi32>], vector<16xf32>,
    %add3A_1279 = arith.constant 16 : i32
    %add3A_1280 = vector.broadcast %add3A_1279 : i32 to vector<16xi32>
    %add3A_1281 = arith.addi %add3A_1280, %select_n3A_45 : vector<16xi32>
    %gather3A_1282 = tpu.vector_load_idx %arg6[%select_n3A, %add3A_1281, %select_n3A_1211] : memref<8x32x128xf32, #tpu.memory_space<vmem>>[vector<16xi32>, vector<16xi32>, vector<16xi32>], vector<16xf32>,
    %mul3A_1283 = arith.constant 32 : i32
    %mul3A_1284 = vector.broadcast %mul3A_1283 : i32 to vector<16xi32>
    %mul3A_1285 = arith.muli %add3A_1214, %mul3A_1284 : vector<16xi32>
    %add3A_1286 = arith.addi %mul3A_1285, %add3A_1281 : vector<16xi32>
    tpu.vector_store_idx %arg9[%add3A_1286], %gather3A_1282 : memref<16384xf32, #tpu.memory_space<vmem>>[vector<16xi32>], vector<16xf32>,
    %add3A_1287 = arith.constant 18 : i32
    %add3A_1288 = vector.broadcast %add3A_1287 : i32 to vector<16xi32>
    %add3A_1289 = arith.addi %add3A_1288, %select_n3A_45 : vector<16xi32>
    %gather3A_1290 = tpu.vector_load_idx %arg6[%select_n3A, %add3A_1289, %select_n3A_1211] : memref<8x32x128xf32, #tpu.memory_space<vmem>>[vector<16xi32>, vector<16xi32>, vector<16xi32>], vector<16xf32>,
    %mul3A_1291 = arith.constant 32 : i32
    %mul3A_1292 = vector.broadcast %mul3A_1291 : i32 to vector<16xi32>
    %mul3A_1293 = arith.muli %add3A_1214, %mul3A_1292 : vector<16xi32>
    %add3A_1294 = arith.addi %mul3A_1293, %add3A_1289 : vector<16xi32>
    tpu.vector_store_idx %arg9[%add3A_1294], %gather3A_1290 : memref<16384xf32, #tpu.memory_space<vmem>>[vector<16xi32>], vector<16xf32>,
    %add3A_1295 = arith.constant 20 : i32
    %add3A_1296 = vector.broadcast %add3A_1295 : i32 to vector<16xi32>
    %add3A_1297 = arith.addi %add3A_1296, %select_n3A_45 : vector<16xi32>
    %gather3A_1298 = tpu.vector_load_idx %arg6[%select_n3A, %add3A_1297, %select_n3A_1211] : memref<8x32x128xf32, #tpu.memory_space<vmem>>[vector<16xi32>, vector<16xi32>, vector<16xi32>], vector<16xf32>,
    %mul3A_1299 = arith.constant 32 : i32
    %mul3A_1300 = vector.broadcast %mul3A_1299 : i32 to vector<16xi32>
    %mul3A_1301 = arith.muli %add3A_1214, %mul3A_1300 : vector<16xi32>
    %add3A_1302 = arith.addi %mul3A_1301, %add3A_1297 : vector<16xi32>
    tpu.vector_store_idx %arg9[%add3A_1302], %gather3A_1298 : memref<16384xf32, #tpu.memory_space<vmem>>[vector<16xi32>], vector<16xf32>,
    %add3A_1303 = arith.constant 22 : i32
    %add3A_1304 = vector.broadcast %add3A_1303 : i32 to vector<16xi32>
    %add3A_1305 = arith.addi %add3A_1304, %select_n3A_45 : vector<16xi32>
    %gather3A_1306 = tpu.vector_load_idx %arg6[%select_n3A, %add3A_1305, %select_n3A_1211] : memref<8x32x128xf32, #tpu.memory_space<vmem>>[vector<16xi32>, vector<16xi32>, vector<16xi32>], vector<16xf32>,
    %mul3A_1307 = arith.constant 32 : i32
    %mul3A_1308 = vector.broadcast %mul3A_1307 : i32 to vector<16xi32>
    %mul3A_1309 = arith.muli %add3A_1214, %mul3A_1308 : vector<16xi32>
    %add3A_1310 = arith.addi %mul3A_1309, %add3A_1305 : vector<16xi32>
    tpu.vector_store_idx %arg9[%add3A_1310], %gather3A_1306 : memref<16384xf32, #tpu.memory_space<vmem>>[vector<16xi32>], vector<16xf32>,
    %add3A_1311 = arith.constant 24 : i32
    %add3A_1312 = vector.broadcast %add3A_1311 : i32 to vector<16xi32>
    %add3A_1313 = arith.addi %add3A_1312, %select_n3A_45 : vector<16xi32>
    %gather3A_1314 = tpu.vector_load_idx %arg6[%select_n3A, %add3A_1313, %select_n3A_1211] : memref<8x32x128xf32, #tpu.memory_space<vmem>>[vector<16xi32>, vector<16xi32>, vector<16xi32>], vector<16xf32>,
    %mul3A_1315 = arith.constant 32 : i32
    %mul3A_1316 = vector.broadcast %mul3A_1315 : i32 to vector<16xi32>
    %mul3A_1317 = arith.muli %add3A_1214, %mul3A_1316 : vector<16xi32>
    %add3A_1318 = arith.addi %mul3A_1317, %add3A_1313 : vector<16xi32>
    tpu.vector_store_idx %arg9[%add3A_1318], %gather3A_1314 : memref<16384xf32, #tpu.memory_space<vmem>>[vector<16xi32>], vector<16xf32>,
    %add3A_1319 = arith.constant 26 : i32
    %add3A_1320 = vector.broadcast %add3A_1319 : i32 to vector<16xi32>
    %add3A_1321 = arith.addi %add3A_1320, %select_n3A_45 : vector<16xi32>
    %gather3A_1322 = tpu.vector_load_idx %arg6[%select_n3A, %add3A_1321, %select_n3A_1211] : memref<8x32x128xf32, #tpu.memory_space<vmem>>[vector<16xi32>, vector<16xi32>, vector<16xi32>], vector<16xf32>,
    %mul3A_1323 = arith.constant 32 : i32
    %mul3A_1324 = vector.broadcast %mul3A_1323 : i32 to vector<16xi32>
    %mul3A_1325 = arith.muli %add3A_1214, %mul3A_1324 : vector<16xi32>
    %add3A_1326 = arith.addi %mul3A_1325, %add3A_1321 : vector<16xi32>
    tpu.vector_store_idx %arg9[%add3A_1326], %gather3A_1322 : memref<16384xf32, #tpu.memory_space<vmem>>[vector<16xi32>], vector<16xf32>,
    %add3A_1327 = arith.constant 28 : i32
    %add3A_1328 = vector.broadcast %add3A_1327 : i32 to vector<16xi32>
    %add3A_1329 = arith.addi %add3A_1328, %select_n3A_45 : vector<16xi32>
    %gather3A_1330 = tpu.vector_load_idx %arg6[%select_n3A, %add3A_1329, %select_n3A_1211] : memref<8x32x128xf32, #tpu.memory_space<vmem>>[vector<16xi32>, vector<16xi32>, vector<16xi32>], vector<16xf32>,
    %mul3A_1331 = arith.constant 32 : i32
    %mul3A_1332 = vector.broadcast %mul3A_1331 : i32 to vector<16xi32>
    %mul3A_1333 = arith.muli %add3A_1214, %mul3A_1332 : vector<16xi32>
    %add3A_1334 = arith.addi %mul3A_1333, %add3A_1329 : vector<16xi32>
    tpu.vector_store_idx %arg9[%add3A_1334], %gather3A_1330 : memref<16384xf32, #tpu.memory_space<vmem>>[vector<16xi32>], vector<16xf32>,
    %add3A_1335 = arith.constant 30 : i32
    %add3A_1336 = vector.broadcast %add3A_1335 : i32 to vector<16xi32>
    %add3A_1337 = arith.addi %add3A_1336, %select_n3A_45 : vector<16xi32>
    %gather3A_1338 = tpu.vector_load_idx %arg6[%select_n3A, %add3A_1337, %select_n3A_1211] : memref<8x32x128xf32, #tpu.memory_space<vmem>>[vector<16xi32>, vector<16xi32>, vector<16xi32>], vector<16xf32>,
    %mul3A_1339 = arith.constant 32 : i32
    %mul3A_1340 = vector.broadcast %mul3A_1339 : i32 to vector<16xi32>
    %mul3A_1341 = arith.muli %add3A_1214, %mul3A_1340 : vector<16xi32>
    %add3A_1342 = arith.addi %mul3A_1341, %add3A_1337 : vector<16xi32>
    tpu.vector_store_idx %arg9[%add3A_1342], %gather3A_1338 : memref<16384xf32, #tpu.memory_space<vmem>>[vector<16xi32>], vector<16xf32>,
    %mul3A_1343 = arith.constant 32 : i32
    %mul3A_1344 = arith.muli %multiple_of3A, %mul3A_1343 : i32
    "tpu.region"() ({
      %run_scoped3A = tpu.sem_alloc : memref<!tpu.dma_semaphore, #tpu.memory_space<semaphore_mem>>
      %dma_start3A_1345 = tpu.memref_slice %arg4[%mul3A_1344] : memref<524288xf32, #tpu.memory_space<hbm>> -> memref<16384xf32, #tpu.memory_space<hbm>>
      %dma_start3A_1346 = tpu.memref_slice %arg4[%mul3A_1344] : memref<524288xf32, #tpu.memory_space<hbm>> -> memref<16384xf32, #tpu.memory_space<hbm>>
      tpu.enqueue_dma source(%arg9 : memref<16384xf32, #tpu.memory_space<vmem>>) target(%dma_start3A_1346 : memref<16384xf32, #tpu.memory_space<hbm>>) target_semaphore(%run_scoped3A : memref<!tpu.dma_semaphore, #tpu.memory_space<semaphore_mem>>)
      %dma_wait3A_1347 = tpu.memref_slice %arg4[%mul3A_1344] : memref<524288xf32, #tpu.memory_space<hbm>> -> memref<16384xf32, #tpu.memory_space<hbm>>
      %dma_wait3A_1348 = tpu.memref_slice %arg4[%mul3A_1344] : memref<524288xf32, #tpu.memory_space<hbm>> -> memref<16384xf32, #tpu.memory_space<hbm>>
      tpu.wait_dma2 semaphore(%run_scoped3A : memref<!tpu.dma_semaphore, #tpu.memory_space<semaphore_mem>>) src(%arg9 : memref<16384xf32, #tpu.memory_space<vmem>>) dst(%dma_wait3A_1348 : memref<16384xf32, #tpu.memory_space<hbm>>)
      tpu.yield
    }) : () -> ()
    return
  }
}

</mosaic_0001>

<sc_bundles>
// kernel: _u_rows.3.cloned.1.call-start
scs
__scs_entry_jumppad:
0x0: {  	(pc) =	sbr.rel $0x88, $3  }
0x1: {  	(tag) =	ssettag $0x0;
	lr =	simm.s32 $0x1  }
0x2: {  	[smem:$0x3F9F] =	sst lr;
	_ =	strace $0xD0000000  }
0x3: {  	_ = 	snop  }
0x4: {  	_ = 	snop  }
0x5: {  	_ = 	snop  }
0x6: {  	_ = 	snop  }
0x7: {  	_ = 	snop  }
__scs_overlays_trampoline_lowered:
0x8: {  	[smem:$0x3FAE] =	sst s0  }
0x9: {  	[smem:$0x3FAF] =	sst s1  }
0xa: {  	[smem:$0x3FB0] =	sst s2  }
0xb: {  	[smem:$0x3FB1] =	sst s3  }
0xc: {  	[smem:$0x3FB2] =	sst s4  }
0xd: {  	[smem:$0x3FB3] =	sst s5  }
0xe: {  	[smem:$0x3FB4] =	sst s6  }
0xf: {  	[smem:$0x3FB5] =	sst s7  }
0x10: {  	[smem:$0x3FB6] =	sst s8  }
0x11: {  	[smem:$0x3FB7] =	sst s9;
	s0 =	simm.s32 @!p0 $0x0  }
0x12: {  	s1 =	sld [smem:$0x3F9D];
	s0 =	simm.s32 @p0 $0x1  }
0x13: {  	[smem:$0x3FB8] =	sst s0;
	s0 =	simm.s32 @!p1 $0x0  }
0x14: {  	s2 =	sld [smem:$0x3F9C];
	s0 =	simm.s32 @p1 $0x1  }
0x15: {  	[smem:$0x3FB9] =	sst s0;
	s0 =	simm.s32 @!p2 $0x0  }
0x16: {  	s3 =	sld [smem:$0x3FDB];
	s0 =	simm.s32 @p2 $0x1  }
0x17: {  	s4 =	simm.s32 $0x1BF5;
	[smem:$0x3FBB] =	sst s0  }
0x18: {  	s0 =	sld [smem:$0x3F9E];
	_ =	swait.ge [sflag:s4], $0x0  }
0x19: {  	s7 =	sld [smem:$0x3F9F]  }
0x1a: {  	s8 =	sadd.s32 $0xFFFFE003, lr  }
0x1b: {  	s9 =	sadd.s32 $0xFFFFFEF7, lr;
	s5 =	simm.s32 $0xFFFFFFFF;
	p2 =	slt.u32 s8, $0xFFFFF086  }
0x1c: {  	p1 =	slt.u32 s9, $0xF7A;
	s5 =	simm.s32 @!p2 $0x0  }
0x1d: {  	s5 =	simm.s32 @p1 $0x1;
	p0 =	seq.s32 s7, s2  }
0x1e: {  	s7 =	smul.u32 @!p0 $0xF7A, s2;
	p2 =	seq.s32 @!p0 s5, $0x0  }
0x1f: {  	s9 =	smul.u32 $0xF7A, s1;
	s8 =	simm.s32 @!p0 $0x1BF5;
	p2 =	por !p2, p0  }
0x20: {  	[sflag:s8] =	ssyncset.s32 @!p0 $0xFFFFF086;
	s6 =	sadd.s32 @!p0 s3, s7;
	s7 =	simm.s32 @!p0 $0x108  }
0x21: {  	s3 =	sadd.s32 s3, s9;
	s6 =	sadd.s32 @!p0 $0x88, s6;
	s7 =	simm.s32 @p2 $0x1082  }
0x22: {  	[simem:s7], [sflag:s8] =	dma.local @!p0 [hbm:s6], $0xF7A  }
0x23: {  	s9 =	sor.u32 $0xD0000000, s2;
	s6 =	simm.s32 $0x108;
	_ =	swait.ge @!p0 [sflag:s8], $0x0  }
0x24: {  	s3 =	sadd.s32 $0x88, s3;
	s6 =	simm.s32 @!p1 $0x1082;
	[sflag:s4] =	ssyncset.s32 $0xFFFFF086  }
0x25: {  	[simem:s6], [sflag:s4] =	dma.local [hbm:s3], $0xF7A  }
0x26: {  	[smem:$0x3F9F] =	sst s1;
	(tag) =	ssettag s2;
	_ =	strace s9  }
0x27: {  	s1 =	sld [smem:$0x3FAF]  }
0x28: {  	s2 =	sld [smem:$0x3FB0]  }
0x29: {  	s4 =	sld [smem:$0x3FB2]  }
0x2a: {  	p0 =	seq.s32 s5, $0x0;
	s5 =	sld [smem:$0x3FB3]  }
0x2b: {  	s6 =	sld [smem:$0x3FB4]  }
0x2c: {  	s7 =	sld [smem:$0x3FB5]  }
0x2d: {  	s3 =	simm.s32 $0x108;
	s8 =	sld [smem:$0x3FB6]  }
0x2e: {  	s3 =	simm.s32 @!p0 $0x1082;
	s9 =	sld [smem:$0x3FB7]  }
0x2f: {  	lr =	sadd.s32 s0, s3;
	s0 =	sld [smem:$0x3FAE]  }
0x30: {  	s3 =	sld [smem:$0x3FB1]  }
0x31: {  	[smem:$0x3FBA] =	sst s10  }
0x32: {  	s10 =	sld [smem:$0x3FB8];
	_ =	sdelay $0x3  }
0x33: {  	p0 =	seq.s32 s10, $0x1;
	s10 =	sld [smem:$0x3FBA];
	_ =	sdelay $0x3  }
0x34: {  	[smem:$0x3FBA] =	sst s10  }
0x35: {  	s10 =	sld [smem:$0x3FB9];
	_ =	sdelay $0x3  }
0x36: {  	p1 =	seq.s32 s10, $0x1;
	s10 =	sld [smem:$0x3FBA];
	_ =	sdelay $0x3  }
0x37: {  	[smem:$0x3FBA] =	sst s10  }
0x38: {  	s10 =	sld [smem:$0x3FBB]  }
0x39: {  	_ = 	snop;
	(pc) =	sbr.ind lr, $3  }
0x3a: {  	_ = 	snop  }
0x3b: {  	_ = 	snop  }
0x3c: {  	p2 =	seq.s32 s10, $0x1;
	s10 =	sld [smem:$0x3FBA]  }
0x3d: {  	_ =	shalt  }
0x3e: {  	_ =	shalt  }
0x3f: {  	_ =	shalt  }
0x40: {  	_ =	shalt  }
0x41: {  	_ =	shalt  }
0x42: {  	_ =	shalt  }
0x43: {  	_ =	shalt  }
0x44: {  	_ =	shalt  }
0x45: {  	_ =	shalt  }
0x46: {  	_ =	shalt  }
0x47: {  	_ =	shalt  }
0x48: {  	_ =	shalt  }
0x49: {  	_ =	shalt  }
0x4a: {  	_ =	shalt  }
0x4b: {  	_ =	shalt  }
0x4c: {  	_ =	shalt  }
0x4d: {  	_ =	shalt  }
0x4e: {  	_ =	shalt  }
0x4f: {  	_ =	shalt  }
0x50: {  	_ =	shalt  }
0x51: {  	_ =	shalt  }
0x52: {  	_ =	shalt  }
0x53: {  	_ =	shalt  }
0x54: {  	_ =	shalt  }
0x55: {  	_ =	shalt  }
0x56: {  	_ =	shalt  }
0x57: {  	_ =	shalt  }
0x58: {  	_ =	shalt  }
0x59: {  	_ =	shalt  }
0x5a: {  	_ =	shalt  }
0x5b: {  	_ =	shalt  }
0x5c: {  	_ =	shalt  }
0x5d: {  	_ =	shalt  }
0x5e: {  	_ =	shalt  }
0x5f: {  	_ =	shalt  }
0x60: {  	_ =	shalt  }
0x61: {  	_ =	shalt  }
0x62: {  	_ =	shalt  }
0x63: {  	_ =	shalt  }
0x64: {  	_ =	shalt  }
0x65: {  	_ =	shalt  }
0x66: {  	_ =	shalt  }
0x67: {  	_ =	shalt  }
0x68: {  	_ =	shalt  }
0x69: {  	_ =	shalt  }
0x6a: {  	_ =	shalt  }
0x6b: {  	_ =	shalt  }
0x6c: {  	_ =	shalt  }
0x6d: {  	_ =	shalt  }
0x6e: {  	_ =	shalt  }
0x6f: {  	_ =	shalt  }
0x70: {  	_ =	shalt  }
0x71: {  	_ =	shalt  }
0x72: {  	_ =	shalt  }
0x73: {  	_ =	shalt  }
0x74: {  	_ =	shalt  }
0x75: {  	_ =	shalt  }
0x76: {  	_ =	shalt  }
0x77: {  	_ =	shalt  }
0x78: {  	_ =	shalt  }
0x79: {  	_ =	shalt  }
0x7a: {  	_ =	shalt  }
0x7b: {  	_ =	shalt  }
0x7c: {  	_ =	shalt  }
0x7d: {  	_ =	shalt  }
0x7e: {  	_ =	shalt  }
0x7f: {  	_ =	shalt  }
0x80: {  	_ =	shalt  }
0x81: {  	_ =	shalt  }
0x82: {  	_ =	shalt  }
0x83: {  	_ =	shalt  }
0x84: {  	_ =	shalt  }
0x85: {  	_ =	shalt  }
0x86: {  	_ =	shalt  }
0x87: {  	_ =	shalt  }
.Lfunc_end0:
.L_simem_size_0:
called_computation_lowered:
.L_overlay_start_0:
0x88: {  	s2 =	sld [smem:$0x3FD9]  }
0x89: {  	s3 =	sld [smem:$0x3FFE];
	_ =	sdelay $0x1  }
0x8a: {  	s1 =	srdreg.scid  }
0x8b: {  	s0 =	sand.u32 $0x1, s1  }
0x8c: {  	s18 =	sshll.u32 s0, $0xA;
	s2 =	sadd.s32 s3, s2  }
0x8d: {  	s2 =	sadd.s32 s2, s18  }
0x8e: {  	[smem:$0x3FC6] =	sst s2  }
0x8f: {  	_ = 	snop  }
0x90: {  	s2 =	sld [smem:$0x3FC9]  }
0x91: {  	s19 =	sld [smem:$0x3FC8]  }
0x92: {  	s4 =	sld [smem:$0x3FD0];
	(tm) =	ssettm $0x1  }
0x93: {  	s5 =	sld [smem:$0x3FFB];
	_ =	sdelay $0x3  }
0x94: {  	_ =	strace s5  }
0x95: {  	s5 =	sld [smem:$0x3FFC];
	_ =	sdelay $0x3  }
0x96: {  	_ =	strace s5  }
0x97: {  	s5 =	sld [smem:$0x3FFD];
	_ =	sdelay $0x3  }
0x98: {  	_ =	strace s5  }
0x99: {  	_ =	strace $0x8FFFFFFF  }
0x9a: {  	s20 =	sld [smem:$0x3FDB];
	_ =	sdelay $0x1  }
0x9b: {  	s6 =	simm.s32 $_scs_section_size  }
0x9c: {  	s7 =	simm.s32 $_size__tile_overlayer_lowered;
	s8 =	simm.s32 $_tile_overlayer_lowered  }
0x9d: {  	s23 =	simm.s32 $0x1BFF;
	s22 =	sshll.u32 s8, $0x1;
	s5 =	sadd.s32 s6, s20  }
0x9e: {  	s9 =	simm.s32 $0x0;
	s21 =	sshll.u32 s7, $0x1;
	s7 =	sadd.s32 s22, s5  }
0x9f: {  	[timem:s9], [sflag:s23] =	dma.local [hbm:s7], s21  }
0xa0: {  	_ =	swait.ge [sflag:s23], s21  }
0xa1: {  	s6 =	ssub.s32 $0x0, s21;
	[sflag:s23] =	ssyncset.done $0x0  }
0xa2: {  	[sflag:s23] =	ssyncadd.s32 s6;
	_ =	sdelay $0x1  }
0xa3: {  	s24 =	simm.s32 $0x1B8B  }
0xa4: {  	_ =	swait.ge [sflag:s24], $0x1  }
0xa5: {  	[sflag:s24] =	ssyncset.done $0x0  }
0xa6: {  	s25 =	simm.s32 $0x1B8E;
	[sflag:s24] =	ssyncadd.s32 $0xFFFFFFFF  }
0xa7: {  	s26 =	simm.s32 $execute0_lowered;
	[smem:$0x3FD2] =	sst s25  }
0xa8: {  	s6 =	sshll.u32 s26, $0x1;
	_ =	strace $0x80000046;
	[dreg:$0x1] =	wrdreg $0xFFFFFFFF  }
0xa9: {  	s28 =	simm.s32 $_size_execute0_lowered;
	s5 =	sadd.s32 s5, s6;
	[dreg:$0x0] =	wrdreg $0x0  }
0xaa: {  	s6 =	sshll.u32 s28, $0x1;
	[dreg:$0x2] =	wrdreg s5  }
0xab: {  	[dreg:$0x3] =	wrdreg s6  }
0xac: {  	[dreg:$0x4] =	wrdreg $0xC0  }
0xad: {  	_ =	task [dreg:s9], $0x5FFFF  }
0xae: {  	[dreg:$0x1] =	wrdreg $0xFFFFFFFF  }
0xaf: {  	[dreg:$0x0] =	wrdreg $0x60  }
0xb0: {  	[dreg:$0x2] =	wrdreg s2  }
0xb1: {  	[dreg:$0x3] =	wrdreg s19  }
0xb2: {  	[dreg:$0x4] =	wrdreg s4  }
0xb3: {  	[dreg:$0x5] =	wrdreg $0x9  }
0xb4: {  	_ =	task.clear_ibuf [dreg:s9], $0x6FFFF;
	_ =	strace $0x90000046  }
0xb5: {  	s29 =	simm.s32 $0x9;
	_ =	strace $0x80000048  }
0xb6: {  	_ =	swait.ge [sflag:s29], $0x1  }
0xb7: {  	[sflag:s29] =	ssyncadd.s32 $0xFFFFFFFF  }
0xb8: {  	_ =	strace $0x90000048  }
0xb9: {  	_ =	sfence  }
0xba: {  	s30 =	sld [smem:$0x0];
	_ =	sdelay $0x2  }
0xbb: {  	s31 =	sshll.u32 s1, $0xD;
	s1 =	sshrl.u32 s1, $0x2  }
0xbc: {  	s3 =	sand.u32 $0x4000, s31;
	s1 =	sadd.s32 s1, s30  }
0xbd: {  	s0 =	sor.u32 s3, s0;
	s1 =	sshll.u32 s1, $0x11  }
0xbe: {  	s0 =	sor.u32 s1, s0  }
0xbf: {  	s0 =	sadd.s32 $0x8F2B, s0  }
0xc0: {  	[sflag:s0] =	ssyncadd.remote.s32 $0x1  }
0xc1: {  	_ =	sfence.sel $0xFFFF  }
0xc2: {  	[dreg:$0x0] =	wrdreg $0xFFFFFFFF;
	(pc) =	sbr.abs _section_cstart, $3  }
0xc3: {  	[dreg:$0x1] =	wrdreg $0xFFFFFFFF  }
0xc4: {  	_ =	task.clear_ibuf [dreg:s9], $0x2FFFF;
	_ =	strace $0x9FFFFFFF  }
0xc5: {  	(tm) =	ssettm $0x7FFFFFFF  }
tec
execute0_lowered:
.L_overlay_start_1:
0x0: {  	(tag) =	ssettag $0x1  }
0x1: {  	v33 =	vlaneseq.u32;
	v1 =	vimm.s32 $0x7080;
	vm14 =	vcmask $0x300  }
0x2: {  	vm13 =	vcmask $0x704;
	vm12 =	vcmask $0xB08;
	v2 =	vimm.s32 $0x7180  }
0x3: {  	vm11 =	vcmask $0xF0C;
	vm10 =	vcmask $0x1310;
	vm9 =	vcmask $0x1714  }
0x4: {  	vm8 =	vcmask $0x1B18;
	vm7 =	vcmask $0x1F1C;
	vm6 =	vcmask $0x2320  }
0x5: {  	vm5 =	vcmask $0x2724;
	vm4 =	vcmask $0x2B28;
	vm3 =	vcmask $0x2F2C  }
0x6: {  	vm2 =	vcmask $0x3330;
	vm1 =	vcmask $0x3734;
	vm0 =	vcmask $0x3B38  }
0x7: {  	v5 =	vimm.s32 $0x7280;
	v7 =	vimm.s32 $0x7380;
	v8 =	vimm.s32 $0x7480  }
0x8: {  	v11 =	vimm.s32 $0x7580;
	v13 =	vimm.s32 $0x7680;
	v14 =	vimm.s32 $0x7780  }
0x9: {  	v17 =	vimm.s32 $0x7880;
	v19 =	vimm.s32 $0x7980;
	v20 =	vimm.s32 $0x7A80  }
0xa: {  	v23 =	vimm.s32 $0x7B80;
	v25 =	vimm.s32 $0x7C80;
	v26 =	vimm.s32 $0x7D80  }
0xb: {  	v30 =	vimm.s32 $0x7E80;
	v31 =	vimm.s32 $0x7F80;
	v32 =	vimm.s32 $0x3FE1  }
0xc: {  	v63 =	vimm.s32 $0x3FE3;
	v36 =	vimm.s32 $0x3FE5;
	v37 =	vimm.s32 $0x3FE7  }
0xd: {  	v38 =	vimm.s32 $0x3FE9;
	v39 =	vimm.s32 $0x3FEB;
	v40 =	vimm.s32 $0x3FED  }
0xe: {  	v41 =	vimm.s32 $0x3FEF;
	v42 =	vimm.s32 $0x3FF1;
	v43 =	vimm.s32 $0x3FF3  }
0xf: {  	v44 =	vimm.s32 $0x3FF5;
	v45 =	vimm.s32 $0x3FF7;
	v46 =	vimm.s32 $0x3FF9  }
0x10: {  	v47 =	vimm.s32 $0x3FFB;
	v48 =	vimm.s32 $0x3FFD;
	v49 =	vimm.s32 $0x3FFF  }
0x11: {  	v0 =	vshrl.u32 v33, $0x1;
	v1 =	vsel vm14, $0x0, v1;
	v2 =	vsel vm14, $0x100, v2  }
0x12: {  	v6 =	vsel vm14, $0x200, v5;
	v7 =	vsel vm14, $0x300, v7;
	v8 =	vsel vm14, $0x400, v8  }
0x13: {  	v12 =	vsel vm14, $0x500, v11;
	v13 =	vsel vm14, $0x600, v13;
	v14 =	vsel vm14, $0x700, v14  }
0x14: {  	v18 =	vsel vm14, $0x800, v17;
	v19 =	vsel vm14, $0x900, v19;
	v20 =	vsel vm14, $0xA00, v20  }
0x15: {  	v24 =	vsel vm14, $0xB00, v23;
	v25 =	vsel vm14, $0xC00, v25;
	v26 =	vsel vm14, $0xD00, v26  }
0x16: {  	v30 =	vsel vm14, $0xE00, v30;
	v31 =	vsel vm14, $0xF00, v31;
	v32 =	vsel vm14, $0x3F00, v32  }
0x17: {  	v36 =	vsel vm14, $0x3F04, v36;
	v37 =	vsel vm14, $0x3F06, v37;
	v38 =	vsel vm14, $0x3F08, v38  }
0x18: {  	v39 =	vsel vm14, $0x3F0A, v39;
	v40 =	vsel vm14, $0x3F0C, v40;
	v41 =	vsel vm14, $0x3F0E, v41  }
0x19: {  	v42 =	vsel vm14, $0x3F10, v42;
	v43 =	vsel vm14, $0x3F12, v43;
	v44 =	vsel vm14, $0x3F14, v44  }
0x1a: {  	v45 =	vsel vm14, $0x3F16, v45;
	v46 =	vsel vm14, $0x3F18, v46;
	v47 =	vsel vm14, $0x3F1A, v47  }
0x1b: {  	v48 =	vsel vm14, $0x3F1C, v48;
	v49 =	vsel vm14, $0x3F1E, v49;
	v1 =	vsel vm13, $0x80, v1  }
0x1c: {  	v2 =	vsel vm13, $0x180, v2;
	v6 =	vsel vm13, $0x280, v6;
	v7 =	vsel vm13, $0x380, v7  }
0x1d: {  	v8 =	vsel vm13, $0x480, v8;
	v12 =	vsel vm13, $0x580, v12;
	v13 =	vsel vm13, $0x680, v13  }
0x1e: {  	v14 =	vsel vm13, $0x780, v14;
	v18 =	vsel vm13, $0x880, v18;
	v19 =	vsel vm13, $0x980, v19  }
0x1f: {  	v20 =	vsel vm13, $0xA80, v20;
	v24 =	vsel vm13, $0xB80, v24;
	v25 =	vsel vm13, $0xC80, v25  }
0x20: {  	v26 =	vsel vm13, $0xD80, v26;
	v30 =	vsel vm13, $0xE80, v30;
	v31 =	vsel vm13, $0xF80, v31  }
0x21: {  	v32 =	vsel vm13, $0x3F01, v32;
	v36 =	vsel vm13, $0x3F05, v36;
	v37 =	vsel vm13, $0x3F07, v37  }
0x22: {  	v38 =	vsel vm13, $0x3F09, v38;
	v39 =	vsel vm13, $0x3F0B, v39;
	v40 =	vsel vm13, $0x3F0D, v40  }
0x23: {  	v41 =	vsel vm13, $0x3F0F, v41;
	v42 =	vsel vm13, $0x3F11, v42;
	v43 =	vsel vm13, $0x3F13, v43  }
0x24: {  	v44 =	vsel vm13, $0x3F15, v44;
	v45 =	vsel vm13, $0x3F17, v45;
	v46 =	vsel vm13, $0x3F19, v46  }
0x25: {  	v47 =	vsel vm13, $0x3F1B, v47;
	v48 =	vsel vm13, $0x3F1D, v48;
	v49 =	vsel vm13, $0x3F1F, v49  }
0x26: {  	v1 =	vsel vm12, $0x1000, v1;
	v2 =	vsel vm12, $0x1100, v2;
	v6 =	vsel vm12, $0x1200, v6  }
0x27: {  	v7 =	vsel vm12, $0x1300, v7;
	v8 =	vsel vm12, $0x1400, v8;
	v12 =	vsel vm12, $0x1500, v12  }
0x28: {  	v13 =	vsel vm12, $0x1600, v13;
	v14 =	vsel vm12, $0x1700, v14;
	v18 =	vsel vm12, $0x1800, v18  }
0x29: {  	v19 =	vsel vm12, $0x1900, v19;
	v20 =	vsel vm12, $0x1A00, v20;
	v24 =	vsel vm12, $0x1B00, v24  }
0x2a: {  	v25 =	vsel vm12, $0x1C00, v25;
	v26 =	vsel vm12, $0x1D00, v26;
	v30 =	vsel vm12, $0x1E00, v30  }
0x2b: {  	v31 =	vsel vm12, $0x1F00, v31;
	v32 =	vsel vm12, $0x3F20, v32;
	v36 =	vsel vm12, $0x3F24, v36  }
0x2c: {  	v37 =	vsel vm12, $0x3F26, v37;
	v38 =	vsel vm12, $0x3F28, v38;
	v39 =	vsel vm12, $0x3F2A, v39  }
0x2d: {  	v40 =	vsel vm12, $0x3F2C, v40;
	v41 =	vsel vm12, $0x3F2E, v41;
	v42 =	vsel vm12, $0x3F30, v42  }
0x2e: {  	v43 =	vsel vm12, $0x3F32, v43;
	v44 =	vsel vm12, $0x3F34, v44;
	v45 =	vsel vm12, $0x3F36, v45  }
0x2f: {  	v46 =	vsel vm12, $0x3F38, v46;
	v47 =	vsel vm12, $0x3F3A, v47;
	v48 =	vsel vm12, $0x3F3C, v48  }
0x30: {  	v49 =	vsel vm12, $0x3F3E, v49;
	v1 =	vsel vm11, $0x1080, v1;
	v2 =	vsel vm11, $0x1180, v2  }
0x31: {  	v6 =	vsel vm11, $0x1280, v6;
	v7 =	vsel vm11, $0x1380, v7;
	v8 =	vsel vm11, $0x1480, v8  }
0x32: {  	v12 =	vsel vm11, $0x1580, v12;
	v13 =	vsel vm11, $0x1680, v13;
	v14 =	vsel vm11, $0x1780, v14  }
0x33: {  	v18 =	vsel vm11, $0x1880, v18;
	v19 =	vsel vm11, $0x1980, v19;
	v20 =	vsel vm11, $0x1A80, v20  }
0x34: {  	v24 =	vsel vm11, $0x1B80, v24;
	v25 =	vsel vm11, $0x1C80, v25;
	v26 =	vsel vm11, $0x1D80, v26  }
0x35: {  	v30 =	vsel vm11, $0x1E80, v30;
	v31 =	vsel vm11, $0x1F80, v31;
	v32 =	vsel vm11, $0x3F21, v32  }
0x36: {  	v36 =	vsel vm11, $0x3F25, v36;
	v37 =	vsel vm11, $0x3F27, v37;
	v38 =	vsel vm11, $0x3F29, v38  }
0x37: {  	v39 =	vsel vm11, $0x3F2B, v39;
	v40 =	vsel vm11, $0x3F2D, v40;
	v41 =	vsel vm11, $0x3F2F, v41  }
0x38: {  	v42 =	vsel vm11, $0x3F31, v42;
	v43 =	vsel vm11, $0x3F33, v43;
	v44 =	vsel vm11, $0x3F35, v44  }
0x39: {  	v45 =	vsel vm11, $0x3F37, v45;
	v46 =	vsel vm11, $0x3F39, v46;
	v47 =	vsel vm11, $0x3F3B, v47  }
0x3a: {  	v48 =	vsel vm11, $0x3F3D, v48;
	v49 =	vsel vm11, $0x3F3F, v49;
	v1 =	vsel vm10, $0x2000, v1  }
0x3b: {  	v2 =	vsel vm10, $0x2100, v2;
	v6 =	vsel vm10, $0x2200, v6;
	v7 =	vsel vm10, $0x2300, v7  }
0x3c: {  	v8 =	vsel vm10, $0x2400, v8;
	v12 =	vsel vm10, $0x2500, v12;
	v13 =	vsel vm10, $0x2600, v13  }
0x3d: {  	v14 =	vsel vm10, $0x2700, v14;
	v18 =	vsel vm10, $0x2800, v18;
	v19 =	vsel vm10, $0x2900, v19  }
0x3e: {  	v20 =	vsel vm10, $0x2A00, v20;
	v24 =	vsel vm10, $0x2B00, v24;
	v25 =	vsel vm10, $0x2C00, v25  }
0x3f: {  	v26 =	vsel vm10, $0x2D00, v26;
	v30 =	vsel vm10, $0x2E00, v30;
	v31 =	vsel vm10, $0x2F00, v31  }
0x40: {  	v32 =	vsel vm10, $0x3F40, v32;
	v36 =	vsel vm10, $0x3F44, v36;
	v37 =	vsel vm10, $0x3F46, v37  }
0x41: {  	v38 =	vsel vm10, $0x3F48, v38;
	v39 =	vsel vm10, $0x3F4A, v39;
	v40 =	vsel vm10, $0x3F4C, v40  }
0x42: {  	v41 =	vsel vm10, $0x3F4E, v41;
	v42 =	vsel vm10, $0x3F50, v42;
	v43 =	vsel vm10, $0x3F52, v43  }
0x43: {  	v44 =	vsel vm10, $0x3F54, v44;
	v45 =	vsel vm10, $0x3F56, v45;
	v46 =	vsel vm10, $0x3F58, v46  }
0x44: {  	v47 =	vsel vm10, $0x3F5A, v47;
	v48 =	vsel vm10, $0x3F5C, v48;
	v49 =	vsel vm10, $0x3F5E, v49  }
0x45: {  	v1 =	vsel vm9, $0x2080, v1;
	v2 =	vsel vm9, $0x2180, v2;
	v6 =	vsel vm9, $0x2280, v6  }
0x46: {  	v7 =	vsel vm9, $0x2380, v7;
	v8 =	vsel vm9, $0x2480, v8;
	v12 =	vsel vm9, $0x2580, v12  }
0x47: {  	v13 =	vsel vm9, $0x2680, v13;
	v14 =	vsel vm9, $0x2780, v14;
	v18 =	vsel vm9, $0x2880, v18  }
0x48: {  	v19 =	vsel vm9, $0x2980, v19;
	v20 =	vsel vm9, $0x2A80, v20;
	v24 =	vsel vm9, $0x2B80, v24  }
0x49: {  	v25 =	vsel vm9, $0x2C80, v25;
	v26 =	vsel vm9, $0x2D80, v26;
	v30 =	vsel vm9, $0x2E80, v30  }
0x4a: {  	v31 =	vsel vm9, $0x2F80, v31;
	v32 =	vsel vm9, $0x3F41, v32;
	v36 =	vsel vm9, $0x3F45, v36  }
0x4b: {  	v37 =	vsel vm9, $0x3F47, v37;
	v38 =	vsel vm9, $0x3F49, v38;
	v39 =	vsel vm9, $0x3F4B, v39  }
0x4c: {  	v40 =	vsel vm9, $0x3F4D, v40;
	v41 =	vsel vm9, $0x3F4F, v41;
	v42 =	vsel vm9, $0x3F51, v42  }
0x4d: {  	v43 =	vsel vm9, $0x3F53, v43;
	v44 =	vsel vm9, $0x3F55, v44;
	v45 =	vsel vm9, $0x3F57, v45  }
0x4e: {  	v46 =	vsel vm9, $0x3F59, v46;
	v47 =	vsel vm9, $0x3F5B, v47;
	v48 =	vsel vm9, $0x3F5D, v48  }
0x4f: {  	v49 =	vsel vm9, $0x3F5F, v49;
	v1 =	vsel vm8, $0x3000, v1;
	v2 =	vsel vm8, $0x3100, v2  }
0x50: {  	v6 =	vsel vm8, $0x3200, v6;
	v7 =	vsel vm8, $0x3300, v7;
	v8 =	vsel vm8, $0x3400, v8  }
0x51: {  	v12 =	vsel vm8, $0x3500, v12;
	v13 =	vsel vm8, $0x3600, v13;
	v14 =	vsel vm8, $0x3700, v14  }
0x52: {  	v18 =	vsel vm8, $0x3800, v18;
	v19 =	vsel vm8, $0x3900, v19;
	v20 =	vsel vm8, $0x3A00, v20  }
0x53: {  	v24 =	vsel vm8, $0x3B00, v24;
	v25 =	vsel vm8, $0x3C00, v25;
	v26 =	vsel vm8, $0x3D00, v26  }
0x54: {  	v30 =	vsel vm8, $0x3E00, v30;
	v31 =	vsel vm8, $0x3F00, v31;
	v32 =	vsel vm8, $0x3F60, v32  }
0x55: {  	v36 =	vsel vm8, $0x3F64, v36;
	v37 =	vsel vm8, $0x3F66, v37;
	v38 =	vsel vm8, $0x3F68, v38  }
0x56: {  	v39 =	vsel vm8, $0x3F6A, v39;
	v40 =	vsel vm8, $0x3F6C, v40;
	v41 =	vsel vm8, $0x3F6E, v41  }
0x57: {  	v42 =	vsel vm8, $0x3F70, v42;
	v43 =	vsel vm8, $0x3F72, v43;
	v44 =	vsel vm8, $0x3F74, v44  }
0x58: {  	v45 =	vsel vm8, $0x3F76, v45;
	v46 =	vsel vm8, $0x3F78, v46;
	v47 =	vsel vm8, $0x3F7A, v47  }
0x59: {  	v48 =	vsel vm8, $0x3F7C, v48;
	v49 =	vsel vm8, $0x3F7E, v49;
	v1 =	vsel vm7, $0x3080, v1  }
0x5a: {  	v2 =	vsel vm7, $0x3180, v2;
	v6 =	vsel vm7, $0x3280, v6;
	v7 =	vsel vm7, $0x3380, v7  }
0x5b: {  	v8 =	vsel vm7, $0x3480, v8;
	v12 =	vsel vm7, $0x3580, v12;
	v13 =	vsel vm7, $0x3680, v13  }
0x5c: {  	v14 =	vsel vm7, $0x3780, v14;
	v18 =	vsel vm7, $0x3880, v18;
	v19 =	vsel vm7, $0x3980, v19  }
0x5d: {  	v20 =	vsel vm7, $0x3A80, v20;
	v24 =	vsel vm7, $0x3B80, v24;
	v25 =	vsel vm7, $0x3C80, v25  }
0x5e: {  	v26 =	vsel vm7, $0x3D80, v26;
	v30 =	vsel vm7, $0x3E80, v30;
	v31 =	vsel vm7, $0x3F80, v31  }
0x5f: {  	v32 =	vsel vm7, $0x3F61, v32;
	v36 =	vsel vm7, $0x3F65, v36;
	v37 =	vsel vm7, $0x3F67, v37  }
0x60: {  	v38 =	vsel vm7, $0x3F69, v38;
	v39 =	vsel vm7, $0x3F6B, v39;
	v40 =	vsel vm7, $0x3F6D, v40  }
0x61: {  	v41 =	vsel vm7, $0x3F6F, v41;
	v42 =	vsel vm7, $0x3F71, v42;
	v43 =	vsel vm7, $0x3F73, v43  }
0x62: {  	v44 =	vsel vm7, $0x3F75, v44;
	v45 =	vsel vm7, $0x3F77, v45;
	v46 =	vsel vm7, $0x3F79, v46  }
0x63: {  	v47 =	vsel vm7, $0x3F7B, v47;
	v48 =	vsel vm7, $0x3F7D, v48;
	v49 =	vsel vm7, $0x3F7F, v49  }
0x64: {  	v1 =	vsel vm6, $0x4000, v1;
	v2 =	vsel vm6, $0x4100, v2;
	v6 =	vsel vm6, $0x4200, v6  }
0x65: {  	v7 =	vsel vm6, $0x4300, v7;
	v8 =	vsel vm6, $0x4400, v8;
	v12 =	vsel vm6, $0x4500, v12  }
0x66: {  	v13 =	vsel vm6, $0x4600, v13;
	v14 =	vsel vm6, $0x4700, v14;
	v18 =	vsel vm6, $0x4800, v18  }
0x67: {  	v19 =	vsel vm6, $0x4900, v19;
	v20 =	vsel vm6, $0x4A00, v20;
	v24 =	vsel vm6, $0x4B00, v24  }
0x68: {  	v25 =	vsel vm6, $0x4C00, v25;
	v26 =	vsel vm6, $0x4D00, v26;
	v30 =	vsel vm6, $0x4E00, v30  }
0x69: {  	v31 =	vsel vm6, $0x4F00, v31;
	v32 =	vsel vm6, $0x3F80, v32;
	v36 =	vsel vm6, $0x3F84, v36  }
0x6a: {  	v37 =	vsel vm6, $0x3F86, v37;
	v38 =	vsel vm6, $0x3F88, v38;
	v39 =	vsel vm6, $0x3F8A, v39  }
0x6b: {  	v40 =	vsel vm6, $0x3F8C, v40;
	v41 =	vsel vm6, $0x3F8E, v41;
	v42 =	vsel vm6, $0x3F90, v42  }
0x6c: {  	v43 =	vsel vm6, $0x3F92, v43;
	v44 =	vsel vm6, $0x3F94, v44;
	v45 =	vsel vm6, $0x3F96, v45  }
0x6d: {  	v46 =	vsel vm6, $0x3F98, v46;
	v47 =	vsel vm6, $0x3F9A, v47;
	v48 =	vsel vm6, $0x3F9C, v48  }
0x6e: {  	v49 =	vsel vm6, $0x3F9E, v49;
	v1 =	vsel vm5, $0x4080, v1;
	v2 =	vsel vm5, $0x4180, v2  }
0x6f: {  	v6 =	vsel vm5, $0x4280, v6;
	v7 =	vsel vm5, $0x4380, v7;
	v8 =	vsel vm5, $0x4480, v8  }
0x70: {  	v12 =	vsel vm5, $0x4580, v12;
	v13 =	vsel vm5, $0x4680, v13;
	v14 =	vsel vm5, $0x4780, v14  }
0x71: {  	v18 =	vsel vm5, $0x4880, v18;
	v19 =	vsel vm5, $0x4980, v19;
	v20 =	vsel vm5, $0x4A80, v20  }
0x72: {  	v24 =	vsel vm5, $0x4B80, v24;
	v25 =	vsel vm5, $0x4C80, v25;
	v26 =	vsel vm5, $0x4D80, v26  }
0x73: {  	v30 =	vsel vm5, $0x4E80, v30;
	v31 =	vsel vm5, $0x4F80, v31;
	v32 =	vsel vm5, $0x3F81, v32  }
0x74: {  	v36 =	vsel vm5, $0x3F85, v36;
	v37 =	vsel vm5, $0x3F87, v37;
	v38 =	vsel vm5, $0x3F89, v38  }
0x75: {  	v39 =	vsel vm5, $0x3F8B, v39;
	v40 =	vsel vm5, $0x3F8D, v40;
	v41 =	vsel vm5, $0x3F8F, v41  }
0x76: {  	v42 =	vsel vm5, $0x3F91, v42;
	v43 =	vsel vm5, $0x3F93, v43;
	v44 =	vsel vm5, $0x3F95, v44  }
0x77: {  	v45 =	vsel vm5, $0x3F97, v45;
	v46 =	vsel vm5, $0x3F99, v46;
	v47 =	vsel vm5, $0x3F9B, v47  }
0x78: {  	v48 =	vsel vm5, $0x3F9D, v48;
	v49 =	vsel vm5, $0x3F9F, v49;
	v1 =	vsel vm4, $0x5000, v1  }
0x79: {  	v2 =	vsel vm4, $0x5100, v2;
	v6 =	vsel vm4, $0x5200, v6;
	v7 =	vsel vm4, $0x5300, v7  }
0x7a: {  	v8 =	vsel vm4, $0x5400, v8;
	v12 =	vsel vm4, $0x5500, v12;
	v13 =	vsel vm4, $0x5600, v13  }
0x7b: {  	v14 =	vsel vm4, $0x5700, v14;
	v18 =	vsel vm4, $0x5800, v18;
	v19 =	vsel vm4, $0x5900, v19  }
0x7c: {  	v20 =	vsel vm4, $0x5A00, v20;
	v24 =	vsel vm4, $0x5B00, v24;
	v25 =	vsel vm4, $0x5C00, v25  }
0x7d: {  	v26 =	vsel vm4, $0x5D00, v26;
	v30 =	vsel vm4, $0x5E00, v30;
	v31 =	vsel vm4, $0x5F00, v31  }
0x7e: {  	v32 =	vsel vm4, $0x3FA0, v32;
	v36 =	vsel vm4, $0x3FA4, v36;
	v37 =	vsel vm4, $0x3FA6, v37  }
0x7f: {  	v38 =	vsel vm4, $0x3FA8, v38;
	v39 =	vsel vm4, $0x3FAA, v39;
	v40 =	vsel vm4, $0x3FAC, v40  }
0x80: {  	v41 =	vsel vm4, $0x3FAE, v41;
	v42 =	vsel vm4, $0x3FB0, v42;
	v43 =	vsel vm4, $0x3FB2, v43  }
0x81: {  	v44 =	vsel vm4, $0x3FB4, v44;
	v45 =	vsel vm4, $0x3FB6, v45;
	v46 =	vsel vm4, $0x3FB8, v46  }
0x82: {  	v47 =	vsel vm4, $0x3FBA, v47;
	v48 =	vsel vm4, $0x3FBC, v48;
	v49 =	vsel vm4, $0x3FBE, v49  }
0x83: {  	v1 =	vsel vm3, $0x5080, v1;
	v3 =	vsel vm3, $0x5180, v2;
	v2 =	vmul.u32 $0x20, v0  }
0x84: {  	v6 =	vsel vm3, $0x5280, v6;
	v7 =	vsel vm3, $0x5380, v7;
	v10 =	vsel vm3, $0x5480, v8  }
0x85: {  	v12 =	vsel vm3, $0x5580, v12;
	v13 =	vsel vm3, $0x5680, v13;
	v16 =	vsel vm3, $0x5780, v14  }
0x86: {  	v18 =	vsel vm3, $0x5880, v18;
	v19 =	vsel vm3, $0x5980, v19;
	v22 =	vsel vm3, $0x5A80, v20  }
0x87: {  	v24 =	vsel vm3, $0x5B80, v24;
	v25 =	vsel vm3, $0x5C80, v25;
	v28 =	vsel vm3, $0x5D80, v26  }
0x88: {  	v30 =	vsel vm3, $0x5E80, v30;
	v31 =	vsel vm3, $0x5F80, v31;
	v32 =	vsel vm3, $0x3FA1, v32  }
0x89: {  	v36 =	vsel vm3, $0x3FA5, v36;
	v37 =	vsel vm3, $0x3FA7, v37;
	v38 =	vsel vm3, $0x3FA9, v38  }
0x8a: {  	v39 =	vsel vm3, $0x3FAB, v39;
	v40 =	vsel vm3, $0x3FAD, v40;
	v41 =	vsel vm3, $0x3FAF, v41  }
0x8b: {  	v42 =	vsel vm3, $0x3FB1, v42;
	v43 =	vsel vm3, $0x3FB3, v43;
	v44 =	vsel vm3, $0x3FB5, v44  }
0x8c: {  	v45 =	vsel vm3, $0x3FB7, v45;
	v46 =	vsel vm3, $0x3FB9, v46;
	v47 =	vsel vm3, $0x3FBB, v47  }
0x8d: {  	v48 =	vsel vm3, $0x3FBD, v48;
	v49 =	vsel vm3, $0x3FBF, v49;
	v1 =	vsel vm2, $0x6000, v1  }
0x8e: {  	v4 =	vsel vm2, $0x6100, v3;
	v3 =	vand.u32 $0x1, v33;
	v6 =	vsel vm2, $0x6200, v6  }
0x8f: {  	v7 =	vsel vm2, $0x6300, v7;
	v10 =	vsel vm2, $0x6400, v10;
	v12 =	vsel vm2, $0x6500, v12  }
0x90: {  	v13 =	vsel vm2, $0x6600, v13;
	v16 =	vsel vm2, $0x6700, v16;
	v18 =	vsel vm2, $0x6800, v18  }
0x91: {  	v19 =	vsel vm2, $0x6900, v19;
	v22 =	vsel vm2, $0x6A00, v22;
	v24 =	vsel vm2, $0x6B00, v24  }
0x92: {  	v25 =	vsel vm2, $0x6C00, v25;
	v28 =	vsel vm2, $0x6D00, v28;
	v30 =	vsel vm2, $0x6E00, v30  }
0x93: {  	v34 =	vsel vm2, $0x6F00, v31;
	v32 =	vsel vm2, $0x3FC0, v32;
	v33 =	vor.u32 $0x1E, v33  }
0x94: {  	v36 =	vsel vm2, $0x3FC4, v36;
	v37 =	vsel vm2, $0x3FC6, v37;
	v38 =	vsel vm2, $0x3FC8, v38  }
0x95: {  	v39 =	vsel vm2, $0x3FCA, v39;
	v40 =	vsel vm2, $0x3FCC, v40;
	v41 =	vsel vm2, $0x3FCE, v41  }
0x96: {  	v42 =	vsel vm2, $0x3FD0, v42;
	v43 =	vsel vm2, $0x3FD2, v43;
	v44 =	vsel vm2, $0x3FD4, v44  }
0x97: {  	v45 =	vsel vm2, $0x3FD6, v45;
	v46 =	vsel vm2, $0x3FD8, v46;
	v47 =	vsel vm2, $0x3FDA, v47  }
0x98: {  	v48 =	vsel vm2, $0x3FDC, v48;
	v49 =	vsel vm2, $0x3FDE, v49;
	v1 =	vsel vm1, $0x6080, v1  }
0x99: {  	v4 =	vsel vm1, $0x6180, v4;
	v5 =	vor.u32 $0x2, v3;
	v6 =	vsel vm1, $0x6280, v6  }
0x9a: {  	v9 =	vsel vm1, $0x6380, v7;
	v7 =	vor.u32 $0x4, v3;
	v10 =	vsel vm1, $0x6480, v10  }
0x9b: {  	v11 =	vor.u32 $0x8, v3;
	v12 =	vsel vm1, $0x6580, v12;
	v15 =	vsel vm1, $0x6680, v13  }
0x9c: {  	v13 =	vor.u32 $0xA, v3;
	v16 =	vsel vm1, $0x6780, v16;
	v17 =	vor.u32 $0xE, v3  }
0x9d: {  	v18 =	vsel vm1, $0x6880, v18;
	v21 =	vsel vm1, $0x6980, v19;
	v19 =	vor.u32 $0x10, v3  }
0x9e: {  	v22 =	vsel vm1, $0x6A80, v22;
	v23 =	vor.u32 $0x14, v3;
	v24 =	vsel vm1, $0x6B80, v24  }
0x9f: {  	v27 =	vsel vm1, $0x6C80, v25;
	v25 =	vor.u32 $0x16, v3;
	v28 =	vsel vm1, $0x6D80, v28  }
0xa0: {  	v29 =	vor.u32 $0x1A, v3;
	v30 =	vsel vm1, $0x6E80, v30;
	v31 =	vor.u32 $0x1C, v3  }
0xa1: {  	v34 =	vsel vm1, $0x6F80, v34;
	v35 =	vsel vm1, $0x3FC1, v32;
	v36 =	vsel vm1, $0x3FC5, v36  }
0xa2: {  	v37 =	vsel vm1, $0x3FC7, v37;
	v38 =	vsel vm1, $0x3FC9, v38;
	v39 =	vsel vm1, $0x3FCB, v39  }
0xa3: {  	s1 =	rddreg [dreg:$0x0];
	v40 =	vsel vm1, $0x3FCD, v40;
	v41 =	vsel vm1, $0x3FCF, v41;
	v42 =	vsel vm1, $0x3FD1, v42  }
0xa4: {  	s0 =	rddreg [dreg:$0x1];
	v43 =	vsel vm1, $0x3FD3, v43;
	v44 =	vsel vm1, $0x3FD5, v44;
	v45 =	vsel vm1, $0x3FD7, v45  }
0xa5: {  	s2 =	rddreg [dreg:$0x2];
	s21 =	simm.s32 $0x0;
	v46 =	vsel vm1, $0x3FD9, v46;
	v47 =	vsel vm1, $0x3FDB, v47;
	v48 =	vsel vm1, $0x3FDD, v48  }
0xa6: {  	s3 =	srdreg.scid;
	s7 =	stileid.u32;
	s8 =	simm.s32 $0x400;
	v49 =	vsel vm1, $0x3FDF, v49;
	v1 =	vsel vm0, $0x7000, v1;
	v4 =	vsel vm0, $0x7100, v4  }
0xa7: {  	s10 =	simm.s32 $0x1;
	s11 =	simm.s32 $0x7A1400;
	s12 =	simm.s32 $0x280;
	v6 =	vsel vm0, $0x7200, v6;
	v8 =	vsel vm0, $0x7300, v9;
	v9 =	vor.u32 $0x6, v3  }
0xa8: {  	s13 =	simm.s32 $0x1280;
	s14 =	simm.s32 $0x2280;
	s15 =	simm.s32 $0x3280;
	v32 =	vsel vm0, $0x7F00, v34;
	v34 =	vsel vm0, $0x3FE0, v35;
	v35 =	vsel vm14, $0x3F02, v63  }
0xa9: {  	s16 =	simm.s32 $0x4280;
	s17 =	simm.s32 $0x5280;
	s18 =	simm.s32 $0x6280;
	v10 =	vsel vm0, $0x7400, v10;
	v12 =	vsel vm0, $0x7500, v12;
	v35 =	vsel vm13, $0x3F03, v35  }
0xaa: {  	s19 =	simm.s32 $0x7280;
	s20 =	simm.s32 $0x8280;
	s28 =	simm.s32 $0xF280;
	v14 =	vsel vm0, $0x7600, v15;
	v15 =	vor.u32 $0xC, v3;
	v35 =	vsel vm12, $0x3F22, v35  }
0xab: {  	s29 =	simm.s32 $0x10280;
	s30 =	simm.s32 $0x11280;
	s31 =	simm.s32 $0x12280;
	v16 =	vsel vm0, $0x7700, v16;
	v18 =	vsel vm0, $0x7800, v18;
	v35 =	vsel vm11, $0x3F23, v35  }
0xac: {  	s9 =	simm.s32 $0x3;
	[smem:$0x7FF] =	sst s21;
	s3 =	sand.u32 $0x1, s3;
	v20 =	vsel vm0, $0x7900, v21;
	v21 =	vor.u32 $0x12, v3;
	v35 =	vsel vm10, $0x3F42, v35  }
0xad: {  	s5 =	sshll.u32 s7, $0x1;
	s23 =	sshll.u32 s7, $0x7;
	s7 =	simm.s32 $0x15280;
	v22 =	vsel vm0, $0x7A00, v22;
	v24 =	vsel vm0, $0x7B00, v24;
	v35 =	vsel vm9, $0x3F43, v35  }
0xae: {  	_ =	strace $0x80000047;
	s4 =	ssub.s32 $0x2, s3;
	s3 =	sor.u32 s3, s5;
	v26 =	vsel vm0, $0x7C00, v27;
	v27 =	vor.u32 $0x18, v3;
	v35 =	vsel vm8, $0x3F62, v35  }
0xaf: {  	s5 =	sand.u32 $0x600, s23;
	s23 =	simm.s32 $0x0;
	s6 =	sshrl.u32 s4, $0x1;
	v28 =	vsel vm0, $0x7D00, v28;
	v30 =	vsel vm0, $0x7E00, v30;
	v35 =	vsel vm7, $0x3F63, v35  }
0xb0: {  	s24 =	sshll.u32 s3, $0x4;
	s1 =	sadd.s32 s1, s5;
	s3 =	sshll.u32 s3, $0xB;
	v36 =	vsel vm0, $0x3FE4, v36;
	v37 =	vsel vm0, $0x3FE6, v37;
	v35 =	vsel vm6, $0x3F82, v35  }
0xb1: {  	s5 =	simm.s32 $0x18280;
	s4 =	ssub.s32 s4, s6;
	s6 =	sand.u32 $0x70, s24;
	v38 =	vsel vm0, $0x3FE8, v38;
	v39 =	vsel vm0, $0x3FEA, v39;
	v35 =	vsel vm5, $0x3F83, v35  }
.Ltmp0:
0xb2: {  	s25 =	sadd.s32 s2, s3;
	s24 =	simm.s32 $0x4;
	v40 =	vsel vm0, $0x3FEC, v40;
	v41 =	vsel vm0, $0x3FEE, v41;
	v35 =	vsel vm4, $0x3FA2, v35;
	(pc) =	sbr.rel .LBB2_1-.Ltmp0, $4  }
0xb3: {  	s3 =	simm.s32 $0x14280;
	s2 =	simm.s32 $0x16280;
	s1 =	sadd.s32 s6, s1;
	v42 =	vsel vm0, $0x3FF0, v42;
	v43 =	vsel vm0, $0x3FF2, v43;
	v35 =	vsel vm3, $0x3FA3, v35  }
0xb4: {  	[dreg:$0x5] =	wrdreg s25;
	s26 =	smax.u32 s4, $0x1;
	s25 =	simm.s32 $0xD280;
	v44 =	vsel vm0, $0x3FF4, v44;
	v45 =	vsel vm0, $0x3FF6, v45;
	v35 =	vsel vm2, $0x3FC2, v35  }
0xb5: {  	s4 =	simm.s32 $0x17280;
	s6 =	simm.s32 $0x2;
	[dreg:$0x4] =	wrdreg s1;
	v46 =	vsel vm0, $0x3FF8, v46;
	v47 =	vsel vm0, $0x3FFA, v47;
	v35 =	vsel vm1, $0x3FC3, v35  }
0xb6: {  	[dreg:$0x6] =	wrdreg s26;
	s26 =	simm.s32 $0xE280;
	s1 =	simm.s32 $0x13280;
	v48 =	vsel vm0, $0x3FFC, v48;
	v49 =	vsel vm0, $0x3FFE, v49;
	v35 =	vsel vm0, $0x3FE2, v35  }
.LBB2_7:
0xb7: {  	v50 =	vld [tilespmem:$0x1F8];
	_ =	sdelay $0x4  }
0xb8: {  	(v2sf) =	vpush v50, $0x0;
	_ =	sdelay $0xa  }
0xb9: {  	(v2sf) =	vpush v50, $0x1;
	_ =	sdelay $0x3  }
0xba: {  	s21 =	spop (v2sf)  }
0xbb: {  	s22 =	sand.u32 $0x7F, s21  }
0xbc: {  	s23 =	sshra.s32 s21, $0x1F;
	p1 =	slt.s32 s21, $0x1;
	p0 =	sne.s32 s22, $0x0  }
0xbd: {  	s22 =	sshrl.u32 s23, $0x19;
	p0 =	por !p1, !p0  }
0xbe: {  	s21 =	sadd.s32 s22, s21;
	s22 =	simm.s32 $0x1;
	p0 =	por !p0, !p0  }
0xbf: {  	s21 =	sshrl.u32 s21, $0x7;
	s22 =	simm.s32 @!p0 $0x0  }
0xc0: {  	s21 =	ssub.s32 s21, s22  }
0xc1: {  	(v2sf) =	vpush v50, $0x2;
	s21 =	sshll.u32 s21, $0x7  }
0xc2: {  	s21 =	sand.u32 $0x1FFFFF80, s21  }
0xc3: {  	s21 =	sadd.s32 s0, s21  }
0xc4: {  	[tilespmem:s12], [sflag:$0x1] =	stream.strided.gather [hbm4b:s21+s8], $0x1000, s11, s8, $0x38;
	[tilespmem:$0x1C280] =	vst v63  }
0xc5: {  	s21 =	spop (v2sf)  }
0xc6: {  	s24 =	sand.u32 $0x7F, s21  }
0xc7: {  	s23 =	sshra.s32 s21, $0x1F;
	p6 =	slt.s32 s21, $0x1;
	p5 =	sne.s32 s24, $0x0  }
0xc8: {  	s22 =	sshrl.u32 s23, $0x19;
	p0 =	por !p6, !p5  }
0xc9: {  	s21 =	sadd.s32 s22, s21;
	s22 =	simm.s32 $0x1;
	p0 =	por !p0, !p0  }
0xca: {  	s21 =	sshrl.u32 s21, $0x7;
	s22 =	simm.s32 @!p0 $0x0  }
0xcb: {  	s21 =	ssub.s32 s21, s22  }
0xcc: {  	(v2sf) =	vpush v50, $0x3;
	s21 =	sshll.u32 s21, $0x7  }
0xcd: {  	s21 =	sand.u32 $0x1FFFFF80, s21  }
0xce: {  	s21 =	sadd.s32 s0, s21  }
0xcf: {  	[tilespmem:s13], [sflag:$0x1] =	stream.strided.gather [hbm4b:s21+s8], $0x1000, s11, s8, $0x38;
	[tilespmem:$0x1C280] =	vst v63  }
0xd0: {  	s21 =	spop (v2sf)  }
0xd1: {  	s24 =	sand.u32 $0x7F, s21  }
0xd2: {  	s23 =	sshra.s32 s21, $0x1F;
	p2 =	slt.s32 s21, $0x1;
	p1 =	sne.s32 s24, $0x0  }
0xd3: {  	s22 =	sshrl.u32 s23, $0x19;
	p0 =	por !p2, !p1  }
0xd4: {  	s21 =	sadd.s32 s22, s21;
	s22 =	simm.s32 $0x1;
	p0 =	por !p0, !p0  }
0xd5: {  	s21 =	sshrl.u32 s21, $0x7;
	s22 =	simm.s32 @!p0 $0x0  }
0xd6: {  	s21 =	ssub.s32 s21, s22  }
0xd7: {  	(v2sf) =	vpush v50, $0x4;
	s21 =	sshll.u32 s21, $0x7  }
0xd8: {  	s21 =	sand.u32 $0x1FFFFF80, s21  }
0xd9: {  	s21 =	sadd.s32 s0, s21  }
0xda: {  	[tilespmem:s14], [sflag:$0x1] =	stream.strided.gather [hbm4b:s21+s8], $0x1000, s11, s8, $0x38;
	[tilespmem:$0x1C280] =	vst v63  }
0xdb: {  	s21 =	spop (v2sf)  }
0xdc: {  	s24 =	sand.u32 $0x7F, s21  }
0xdd: {  	s23 =	sshra.s32 s21, $0x1F;
	p4 =	slt.s32 s21, $0x1;
	p3 =	sne.s32 s24, $0x0  }
0xde: {  	s22 =	sshrl.u32 s23, $0x19;
	p0 =	por !p4, !p3  }
0xdf: {  	s21 =	sadd.s32 s22, s21;
	s22 =	simm.s32 $0x1;
	p0 =	por !p0, !p0  }
0xe0: {  	s21 =	sshrl.u32 s21, $0x7;
	s22 =	simm.s32 @!p0 $0x0  }
0xe1: {  	s21 =	ssub.s32 s21, s22  }
0xe2: {  	(v2sf) =	vpush v50, $0x5;
	s21 =	sshll.u32 s21, $0x7  }
0xe3: {  	s21 =	sand.u32 $0x1FFFFF80, s21  }
0xe4: {  	s21 =	sadd.s32 s0, s21  }
0xe5: {  	[tilespmem:s15], [sflag:$0x1] =	stream.strided.gather [hbm4b:s21+s8], $0x1000, s11, s8, $0x38;
	[tilespmem:$0x1C280] =	vst v63  }
0xe6: {  	s21 =	spop (v2sf)  }
0xe7: {  	s24 =	sand.u32 $0x7F, s21  }
0xe8: {  	s23 =	sshra.s32 s21, $0x1F;
	p6 =	slt.s32 s21, $0x1;
	p5 =	sne.s32 s24, $0x0  }
0xe9: {  	(v2sf) =	vpush v50, $0x6;
	s22 =	sshrl.u32 s23, $0x19;
	p0 =	por !p6, !p5  }
0xea: {  	s21 =	sadd.s32 s22, s21;
	s22 =	simm.s32 $0x1;
	p0 =	por !p0, !p0  }
0xeb: {  	s21 =	sshrl.u32 s21, $0x7;
	s22 =	simm.s32 @!p0 $0x0  }
0xec: {  	s21 =	ssub.s32 s21, s22  }
0xed: {  	s21 =	sshll.u32 s21, $0x7  }
0xee: {  	s21 =	sand.u32 $0x1FFFFF80, s21  }
0xef: {  	s21 =	sadd.s32 s0, s21  }
0xf0: {  	[tilespmem:s16], [sflag:$0x1] =	stream.strided.gather [hbm4b:s21+s8], $0x1000, s11, s8, $0x38;
	[tilespmem:$0x1C280] =	vst v63  }
0xf1: {  	s21 =	spop (v2sf)  }
0xf2: {  	s24 =	sand.u32 $0x7F, s21  }
0xf3: {  	s23 =	sshra.s32 s21, $0x1F;
	p2 =	slt.s32 s21, $0x1;
	p1 =	sne.s32 s24, $0x0  }
0xf4: {  	s22 =	sshrl.u32 s23, $0x19;
	p0 =	por !p2, !p1  }
0xf5: {  	(v2sf) =	vpush v50, $0x7;
	s21 =	sadd.s32 s22, s21;
	s22 =	simm.s32 $0x1;
	p0 =	por !p0, !p0  }
0xf6: {  	s21 =	sshrl.u32 s21, $0x7;
	s22 =	simm.s32 @!p0 $0x0  }
0xf7: {  	s21 =	ssub.s32 s21, s22  }
0xf8: {  	s22 =	spop (v2sf);
	s21 =	sshll.u32 s21, $0x7  }
0xf9: {  	s24 =	sand.u32 $0x7F, s22;
	s23 =	sshra.s32 s22, $0x1F;
	s21 =	sand.u32 $0x1FFFFF80, s21  }
0xfa: {  	p4 =	slt.s32 s22, $0x1;
	p3 =	sne.s32 s24, $0x0;
	s21 =	sadd.s32 s0, s21  }
0xfb: {  	[tilespmem:s17], [sflag:$0x1] =	stream.strided.gather [hbm4b:s21+s8], $0x1000, s11, s8, $0x38;
	[tilespmem:$0x1C280] =	vst v63  }
0xfc: {  	p0 =	por !p4, !p3;
	s21 =	sshrl.u32 s23, $0x19  }
0xfd: {  	p0 =	por !p0, !p0;
	s21 =	sadd.s32 s21, s22;
	s22 =	simm.s32 $0x1  }
0xfe: {  	s21 =	sshrl.u32 s21, $0x7;
	s22 =	simm.s32 @!p0 $0x0  }
0xff: {  	s21 =	ssub.s32 s21, s22  }
0x100: {  	s21 =	sshll.u32 s21, $0x7  }
0x101: {  	s21 =	sand.u32 $0x1FFFFF80, s21  }
0x102: {  	s21 =	sadd.s32 s0, s21  }
0x103: {  	[tilespmem:s18], [sflag:$0x1] =	stream.strided.gather [hbm4b:s21+s8], $0x1000, s11, s8, $0x38;
	[tilespmem:$0x1C280] =	vst v63  }
0x104: {  	s21 =	spop (v2sf)  }
0x105: {  	s24 =	sand.u32 $0x7F, s21  }
0x106: {  	s23 =	sshra.s32 s21, $0x1F;
	p6 =	slt.s32 s21, $0x1;
	p5 =	sne.s32 s24, $0x0  }
0x107: {  	s22 =	sshrl.u32 s23, $0x19;
	p0 =	por !p6, !p5  }
0x108: {  	s21 =	sadd.s32 s22, s21;
	s22 =	simm.s32 $0x1;
	p0 =	por !p0, !p0  }
0x109: {  	s21 =	sshrl.u32 s21, $0x7;
	s22 =	simm.s32 @!p0 $0x0  }
0x10a: {  	s21 =	ssub.s32 s21, s22  }
0x10b: {  	s21 =	sshll.u32 s21, $0x7  }
0x10c: {  	s21 =	sand.u32 $0x1FFFFF80, s21  }
0x10d: {  	s21 =	sadd.s32 s0, s21  }
0x10e: {  	[tilespmem:s19], [sflag:$0x1] =	stream.strided.gather [hbm4b:s21+s8], $0x1000, s11, s8, $0x38;
	[tilespmem:$0x1C280] =	vst v63  }
0x10f: {  	_ =	swait.ge [sflag:s10], $0x1000  }
0x110: {  	[sflag:s10] =	ssyncset.done $0x0  }
0x111: {  	[sflag:s10] =	ssyncadd.s32 $0xFFFFF000  }
0x112: {  	_ =	swait.ge [sflag:s10], $0x1000  }
0x113: {  	[sflag:s10] =	ssyncset.done $0x0  }
0x114: {  	[sflag:s10] =	ssyncadd.s32 $0xFFFFF000  }
0x115: {  	_ =	swait.ge [sflag:s10], $0x1000  }
0x116: {  	[sflag:s10] =	ssyncset.done $0x0  }
0x117: {  	[sflag:s10] =	ssyncadd.s32 $0xFFFFF000  }
0x118: {  	_ =	swait.ge [sflag:s10], $0x1000  }
0x119: {  	[sflag:s10] =	ssyncset.done $0x0  }
0x11a: {  	[sflag:s10] =	ssyncadd.s32 $0xFFFFF000  }
0x11b: {  	_ =	swait.ge [sflag:s10], $0x1000  }
0x11c: {  	[sflag:s10] =	ssyncset.done $0x0  }
0x11d: {  	[sflag:s10] =	ssyncadd.s32 $0xFFFFF000  }
0x11e: {  	_ =	swait.ge [sflag:s10], $0x1000  }
0x11f: {  	[sflag:s10] =	ssyncset.done $0x0  }
0x120: {  	[sflag:s10] =	ssyncadd.s32 $0xFFFFF000  }
0x121: {  	_ =	swait.ge [sflag:s10], $0x1000  }
0x122: {  	[sflag:s10] =	ssyncset.done $0x0  }
0x123: {  	[sflag:s10] =	ssyncadd.s32 $0xFFFFF000  }
0x124: {  	_ =	swait.ge [sflag:s10], $0x1000  }
0x125: {  	[sflag:s10] =	ssyncset.done $0x0  }
0x126: {  	[sflag:s10] =	ssyncadd.s32 $0xFFFFF000  }
0x127: {  	v58 =	vld [tilespmem:$0x1F8];
	_ =	sdelay $0x4  }
0x128: {  	v50 =	vperm.xlane v58, v0;
	_ =	sdelay $0x1  }
0x129: {  	v50 =	vand.u32 $0x7F, v50  }
0x12a: {  	v51 =	vor.u32 v1, v50;
	_ =	sdelay $0x4  }
0x12b: {  	v51 =	vld.idx.msk [tilespmem:v51+s12+$0x0], $0xffff  }
0x12c: {  	v52 =	vor.u32 v4, v50;
	_ =	sdelay $0x3  }
0x12d: {  	[tilespmem:v34+s5+$0x0] =	vst.idx.msk $0xffff, v51  }
0x12e: {  	v51 =	vld.idx.msk [tilespmem:v52+s12+$0x0], $0xffff  }
0x12f: {  	v59 =	vor.u32 v6, v50;
	_ =	sdelay $0x3  }
0x130: {  	[tilespmem:v35+s5+$0x0] =	vst.idx.msk $0xffff, v51  }
0x131: {  	v51 =	vld.idx.msk [tilespmem:v59+s12+$0x0], $0xffff  }
0x132: {  	v60 =	vor.u32 v8, v50;
	_ =	sdelay $0x3  }
0x133: {  	[tilespmem:v36+s5+$0x0] =	vst.idx.msk $0xffff, v51  }
0x134: {  	v51 =	vld.idx.msk [tilespmem:v60+s12+$0x0], $0xffff  }
0x135: {  	v61 =	vor.u32 v10, v50;
	_ =	sdelay $0x3  }
0x136: {  	[tilespmem:v37+s5+$0x0] =	vst.idx.msk $0xffff, v51  }
0x137: {  	v51 =	vld.idx.msk [tilespmem:v61+s12+$0x0], $0xffff  }
0x138: {  	v62 =	vor.u32 v12, v50;
	_ =	sdelay $0x3  }
0x139: {  	[tilespmem:v38+s5+$0x0] =	vst.idx.msk $0xffff, v51  }
0x13a: {  	v51 =	vld.idx.msk [tilespmem:v62+s12+$0x0], $0xffff  }
0x13b: {  	v63 =	vor.u32 v14, v50;
	_ =	sdelay $0x3  }
0x13c: {  	[tilespmem:v39+s5+$0x0] =	vst.idx.msk $0xffff, v51  }
0x13d: {  	v51 =	vld.idx.msk [tilespmem:v63+s12+$0x0], $0xffff  }
0x13e: {  	v56 =	vor.u32 v16, v50;
	_ =	sdelay $0x3  }
0x13f: {  	[tilespmem:v40+s5+$0x0] =	vst.idx.msk $0xffff, v51  }
0x140: {  	v51 =	vld.idx.msk [tilespmem:v56+s12+$0x0], $0xffff  }
0x141: {  	v57 =	vor.u32 v18, v50;
	_ =	sdelay $0x3  }
0x142: {  	[tilespmem:v41+s5+$0x0] =	vst.idx.msk $0xffff, v51  }
0x143: {  	v51 =	vld.idx.msk [tilespmem:v57+s12+$0x0], $0xffff  }
0x144: {  	v58 =	vor.u32 v20, v50;
	_ =	sdelay $0x3  }
0x145: {  	[tilespmem:v42+s5+$0x0] =	vst.idx.msk $0xffff, v51  }
0x146: {  	v51 =	vld.idx.msk [tilespmem:v58+s12+$0x0], $0xffff  }
0x147: {  	v59 =	vor.u32 v22, v50;
	_ =	sdelay $0x3  }
0x148: {  	[tilespmem:v43+s5+$0x0] =	vst.idx.msk $0xffff, v51  }
0x149: {  	v51 =	vld.idx.msk [tilespmem:v59+s12+$0x0], $0xffff  }
0x14a: {  	v60 =	vor.u32 v24, v50;
	_ =	sdelay $0x3  }
0x14b: {  	[tilespmem:v44+s5+$0x0] =	vst.idx.msk $0xffff, v51  }
0x14c: {  	v51 =	vld.idx.msk [tilespmem:v60+s12+$0x0], $0xffff  }
0x14d: {  	v61 =	vor.u32 v26, v50;
	_ =	sdelay $0x3  }
0x14e: {  	[tilespmem:v45+s5+$0x0] =	vst.idx.msk $0xffff, v51  }
0x14f: {  	v51 =	vld.idx.msk [tilespmem:v61+s12+$0x0], $0xffff  }
0x150: {  	v62 =	vor.u32 v28, v50;
	_ =	sdelay $0x3  }
0x151: {  	[tilespmem:v46+s5+$0x0] =	vst.idx.msk $0xffff, v51  }
0x152: {  	v51 =	vld.idx.msk [tilespmem:v62+s12+$0x0], $0xffff  }
0x153: {  	v63 =	vor.u32 v30, v50;
	_ =	sdelay $0x3  }
0x154: {  	[tilespmem:v47+s5+$0x0] =	vst.idx.msk $0xffff, v51  }
0x155: {  	v51 =	vld.idx.msk [tilespmem:v63+s12+$0x0], $0xffff  }
0x156: {  	v50 =	vor.u32 v32, v50;
	_ =	sdelay $0x3  }
0x157: {  	[tilespmem:v48+s5+$0x0] =	vst.idx.msk $0xffff, v51  }
0x158: {  	v50 =	vld.idx.msk [tilespmem:v50+s12+$0x0], $0xffff;
	_ =	sdelay $0x4  }
0x159: {  	s21 =	simm.s32 $0x0;
	s24 =	rddreg [dreg:$0x5];
	[tilespmem:v49+s5+$0x0] =	vst.idx.msk $0xffff, v50  }
0x15a: {  	[hbm4b:s24+s21] =	stream.linear.scatter [tilespmem:s5], [sflag:$0x4], $0x4000, $0x38;
	[tilespmem:$0x1C280] =	vst v63  }
0x15b: {  	s24 =	simm.s32 $0x4  }
0x15c: {  	_ =	swait.ge [sflag:s24], $0x4000  }
0x15d: {  	s23 =	rddreg [dreg:$0x7]  }
0x15e: {  	s22 =	rddreg [dreg:$0x6];
	s23 =	sadd.s32 $0x1, s23  }
0x15f: {  	p0 =	sne.s32 s23, s22  }
.Ltmp1:
0x160: {  	_ = 	snop;
	(pc) =	sbr.rel @!p0 .LBB2_8-.Ltmp1, $3  }
0x161: {  	_ =	sdelay $0x1  }
0x162: {  	[sflag:s24] =	ssyncset.done $0x0  }
0x163: {  	[sflag:s24] =	ssyncadd.s32 $0xFFFFC000  }
.LBB2_1:
0x164: {  	[dreg:$0x7] =	wrdreg s23  }
0x165: {  	s22 =	rddreg [dreg:$0x4];
	s23 =	simm.s32 $0x80  }
0x166: {  	[tilespmem:s21], [sflag:$0x4] =	stream.strided.gather [hbm4b:s22+s23], $0x200, s8, s23, $0x38;
	[tilespmem:$0x1C280] =	vst v63  }
0x167: {  	_ =	swait.ge [sflag:s24], $0x200  }
0x168: {  	[sflag:s24] =	ssyncset.done $0x0  }
0x169: {  	[sflag:s24] =	ssyncadd.s32 $0xFFFFFE00  }
0x16a: {  	v50 =	vld [tilespmem:$0x0];
	_ =	sdelay $0x4  }
0x16b: {  	(v2sf) =	vpush v50, $0x0;
	_ =	sdelay $0xa  }
0x16c: {  	(v2sf) =	vpush v50, $0x1;
	_ =	sdelay $0x3  }
0x16d: {  	s21 =	spop (v2sf)  }
0x16e: {  	s23 =	sand.u32 $0x7F, s21  }
0x16f: {  	s24 =	sshra.s32 s21, $0x1F;
	p1 =	slt.s32 s21, $0x1;
	p0 =	sne.s32 s23, $0x0  }
0x170: {  	s22 =	sshrl.u32 s24, $0x19;
	p0 =	por !p1, !p0  }
0x171: {  	s21 =	sadd.s32 s22, s21;
	s22 =	simm.s32 $0x1;
	p0 =	por !p0, !p0  }
0x172: {  	s21 =	sshrl.u32 s21, $0x7;
	s22 =	simm.s32 @!p0 $0x0  }
0x173: {  	s21 =	ssub.s32 s21, s22  }
0x174: {  	(v2sf) =	vpush v50, $0x2;
	s21 =	sshll.u32 s21, $0x7  }
0x175: {  	s21 =	sand.u32 $0x1FFFFF80, s21  }
0x176: {  	s21 =	sadd.s32 s0, s21  }
0x177: {  	[tilespmem:s12], [sflag:$0x1] =	stream.strided.gather [hbm4b:s21+s8], $0x1000, s11, s8, $0x38;
	[tilespmem:$0x1C280] =	vst v63  }
0x178: {  	s21 =	spop (v2sf)  }
0x179: {  	s23 =	sand.u32 $0x7F, s21  }
0x17a: {  	s24 =	sshra.s32 s21, $0x1F;
	p2 =	slt.s32 s21, $0x1;
	p1 =	sne.s32 s23, $0x0  }
0x17b: {  	s22 =	sshrl.u32 s24, $0x19;
	p0 =	por !p2, !p1  }
0x17c: {  	s21 =	sadd.s32 s22, s21;
	s22 =	simm.s32 $0x1;
	p0 =	por !p0, !p0  }
0x17d: {  	s21 =	sshrl.u32 s21, $0x7;
	s22 =	simm.s32 @!p0 $0x0  }
0x17e: {  	s21 =	ssub.s32 s21, s22  }
0x17f: {  	(v2sf) =	vpush v50, $0x3;
	s21 =	sshll.u32 s21, $0x7  }
0x180: {  	s21 =	sand.u32 $0x1FFFFF80, s21  }
0x181: {  	s21 =	sadd.s32 s0, s21  }
0x182: {  	[tilespmem:s13], [sflag:$0x1] =	stream.strided.gather [hbm4b:s21+s8], $0x1000, s11, s8, $0x38;
	[tilespmem:$0x1C280] =	vst v63  }
0x183: {  	s21 =	spop (v2sf)  }
0x184: {  	s23 =	sand.u32 $0x7F, s21  }
0x185: {  	s24 =	sshra.s32 s21, $0x1F;
	p4 =	slt.s32 s21, $0x1;
	p3 =	sne.s32 s23, $0x0  }
0x186: {  	s22 =	sshrl.u32 s24, $0x19;
	p0 =	por !p4, !p3  }
0x187: {  	s21 =	sadd.s32 s22, s21;
	s22 =	simm.s32 $0x1;
	p0 =	por !p0, !p0  }
0x188: {  	s21 =	sshrl.u32 s21, $0x7;
	s22 =	simm.s32 @!p0 $0x0  }
0x189: {  	s21 =	ssub.s32 s21, s22  }
0x18a: {  	(v2sf) =	vpush v50, $0x4;
	s21 =	sshll.u32 s21, $0x7  }
0x18b: {  	s21 =	sand.u32 $0x1FFFFF80, s21  }
0x18c: {  	s21 =	sadd.s32 s0, s21  }
0x18d: {  	[tilespmem:s14], [sflag:$0x1] =	stream.strided.gather [hbm4b:s21+s8], $0x1000, s11, s8, $0x38;
	[tilespmem:$0x1C280] =	vst v63  }
0x18e: {  	s21 =	spop (v2sf)  }
0x18f: {  	s23 =	sand.u32 $0x7F, s21  }
0x190: {  	s24 =	sshra.s32 s21, $0x1F;
	p6 =	slt.s32 s21, $0x1;
	p5 =	sne.s32 s23, $0x0  }
0x191: {  	s22 =	sshrl.u32 s24, $0x19;
	p0 =	por !p6, !p5  }
0x192: {  	s21 =	sadd.s32 s22, s21;
	s22 =	simm.s32 $0x1;
	p0 =	por !p0, !p0  }
0x193: {  	s21 =	sshrl.u32 s21, $0x7;
	s22 =	simm.s32 @!p0 $0x0  }
0x194: {  	s21 =	ssub.s32 s21, s22  }
0x195: {  	(v2sf) =	vpush v50, $0x5;
	s21 =	sshll.u32 s21, $0x7  }
0x196: {  	s21 =	sand.u32 $0x1FFFFF80, s21  }
0x197: {  	s21 =	sadd.s32 s0, s21  }
0x198: {  	[tilespmem:s15], [sflag:$0x1] =	stream.strided.gather [hbm4b:s21+s8], $0x1000, s11, s8, $0x38;
	[tilespmem:$0x1C280] =	vst v63  }
0x199: {  	s21 =	spop (v2sf)  }
0x19a: {  	s23 =	sand.u32 $0x7F, s21  }
0x19b: {  	s24 =	sshra.s32 s21, $0x1F;
	p2 =	slt.s32 s21, $0x1;
	p1 =	sne.s32 s23, $0x0  }
0x19c: {  	s22 =	sshrl.u32 s24, $0x19;
	p0 =	por !p2, !p1  }
0x19d: {  	s21 =	sadd.s32 s22, s21;
	s22 =	simm.s32 $0x1;
	p0 =	por !p0, !p0  }
0x19e: {  	s21 =	sshrl.u32 s21, $0x7;
	s22 =	simm.s32 @!p0 $0x0  }
0x19f: {  	s21 =	ssub.s32 s21, s22  }
0x1a0: {  	(v2sf) =	vpush v50, $0x6;
	s21 =	sshll.u32 s21, $0x7  }
0x1a1: {  	s21 =	sand.u32 $0x1FFFFF80, s21  }
0x1a2: {  	s21 =	sadd.s32 s0, s21  }
0x1a3: {  	[tilespmem:s16], [sflag:$0x1] =	stream.strided.gather [hbm4b:s21+s8], $0x1000, s11, s8, $0x38;
	[tilespmem:$0x1C280] =	vst v63  }
0x1a4: {  	s21 =	spop (v2sf)  }
0x1a5: {  	s23 =	sand.u32 $0x7F, s21  }
0x1a6: {  	s24 =	sshra.s32 s21, $0x1F;
	p4 =	slt.s32 s21, $0x1;
	p3 =	sne.s32 s23, $0x0  }
0x1a7: {  	s22 =	sshrl.u32 s24, $0x19;
	p0 =	por !p4, !p3  }
0x1a8: {  	s21 =	sadd.s32 s22, s21;
	s22 =	simm.s32 $0x1;
	p0 =	por !p0, !p0  }
0x1a9: {  	s21 =	sshrl.u32 s21, $0x7;
	s22 =	simm.s32 @!p0 $0x0  }
0x1aa: {  	s21 =	ssub.s32 s21, s22  }
0x1ab: {  	(v2sf) =	vpush v50, $0x7;
	s21 =	sshll.u32 s21, $0x7  }
0x1ac: {  	s21 =	sand.u32 $0x1FFFFF80, s21  }
0x1ad: {  	s21 =	sadd.s32 s0, s21  }
0x1ae: {  	[tilespmem:s17], [sflag:$0x1] =	stream.strided.gather [hbm4b:s21+s8], $0x1000, s11, s8, $0x38;
	[tilespmem:$0x1C280] =	vst v63  }
0x1af: {  	s21 =	spop (v2sf)  }
0x1b0: {  	s23 =	sand.u32 $0x7F, s21  }
0x1b1: {  	s24 =	sshra.s32 s21, $0x1F;
	p6 =	slt.s32 s21, $0x1;
	p5 =	sne.s32 s23, $0x0  }
0x1b2: {  	s22 =	sshrl.u32 s24, $0x19;
	p0 =	por !p6, !p5  }
0x1b3: {  	s21 =	sadd.s32 s22, s21;
	s22 =	simm.s32 $0x1;
	p0 =	por !p0, !p0  }
0x1b4: {  	s21 =	sshrl.u32 s21, $0x7;
	s22 =	simm.s32 @!p0 $0x0  }
0x1b5: {  	s21 =	ssub.s32 s21, s22  }
0x1b6: {  	s21 =	sshll.u32 s21, $0x7  }
0x1b7: {  	s21 =	sand.u32 $0x1FFFFF80, s21  }
0x1b8: {  	s21 =	sadd.s32 s0, s21  }
0x1b9: {  	[tilespmem:s18], [sflag:$0x1] =	stream.strided.gather [hbm4b:s21+s8], $0x1000, s11, s8, $0x38;
	[tilespmem:$0x1C280] =	vst v63  }
0x1ba: {  	s21 =	spop (v2sf)  }
0x1bb: {  	s23 =	sand.u32 $0x7F, s21  }
0x1bc: {  	s24 =	sshra.s32 s21, $0x1F;
	p2 =	slt.s32 s21, $0x1;
	p1 =	sne.s32 s23, $0x0  }
0x1bd: {  	s22 =	sshrl.u32 s24, $0x19;
	p0 =	por !p2, !p1  }
0x1be: {  	s21 =	sadd.s32 s22, s21;
	s22 =	simm.s32 $0x1;
	p0 =	por !p0, !p0  }
0x1bf: {  	s21 =	sshrl.u32 s21, $0x7;
	s22 =	simm.s32 @!p0 $0x0  }
0x1c0: {  	s21 =	ssub.s32 s21, s22  }
0x1c1: {  	s21 =	sshll.u32 s21, $0x7  }
0x1c2: {  	s21 =	sand.u32 $0x1FFFFF80, s21  }
0x1c3: {  	s21 =	sadd.s32 s0, s21  }
0x1c4: {  	[tilespmem:s19], [sflag:$0x1] =	stream.strided.gather [hbm4b:s21+s8], $0x1000, s11, s8, $0x38;
	[tilespmem:$0x1C280] =	vst v63  }
0x1c5: {  	v63 =	vld [tilespmem:$0x8];
	_ =	sdelay $0x4  }
0x1c6: {  	(v2sf) =	vpush v63, $0x0;
	_ =	sdelay $0xa  }
0x1c7: {  	(v2sf) =	vpush v63, $0x1;
	_ =	sdelay $0x3  }
0x1c8: {  	s21 =	spop (v2sf)  }
0x1c9: {  	s23 =	sand.u32 $0x7F, s21  }
0x1ca: {  	s24 =	sshra.s32 s21, $0x1F;
	p4 =	slt.s32 s21, $0x1;
	p3 =	sne.s32 s23, $0x0  }
0x1cb: {  	s22 =	sshrl.u32 s24, $0x19;
	p0 =	por !p4, !p3  }
0x1cc: {  	s21 =	sadd.s32 s22, s21;
	s22 =	simm.s32 $0x1;
	p0 =	por !p0, !p0  }
0x1cd: {  	s21 =	sshrl.u32 s21, $0x7;
	s22 =	simm.s32 @!p0 $0x0  }
0x1ce: {  	s21 =	ssub.s32 s21, s22  }
0x1cf: {  	(v2sf) =	vpush v63, $0x2;
	s21 =	sshll.u32 s21, $0x7  }
0x1d0: {  	s21 =	sand.u32 $0x1FFFFF80, s21  }
0x1d1: {  	s21 =	sadd.s32 s0, s21  }
0x1d2: {  	[tilespmem:s20], [sflag:$0x2] =	stream.strided.gather [hbm4b:s21+s8], $0x1000, s11, s8, $0x38;
	[tilespmem:$0x1C280] =	vst v63  }
0x1d3: {  	s21 =	spop (v2sf)  }
0x1d4: {  	s23 =	sand.u32 $0x7F, s21  }
0x1d5: {  	s24 =	sshra.s32 s21, $0x1F;
	p6 =	slt.s32 s21, $0x1;
	p5 =	sne.s32 s23, $0x0  }
0x1d6: {  	s22 =	sshrl.u32 s24, $0x19;
	p0 =	por !p6, !p5  }
0x1d7: {  	s21 =	sadd.s32 s22, s21;
	s22 =	simm.s32 $0x1;
	p0 =	por !p0, !p0  }
0x1d8: {  	s21 =	sshrl.u32 s21, $0x7;
	s22 =	simm.s32 @!p0 $0x0  }
0x1d9: {  	s21 =	ssub.s32 s21, s22  }
0x1da: {  	(v2sf) =	vpush v63, $0x3;
	s21 =	sshll.u32 s21, $0x7  }
0x1db: {  	s21 =	sand.u32 $0x1FFFFF80, s21  }
0x1dc: {  	s23 =	simm.s32 $0x9280;
	s21 =	sadd.s32 s0, s21  }
0x1dd: {  	[tilespmem:s23], [sflag:$0x2] =	stream.strided.gather [hbm4b:s21+s8], $0x1000, s11, s8, $0x38;
	[tilespmem:$0x1C280] =	vst v63  }
0x1de: {  	s21 =	spop (v2sf)  }
0x1df: {  	s24 =	sand.u32 $0x7F, s21  }
0x1e0: {  	s23 =	sshra.s32 s21, $0x1F;
	p2 =	slt.s32 s21, $0x1;
	p1 =	sne.s32 s24, $0x0  }
0x1e1: {  	s22 =	sshrl.u32 s23, $0x19;
	p0 =	por !p2, !p1  }
0x1e2: {  	s21 =	sadd.s32 s22, s21;
	s22 =	simm.s32 $0x1;
	p0 =	por !p0, !p0  }
0x1e3: {  	s21 =	sshrl.u32 s21, $0x7;
	s22 =	simm.s32 @!p0 $0x0  }
0x1e4: {  	s21 =	ssub.s32 s21, s22  }
0x1e5: {  	(v2sf) =	vpush v63, $0x4;
	s21 =	sshll.u32 s21, $0x7  }
0x1e6: {  	s21 =	sand.u32 $0x1FFFFF80, s21  }
0x1e7: {  	s24 =	simm.s32 $0xA280;
	s21 =	sadd.s32 s0, s21  }
0x1e8: {  	[tilespmem:s24], [sflag:$0x2] =	stream.strided.gather [hbm4b:s21+s8], $0x1000, s11, s8, $0x38;
	[tilespmem:$0x1C280] =	vst v63  }
0x1e9: {  	s21 =	spop (v2sf)  }
0x1ea: {  	s23 =	sand.u32 $0x7F, s21  }
0x1eb: {  	s24 =	sshra.s32 s21, $0x1F;
	p4 =	slt.s32 s21, $0x1;
	p3 =	sne.s32 s23, $0x0  }
0x1ec: {  	s22 =	sshrl.u32 s24, $0x19;
	p0 =	por !p4, !p3  }
0x1ed: {  	s21 =	sadd.s32 s22, s21;
	s22 =	simm.s32 $0x1;
	p0 =	por !p0, !p0  }
0x1ee: {  	s21 =	sshrl.u32 s21, $0x7;
	s22 =	simm.s32 @!p0 $0x0  }
0x1ef: {  	s21 =	ssub.s32 s21, s22  }
0x1f0: {  	(v2sf) =	vpush v63, $0x5;
	s21 =	sshll.u32 s21, $0x7  }
0x1f1: {  	s21 =	sand.u32 $0x1FFFFF80, s21  }
0x1f2: {  	s23 =	simm.s32 $0xB280;
	s21 =	sadd.s32 s0, s21  }
0x1f3: {  	[tilespmem:s23], [sflag:$0x2] =	stream.strided.gather [hbm4b:s21+s8], $0x1000, s11, s8, $0x38;
	[tilespmem:$0x1C280] =	vst v63  }
0x1f4: {  	s21 =	spop (v2sf)  }
0x1f5: {  	s24 =	sand.u32 $0x7F, s21  }
0x1f6: {  	s23 =	sshra.s32 s21, $0x1F;
	p6 =	slt.s32 s21, $0x1;
	p5 =	sne.s32 s24, $0x0  }
0x1f7: {  	(v2sf) =	vpush v63, $0x6;
	s22 =	sshrl.u32 s23, $0x19;
	p0 =	por !p6, !p5  }
0x1f8: {  	s21 =	sadd.s32 s22, s21;
	s22 =	simm.s32 $0x1;
	p0 =	por !p0, !p0  }
0x1f9: {  	s21 =	sshrl.u32 s21, $0x7;
	s22 =	simm.s32 @!p0 $0x0  }
0x1fa: {  	s21 =	ssub.s32 s21, s22  }
0x1fb: {  	s21 =	sshll.u32 s21, $0x7  }
0x1fc: {  	s21 =	sand.u32 $0x1FFFFF80, s21  }
0x1fd: {  	s24 =	simm.s32 $0xC280;
	s21 =	sadd.s32 s0, s21  }
0x1fe: {  	[tilespmem:s24], [sflag:$0x2] =	stream.strided.gather [hbm4b:s21+s8], $0x1000, s11, s8, $0x38;
	[tilespmem:$0x1C280] =	vst v63  }
0x1ff: {  	s21 =	spop (v2sf)  }
0x200: {  	s23 =	sand.u32 $0x7F, s21  }
0x201: {  	s24 =	sshra.s32 s21, $0x1F;
	p2 =	slt.s32 s21, $0x1;
	p1 =	sne.s32 s23, $0x0  }
0x202: {  	s22 =	sshrl.u32 s24, $0x19;
	p0 =	por !p2, !p1  }
0x203: {  	(v2sf) =	vpush v63, $0x7;
	s21 =	sadd.s32 s22, s21;
	s22 =	simm.s32 $0x1;
	p0 =	por !p0, !p0  }
0x204: {  	s21 =	sshrl.u32 s21, $0x7;
	s22 =	simm.s32 @!p0 $0x0  }
0x205: {  	s21 =	ssub.s32 s21, s22  }
0x206: {  	s22 =	spop (v2sf);
	s21 =	sshll.u32 s21, $0x7  }
0x207: {  	s23 =	sand.u32 $0x7F, s22;
	s24 =	sshra.s32 s22, $0x1F;
	s21 =	sand.u32 $0x1FFFFF80, s21  }
0x208: {  	p4 =	slt.s32 s22, $0x1;
	p3 =	sne.s32 s23, $0x0;
	s21 =	sadd.s32 s0, s21  }
0x209: {  	[tilespmem:s25], [sflag:$0x2] =	stream.strided.gather [hbm4b:s21+s8], $0x1000, s11, s8, $0x38;
	[tilespmem:$0x1C280] =	vst v63  }
0x20a: {  	p0 =	por !p4, !p3;
	s21 =	sshrl.u32 s24, $0x19  }
0x20b: {  	p0 =	por !p0, !p0;
	s21 =	sadd.s32 s21, s22;
	s22 =	simm.s32 $0x1  }
0x20c: {  	s21 =	sshrl.u32 s21, $0x7;
	s22 =	simm.s32 @!p0 $0x0  }
0x20d: {  	s21 =	ssub.s32 s21, s22  }
0x20e: {  	s21 =	sshll.u32 s21, $0x7  }
0x20f: {  	s21 =	sand.u32 $0x1FFFFF80, s21  }
0x210: {  	s21 =	sadd.s32 s0, s21  }
0x211: {  	[tilespmem:s26], [sflag:$0x2] =	stream.strided.gather [hbm4b:s21+s8], $0x1000, s11, s8, $0x38;
	[tilespmem:$0x1C280] =	vst v63  }
0x212: {  	s21 =	spop (v2sf)  }
0x213: {  	s23 =	sand.u32 $0x7F, s21  }
0x214: {  	s24 =	sshra.s32 s21, $0x1F;
	p6 =	slt.s32 s21, $0x1;
	p5 =	sne.s32 s23, $0x0  }
0x215: {  	s22 =	sshrl.u32 s24, $0x19;
	p0 =	por !p6, !p5  }
0x216: {  	s21 =	sadd.s32 s22, s21;
	s22 =	simm.s32 $0x1;
	p0 =	por !p0, !p0  }
0x217: {  	s21 =	sshrl.u32 s21, $0x7;
	s22 =	simm.s32 @!p0 $0x0  }
0x218: {  	s21 =	ssub.s32 s21, s22  }
.Ltmp2:
0x219: {  	s21 =	sshll.u32 s21, $0x7;
	(pc) =	sbr.rel .LBB2_2-.Ltmp2, $4  }
0x21a: {  	s21 =	sand.u32 $0x1FFFFF80, s21  }
0x21b: {  	s21 =	sadd.s32 s0, s21  }
0x21c: {  	[tilespmem:s28], [sflag:$0x2] =	stream.strided.gather [hbm4b:s21+s8], $0x1000, s11, s8, $0x38;
	[tilespmem:$0x1C280] =	vst v63  }
0x21d: {  	s22 =	simm.s32 $0x0;
	s21 =	simm.s32 $0x10  }
.LBB2_6:
0x21e: {  	_ =	swait.ge [sflag:s9], $0x1000  }
0x21f: {  	[sflag:s9] =	ssyncset.done $0x0  }
0x220: {  	[sflag:s9] =	ssyncadd.s32 $0xFFFFF000  }
0x221: {  	_ =	swait.ge [sflag:s9], $0x1000  }
0x222: {  	[sflag:s9] =	ssyncset.done $0x0  }
0x223: {  	[sflag:s9] =	ssyncadd.s32 $0xFFFFF000  }
0x224: {  	_ =	swait.ge [sflag:s9], $0x1000  }
0x225: {  	[sflag:s9] =	ssyncset.done $0x0  }
0x226: {  	[sflag:s9] =	ssyncadd.s32 $0xFFFFF000  }
0x227: {  	_ =	swait.ge [sflag:s9], $0x1000  }
0x228: {  	[sflag:s9] =	ssyncset.done $0x0  }
0x229: {  	[sflag:s9] =	ssyncadd.s32 $0xFFFFF000  }
0x22a: {  	_ =	swait.ge [sflag:s9], $0x1000  }
0x22b: {  	[sflag:s9] =	ssyncset.done $0x0  }
0x22c: {  	[sflag:s9] =	ssyncadd.s32 $0xFFFFF000  }
0x22d: {  	_ =	swait.ge [sflag:s9], $0x1000  }
0x22e: {  	[sflag:s9] =	ssyncset.done $0x0  }
0x22f: {  	[sflag:s9] =	ssyncadd.s32 $0xFFFFF000  }
0x230: {  	_ =	swait.ge [sflag:s9], $0x1000  }
0x231: {  	[sflag:s9] =	ssyncset.done $0x0  }
0x232: {  	[sflag:s9] =	ssyncadd.s32 $0xFFFFF000  }
0x233: {  	_ =	swait.ge [sflag:s9], $0x1000  }
0x234: {  	[sflag:s9] =	ssyncset.done $0x0  }
0x235: {  	[sflag:s9] =	ssyncadd.s32 $0xFFFFF000  }
0x236: {  	v50 =	vld [tilespmem:s21+$0x0];
	_ =	sdelay $0x4  }
0x237: {  	v50 =	vperm.xlane v50, v0;
	_ =	sdelay $0x1  }
0x238: {  	v50 =	vand.u32 $0x7F, v50  }
0x239: {  	v51 =	vor.u32 v1, v50  }
0x23a: {  	s23 =	sadd.s32 $0x10, s22  }
0x23b: {  	v52 =	vmov s23  }
0x23c: {  	v52 =	vshll.u32 v52, $0x5  }
0x23d: {  	v52 =	vor.u32 v2, v52  }
0x23e: {  	v53 =	vor.u32 v3, v52;
	v51 =	vld.idx.msk [tilespmem:v51+s29+$0x0], $0xffff  }
0x23f: {  	v54 =	vor.u32 v4, v50;
	_ =	sdelay $0x3  }
0x240: {  	[tilespmem:v53+s5+$0x0] =	vst.idx.msk $0xffff, v51  }
0x241: {  	v57 =	vor.u32 v5, v52;
	v51 =	vld.idx.msk [tilespmem:v54+s29+$0x0], $0xffff  }
0x242: {  	v58 =	vor.u32 v6, v50;
	_ =	sdelay $0x3  }
0x243: {  	[tilespmem:v57+s5+$0x0] =	vst.idx.msk $0xffff, v51  }
0x244: {  	v59 =	vor.u32 v7, v52;
	v51 =	vld.idx.msk [tilespmem:v58+s29+$0x0], $0xffff  }
0x245: {  	v60 =	vor.u32 v8, v50;
	_ =	sdelay $0x3  }
0x246: {  	[tilespmem:v59+s5+$0x0] =	vst.idx.msk $0xffff, v51  }
0x247: {  	v61 =	vor.u32 v9, v52;
	v51 =	vld.idx.msk [tilespmem:v60+s29+$0x0], $0xffff  }
0x248: {  	v62 =	vor.u32 v10, v50;
	_ =	sdelay $0x3  }
0x249: {  	[tilespmem:v61+s5+$0x0] =	vst.idx.msk $0xffff, v51  }
0x24a: {  	v63 =	vor.u32 v11, v52;
	v51 =	vld.idx.msk [tilespmem:v62+s29+$0x0], $0xffff  }
0x24b: {  	v57 =	vor.u32 v12, v50;
	_ =	sdelay $0x3  }
0x24c: {  	[tilespmem:v63+s5+$0x0] =	vst.idx.msk $0xffff, v51  }
0x24d: {  	v58 =	vor.u32 v13, v52;
	v51 =	vld.idx.msk [tilespmem:v57+s29+$0x0], $0xffff  }
0x24e: {  	v59 =	vor.u32 v14, v50;
	_ =	sdelay $0x3  }
0x24f: {  	[tilespmem:v58+s5+$0x0] =	vst.idx.msk $0xffff, v51  }
0x250: {  	v60 =	vor.u32 v15, v52;
	v51 =	vld.idx.msk [tilespmem:v59+s29+$0x0], $0xffff  }
0x251: {  	v61 =	vor.u32 v16, v50;
	_ =	sdelay $0x3  }
0x252: {  	[tilespmem:v60+s5+$0x0] =	vst.idx.msk $0xffff, v51  }
0x253: {  	v62 =	vor.u32 v17, v52;
	v51 =	vld.idx.msk [tilespmem:v61+s29+$0x0], $0xffff  }
0x254: {  	v63 =	vor.u32 v18, v50;
	_ =	sdelay $0x3  }
0x255: {  	[tilespmem:v62+s5+$0x0] =	vst.idx.msk $0xffff, v51  }
0x256: {  	v57 =	vor.u32 v19, v52;
	v51 =	vld.idx.msk [tilespmem:v63+s29+$0x0], $0xffff  }
0x257: {  	v58 =	vor.u32 v20, v50;
	_ =	sdelay $0x3  }
0x258: {  	[tilespmem:v57+s5+$0x0] =	vst.idx.msk $0xffff, v51  }
0x259: {  	v59 =	vor.u32 v21, v52;
	v51 =	vld.idx.msk [tilespmem:v58+s29+$0x0], $0xffff  }
0x25a: {  	v60 =	vor.u32 v22, v50;
	_ =	sdelay $0x3  }
0x25b: {  	[tilespmem:v59+s5+$0x0] =	vst.idx.msk $0xffff, v51  }
0x25c: {  	v61 =	vor.u32 v23, v52;
	v51 =	vld.idx.msk [tilespmem:v60+s29+$0x0], $0xffff  }
0x25d: {  	v62 =	vor.u32 v24, v50;
	_ =	sdelay $0x3  }
0x25e: {  	[tilespmem:v61+s5+$0x0] =	vst.idx.msk $0xffff, v51  }
0x25f: {  	v63 =	vor.u32 v25, v52;
	v51 =	vld.idx.msk [tilespmem:v62+s29+$0x0], $0xffff  }
0x260: {  	v57 =	vor.u32 v26, v50;
	_ =	sdelay $0x3  }
0x261: {  	[tilespmem:v63+s5+$0x0] =	vst.idx.msk $0xffff, v51  }
0x262: {  	v58 =	vor.u32 v27, v52;
	v51 =	vld.idx.msk [tilespmem:v57+s29+$0x0], $0xffff  }
0x263: {  	v59 =	vor.u32 v28, v50;
	_ =	sdelay $0x3  }
0x264: {  	[tilespmem:v58+s5+$0x0] =	vst.idx.msk $0xffff, v51  }
0x265: {  	v60 =	vor.u32 v29, v52;
	v51 =	vld.idx.msk [tilespmem:v59+s29+$0x0], $0xffff  }
0x266: {  	v61 =	vor.u32 v30, v50;
	_ =	sdelay $0x3  }
0x267: {  	[tilespmem:v60+s5+$0x0] =	vst.idx.msk $0xffff, v51  }
0x268: {  	v62 =	vor.u32 v31, v52;
	v51 =	vld.idx.msk [tilespmem:v61+s29+$0x0], $0xffff  }
0x269: {  	v50 =	vor.u32 v32, v50;
	_ =	sdelay $0x3  }
0x26a: {  	s22 =	sadd.s32 $0x18, s22;
	[tilespmem:v62+s5+$0x0] =	vst.idx.msk $0xffff, v51  }
0x26b: {  	p0 =	sne.s32 s22, $0x1F8;
	v63 =	vor.u32 v33, v52;
	v50 =	vld.idx.msk [tilespmem:v50+s29+$0x0], $0xffff  }
.Ltmp3:
0x26c: {  	_ = 	snop;
	(pc) =	sbr.rel @!p0 .LBB2_7-.Ltmp3, $2  }
0x26d: {  	_ =	sdelay $0x2  }
0x26e: {  	s21 =	sadd.s32 $0x18, s21;
	[tilespmem:v63+s5+$0x0] =	vst.idx.msk $0xffff, v50  }
.LBB2_2:
0x26f: {  	v50 =	vld [tilespmem:s21+$0x0];
	_ =	sdelay $0x4  }
0x270: {  	(v2sf) =	vpush v50, $0x0;
	_ =	sdelay $0xa  }
0x271: {  	(v2sf) =	vpush v50, $0x1;
	_ =	sdelay $0x3  }
0x272: {  	s23 =	spop (v2sf)  }
0x273: {  	s24 =	sand.u32 $0x7F, s23  }
0x274: {  	p1 =	slt.s32 s23, $0x1;
	p0 =	sne.s32 s24, $0x0;
	s24 =	sshra.s32 s23, $0x1F  }
0x275: {  	s24 =	sshrl.u32 s24, $0x19;
	p0 =	por !p1, !p0  }
0x276: {  	s23 =	sadd.s32 s24, s23;
	p0 =	por !p0, !p0;
	s24 =	simm.s32 $0x1  }
0x277: {  	s23 =	sshrl.u32 s23, $0x7;
	s24 =	simm.s32 @!p0 $0x0  }
0x278: {  	s23 =	ssub.s32 s23, s24  }
0x279: {  	(v2sf) =	vpush v50, $0x2;
	s23 =	sshll.u32 s23, $0x7  }
0x27a: {  	s23 =	sand.u32 $0x1FFFFF80, s23  }
0x27b: {  	s23 =	sadd.s32 s0, s23  }
0x27c: {  	[tilespmem:s29], [sflag:$0x3] =	stream.strided.gather [hbm4b:s23+s8], $0x1000, s11, s8, $0x38;
	[tilespmem:$0x1C280] =	vst v63  }
0x27d: {  	s23 =	spop (v2sf)  }
0x27e: {  	s24 =	sand.u32 $0x7F, s23  }
0x27f: {  	p6 =	slt.s32 s23, $0x1;
	p5 =	sne.s32 s24, $0x0;
	s24 =	sshra.s32 s23, $0x1F  }
0x280: {  	s24 =	sshrl.u32 s24, $0x19;
	p0 =	por !p6, !p5  }
0x281: {  	s23 =	sadd.s32 s24, s23;
	p0 =	por !p0, !p0;
	s24 =	simm.s32 $0x1  }
0x282: {  	s23 =	sshrl.u32 s23, $0x7;
	s24 =	simm.s32 @!p0 $0x0  }
0x283: {  	s23 =	ssub.s32 s23, s24  }
0x284: {  	(v2sf) =	vpush v50, $0x3;
	s23 =	sshll.u32 s23, $0x7  }
0x285: {  	s23 =	sand.u32 $0x1FFFFF80, s23  }
0x286: {  	s23 =	sadd.s32 s0, s23  }
0x287: {  	[tilespmem:s30], [sflag:$0x3] =	stream.strided.gather [hbm4b:s23+s8], $0x1000, s11, s8, $0x38;
	[tilespmem:$0x1C280] =	vst v63  }
0x288: {  	s23 =	spop (v2sf)  }
0x289: {  	s24 =	sand.u32 $0x7F, s23  }
0x28a: {  	p2 =	slt.s32 s23, $0x1;
	p1 =	sne.s32 s24, $0x0;
	s24 =	sshra.s32 s23, $0x1F  }
0x28b: {  	s24 =	sshrl.u32 s24, $0x19;
	p0 =	por !p2, !p1  }
0x28c: {  	s23 =	sadd.s32 s24, s23;
	p0 =	por !p0, !p0;
	s24 =	simm.s32 $0x1  }
0x28d: {  	s23 =	sshrl.u32 s23, $0x7;
	s24 =	simm.s32 @!p0 $0x0  }
0x28e: {  	s23 =	ssub.s32 s23, s24  }
0x28f: {  	(v2sf) =	vpush v50, $0x4;
	s23 =	sshll.u32 s23, $0x7  }
0x290: {  	s23 =	sand.u32 $0x1FFFFF80, s23  }
0x291: {  	s23 =	sadd.s32 s0, s23  }
0x292: {  	[tilespmem:s31], [sflag:$0x3] =	stream.strided.gather [hbm4b:s23+s8], $0x1000, s11, s8, $0x38;
	[tilespmem:$0x1C280] =	vst v63  }
0x293: {  	s23 =	spop (v2sf)  }
0x294: {  	s24 =	sand.u32 $0x7F, s23  }
0x295: {  	p4 =	slt.s32 s23, $0x1;
	p3 =	sne.s32 s24, $0x0;
	s24 =	sshra.s32 s23, $0x1F  }
0x296: {  	s24 =	sshrl.u32 s24, $0x19;
	p0 =	por !p4, !p3  }
0x297: {  	s23 =	sadd.s32 s24, s23;
	p0 =	por !p0, !p0;
	s24 =	simm.s32 $0x1  }
0x298: {  	s23 =	sshrl.u32 s23, $0x7;
	s24 =	simm.s32 @!p0 $0x0  }
0x299: {  	s23 =	ssub.s32 s23, s24  }
0x29a: {  	(v2sf) =	vpush v50, $0x5;
	s23 =	sshll.u32 s23, $0x7  }
0x29b: {  	s23 =	sand.u32 $0x1FFFFF80, s23  }
0x29c: {  	s23 =	sadd.s32 s0, s23  }
0x29d: {  	[tilespmem:s1], [sflag:$0x3] =	stream.strided.gather [hbm4b:s23+s8], $0x1000, s11, s8, $0x38;
	[tilespmem:$0x1C280] =	vst v63  }
0x29e: {  	s23 =	spop (v2sf)  }
0x29f: {  	s24 =	sand.u32 $0x7F, s23  }
0x2a0: {  	p6 =	slt.s32 s23, $0x1;
	p5 =	sne.s32 s24, $0x0;
	s24 =	sshra.s32 s23, $0x1F  }
0x2a1: {  	s24 =	sshrl.u32 s24, $0x19;
	p0 =	por !p6, !p5  }
0x2a2: {  	s23 =	sadd.s32 s24, s23;
	p0 =	por !p0, !p0;
	s24 =	simm.s32 $0x1  }
0x2a3: {  	(v2sf) =	vpush v50, $0x6;
	s23 =	sshrl.u32 s23, $0x7;
	s24 =	simm.s32 @!p0 $0x0  }
0x2a4: {  	s23 =	ssub.s32 s23, s24  }
0x2a5: {  	s23 =	sshll.u32 s23, $0x7  }
0x2a6: {  	s23 =	sand.u32 $0x1FFFFF80, s23  }
0x2a7: {  	s23 =	sadd.s32 s0, s23  }
0x2a8: {  	[tilespmem:s3], [sflag:$0x3] =	stream.strided.gather [hbm4b:s23+s8], $0x1000, s11, s8, $0x38;
	[tilespmem:$0x1C280] =	vst v63  }
0x2a9: {  	s23 =	spop (v2sf)  }
0x2aa: {  	s24 =	sand.u32 $0x7F, s23  }
0x2ab: {  	p2 =	slt.s32 s23, $0x1;
	p1 =	sne.s32 s24, $0x0;
	s24 =	sshra.s32 s23, $0x1F  }
0x2ac: {  	s24 =	sshrl.u32 s24, $0x19;
	p0 =	por !p2, !p1  }
0x2ad: {  	s23 =	sadd.s32 s24, s23;
	p0 =	por !p0, !p0;
	s24 =	simm.s32 $0x1  }
0x2ae: {  	s23 =	sshrl.u32 s23, $0x7;
	s24 =	simm.s32 @!p0 $0x0  }
0x2af: {  	(v2sf) =	vpush v50, $0x7;
	s23 =	ssub.s32 s23, s24  }
0x2b0: {  	s23 =	sshll.u32 s23, $0x7  }
0x2b1: {  	s23 =	sand.u32 $0x1FFFFF80, s23  }
0x2b2: {  	s24 =	spop (v2sf);
	s23 =	sadd.s32 s0, s23  }
0x2b3: {  	[tilespmem:s7], [sflag:$0x3] =	stream.strided.gather [hbm4b:s23+s8], $0x1000, s11, s8, $0x38;
	[tilespmem:$0x1C280] =	vst v63  }
0x2b4: {  	s23 =	sand.u32 $0x7F, s24  }
0x2b5: {  	p4 =	slt.s32 s24, $0x1;
	p3 =	sne.s32 s23, $0x0;
	s23 =	sshra.s32 s24, $0x1F  }
0x2b6: {  	s23 =	sshrl.u32 s23, $0x19;
	p0 =	por !p4, !p3  }
0x2b7: {  	s23 =	sadd.s32 s23, s24;
	p0 =	por !p0, !p0;
	s24 =	simm.s32 $0x1  }
0x2b8: {  	s23 =	sshrl.u32 s23, $0x7;
	s24 =	simm.s32 @!p0 $0x0  }
0x2b9: {  	s23 =	ssub.s32 s23, s24  }
0x2ba: {  	s23 =	sshll.u32 s23, $0x7  }
0x2bb: {  	s23 =	sand.u32 $0x1FFFFF80, s23  }
0x2bc: {  	s23 =	sadd.s32 s0, s23  }
0x2bd: {  	[tilespmem:s2], [sflag:$0x3] =	stream.strided.gather [hbm4b:s23+s8], $0x1000, s11, s8, $0x38;
	[tilespmem:$0x1C280] =	vst v63  }
0x2be: {  	s23 =	spop (v2sf)  }
0x2bf: {  	s24 =	sand.u32 $0x7F, s23  }
0x2c0: {  	p6 =	slt.s32 s23, $0x1;
	p5 =	sne.s32 s24, $0x0;
	s24 =	sshra.s32 s23, $0x1F  }
0x2c1: {  	s24 =	sshrl.u32 s24, $0x19;
	p0 =	por !p6, !p5  }
0x2c2: {  	s23 =	sadd.s32 s24, s23;
	p0 =	por !p0, !p0;
	s24 =	simm.s32 $0x1  }
0x2c3: {  	s23 =	sshrl.u32 s23, $0x7;
	s24 =	simm.s32 @!p0 $0x0  }
0x2c4: {  	s23 =	ssub.s32 s23, s24  }
0x2c5: {  	s23 =	sshll.u32 s23, $0x7  }
0x2c6: {  	s23 =	sand.u32 $0x1FFFFF80, s23  }
0x2c7: {  	s23 =	sadd.s32 s0, s23  }
0x2c8: {  	[tilespmem:s4], [sflag:$0x3] =	stream.strided.gather [hbm4b:s23+s8], $0x1000, s11, s8, $0x38;
	[tilespmem:$0x1C280] =	vst v63  }
0x2c9: {  	_ =	swait.ge [sflag:s10], $0x1000  }
0x2ca: {  	[sflag:s10] =	ssyncset.done $0x0  }
0x2cb: {  	[sflag:s10] =	ssyncadd.s32 $0xFFFFF000  }
0x2cc: {  	_ =	swait.ge [sflag:s10], $0x1000  }
0x2cd: {  	[sflag:s10] =	ssyncset.done $0x0  }
0x2ce: {  	[sflag:s10] =	ssyncadd.s32 $0xFFFFF000  }
0x2cf: {  	_ =	swait.ge [sflag:s10], $0x1000  }
0x2d0: {  	[sflag:s10] =	ssyncset.done $0x0  }
0x2d1: {  	[sflag:s10] =	ssyncadd.s32 $0xFFFFF000  }
0x2d2: {  	_ =	swait.ge [sflag:s10], $0x1000  }
0x2d3: {  	[sflag:s10] =	ssyncset.done $0x0  }
0x2d4: {  	[sflag:s10] =	ssyncadd.s32 $0xFFFFF000  }
0x2d5: {  	_ =	swait.ge [sflag:s10], $0x1000  }
0x2d6: {  	[sflag:s10] =	ssyncset.done $0x0  }
0x2d7: {  	[sflag:s10] =	ssyncadd.s32 $0xFFFFF000  }
0x2d8: {  	_ =	swait.ge [sflag:s10], $0x1000  }
0x2d9: {  	[sflag:s10] =	ssyncset.done $0x0  }
0x2da: {  	[sflag:s10] =	ssyncadd.s32 $0xFFFFF000  }
0x2db: {  	_ =	swait.ge [sflag:s10], $0x1000  }
0x2dc: {  	[sflag:s10] =	ssyncset.done $0x0  }
0x2dd: {  	[sflag:s10] =	ssyncadd.s32 $0xFFFFF000  }
0x2de: {  	_ =	swait.ge [sflag:s10], $0x1000  }
0x2df: {  	[sflag:s10] =	ssyncset.done $0x0  }
0x2e0: {  	[sflag:s10] =	ssyncadd.s32 $0xFFFFF000  }
0x2e1: {  	v56 =	vld [tilespmem:s21+$0xFFFFFFF0];
	_ =	sdelay $0x4  }
0x2e2: {  	v50 =	vperm.xlane v56, v0;
	_ =	sdelay $0x1  }
0x2e3: {  	v50 =	vand.u32 $0x7F, v50  }
0x2e4: {  	v51 =	vor.u32 v1, v50;
	_ =	sdelay $0x1  }
0x2e5: {  	v52 =	vmov s22  }
0x2e6: {  	v52 =	vshll.u32 v52, $0x5  }
0x2e7: {  	v52 =	vor.u32 v2, v52  }
0x2e8: {  	v53 =	vor.u32 v3, v52;
	v51 =	vld.idx.msk [tilespmem:v51+s12+$0x0], $0xffff  }
0x2e9: {  	v54 =	vor.u32 v4, v50;
	_ =	sdelay $0x3  }
0x2ea: {  	[tilespmem:v53+s5+$0x0] =	vst.idx.msk $0xffff, v51  }
0x2eb: {  	v57 =	vor.u32 v5, v52;
	v51 =	vld.idx.msk [tilespmem:v54+s12+$0x0], $0xffff  }
0x2ec: {  	v58 =	vor.u32 v6, v50;
	_ =	sdelay $0x3  }
0x2ed: {  	[tilespmem:v57+s5+$0x0] =	vst.idx.msk $0xffff, v51  }
0x2ee: {  	v59 =	vor.u32 v7, v52;
	v51 =	vld.idx.msk [tilespmem:v58+s12+$0x0], $0xffff  }
0x2ef: {  	v60 =	vor.u32 v8, v50;
	_ =	sdelay $0x3  }
0x2f0: {  	[tilespmem:v59+s5+$0x0] =	vst.idx.msk $0xffff, v51  }
0x2f1: {  	v61 =	vor.u32 v9, v52;
	v51 =	vld.idx.msk [tilespmem:v60+s12+$0x0], $0xffff  }
0x2f2: {  	v62 =	vor.u32 v10, v50;
	_ =	sdelay $0x3  }
0x2f3: {  	[tilespmem:v61+s5+$0x0] =	vst.idx.msk $0xffff, v51  }
0x2f4: {  	v63 =	vor.u32 v11, v52;
	v51 =	vld.idx.msk [tilespmem:v62+s12+$0x0], $0xffff  }
0x2f5: {  	v57 =	vor.u32 v12, v50;
	_ =	sdelay $0x3  }
0x2f6: {  	[tilespmem:v63+s5+$0x0] =	vst.idx.msk $0xffff, v51  }
0x2f7: {  	v58 =	vor.u32 v13, v52;
	v51 =	vld.idx.msk [tilespmem:v57+s12+$0x0], $0xffff  }
0x2f8: {  	v59 =	vor.u32 v14, v50;
	_ =	sdelay $0x3  }
0x2f9: {  	[tilespmem:v58+s5+$0x0] =	vst.idx.msk $0xffff, v51  }
0x2fa: {  	v60 =	vor.u32 v15, v52;
	v51 =	vld.idx.msk [tilespmem:v59+s12+$0x0], $0xffff  }
0x2fb: {  	v61 =	vor.u32 v16, v50;
	_ =	sdelay $0x3  }
0x2fc: {  	[tilespmem:v60+s5+$0x0] =	vst.idx.msk $0xffff, v51  }
0x2fd: {  	v62 =	vor.u32 v17, v52;
	v51 =	vld.idx.msk [tilespmem:v61+s12+$0x0], $0xffff  }
0x2fe: {  	v63 =	vor.u32 v18, v50;
	_ =	sdelay $0x3  }
0x2ff: {  	[tilespmem:v62+s5+$0x0] =	vst.idx.msk $0xffff, v51  }
0x300: {  	v57 =	vor.u32 v19, v52;
	v51 =	vld.idx.msk [tilespmem:v63+s12+$0x0], $0xffff  }
0x301: {  	v58 =	vor.u32 v20, v50;
	_ =	sdelay $0x3  }
0x302: {  	[tilespmem:v57+s5+$0x0] =	vst.idx.msk $0xffff, v51  }
0x303: {  	v59 =	vor.u32 v21, v52;
	v51 =	vld.idx.msk [tilespmem:v58+s12+$0x0], $0xffff  }
0x304: {  	v60 =	vor.u32 v22, v50;
	_ =	sdelay $0x3  }
0x305: {  	[tilespmem:v59+s5+$0x0] =	vst.idx.msk $0xffff, v51  }
0x306: {  	v61 =	vor.u32 v23, v52;
	v51 =	vld.idx.msk [tilespmem:v60+s12+$0x0], $0xffff  }
0x307: {  	v62 =	vor.u32 v24, v50;
	_ =	sdelay $0x3  }
0x308: {  	[tilespmem:v61+s5+$0x0] =	vst.idx.msk $0xffff, v51  }
0x309: {  	v63 =	vor.u32 v25, v52;
	v51 =	vld.idx.msk [tilespmem:v62+s12+$0x0], $0xffff  }
0x30a: {  	v57 =	vor.u32 v26, v50;
	_ =	sdelay $0x3  }
0x30b: {  	[tilespmem:v63+s5+$0x0] =	vst.idx.msk $0xffff, v51  }
0x30c: {  	v58 =	vor.u32 v27, v52;
	v51 =	vld.idx.msk [tilespmem:v57+s12+$0x0], $0xffff  }
0x30d: {  	v59 =	vor.u32 v28, v50;
	_ =	sdelay $0x3  }
0x30e: {  	[tilespmem:v58+s5+$0x0] =	vst.idx.msk $0xffff, v51  }
0x30f: {  	v60 =	vor.u32 v29, v52;
	v51 =	vld.idx.msk [tilespmem:v59+s12+$0x0], $0xffff  }
0x310: {  	v61 =	vor.u32 v30, v50;
	_ =	sdelay $0x3  }
0x311: {  	[tilespmem:v60+s5+$0x0] =	vst.idx.msk $0xffff, v51  }
0x312: {  	v62 =	vor.u32 v31, v52;
	v51 =	vld.idx.msk [tilespmem:v61+s12+$0x0], $0xffff  }
0x313: {  	v50 =	vor.u32 v32, v50;
	_ =	sdelay $0x3  }
0x314: {  	[tilespmem:v62+s5+$0x0] =	vst.idx.msk $0xffff, v51  }
0x315: {  	p0 =	seq.s32 s22, $0x1E0;
	v63 =	vor.u32 v33, v52;
	v50 =	vld.idx.msk [tilespmem:v50+s12+$0x0], $0xffff  }
.Ltmp4:
0x316: {  	_ = 	snop;
	(pc) =	sbr.rel @p0 .LBB2_4-.Ltmp4, $2  }
0x317: {  	_ =	sdelay $0x2  }
0x318: {  	[tilespmem:v63+s5+$0x0] =	vst.idx.msk $0xffff, v50  }
0x319: {  	v50 =	vld [tilespmem:s21+$0x8];
	_ =	sdelay $0x4  }
0x31a: {  	(v2sf) =	vpush v50, $0x0;
	_ =	sdelay $0xa  }
0x31b: {  	(v2sf) =	vpush v50, $0x1;
	_ =	sdelay $0x3  }
0x31c: {  	s23 =	spop (v2sf)  }
0x31d: {  	s24 =	sand.u32 $0x7F, s23  }
0x31e: {  	p2 =	slt.s32 s23, $0x1;
	p1 =	sne.s32 s24, $0x0;
	s24 =	sshra.s32 s23, $0x1F  }
0x31f: {  	s24 =	sshrl.u32 s24, $0x19;
	p1 =	por !p2, !p1  }
0x320: {  	s23 =	sadd.s32 s24, s23;
	p1 =	por !p1, !p1;
	s24 =	simm.s32 $0x1  }
0x321: {  	s23 =	sshrl.u32 s23, $0x7;
	s24 =	simm.s32 @!p1 $0x0  }
0x322: {  	s23 =	ssub.s32 s23, s24  }
0x323: {  	(v2sf) =	vpush v50, $0x2;
	s23 =	sshll.u32 s23, $0x7  }
0x324: {  	s23 =	sand.u32 $0x1FFFFF80, s23  }
0x325: {  	s23 =	sadd.s32 s0, s23  }
0x326: {  	[tilespmem:s12], [sflag:$0x1] =	stream.strided.gather [hbm4b:s23+s8], $0x1000, s11, s8, $0x38;
	[tilespmem:$0x1C280] =	vst v63  }
0x327: {  	s23 =	spop (v2sf)  }
0x328: {  	s24 =	sand.u32 $0x7F, s23  }
0x329: {  	p6 =	slt.s32 s23, $0x1;
	p5 =	sne.s32 s24, $0x0;
	s24 =	sshra.s32 s23, $0x1F  }
0x32a: {  	s24 =	sshrl.u32 s24, $0x19;
	p1 =	por !p6, !p5  }
0x32b: {  	s23 =	sadd.s32 s24, s23;
	p1 =	por !p1, !p1;
	s24 =	simm.s32 $0x1  }
0x32c: {  	s23 =	sshrl.u32 s23, $0x7;
	s24 =	simm.s32 @!p1 $0x0  }
0x32d: {  	s23 =	ssub.s32 s23, s24  }
0x32e: {  	(v2sf) =	vpush v50, $0x3;
	s23 =	sshll.u32 s23, $0x7  }
0x32f: {  	s23 =	sand.u32 $0x1FFFFF80, s23  }
0x330: {  	s23 =	sadd.s32 s0, s23  }
0x331: {  	[tilespmem:s13], [sflag:$0x1] =	stream.strided.gather [hbm4b:s23+s8], $0x1000, s11, s8, $0x38;
	[tilespmem:$0x1C280] =	vst v63  }
0x332: {  	s23 =	spop (v2sf)  }
0x333: {  	s24 =	sand.u32 $0x7F, s23  }
0x334: {  	p4 =	slt.s32 s23, $0x1;
	p3 =	sne.s32 s24, $0x0;
	s24 =	sshra.s32 s23, $0x1F  }
0x335: {  	s24 =	sshrl.u32 s24, $0x19;
	p1 =	por !p4, !p3  }
0x336: {  	s23 =	sadd.s32 s24, s23;
	p1 =	por !p1, !p1;
	s24 =	simm.s32 $0x1  }
0x337: {  	s23 =	sshrl.u32 s23, $0x7;
	s24 =	simm.s32 @!p1 $0x0  }
0x338: {  	s23 =	ssub.s32 s23, s24  }
0x339: {  	(v2sf) =	vpush v50, $0x4;
	s23 =	sshll.u32 s23, $0x7  }
0x33a: {  	s23 =	sand.u32 $0x1FFFFF80, s23  }
0x33b: {  	s23 =	sadd.s32 s0, s23  }
0x33c: {  	[tilespmem:s14], [sflag:$0x1] =	stream.strided.gather [hbm4b:s23+s8], $0x1000, s11, s8, $0x38;
	[tilespmem:$0x1C280] =	vst v63  }
0x33d: {  	s23 =	spop (v2sf)  }
0x33e: {  	s24 =	sand.u32 $0x7F, s23  }
0x33f: {  	p6 =	slt.s32 s23, $0x1;
	p5 =	sne.s32 s24, $0x0;
	s24 =	sshra.s32 s23, $0x1F  }
0x340: {  	s24 =	sshrl.u32 s24, $0x19;
	p1 =	por !p6, !p5  }
0x341: {  	s23 =	sadd.s32 s24, s23;
	p1 =	por !p1, !p1;
	s24 =	simm.s32 $0x1  }
0x342: {  	s23 =	sshrl.u32 s23, $0x7;
	s24 =	simm.s32 @!p1 $0x0  }
0x343: {  	s23 =	ssub.s32 s23, s24  }
0x344: {  	(v2sf) =	vpush v50, $0x5;
	s23 =	sshll.u32 s23, $0x7  }
0x345: {  	s23 =	sand.u32 $0x1FFFFF80, s23  }
0x346: {  	s23 =	sadd.s32 s0, s23  }
0x347: {  	[tilespmem:s15], [sflag:$0x1] =	stream.strided.gather [hbm4b:s23+s8], $0x1000, s11, s8, $0x38;
	[tilespmem:$0x1C280] =	vst v63  }
0x348: {  	s23 =	spop (v2sf)  }
0x349: {  	s24 =	sand.u32 $0x7F, s23  }
0x34a: {  	p4 =	slt.s32 s23, $0x1;
	p3 =	sne.s32 s24, $0x0;
	s24 =	sshra.s32 s23, $0x1F  }
0x34b: {  	s24 =	sshrl.u32 s24, $0x19;
	p1 =	por !p4, !p3  }
0x34c: {  	s23 =	sadd.s32 s24, s23;
	p1 =	por !p1, !p1;
	s24 =	simm.s32 $0x1  }
0x34d: {  	(v2sf) =	vpush v50, $0x6;
	s23 =	sshrl.u32 s23, $0x7;
	s24 =	simm.s32 @!p1 $0x0  }
0x34e: {  	s23 =	ssub.s32 s23, s24  }
0x34f: {  	s23 =	sshll.u32 s23, $0x7  }
0x350: {  	s23 =	sand.u32 $0x1FFFFF80, s23  }
0x351: {  	s23 =	sadd.s32 s0, s23  }
0x352: {  	[tilespmem:s16], [sflag:$0x1] =	stream.strided.gather [hbm4b:s23+s8], $0x1000, s11, s8, $0x38;
	[tilespmem:$0x1C280] =	vst v63  }
0x353: {  	s23 =	spop (v2sf)  }
0x354: {  	s24 =	sand.u32 $0x7F, s23  }
0x355: {  	p6 =	slt.s32 s23, $0x1;
	p5 =	sne.s32 s24, $0x0;
	s24 =	sshra.s32 s23, $0x1F  }
0x356: {  	s24 =	sshrl.u32 s24, $0x19;
	p1 =	por !p6, !p5  }
0x357: {  	s23 =	sadd.s32 s24, s23;
	p1 =	por !p1, !p1;
	s24 =	simm.s32 $0x1  }
0x358: {  	s23 =	sshrl.u32 s23, $0x7;
	s24 =	simm.s32 @!p1 $0x0  }
0x359: {  	(v2sf) =	vpush v50, $0x7;
	s23 =	ssub.s32 s23, s24  }
0x35a: {  	s23 =	sshll.u32 s23, $0x7  }
0x35b: {  	s23 =	sand.u32 $0x1FFFFF80, s23  }
0x35c: {  	s24 =	spop (v2sf);
	s23 =	sadd.s32 s0, s23  }
0x35d: {  	[tilespmem:s17], [sflag:$0x1] =	stream.strided.gather [hbm4b:s23+s8], $0x1000, s11, s8, $0x38;
	[tilespmem:$0x1C280] =	vst v63  }
0x35e: {  	s23 =	sand.u32 $0x7F, s24  }
0x35f: {  	p4 =	slt.s32 s24, $0x1;
	p3 =	sne.s32 s23, $0x0;
	s23 =	sshra.s32 s24, $0x1F  }
0x360: {  	s23 =	sshrl.u32 s23, $0x19;
	p1 =	por !p4, !p3  }
0x361: {  	s23 =	sadd.s32 s23, s24;
	p1 =	por !p1, !p1;
	s24 =	simm.s32 $0x1  }
0x362: {  	s23 =	sshrl.u32 s23, $0x7;
	s24 =	simm.s32 @!p1 $0x0  }
0x363: {  	s23 =	ssub.s32 s23, s24  }
0x364: {  	s23 =	sshll.u32 s23, $0x7  }
0x365: {  	s23 =	sand.u32 $0x1FFFFF80, s23  }
0x366: {  	s23 =	sadd.s32 s0, s23  }
0x367: {  	[tilespmem:s18], [sflag:$0x1] =	stream.strided.gather [hbm4b:s23+s8], $0x1000, s11, s8, $0x38;
	[tilespmem:$0x1C280] =	vst v63  }
0x368: {  	s23 =	spop (v2sf)  }
0x369: {  	s24 =	sand.u32 $0x7F, s23  }
0x36a: {  	p6 =	slt.s32 s23, $0x1;
	p5 =	sne.s32 s24, $0x0;
	s24 =	sshra.s32 s23, $0x1F  }
0x36b: {  	s24 =	sshrl.u32 s24, $0x19;
	p1 =	por !p6, !p5  }
0x36c: {  	s23 =	sadd.s32 s24, s23;
	p1 =	por !p1, !p1;
	s24 =	simm.s32 $0x1  }
0x36d: {  	s23 =	sshrl.u32 s23, $0x7;
	s24 =	simm.s32 @!p1 $0x0  }
0x36e: {  	s23 =	ssub.s32 s23, s24  }
0x36f: {  	s23 =	sshll.u32 s23, $0x7  }
0x370: {  	s23 =	sand.u32 $0x1FFFFF80, s23  }
0x371: {  	s23 =	sadd.s32 s0, s23  }
0x372: {  	[tilespmem:s19], [sflag:$0x1] =	stream.strided.gather [hbm4b:s23+s8], $0x1000, s11, s8, $0x38;
	[tilespmem:$0x1C280] =	vst v63  }
.LBB2_4:
0x373: {  	_ =	swait.ge [sflag:s6], $0x1000  }
0x374: {  	[sflag:s6] =	ssyncset.done $0x0  }
0x375: {  	[sflag:s6] =	ssyncadd.s32 $0xFFFFF000  }
0x376: {  	_ =	swait.ge [sflag:s6], $0x1000  }
0x377: {  	[sflag:s6] =	ssyncset.done $0x0  }
0x378: {  	[sflag:s6] =	ssyncadd.s32 $0xFFFFF000  }
0x379: {  	_ =	swait.ge [sflag:s6], $0x1000  }
0x37a: {  	[sflag:s6] =	ssyncset.done $0x0  }
0x37b: {  	[sflag:s6] =	ssyncadd.s32 $0xFFFFF000  }
0x37c: {  	_ =	swait.ge [sflag:s6], $0x1000  }
0x37d: {  	[sflag:s6] =	ssyncset.done $0x0  }
0x37e: {  	[sflag:s6] =	ssyncadd.s32 $0xFFFFF000  }
0x37f: {  	_ =	swait.ge [sflag:s6], $0x1000  }
0x380: {  	[sflag:s6] =	ssyncset.done $0x0  }
0x381: {  	[sflag:s6] =	ssyncadd.s32 $0xFFFFF000  }
0x382: {  	_ =	swait.ge [sflag:s6], $0x1000  }
0x383: {  	[sflag:s6] =	ssyncset.done $0x0  }
0x384: {  	[sflag:s6] =	ssyncadd.s32 $0xFFFFF000  }
0x385: {  	_ =	swait.ge [sflag:s6], $0x1000  }
0x386: {  	[sflag:s6] =	ssyncset.done $0x0  }
0x387: {  	[sflag:s6] =	ssyncadd.s32 $0xFFFFF000  }
0x388: {  	_ =	swait.ge [sflag:s6], $0x1000  }
0x389: {  	[sflag:s6] =	ssyncset.done $0x0  }
0x38a: {  	[sflag:s6] =	ssyncadd.s32 $0xFFFFF000  }
0x38b: {  	v50 =	vld [tilespmem:s21+$0xFFFFFFF8];
	_ =	sdelay $0x4  }
0x38c: {  	v50 =	vperm.xlane v50, v0;
	_ =	sdelay $0x1  }
0x38d: {  	v50 =	vand.u32 $0x7F, v50  }
0x38e: {  	v51 =	vor.u32 v1, v50  }
0x38f: {  	s23 =	sadd.s32 $0x8, s22  }
0x390: {  	v52 =	vmov s23  }
0x391: {  	v52 =	vshll.u32 v52, $0x5  }
0x392: {  	v52 =	vor.u32 v2, v52  }
0x393: {  	v53 =	vor.u32 v3, v52;
	v51 =	vld.idx.msk [tilespmem:v51+s20+$0x0], $0xffff  }
0x394: {  	v54 =	vor.u32 v4, v50;
	_ =	sdelay $0x3  }
0x395: {  	[tilespmem:v53+s5+$0x0] =	vst.idx.msk $0xffff, v51  }
0x396: {  	v57 =	vor.u32 v5, v52;
	v51 =	vld.idx.msk [tilespmem:v54+s20+$0x0], $0xffff  }
0x397: {  	v58 =	vor.u32 v6, v50;
	_ =	sdelay $0x3  }
0x398: {  	[tilespmem:v57+s5+$0x0] =	vst.idx.msk $0xffff, v51  }
0x399: {  	v59 =	vor.u32 v7, v52;
	v51 =	vld.idx.msk [tilespmem:v58+s20+$0x0], $0xffff  }
0x39a: {  	v60 =	vor.u32 v8, v50;
	_ =	sdelay $0x3  }
0x39b: {  	[tilespmem:v59+s5+$0x0] =	vst.idx.msk $0xffff, v51  }
0x39c: {  	v61 =	vor.u32 v9, v52;
	v51 =	vld.idx.msk [tilespmem:v60+s20+$0x0], $0xffff  }
0x39d: {  	v62 =	vor.u32 v10, v50;
	_ =	sdelay $0x3  }
0x39e: {  	[tilespmem:v61+s5+$0x0] =	vst.idx.msk $0xffff, v51  }
0x39f: {  	v63 =	vor.u32 v11, v52;
	v51 =	vld.idx.msk [tilespmem:v62+s20+$0x0], $0xffff  }
0x3a0: {  	v57 =	vor.u32 v12, v50;
	_ =	sdelay $0x3  }
0x3a1: {  	[tilespmem:v63+s5+$0x0] =	vst.idx.msk $0xffff, v51  }
0x3a2: {  	v58 =	vor.u32 v13, v52;
	v51 =	vld.idx.msk [tilespmem:v57+s20+$0x0], $0xffff  }
0x3a3: {  	v59 =	vor.u32 v14, v50;
	_ =	sdelay $0x3  }
0x3a4: {  	[tilespmem:v58+s5+$0x0] =	vst.idx.msk $0xffff, v51  }
0x3a5: {  	v60 =	vor.u32 v15, v52;
	v51 =	vld.idx.msk [tilespmem:v59+s20+$0x0], $0xffff  }
0x3a6: {  	v61 =	vor.u32 v16, v50;
	_ =	sdelay $0x3  }
0x3a7: {  	[tilespmem:v60+s5+$0x0] =	vst.idx.msk $0xffff, v51  }
0x3a8: {  	v62 =	vor.u32 v17, v52;
	v51 =	vld.idx.msk [tilespmem:v61+s20+$0x0], $0xffff  }
0x3a9: {  	v63 =	vor.u32 v18, v50;
	_ =	sdelay $0x3  }
0x3aa: {  	[tilespmem:v62+s5+$0x0] =	vst.idx.msk $0xffff, v51  }
0x3ab: {  	v57 =	vor.u32 v19, v52;
	v51 =	vld.idx.msk [tilespmem:v63+s20+$0x0], $0xffff  }
0x3ac: {  	v58 =	vor.u32 v20, v50;
	_ =	sdelay $0x3  }
0x3ad: {  	[tilespmem:v57+s5+$0x0] =	vst.idx.msk $0xffff, v51  }
0x3ae: {  	v59 =	vor.u32 v21, v52;
	v51 =	vld.idx.msk [tilespmem:v58+s20+$0x0], $0xffff  }
0x3af: {  	v60 =	vor.u32 v22, v50;
	_ =	sdelay $0x3  }
0x3b0: {  	[tilespmem:v59+s5+$0x0] =	vst.idx.msk $0xffff, v51  }
0x3b1: {  	v61 =	vor.u32 v23, v52;
	v51 =	vld.idx.msk [tilespmem:v60+s20+$0x0], $0xffff  }
0x3b2: {  	v62 =	vor.u32 v24, v50;
	_ =	sdelay $0x3  }
0x3b3: {  	[tilespmem:v61+s5+$0x0] =	vst.idx.msk $0xffff, v51  }
0x3b4: {  	v63 =	vor.u32 v25, v52;
	v51 =	vld.idx.msk [tilespmem:v62+s20+$0x0], $0xffff  }
0x3b5: {  	v57 =	vor.u32 v26, v50;
	_ =	sdelay $0x3  }
0x3b6: {  	[tilespmem:v63+s5+$0x0] =	vst.idx.msk $0xffff, v51  }
0x3b7: {  	v58 =	vor.u32 v27, v52;
	v51 =	vld.idx.msk [tilespmem:v57+s20+$0x0], $0xffff  }
0x3b8: {  	v59 =	vor.u32 v28, v50;
	_ =	sdelay $0x3  }
0x3b9: {  	[tilespmem:v58+s5+$0x0] =	vst.idx.msk $0xffff, v51  }
0x3ba: {  	v60 =	vor.u32 v29, v52;
	v51 =	vld.idx.msk [tilespmem:v59+s20+$0x0], $0xffff  }
0x3bb: {  	v61 =	vor.u32 v30, v50;
	_ =	sdelay $0x3  }
0x3bc: {  	[tilespmem:v60+s5+$0x0] =	vst.idx.msk $0xffff, v51  }
0x3bd: {  	v62 =	vor.u32 v31, v52;
	v51 =	vld.idx.msk [tilespmem:v61+s20+$0x0], $0xffff  }
0x3be: {  	v50 =	vor.u32 v32, v50;
	_ =	sdelay $0x3  }
0x3bf: {  	[tilespmem:v62+s5+$0x0] =	vst.idx.msk $0xffff, v51  }
0x3c0: {  	v63 =	vor.u32 v33, v52;
	v50 =	vld.idx.msk [tilespmem:v50+s20+$0x0], $0xffff  }
.Ltmp5:
0x3c1: {  	_ = 	snop;
	(pc) =	sbr.rel @p0 .LBB2_6-.Ltmp5, $2  }
0x3c2: {  	_ =	sdelay $0x2  }
0x3c3: {  	[tilespmem:v63+s5+$0x0] =	vst.idx.msk $0xffff, v50  }
0x3c4: {  	v50 =	vld [tilespmem:s21+$0x10];
	_ =	sdelay $0x4  }
0x3c5: {  	(v2sf) =	vpush v50, $0x0;
	_ =	sdelay $0xa  }
0x3c6: {  	(v2sf) =	vpush v50, $0x1;
	_ =	sdelay $0x3  }
0x3c7: {  	s23 =	spop (v2sf)  }
0x3c8: {  	s24 =	sand.u32 $0x7F, s23  }
0x3c9: {  	p1 =	slt.s32 s23, $0x1;
	p0 =	sne.s32 s24, $0x0;
	s24 =	sshra.s32 s23, $0x1F  }
0x3ca: {  	s24 =	sshrl.u32 s24, $0x19;
	p0 =	por !p1, !p0  }
0x3cb: {  	s23 =	sadd.s32 s24, s23;
	p0 =	por !p0, !p0;
	s24 =	simm.s32 $0x1  }
0x3cc: {  	s23 =	sshrl.u32 s23, $0x7;
	s24 =	simm.s32 @!p0 $0x0  }
0x3cd: {  	s23 =	ssub.s32 s23, s24  }
0x3ce: {  	(v2sf) =	vpush v50, $0x2;
	s23 =	sshll.u32 s23, $0x7  }
0x3cf: {  	s23 =	sand.u32 $0x1FFFFF80, s23  }
0x3d0: {  	s23 =	sadd.s32 s0, s23  }
0x3d1: {  	[tilespmem:s20], [sflag:$0x2] =	stream.strided.gather [hbm4b:s23+s8], $0x1000, s11, s8, $0x38;
	[tilespmem:$0x1C280] =	vst v63  }
0x3d2: {  	s23 =	spop (v2sf)  }
0x3d3: {  	s24 =	sand.u32 $0x7F, s23  }
0x3d4: {  	p6 =	slt.s32 s23, $0x1;
	p5 =	sne.s32 s24, $0x0;
	s24 =	sshra.s32 s23, $0x1F  }
0x3d5: {  	s24 =	sshrl.u32 s24, $0x19;
	p0 =	por !p6, !p5  }
0x3d6: {  	s23 =	sadd.s32 s24, s23;
	p0 =	por !p0, !p0;
	s24 =	simm.s32 $0x1  }
0x3d7: {  	s23 =	sshrl.u32 s23, $0x7;
	s24 =	simm.s32 @!p0 $0x0  }
0x3d8: {  	s23 =	ssub.s32 s23, s24  }
0x3d9: {  	(v2sf) =	vpush v50, $0x3;
	s23 =	sshll.u32 s23, $0x7  }
0x3da: {  	s23 =	sand.u32 $0x1FFFFF80, s23  }
0x3db: {  	s24 =	simm.s32 $0x9280;
	s23 =	sadd.s32 s0, s23  }
0x3dc: {  	[tilespmem:s24], [sflag:$0x2] =	stream.strided.gather [hbm4b:s23+s8], $0x1000, s11, s8, $0x38;
	[tilespmem:$0x1C280] =	vst v63  }
0x3dd: {  	s23 =	spop (v2sf)  }
0x3de: {  	s24 =	sand.u32 $0x7F, s23  }
0x3df: {  	p2 =	slt.s32 s23, $0x1;
	p1 =	sne.s32 s24, $0x0;
	s24 =	sshra.s32 s23, $0x1F  }
0x3e0: {  	s24 =	sshrl.u32 s24, $0x19;
	p0 =	por !p2, !p1  }
0x3e1: {  	s23 =	sadd.s32 s24, s23;
	p0 =	por !p0, !p0;
	s24 =	simm.s32 $0x1  }
0x3e2: {  	s23 =	sshrl.u32 s23, $0x7;
	s24 =	simm.s32 @!p0 $0x0  }
0x3e3: {  	s23 =	ssub.s32 s23, s24  }
0x3e4: {  	(v2sf) =	vpush v50, $0x4;
	s23 =	sshll.u32 s23, $0x7  }
0x3e5: {  	s23 =	sand.u32 $0x1FFFFF80, s23  }
0x3e6: {  	s24 =	simm.s32 $0xA280;
	s23 =	sadd.s32 s0, s23  }
0x3e7: {  	[tilespmem:s24], [sflag:$0x2] =	stream.strided.gather [hbm4b:s23+s8], $0x1000, s11, s8, $0x38;
	[tilespmem:$0x1C280] =	vst v63  }
0x3e8: {  	s23 =	spop (v2sf)  }
0x3e9: {  	s24 =	sand.u32 $0x7F, s23  }
0x3ea: {  	p4 =	slt.s32 s23, $0x1;
	p3 =	sne.s32 s24, $0x0;
	s24 =	sshra.s32 s23, $0x1F  }
0x3eb: {  	s24 =	sshrl.u32 s24, $0x19;
	p0 =	por !p4, !p3  }
0x3ec: {  	s23 =	sadd.s32 s24, s23;
	p0 =	por !p0, !p0;
	s24 =	simm.s32 $0x1  }
0x3ed: {  	s23 =	sshrl.u32 s23, $0x7;
	s24 =	simm.s32 @!p0 $0x0  }
0x3ee: {  	s23 =	ssub.s32 s23, s24  }
0x3ef: {  	(v2sf) =	vpush v50, $0x5;
	s23 =	sshll.u32 s23, $0x7  }
0x3f0: {  	s23 =	sand.u32 $0x1FFFFF80, s23  }
0x3f1: {  	s24 =	simm.s32 $0xB280;
	s23 =	sadd.s32 s0, s23  }
0x3f2: {  	[tilespmem:s24], [sflag:$0x2] =	stream.strided.gather [hbm4b:s23+s8], $0x1000, s11, s8, $0x38;
	[tilespmem:$0x1C280] =	vst v63  }
0x3f3: {  	s23 =	spop (v2sf)  }
0x3f4: {  	s24 =	sand.u32 $0x7F, s23  }
0x3f5: {  	p6 =	slt.s32 s23, $0x1;
	p5 =	sne.s32 s24, $0x0;
	s24 =	sshra.s32 s23, $0x1F  }
0x3f6: {  	s24 =	sshrl.u32 s24, $0x19;
	p0 =	por !p6, !p5  }
0x3f7: {  	s23 =	sadd.s32 s24, s23;
	p0 =	por !p0, !p0;
	s24 =	simm.s32 $0x1  }
0x3f8: {  	(v2sf) =	vpush v50, $0x6;
	s23 =	sshrl.u32 s23, $0x7;
	s24 =	simm.s32 @!p0 $0x0  }
0x3f9: {  	s23 =	ssub.s32 s23, s24  }
0x3fa: {  	s23 =	sshll.u32 s23, $0x7  }
0x3fb: {  	s23 =	sand.u32 $0x1FFFFF80, s23  }
0x3fc: {  	s24 =	simm.s32 $0xC280;
	s23 =	sadd.s32 s0, s23  }
0x3fd: {  	[tilespmem:s24], [sflag:$0x2] =	stream.strided.gather [hbm4b:s23+s8], $0x1000, s11, s8, $0x38;
	[tilespmem:$0x1C280] =	vst v63  }
0x3fe: {  	s23 =	spop (v2sf)  }
0x3ff: {  	s24 =	sand.u32 $0x7F, s23  }
0x400: {  	p2 =	slt.s32 s23, $0x1;
	p1 =	sne.s32 s24, $0x0;
	s24 =	sshra.s32 s23, $0x1F  }
0x401: {  	s24 =	sshrl.u32 s24, $0x19;
	p0 =	por !p2, !p1  }
0x402: {  	s23 =	sadd.s32 s24, s23;
	p0 =	por !p0, !p0;
	s24 =	simm.s32 $0x1  }
0x403: {  	s23 =	sshrl.u32 s23, $0x7;
	s24 =	simm.s32 @!p0 $0x0  }
0x404: {  	(v2sf) =	vpush v50, $0x7;
	s23 =	ssub.s32 s23, s24  }
0x405: {  	s23 =	sshll.u32 s23, $0x7  }
0x406: {  	s23 =	sand.u32 $0x1FFFFF80, s23  }
0x407: {  	s24 =	spop (v2sf);
	s23 =	sadd.s32 s0, s23  }
0x408: {  	[tilespmem:s25], [sflag:$0x2] =	stream.strided.gather [hbm4b:s23+s8], $0x1000, s11, s8, $0x38;
	[tilespmem:$0x1C280] =	vst v63  }
0x409: {  	s23 =	sand.u32 $0x7F, s24  }
0x40a: {  	p4 =	slt.s32 s24, $0x1;
	p3 =	sne.s32 s23, $0x0;
	s23 =	sshra.s32 s24, $0x1F  }
0x40b: {  	s23 =	sshrl.u32 s23, $0x19;
	p0 =	por !p4, !p3  }
0x40c: {  	s23 =	sadd.s32 s23, s24;
	p0 =	por !p0, !p0;
	s24 =	simm.s32 $0x1  }
0x40d: {  	s23 =	sshrl.u32 s23, $0x7;
	s24 =	simm.s32 @!p0 $0x0  }
0x40e: {  	s23 =	ssub.s32 s23, s24  }
0x40f: {  	s23 =	sshll.u32 s23, $0x7  }
0x410: {  	s23 =	sand.u32 $0x1FFFFF80, s23  }
0x411: {  	s23 =	sadd.s32 s0, s23  }
0x412: {  	[tilespmem:s26], [sflag:$0x2] =	stream.strided.gather [hbm4b:s23+s8], $0x1000, s11, s8, $0x38;
	[tilespmem:$0x1C280] =	vst v63  }
0x413: {  	s23 =	spop (v2sf)  }
0x414: {  	s24 =	sand.u32 $0x7F, s23  }
0x415: {  	p6 =	slt.s32 s23, $0x1;
	p5 =	sne.s32 s24, $0x0;
	s24 =	sshra.s32 s23, $0x1F  }
0x416: {  	s24 =	sshrl.u32 s24, $0x19;
	p0 =	por !p6, !p5  }
0x417: {  	s23 =	sadd.s32 s24, s23;
	p0 =	por !p0, !p0;
	s24 =	simm.s32 $0x1  }
0x418: {  	s23 =	sshrl.u32 s23, $0x7;
	s24 =	simm.s32 @!p0 $0x0  }
.Ltmp6:
0x419: {  	s23 =	ssub.s32 s23, s24;
	(pc) =	sbr.rel .LBB2_6-.Ltmp6, $4  }
0x41a: {  	s23 =	sshll.u32 s23, $0x7  }
0x41b: {  	s23 =	sand.u32 $0x1FFFFF80, s23  }
0x41c: {  	s23 =	sadd.s32 s0, s23  }
0x41d: {  	[tilespmem:s28], [sflag:$0x2] =	stream.strided.gather [hbm4b:s23+s8], $0x1000, s11, s8, $0x38;
	[tilespmem:$0x1C280] =	vst v63  }
.LBB2_8:
0x41e: {  	_ =	sfence.sel $0x180000  }
0x41f: {  	[bflag:$0x0] =	sbarrier.arrive $0xFFFF  }
0x420: {  	_ =	strace $0x90000047  }
0x421: {  	s0 =	stileid.u32;
	[bflag:$0x2] =	sbarrier.arrive $0xFFFF  }
0x422: {  	p0 =	sne.s32 s0, $0x0;
	s0 =	rddreg [dreg:$0x3]  }
0x423: {  	s0 =	sadd.s32 @!p0 $0x100000, s0  }
0x424: {  	[sflag:s0] =	ssyncadd.tile.s32 @!p0 $0x1;
	_ =	shalt  }
.Lfunc_end2:
_tile_overlayer_lowered:
.L_overlay_start_2:
0x425: {  	(tag) =	ssettag $0x2  }
0x426: {  	s0 =	rddreg [dreg:$0x0];
	s2 =	stileid.u32  }
0x427: {  	s1 =	rddreg [dreg:$0x1];
	p0 =	sne.s32 s2, $0x0  }
0x428: {  	s3 =	rddreg [dreg:$0x2];
	[bflag:$0x3] =	sbarrier.arrive $0xFFFF;
	s2 =	simm.s32 @!p0 $0x1C04  }
0x429: {  	[timem:s3], [sflag:s2] =	dma.local @!p0 [hbm:s0], s1  }
0x42a: {  	s0 =	simm.s32 @!p0 $0x4  }
0x42b: {  	_ =	swait.ge @!p0 [sflag:s0], s1  }
0x42c: {  	s1 =	ssub.s32 @!p0 $0x0, s1;
	[sflag:s0] =	ssyncset.done @!p0 $0x0  }
0x42d: {  	[sflag:s0] =	ssyncadd.s32 @!p0 s1  }
0x42e: {  	[bflag:$0x3] =	sbarrier.arrive $0xFFFF  }
0x42f: {  	_ =	shalt  }

</sc_bundles>
